<compile_context>
chip_gen: v7x
topology: tpu7x:2x2x1
jax: 0.10.2.dev20260603
libtpu: 0.0.44.dev20260713+nightly
codegen_flags: <defaults>
</compile_context>

<pallas_src>
import functools

import jax
import jax.numpy as jnp
from jax import lax
from jax.experimental import pallas as pl
from jax.experimental.pallas import tpu as pltpu
from jax.experimental.pallas import tpu_sc as plsc

_INFO = plsc.get_sparse_core_info()
_NC, _NS, _L = _INFO.num_cores, _INFO.num_subcores, _INFO.num_lanes
_NW = _NC * _NS

_C = 256
_IG = _C // 128
_NBUF = 2

_LN2 = 0.6931471805599453
_SQRT2 = 1.4142135623730951


def _log_poly(m):
    z = m - 1.0
    y = z * z
    p = jnp.float32(7.0376836292e-2)
    p = p * z + jnp.float32(-1.1514610310e-1)
    p = p * z + jnp.float32(1.1676998740e-1)
    p = p * z + jnp.float32(-1.2420140846e-1)
    p = p * z + jnp.float32(1.4249322787e-1)
    p = p * z + jnp.float32(-1.6668057665e-1)
    p = p * z + jnp.float32(2.0000714765e-1)
    p = p * z + jnp.float32(-2.4999993993e-1)
    p = p * z + jnp.float32(3.3333331174e-1)
    return z + (p * z * y - 0.5 * y)


def _log16(x):
    bits = lax.bitcast_convert_type(x, jnp.int32)
    e = (bits >> 23) - 127
    m = lax.bitcast_convert_type((bits & 0x007FFFFF) | 0x3F800000, jnp.float32)
    big = m >= jnp.float32(_SQRT2)
    m = jnp.where(big, m * 0.5, m)
    e = jnp.where(big, e + 1, e)
    return _log_poly(m) + e.astype(jnp.float32) * jnp.float32(_LN2)


def _make_sc_call(n_rows, d):
    n_per_w = n_rows // _NW
    g_chunks = n_per_w // _C
    mesh = plsc.VectorSubcoreMesh(core_axis_name="c", subcore_axis_name="s")

    scratch = []
    for _ in range(_NBUF):
        scratch += [
            pltpu.VMEM((1, _IG, 128), jnp.int32),
            pltpu.VMEM((_C, d), jnp.float32),
            pltpu.VMEM((_C, d), jnp.float32),
            pltpu.VMEM((_C, d), jnp.float32),
            pltpu.VMEM((_C, d), jnp.float32),
            pltpu.VMEM((_C,), jnp.float32),
        ]
    scratch.append(pltpu.VMEM((_C, _L), jnp.float32))
    scratch += [pltpu.SemaphoreType.DMA] * (2 * _NBUF)

    @functools.partial(
        pl.kernel,
        mesh=mesh,
        compiler_params=pltpu.CompilerParams(
            needs_layout_passes=False, use_tc_tiling_on_sc=False),
        out_type=[
            jax.ShapeDtypeStruct((n_rows, d), jnp.float32),
            jax.ShapeDtypeStruct((n_rows,), jnp.float32),
        ],
        scratch_types=scratch,
    )
    def sc_call(idx_hbm, mu_hbm, sig_hbm, eps_hbm, z_hbm, cx_hbm, *scr):
        bufs = [scr[i * 6:(i + 1) * 6] for i in range(_NBUF)]
        v_v = scr[_NBUF * 6]
        in_sem = scr[_NBUF * 6 + 1: _NBUF * 6 + 1 + _NBUF]
        out_sem = scr[_NBUF * 6 + 1 + _NBUF:]

        wid = lax.axis_index("s") * _NC + lax.axis_index("c")
        base = wid * n_per_w
        lanes = lax.iota(jnp.int32, _L)

        def fire_inputs(g, b):
            idx_v, mu_v, sig_v, eps_v, _, _ = bufs[b]
            row0 = base + g * _C
            pltpu.sync_copy(idx_hbm.at[pl.ds(row0 // _C, 1)], idx_v)
            for j in range(_IG):
                pltpu.async_copy(mu_hbm.at[idx_v.at[0, j]],
                                 mu_v.at[pl.ds(j * 128, 128)], in_sem[b])
                pltpu.async_copy(sig_hbm.at[idx_v.at[0, j]],
                                 sig_v.at[pl.ds(j * 128, 128)], in_sem[b])
            pltpu.async_copy(eps_hbm.at[pl.ds(row0, _C)], eps_v, in_sem[b])

        def wait_inputs(b):
            _, mu_v, sig_v, eps_v, _, _ = bufs[b]
            for j in range(_IG):
                pltpu.make_async_copy(mu_hbm.at[pl.ds(0, 128)],
                                      mu_v.at[pl.ds(j * 128, 128)],
                                      in_sem[b]).wait()
                pltpu.make_async_copy(sig_hbm.at[pl.ds(0, 128)],
                                      sig_v.at[pl.ds(j * 128, 128)],
                                      in_sem[b]).wait()
            pltpu.make_async_copy(eps_hbm.at[pl.ds(0, _C)], eps_v,
                                  in_sem[b]).wait()

        def wait_outputs(b):
            _, _, _, _, z_v, cx_v = bufs[b]
            pltpu.make_async_copy(z_v, z_hbm.at[pl.ds(0, _C)],
                                  out_sem[b]).wait()
            pltpu.make_async_copy(cx_v, cx_hbm.at[pl.ds(0, _C)],
                                  out_sem[b]).wait()

        def compute(g, b):
            _, mu_v, sig_v, eps_v, z_v, cx_v = bufs[b]
            row0 = base + g * _C

            def grp_body(q, carry2):
                for k in range(_L):
                    r = q * _L + k
                    m0 = mu_v[r, pl.ds(0, _L)]
                    m1 = mu_v[r, pl.ds(_L, _L)]
                    s0 = sig_v[r, pl.ds(0, _L)]
                    s1 = sig_v[r, pl.ds(_L, _L)]
                    e0 = eps_v[r, pl.ds(0, _L)]
                    e1 = eps_v[r, pl.ds(_L, _L)]
                    z0 = m0 + s0 * e0
                    z1 = m1 + s1 * e1
                    z_v[r, pl.ds(0, _L)] = z0
                    z_v[r, pl.ds(_L, _L)] = z1
                    t = (z0 * z0 - e0 * e0) + (z1 * z1 - e1 * e1)
                    v_v[r] = 0.5 * t - _log16(s0 * s1)
                rows = q * _L + lanes
                acc = jnp.zeros((_L,), jnp.float32)
                for dd in range(_L):
                    col = jnp.full((_L,), dd, jnp.int32)
                    acc = acc + plsc.load_gather(v_v, [rows, col])
                cx_v[pl.ds(q * _L, _L)] = acc
                return carry2

            lax.fori_loop(0, _C // _L, grp_body, 0)
            pltpu.async_copy(z_v, z_hbm.at[pl.ds(row0, _C)], out_sem[b])
            pltpu.async_copy(cx_v, cx_hbm.at[pl.ds(row0, _C)], out_sem[b])

        fire_inputs(0, 0)

        @pl.loop(0, g_chunks, step=_NBUF)
        def step(go):
            for b in range(_NBUF):
                g = go + b
                wait_inputs(b)

                @pl.when(g + 1 < g_chunks)
                def _():
                    fire_inputs(g + 1, (b + 1) % _NBUF)

                @pl.when(g >= _NBUF)
                def _():
                    wait_outputs(b)

                compute(g, b)

        for b in range(_NBUF):
            wait_outputs(b)

    return sc_call


def kernel(x, mu_table, sigma_table):
    b, l = x.shape
    d = mu_table.shape[1]
    n = b * l
    idx = x.reshape(n).astype(jnp.int32).reshape(n // _C, _IG, 128)
    eps = jax.random.normal(jax.random.key(42), (n, d), dtype=jnp.float32)
    z_flat, cx_flat = _make_sc_call(n, d)(idx, mu_table, sigma_table, eps)
    return z_flat.reshape(b, l, d), cx_flat.reshape(b, l)

# --- scband reference (transcript-rebuilt; emitter-appended) ---
"""Pipeline reference for scband-model-50903952392497 (READ-ONLY COPY).

The authoritative reference and input builder live on the scoring server;
editing this copy changes nothing except your own understanding.
"""

import jax, jax.numpy as jnp
import numpy as np

COLOR_NUM = 1000000
EMB_DIM = 32
BATCH = 4096
HIST = 200


def compute_log_gauss(x, mu, sigma):
    y = (x - mu) / sigma
    log_p = -jnp.sum(y * y, axis=2) / 2 - jnp.sum(jnp.log(sigma), axis=2)
    return log_p


def setup_inputs(seed: int = 0) -> dict:
    key = jax.random.key(seed)
    k1, k2, k3 = jax.random.split(key, 3)
    x = jax.random.randint(k1, (BATCH, HIST), 0, COLOR_NUM).astype(jnp.int64)
    # learned parameters: two embedding tables (mu, sigma)
    mu_table = jax.random.normal(k2, (COLOR_NUM, EMB_DIM), dtype=jnp.float32)
    # sigma must be positive for log(sigma); initialize in (0.1, 1.1)
    sigma_table = jax.random.uniform(k3, (COLOR_NUM, EMB_DIM), dtype=jnp.float32, minval=0.1, maxval=1.1)
    return {"x": x, "mu_table": mu_table, "sigma_table": sigma_table}


def reference(x, mu_table, sigma_table):
    # embedding lookups (SparseCore gather)
    mu = jnp.take(mu_table, x, axis=0)          # [B, L, D]
    sigma = jnp.take(sigma_table, x, axis=0)    # [B, L, D]
    # torch.randn(sigma.shape) -> fixed-key normal noise (constant sample)
    epsilon = jax.random.normal(jax.random.key(42), sigma.shape, dtype=sigma.dtype)
    z = mu + sigma * epsilon
    log_p = compute_log_gauss(z, jnp.zeros_like(z), jnp.ones_like(z))
    log_q = compute_log_gauss(z, mu, sigma)
    complexity = log_q - log_p
    return (z, complexity)

if __name__ == "__main__":
    import jax
    _d = setup_inputs()
    print(jax.jit(kernel)(*tuple(_d.values())))

</pallas_src>

<mosaic_0001>
#map = affine_map<(d0, d1) -> (0, 0, 0)>
#map1 = affine_map<(d0, d1) -> (0, 0)>
#map2 = affine_map<(d0, d1) -> (0)>
module attributes {stable_mosaic.version = 14 : i64} {
  func.func @sc_call(%arg0: i32, %arg1: i32, %arg2: memref<3200x2x128xi32, #tpu.memory_space<hbm>>, %arg3: memref<1000000x32xf32, #tpu.memory_space<hbm>>, %arg4: memref<1000000x32xf32, #tpu.memory_space<hbm>>, %arg5: memref<819200x32xf32, #tpu.memory_space<hbm>>, %arg6: memref<819200x32xf32, #tpu.memory_space<hbm>>, %arg7: memref<819200xf32, #tpu.memory_space<hbm>>, %arg8: memref<1x2x128xi32, #tpu.memory_space<vmem>>, %arg9: memref<256x32xf32, #tpu.memory_space<vmem>>, %arg10: memref<256x32xf32, #tpu.memory_space<vmem>>, %arg11: memref<256x32xf32, #tpu.memory_space<vmem>>, %arg12: memref<256x32xf32, #tpu.memory_space<vmem>>, %arg13: memref<256xf32, #tpu.memory_space<vmem>>, %arg14: memref<1x2x128xi32, #tpu.memory_space<vmem>>, %arg15: memref<256x32xf32, #tpu.memory_space<vmem>>, %arg16: memref<256x32xf32, #tpu.memory_space<vmem>>, %arg17: memref<256x32xf32, #tpu.memory_space<vmem>>, %arg18: memref<256x32xf32, #tpu.memory_space<vmem>>, %arg19: memref<256xf32, #tpu.memory_space<vmem>>, %arg20: memref<256x16xf32, #tpu.memory_space<vmem>>, %arg21: memref<!tpu.dma_semaphore, #tpu.memory_space<semaphore_mem>>, %arg22: memref<!tpu.dma_semaphore, #tpu.memory_space<semaphore_mem>>, %arg23: memref<!tpu.dma_semaphore, #tpu.memory_space<semaphore_mem>>, %arg24: memref<!tpu.dma_semaphore, #tpu.memory_space<semaphore_mem>>) attributes {dimension_semantics = [#tpu.dimension_semantics<core_parallel>, #tpu.dimension_semantics<subcore_parallel>], iteration_bounds = array<i64: 2, 16>, scalar_prefetch = 0 : i64, scratch_operands = 17 : i64, tpu.core_type = #tpu.core_type<sc_vector_subcore>, window_params = [{transform_indices = #map}, {transform_indices = #map1}, {transform_indices = #map1}, {transform_indices = #map1}, {transform_indices = #map1}, {transform_indices = #map2}]} {
    %mul3A = arith.constant 2 : i32
    %mul3A_0 = arith.muli %arg1, %mul3A : i32
    %add3A = arith.addi %mul3A_0, %arg0 : i32
    %mul3A_1 = arith.constant 25600 : i32
    %mul3A_2 = arith.muli %add3A, %mul3A_1 : i32
    %iota3A = tpu.iota {dimensions = array<i32: 0>} : vector<16xi32>
    %add3A_3 = arith.constant 0 : i32
    %add3A_4 = arith.addi %mul3A_2, %add3A_3 : i32
    %jit3A = arith.constant 256 : i32
    %div3A = arith.divsi %add3A_4, %jit3A : i32
    %sign3A = arith.constant 0 : i32
    %sign3A_5 = arith.cmpi sgt, %add3A_4, %sign3A : i32
    %sign3A_6 = arith.extui %sign3A_5 : i1 to i32
    %sign3A_7 = arith.constant 0 : i32
    %sign3A_8 = arith.cmpi slt, %add3A_4, %sign3A_7 : i32
    %sign3A_9 = arith.extui %sign3A_8 : i1 to i32
    %sign3A_10 = arith.subi %sign3A_6, %sign3A_9 : i32
    %sign3A_11 = arith.constant 0 : i32
    %sign3A_12 = arith.cmpi sgt, %jit3A, %sign3A_11 : i32
    %sign3A_13 = arith.extui %sign3A_12 : i1 to i32
    %sign3A_14 = arith.constant 0 : i32
    %sign3A_15 = arith.cmpi slt, %jit3A, %sign3A_14 : i32
    %sign3A_16 = arith.extui %sign3A_15 : i1 to i32
    %sign3A_17 = arith.subi %sign3A_13, %sign3A_16 : i32
    %ne3A = arith.cmpi ne, %sign3A_10, %sign3A_17 : i32
    %rem3A = arith.remsi %add3A_4, %jit3A : i32
    %ne3A_18 = arith.constant 0 : i32
    %ne3A_19 = arith.cmpi ne, %rem3A, %ne3A_18 : i32
    %and3A = arith.andi %ne3A, %ne3A_19 : i1
    %sub3A = arith.constant 1 : i32
    %sub3A_20 = arith.subi %div3A, %sub3A : i32
    %select_n3A = arith.select %and3A, %sub3A_20, %div3A : i32
    "tpu.region"() ({
      %run_scoped3A = tpu.sem_alloc : memref<!tpu.dma_semaphore, #tpu.memory_space<semaphore_mem>>
      %dma_start3A_91 = arith.constant 0 : i32
      %dma_start3A_92 = arith.constant 0 : i32
      %dma_start3A_93 = tpu.memref_slice %arg2[%select_n3A, %dma_start3A_91, %dma_start3A_92] : memref<3200x2x128xi32, #tpu.memory_space<hbm>> -> memref<1x2x128xi32, #tpu.memory_space<hbm>>
      %dma_start3A_94 = arith.constant 0 : i32
      %dma_start3A_95 = arith.constant 0 : i32
      %dma_start3A_96 = tpu.memref_slice %arg2[%select_n3A, %dma_start3A_94, %dma_start3A_95] : memref<3200x2x128xi32, #tpu.memory_space<hbm>> -> memref<1x2x128xi32, #tpu.memory_space<hbm>>
      tpu.enqueue_dma source(%dma_start3A_96 : memref<1x2x128xi32, #tpu.memory_space<hbm>>) target(%arg8 : memref<1x2x128xi32, #tpu.memory_space<vmem>>) target_semaphore(%run_scoped3A : memref<!tpu.dma_semaphore, #tpu.memory_space<semaphore_mem>>)
      %dma_wait3A_97 = arith.constant 0 : i32
      %dma_wait3A_98 = arith.constant 0 : i32
      %dma_wait3A_99 = tpu.memref_slice %arg2[%select_n3A, %dma_wait3A_97, %dma_wait3A_98] : memref<3200x2x128xi32, #tpu.memory_space<hbm>> -> memref<1x2x128xi32, #tpu.memory_space<hbm>>
      %dma_wait3A_100 = arith.constant 0 : i32
      %dma_wait3A_101 = arith.constant 0 : i32
      %dma_wait3A_102 = tpu.memref_slice %arg2[%select_n3A, %dma_wait3A_100, %dma_wait3A_101] : memref<3200x2x128xi32, #tpu.memory_space<hbm>> -> memref<1x2x128xi32, #tpu.memory_space<hbm>>
      tpu.wait_dma2 semaphore(%run_scoped3A : memref<!tpu.dma_semaphore, #tpu.memory_space<semaphore_mem>>) src(%dma_wait3A_102 : memref<1x2x128xi32, #tpu.memory_space<hbm>>) dst(%arg8 : memref<1x2x128xi32, #tpu.memory_space<vmem>>)
      tpu.yield
    }) : () -> ()
    %dma_start3A = arith.constant 0 : i32
    %dma_start3A_21 = arith.constant 0 : i32
    %dma_start3A_22 = arith.constant 0 : i32
    %dma_start3A_23 = arith.constant 0 : i32
    %dma_start3A_24 = tpu.memref_slice %arg9[%dma_start3A_22, %dma_start3A_23] : memref<256x32xf32, #tpu.memory_space<vmem>> -> memref<128x32xf32, #tpu.memory_space<vmem>>
    %dma_start3A_25 = arith.constant 0 : i32
    %dma_start3A_26 = tpu.memref_slice %arg8[%dma_start3A, %dma_start3A_21, %dma_start3A_25] : memref<1x2x128xi32, #tpu.memory_space<vmem>> -> memref<1x1x128xi32, #tpu.memory_space<vmem>>
    %dma_start3A_27 = tpu.memref_squeeze %dma_start3A_26 : memref<1x1x128xi32, #tpu.memory_space<vmem>> -> memref<128xi32, #tpu.memory_space<vmem>>
    %dma_start3A_28 = arith.constant 0 : i32
    %dma_start3A_29 = arith.constant 0 : i32
    %dma_start3A_30 = tpu.memref_slice %arg3[%dma_start3A_28, %dma_start3A_29] : memref<1000000x32xf32, #tpu.memory_space<hbm>> -> memref<1000000x32xf32, #tpu.memory_space<hbm>>
    tpu.enqueue_indirect_dma source(%dma_start3A_30 : memref<1000000x32xf32, #tpu.memory_space<hbm>>) target(%dma_start3A_24 : memref<128x32xf32, #tpu.memory_space<vmem>>) offsets(%dma_start3A_27 : memref<128xi32, #tpu.memory_space<vmem>>) semaphore(%arg21 : memref<!tpu.dma_semaphore, #tpu.memory_space<semaphore_mem>>)
    %dma_start3A_31 = arith.constant 0 : i32
    %dma_start3A_32 = arith.constant 0 : i32
    %dma_start3A_33 = arith.constant 0 : i32
    %dma_start3A_34 = arith.constant 0 : i32
    %dma_start3A_35 = tpu.memref_slice %arg10[%dma_start3A_33, %dma_start3A_34] : memref<256x32xf32, #tpu.memory_space<vmem>> -> memref<128x32xf32, #tpu.memory_space<vmem>>
    %dma_start3A_36 = arith.constant 0 : i32
    %dma_start3A_37 = tpu.memref_slice %arg8[%dma_start3A_31, %dma_start3A_32, %dma_start3A_36] : memref<1x2x128xi32, #tpu.memory_space<vmem>> -> memref<1x1x128xi32, #tpu.memory_space<vmem>>
    %dma_start3A_38 = tpu.memref_squeeze %dma_start3A_37 : memref<1x1x128xi32, #tpu.memory_space<vmem>> -> memref<128xi32, #tpu.memory_space<vmem>>
    %dma_start3A_39 = arith.constant 0 : i32
    %dma_start3A_40 = arith.constant 0 : i32
    %dma_start3A_41 = tpu.memref_slice %arg4[%dma_start3A_39, %dma_start3A_40] : memref<1000000x32xf32, #tpu.memory_space<hbm>> -> memref<1000000x32xf32, #tpu.memory_space<hbm>>
    tpu.enqueue_indirect_dma source(%dma_start3A_41 : memref<1000000x32xf32, #tpu.memory_space<hbm>>) target(%dma_start3A_35 : memref<128x32xf32, #tpu.memory_space<vmem>>) offsets(%dma_start3A_38 : memref<128xi32, #tpu.memory_space<vmem>>) semaphore(%arg21 : memref<!tpu.dma_semaphore, #tpu.memory_space<semaphore_mem>>)
    %dma_start3A_42 = arith.constant 0 : i32
    %dma_start3A_43 = arith.constant 1 : i32
    %dma_start3A_44 = arith.constant 128 : i32
    %dma_start3A_45 = arith.constant 0 : i32
    %dma_start3A_46 = tpu.memref_slice %arg9[%dma_start3A_44, %dma_start3A_45] : memref<256x32xf32, #tpu.memory_space<vmem>> -> memref<128x32xf32, #tpu.memory_space<vmem>>
    %dma_start3A_47 = arith.constant 0 : i32
    %dma_start3A_48 = tpu.memref_slice %arg8[%dma_start3A_42, %dma_start3A_43, %dma_start3A_47] : memref<1x2x128xi32, #tpu.memory_space<vmem>> -> memref<1x1x128xi32, #tpu.memory_space<vmem>>
    %dma_start3A_49 = tpu.memref_squeeze %dma_start3A_48 : memref<1x1x128xi32, #tpu.memory_space<vmem>> -> memref<128xi32, #tpu.memory_space<vmem>>
    %dma_start3A_50 = arith.constant 0 : i32
    %dma_start3A_51 = arith.constant 0 : i32
    %dma_start3A_52 = tpu.memref_slice %arg3[%dma_start3A_50, %dma_start3A_51] : memref<1000000x32xf32, #tpu.memory_space<hbm>> -> memref<1000000x32xf32, #tpu.memory_space<hbm>>
    tpu.enqueue_indirect_dma source(%dma_start3A_52 : memref<1000000x32xf32, #tpu.memory_space<hbm>>) target(%dma_start3A_46 : memref<128x32xf32, #tpu.memory_space<vmem>>) offsets(%dma_start3A_49 : memref<128xi32, #tpu.memory_space<vmem>>) semaphore(%arg21 : memref<!tpu.dma_semaphore, #tpu.memory_space<semaphore_mem>>)
    %dma_start3A_53 = arith.constant 0 : i32
    %dma_start3A_54 = arith.constant 1 : i32
    %dma_start3A_55 = arith.constant 128 : i32
    %dma_start3A_56 = arith.constant 0 : i32
    %dma_start3A_57 = tpu.memref_slice %arg10[%dma_start3A_55, %dma_start3A_56] : memref<256x32xf32, #tpu.memory_space<vmem>> -> memref<128x32xf32, #tpu.memory_space<vmem>>
    %dma_start3A_58 = arith.constant 0 : i32
    %dma_start3A_59 = tpu.memref_slice %arg8[%dma_start3A_53, %dma_start3A_54, %dma_start3A_58] : memref<1x2x128xi32, #tpu.memory_space<vmem>> -> memref<1x1x128xi32, #tpu.memory_space<vmem>>
    %dma_start3A_60 = tpu.memref_squeeze %dma_start3A_59 : memref<1x1x128xi32, #tpu.memory_space<vmem>> -> memref<128xi32, #tpu.memory_space<vmem>>
    %dma_start3A_61 = arith.constant 0 : i32
    %dma_start3A_62 = arith.constant 0 : i32
    %dma_start3A_63 = tpu.memref_slice %arg4[%dma_start3A_61, %dma_start3A_62] : memref<1000000x32xf32, #tpu.memory_space<hbm>> -> memref<1000000x32xf32, #tpu.memory_space<hbm>>
    tpu.enqueue_indirect_dma source(%dma_start3A_63 : memref<1000000x32xf32, #tpu.memory_space<hbm>>) target(%dma_start3A_57 : memref<128x32xf32, #tpu.memory_space<vmem>>) offsets(%dma_start3A_60 : memref<128xi32, #tpu.memory_space<vmem>>) semaphore(%arg21 : memref<!tpu.dma_semaphore, #tpu.memory_space<semaphore_mem>>)
    %dma_start3A_64 = arith.constant 0 : i32
    %dma_start3A_65 = tpu.memref_slice %arg5[%add3A_4, %dma_start3A_64] : memref<819200x32xf32, #tpu.memory_space<hbm>> -> memref<256x32xf32, #tpu.memory_space<hbm>>
    %dma_start3A_66 = arith.constant 0 : i32
    %dma_start3A_67 = tpu.memref_slice %arg5[%add3A_4, %dma_start3A_66] : memref<819200x32xf32, #tpu.memory_space<hbm>> -> memref<256x32xf32, #tpu.memory_space<hbm>>
    tpu.enqueue_dma source(%dma_start3A_67 : memref<256x32xf32, #tpu.memory_space<hbm>>) target(%arg11 : memref<256x32xf32, #tpu.memory_space<vmem>>) target_semaphore(%arg21 : memref<!tpu.dma_semaphore, #tpu.memory_space<semaphore_mem>>)
    %scan3A = arith.constant 0 : i32
    %scan3A_68 = arith.constant 50 : i32
    %scan3A_69 = arith.addi %scan3A, %scan3A_68 : i32
    %scan3A_70 = arith.constant 1 : i32
    scf.for %scan3A_91 = %scan3A to %scan3A_69 step %scan3A_70  : i32 {
      %mul3A_92 = arith.constant 2 : i32
      %mul3A_93 = arith.muli %scan3A_91, %mul3A_92 : i32
      %add3A_94 = arith.constant 0 : i32
      %add3A_95 = arith.addi %add3A_94, %mul3A_93 : i32
      %add3A_96 = arith.constant 0 : i32
      %add3A_97 = arith.addi %add3A_95, %add3A_96 : i32
      %dma_wait3A_98 = arith.constant 0 : i32
      %dma_wait3A_99 = arith.constant 0 : i32
      %dma_wait3A_100 = tpu.memref_slice %arg9[%dma_wait3A_98, %dma_wait3A_99] : memref<256x32xf32, #tpu.memory_space<vmem>> -> memref<128x32xf32, #tpu.memory_space<vmem>>
      %dma_wait3A_101 = arith.constant 0 : i32
      %dma_wait3A_102 = arith.constant 0 : i32
      %dma_wait3A_103 = tpu.memref_slice %arg3[%dma_wait3A_101, %dma_wait3A_102] : memref<1000000x32xf32, #tpu.memory_space<hbm>> -> memref<128x32xf32, #tpu.memory_space<hbm>>
      %dma_wait3A_104 = arith.constant 0 : i32
      %dma_wait3A_105 = arith.constant 0 : i32
      %dma_wait3A_106 = tpu.memref_slice %arg9[%dma_wait3A_104, %dma_wait3A_105] : memref<256x32xf32, #tpu.memory_space<vmem>> -> memref<128x32xf32, #tpu.memory_space<vmem>>
      %dma_wait3A_107 = arith.constant 0 : i32
      %dma_wait3A_108 = arith.constant 0 : i32
      %dma_wait3A_109 = tpu.memref_slice %arg3[%dma_wait3A_107, %dma_wait3A_108] : memref<1000000x32xf32, #tpu.memory_space<hbm>> -> memref<128x32xf32, #tpu.memory_space<hbm>>
      tpu.wait_dma2 semaphore(%arg21 : memref<!tpu.dma_semaphore, #tpu.memory_space<semaphore_mem>>) src(%dma_wait3A_109 : memref<128x32xf32, #tpu.memory_space<hbm>>) dst(%dma_wait3A_106 : memref<128x32xf32, #tpu.memory_space<vmem>>)
      %dma_wait3A_110 = arith.constant 0 : i32
      %dma_wait3A_111 = arith.constant 0 : i32
      %dma_wait3A_112 = tpu.memref_slice %arg10[%dma_wait3A_110, %dma_wait3A_111] : memref<256x32xf32, #tpu.memory_space<vmem>> -> memref<128x32xf32, #tpu.memory_space<vmem>>
      %dma_wait3A_113 = arith.constant 0 : i32
      %dma_wait3A_114 = arith.constant 0 : i32
      %dma_wait3A_115 = tpu.memref_slice %arg4[%dma_wait3A_113, %dma_wait3A_114] : memref<1000000x32xf32, #tpu.memory_space<hbm>> -> memref<128x32xf32, #tpu.memory_space<hbm>>
      %dma_wait3A_116 = arith.constant 0 : i32
      %dma_wait3A_117 = arith.constant 0 : i32
      %dma_wait3A_118 = tpu.memref_slice %arg10[%dma_wait3A_116, %dma_wait3A_117] : memref<256x32xf32, #tpu.memory_space<vmem>> -> memref<128x32xf32, #tpu.memory_space<vmem>>
      %dma_wait3A_119 = arith.constant 0 : i32
      %dma_wait3A_120 = arith.constant 0 : i32
      %dma_wait3A_121 = tpu.memref_slice %arg4[%dma_wait3A_119, %dma_wait3A_120] : memref<1000000x32xf32, #tpu.memory_space<hbm>> -> memref<128x32xf32, #tpu.memory_space<hbm>>
      tpu.wait_dma2 semaphore(%arg21 : memref<!tpu.dma_semaphore, #tpu.memory_space<semaphore_mem>>) src(%dma_wait3A_121 : memref<128x32xf32, #tpu.memory_space<hbm>>) dst(%dma_wait3A_118 : memref<128x32xf32, #tpu.memory_space<vmem>>)
      %dma_wait3A_122 = arith.constant 128 : i32
      %dma_wait3A_123 = arith.constant 0 : i32
      %dma_wait3A_124 = tpu.memref_slice %arg9[%dma_wait3A_122, %dma_wait3A_123] : memref<256x32xf32, #tpu.memory_space<vmem>> -> memref<128x32xf32, #tpu.memory_space<vmem>>
      %dma_wait3A_125 = arith.constant 0 : i32
      %dma_wait3A_126 = arith.constant 0 : i32
      %dma_wait3A_127 = tpu.memref_slice %arg3[%dma_wait3A_125, %dma_wait3A_126] : memref<1000000x32xf32, #tpu.memory_space<hbm>> -> memref<128x32xf32, #tpu.memory_space<hbm>>
      %dma_wait3A_128 = arith.constant 128 : i32
      %dma_wait3A_129 = arith.constant 0 : i32
      %dma_wait3A_130 = tpu.memref_slice %arg9[%dma_wait3A_128, %dma_wait3A_129] : memref<256x32xf32, #tpu.memory_space<vmem>> -> memref<128x32xf32, #tpu.memory_space<vmem>>
      %dma_wait3A_131 = arith.constant 0 : i32
      %dma_wait3A_132 = arith.constant 0 : i32
      %dma_wait3A_133 = tpu.memref_slice %arg3[%dma_wait3A_131, %dma_wait3A_132] : memref<1000000x32xf32, #tpu.memory_space<hbm>> -> memref<128x32xf32, #tpu.memory_space<hbm>>
      tpu.wait_dma2 semaphore(%arg21 : memref<!tpu.dma_semaphore, #tpu.memory_space<semaphore_mem>>) src(%dma_wait3A_133 : memref<128x32xf32, #tpu.memory_space<hbm>>) dst(%dma_wait3A_130 : memref<128x32xf32, #tpu.memory_space<vmem>>)
      %dma_wait3A_134 = arith.constant 128 : i32
      %dma_wait3A_135 = arith.constant 0 : i32
      %dma_wait3A_136 = tpu.memref_slice %arg10[%dma_wait3A_134, %dma_wait3A_135] : memref<256x32xf32, #tpu.memory_space<vmem>> -> memref<128x32xf32, #tpu.memory_space<vmem>>
      %dma_wait3A_137 = arith.constant 0 : i32
      %dma_wait3A_138 = arith.constant 0 : i32
      %dma_wait3A_139 = tpu.memref_slice %arg4[%dma_wait3A_137, %dma_wait3A_138] : memref<1000000x32xf32, #tpu.memory_space<hbm>> -> memref<128x32xf32, #tpu.memory_space<hbm>>
      %dma_wait3A_140 = arith.constant 128 : i32
      %dma_wait3A_141 = arith.constant 0 : i32
      %dma_wait3A_142 = tpu.memref_slice %arg10[%dma_wait3A_140, %dma_wait3A_141] : memref<256x32xf32, #tpu.memory_space<vmem>> -> memref<128x32xf32, #tpu.memory_space<vmem>>
      %dma_wait3A_143 = arith.constant 0 : i32
      %dma_wait3A_144 = arith.constant 0 : i32
      %dma_wait3A_145 = tpu.memref_slice %arg4[%dma_wait3A_143, %dma_wait3A_144] : memref<1000000x32xf32, #tpu.memory_space<hbm>> -> memref<128x32xf32, #tpu.memory_space<hbm>>
      tpu.wait_dma2 semaphore(%arg21 : memref<!tpu.dma_semaphore, #tpu.memory_space<semaphore_mem>>) src(%dma_wait3A_145 : memref<128x32xf32, #tpu.memory_space<hbm>>) dst(%dma_wait3A_142 : memref<128x32xf32, #tpu.memory_space<vmem>>)
      %dma_wait3A_146 = arith.constant 0 : i32
      %dma_wait3A_147 = arith.constant 0 : i32
      %dma_wait3A_148 = tpu.memref_slice %arg5[%dma_wait3A_146, %dma_wait3A_147] : memref<819200x32xf32, #tpu.memory_space<hbm>> -> memref<256x32xf32, #tpu.memory_space<hbm>>
      %dma_wait3A_149 = arith.constant 0 : i32
      %dma_wait3A_150 = arith.constant 0 : i32
      %dma_wait3A_151 = tpu.memref_slice %arg5[%dma_wait3A_149, %dma_wait3A_150] : memref<819200x32xf32, #tpu.memory_space<hbm>> -> memref<256x32xf32, #tpu.memory_space<hbm>>
      tpu.wait_dma2 semaphore(%arg21 : memref<!tpu.dma_semaphore, #tpu.memory_space<semaphore_mem>>) src(%dma_wait3A_151 : memref<256x32xf32, #tpu.memory_space<hbm>>) dst(%arg11 : memref<256x32xf32, #tpu.memory_space<vmem>>)
      %add3A_152 = arith.constant 1 : i32
      %add3A_153 = arith.addi %add3A_97, %add3A_152 : i32
      %lt3A = arith.constant 100 : i32
      %lt3A_154 = arith.cmpi slt, %add3A_153, %lt3A : i32
      %convert_element_type3A = arith.extui %lt3A_154 : i1 to i32
      %cond3A = arith.constant 0 : i32
      %cond3A_155 = arith.cmpi ne, %convert_element_type3A, %cond3A : i32
      scf.if %cond3A_155 {
        %add3A_258 = arith.constant 1 : i32
        %add3A_259 = arith.addi %add3A_97, %add3A_258 : i32
        %mul3A_260 = arith.constant 256 : i32
        %mul3A_261 = arith.muli %add3A_259, %mul3A_260 : i32
        %add3A_262 = arith.addi %mul3A_2, %mul3A_261 : i32
        %jit3A_263 = arith.constant 256 : i32
        %div3A_264 = arith.divsi %add3A_262, %jit3A_263 : i32
        %sign3A_265 = arith.constant 0 : i32
        %sign3A_266 = arith.cmpi sgt, %add3A_262, %sign3A_265 : i32
        %sign3A_267 = arith.extui %sign3A_266 : i1 to i32
        %sign3A_268 = arith.constant 0 : i32
        %sign3A_269 = arith.cmpi slt, %add3A_262, %sign3A_268 : i32
        %sign3A_270 = arith.extui %sign3A_269 : i1 to i32
        %sign3A_271 = arith.subi %sign3A_267, %sign3A_270 : i32
        %sign3A_272 = arith.constant 0 : i32
        %sign3A_273 = arith.cmpi sgt, %jit3A_263, %sign3A_272 : i32
        %sign3A_274 = arith.extui %sign3A_273 : i1 to i32
        %sign3A_275 = arith.constant 0 : i32
        %sign3A_276 = arith.cmpi slt, %jit3A_263, %sign3A_275 : i32
        %sign3A_277 = arith.extui %sign3A_276 : i1 to i32
        %sign3A_278 = arith.subi %sign3A_274, %sign3A_277 : i32
        %ne3A_279 = arith.cmpi ne, %sign3A_271, %sign3A_278 : i32
        %rem3A_280 = arith.remsi %add3A_262, %jit3A_263 : i32
        %ne3A_281 = arith.constant 0 : i32
        %ne3A_282 = arith.cmpi ne, %rem3A_280, %ne3A_281 : i32
        %and3A_283 = arith.andi %ne3A_279, %ne3A_282 : i1
        %sub3A_284 = arith.constant 1 : i32
        %sub3A_285 = arith.subi %div3A_264, %sub3A_284 : i32
        %select_n3A_286 = arith.select %and3A_283, %sub3A_285, %div3A_264 : i32
        "tpu.region"() ({
          %run_scoped3A = tpu.sem_alloc : memref<!tpu.dma_semaphore, #tpu.memory_space<semaphore_mem>>
          %dma_start3A_335 = arith.constant 0 : i32
          %dma_start3A_336 = arith.constant 0 : i32
          %dma_start3A_337 = tpu.memref_slice %arg2[%select_n3A_286, %dma_start3A_335, %dma_start3A_336] : memref<3200x2x128xi32, #tpu.memory_space<hbm>> -> memref<1x2x128xi32, #tpu.memory_space<hbm>>
          %dma_start3A_338 = arith.constant 0 : i32
          %dma_start3A_339 = arith.constant 0 : i32
          %dma_start3A_340 = tpu.memref_slice %arg2[%select_n3A_286, %dma_start3A_338, %dma_start3A_339] : memref<3200x2x128xi32, #tpu.memory_space<hbm>> -> memref<1x2x128xi32, #tpu.memory_space<hbm>>
          tpu.enqueue_dma source(%dma_start3A_340 : memref<1x2x128xi32, #tpu.memory_space<hbm>>) target(%arg14 : memref<1x2x128xi32, #tpu.memory_space<vmem>>) target_semaphore(%run_scoped3A : memref<!tpu.dma_semaphore, #tpu.memory_space<semaphore_mem>>)
          %dma_wait3A_341 = arith.constant 0 : i32
          %dma_wait3A_342 = arith.constant 0 : i32
          %dma_wait3A_343 = tpu.memref_slice %arg2[%select_n3A_286, %dma_wait3A_341, %dma_wait3A_342] : memref<3200x2x128xi32, #tpu.memory_space<hbm>> -> memref<1x2x128xi32, #tpu.memory_space<hbm>>
          %dma_wait3A_344 = arith.constant 0 : i32
          %dma_wait3A_345 = arith.constant 0 : i32
          %dma_wait3A_346 = tpu.memref_slice %arg2[%select_n3A_286, %dma_wait3A_344, %dma_wait3A_345] : memref<3200x2x128xi32, #tpu.memory_space<hbm>> -> memref<1x2x128xi32, #tpu.memory_space<hbm>>
          tpu.wait_dma2 semaphore(%run_scoped3A : memref<!tpu.dma_semaphore, #tpu.memory_space<semaphore_mem>>) src(%dma_wait3A_346 : memref<1x2x128xi32, #tpu.memory_space<hbm>>) dst(%arg14 : memref<1x2x128xi32, #tpu.memory_space<vmem>>)
          tpu.yield
        }) : () -> ()
        %dma_start3A_287 = arith.constant 0 : i32
        %dma_start3A_288 = arith.constant 0 : i32
        %dma_start3A_289 = arith.constant 0 : i32
        %dma_start3A_290 = arith.constant 0 : i32
        %dma_start3A_291 = tpu.memref_slice %arg15[%dma_start3A_289, %dma_start3A_290] : memref<256x32xf32, #tpu.memory_space<vmem>> -> memref<128x32xf32, #tpu.memory_space<vmem>>
        %dma_start3A_292 = arith.constant 0 : i32
        %dma_start3A_293 = tpu.memref_slice %arg14[%dma_start3A_287, %dma_start3A_288, %dma_start3A_292] : memref<1x2x128xi32, #tpu.memory_space<vmem>> -> memref<1x1x128xi32, #tpu.memory_space<vmem>>
        %dma_start3A_294 = tpu.memref_squeeze %dma_start3A_293 : memref<1x1x128xi32, #tpu.memory_space<vmem>> -> memref<128xi32, #tpu.memory_space<vmem>>
        %dma_start3A_295 = arith.constant 0 : i32
        %dma_start3A_296 = arith.constant 0 : i32
        %dma_start3A_297 = tpu.memref_slice %arg3[%dma_start3A_295, %dma_start3A_296] : memref<1000000x32xf32, #tpu.memory_space<hbm>> -> memref<1000000x32xf32, #tpu.memory_space<hbm>>
        tpu.enqueue_indirect_dma source(%dma_start3A_297 : memref<1000000x32xf32, #tpu.memory_space<hbm>>) target(%dma_start3A_291 : memref<128x32xf32, #tpu.memory_space<vmem>>) offsets(%dma_start3A_294 : memref<128xi32, #tpu.memory_space<vmem>>) semaphore(%arg22 : memref<!tpu.dma_semaphore, #tpu.memory_space<semaphore_mem>>)
        %dma_start3A_298 = arith.constant 0 : i32
        %dma_start3A_299 = arith.constant 0 : i32
        %dma_start3A_300 = arith.constant 0 : i32
        %dma_start3A_301 = arith.constant 0 : i32
        %dma_start3A_302 = tpu.memref_slice %arg16[%dma_start3A_300, %dma_start3A_301] : memref<256x32xf32, #tpu.memory_space<vmem>> -> memref<128x32xf32, #tpu.memory_space<vmem>>
        %dma_start3A_303 = arith.constant 0 : i32
        %dma_start3A_304 = tpu.memref_slice %arg14[%dma_start3A_298, %dma_start3A_299, %dma_start3A_303] : memref<1x2x128xi32, #tpu.memory_space<vmem>> -> memref<1x1x128xi32, #tpu.memory_space<vmem>>
        %dma_start3A_305 = tpu.memref_squeeze %dma_start3A_304 : memref<1x1x128xi32, #tpu.memory_space<vmem>> -> memref<128xi32, #tpu.memory_space<vmem>>
        %dma_start3A_306 = arith.constant 0 : i32
        %dma_start3A_307 = arith.constant 0 : i32
        %dma_start3A_308 = tpu.memref_slice %arg4[%dma_start3A_306, %dma_start3A_307] : memref<1000000x32xf32, #tpu.memory_space<hbm>> -> memref<1000000x32xf32, #tpu.memory_space<hbm>>
        tpu.enqueue_indirect_dma source(%dma_start3A_308 : memref<1000000x32xf32, #tpu.memory_space<hbm>>) target(%dma_start3A_302 : memref<128x32xf32, #tpu.memory_space<vmem>>) offsets(%dma_start3A_305 : memref<128xi32, #tpu.memory_space<vmem>>) semaphore(%arg22 : memref<!tpu.dma_semaphore, #tpu.memory_space<semaphore_mem>>)
        %dma_start3A_309 = arith.constant 0 : i32
        %dma_start3A_310 = arith.constant 1 : i32
        %dma_start3A_311 = arith.constant 128 : i32
        %dma_start3A_312 = arith.constant 0 : i32
        %dma_start3A_313 = tpu.memref_slice %arg15[%dma_start3A_311, %dma_start3A_312] : memref<256x32xf32, #tpu.memory_space<vmem>> -> memref<128x32xf32, #tpu.memory_space<vmem>>
        %dma_start3A_314 = arith.constant 0 : i32
        %dma_start3A_315 = tpu.memref_slice %arg14[%dma_start3A_309, %dma_start3A_310, %dma_start3A_314] : memref<1x2x128xi32, #tpu.memory_space<vmem>> -> memref<1x1x128xi32, #tpu.memory_space<vmem>>
        %dma_start3A_316 = tpu.memref_squeeze %dma_start3A_315 : memref<1x1x128xi32, #tpu.memory_space<vmem>> -> memref<128xi32, #tpu.memory_space<vmem>>
        %dma_start3A_317 = arith.constant 0 : i32
        %dma_start3A_318 = arith.constant 0 : i32
        %dma_start3A_319 = tpu.memref_slice %arg3[%dma_start3A_317, %dma_start3A_318] : memref<1000000x32xf32, #tpu.memory_space<hbm>> -> memref<1000000x32xf32, #tpu.memory_space<hbm>>
        tpu.enqueue_indirect_dma source(%dma_start3A_319 : memref<1000000x32xf32, #tpu.memory_space<hbm>>) target(%dma_start3A_313 : memref<128x32xf32, #tpu.memory_space<vmem>>) offsets(%dma_start3A_316 : memref<128xi32, #tpu.memory_space<vmem>>) semaphore(%arg22 : memref<!tpu.dma_semaphore, #tpu.memory_space<semaphore_mem>>)
        %dma_start3A_320 = arith.constant 0 : i32
        %dma_start3A_321 = arith.constant 1 : i32
        %dma_start3A_322 = arith.constant 128 : i32
        %dma_start3A_323 = arith.constant 0 : i32
        %dma_start3A_324 = tpu.memref_slice %arg16[%dma_start3A_322, %dma_start3A_323] : memref<256x32xf32, #tpu.memory_space<vmem>> -> memref<128x32xf32, #tpu.memory_space<vmem>>
        %dma_start3A_325 = arith.constant 0 : i32
        %dma_start3A_326 = tpu.memref_slice %arg14[%dma_start3A_320, %dma_start3A_321, %dma_start3A_325] : memref<1x2x128xi32, #tpu.memory_space<vmem>> -> memref<1x1x128xi32, #tpu.memory_space<vmem>>
        %dma_start3A_327 = tpu.memref_squeeze %dma_start3A_326 : memref<1x1x128xi32, #tpu.memory_space<vmem>> -> memref<128xi32, #tpu.memory_space<vmem>>
        %dma_start3A_328 = arith.constant 0 : i32
        %dma_start3A_329 = arith.constant 0 : i32
        %dma_start3A_330 = tpu.memref_slice %arg4[%dma_start3A_328, %dma_start3A_329] : memref<1000000x32xf32, #tpu.memory_space<hbm>> -> memref<1000000x32xf32, #tpu.memory_space<hbm>>
        tpu.enqueue_indirect_dma source(%dma_start3A_330 : memref<1000000x32xf32, #tpu.memory_space<hbm>>) target(%dma_start3A_324 : memref<128x32xf32, #tpu.memory_space<vmem>>) offsets(%dma_start3A_327 : memref<128xi32, #tpu.memory_space<vmem>>) semaphore(%arg22 : memref<!tpu.dma_semaphore, #tpu.memory_space<semaphore_mem>>)
        %dma_start3A_331 = arith.constant 0 : i32
        %dma_start3A_332 = tpu.memref_slice %arg5[%add3A_262, %dma_start3A_331] : memref<819200x32xf32, #tpu.memory_space<hbm>> -> memref<256x32xf32, #tpu.memory_space<hbm>>
        %dma_start3A_333 = arith.constant 0 : i32
        %dma_start3A_334 = tpu.memref_slice %arg5[%add3A_262, %dma_start3A_333] : memref<819200x32xf32, #tpu.memory_space<hbm>> -> memref<256x32xf32, #tpu.memory_space<hbm>>
        tpu.enqueue_dma source(%dma_start3A_334 : memref<256x32xf32, #tpu.memory_space<hbm>>) target(%arg17 : memref<256x32xf32, #tpu.memory_space<vmem>>) target_semaphore(%arg22 : memref<!tpu.dma_semaphore, #tpu.memory_space<semaphore_mem>>)
      } else {
      }
      %ge3A = arith.constant 2 : i32
      %ge3A_156 = arith.cmpi sge, %add3A_97, %ge3A : i32
      %convert_element_type3A_157 = arith.extui %ge3A_156 : i1 to i32
      %cond3A_158 = arith.constant 0 : i32
      %cond3A_159 = arith.cmpi ne, %convert_element_type3A_157, %cond3A_158 : i32
      scf.if %cond3A_159 {
        %dma_wait3A_258 = arith.constant 0 : i32
        %dma_wait3A_259 = arith.constant 0 : i32
        %dma_wait3A_260 = tpu.memref_slice %arg6[%dma_wait3A_258, %dma_wait3A_259] : memref<819200x32xf32, #tpu.memory_space<hbm>> -> memref<256x32xf32, #tpu.memory_space<hbm>>
        %dma_wait3A_261 = arith.constant 0 : i32
        %dma_wait3A_262 = arith.constant 0 : i32
        %dma_wait3A_263 = tpu.memref_slice %arg6[%dma_wait3A_261, %dma_wait3A_262] : memref<819200x32xf32, #tpu.memory_space<hbm>> -> memref<256x32xf32, #tpu.memory_space<hbm>>
        tpu.wait_dma2 semaphore(%arg23 : memref<!tpu.dma_semaphore, #tpu.memory_space<semaphore_mem>>) src(%arg12 : memref<256x32xf32, #tpu.memory_space<vmem>>) dst(%dma_wait3A_263 : memref<256x32xf32, #tpu.memory_space<hbm>>)
        %dma_wait3A_264 = arith.constant 0 : i32
        %dma_wait3A_265 = tpu.memref_slice %arg7[%dma_wait3A_264] : memref<819200xf32, #tpu.memory_space<hbm>> -> memref<256xf32, #tpu.memory_space<hbm>>
        %dma_wait3A_266 = arith.constant 0 : i32
        %dma_wait3A_267 = tpu.memref_slice %arg7[%dma_wait3A_266] : memref<819200xf32, #tpu.memory_space<hbm>> -> memref<256xf32, #tpu.memory_space<hbm>>
        tpu.wait_dma2 semaphore(%arg23 : memref<!tpu.dma_semaphore, #tpu.memory_space<semaphore_mem>>) src(%arg13 : memref<256xf32, #tpu.memory_space<vmem>>) dst(%dma_wait3A_267 : memref<256xf32, #tpu.memory_space<hbm>>)
      } else {
      }
      %mul3A_160 = arith.constant 256 : i32
      %mul3A_161 = arith.muli %add3A_97, %mul3A_160 : i32
      %add3A_162 = arith.addi %mul3A_2, %mul3A_161 : i32
      %scan3A_163 = arith.constant 0 : i32
      %scan3A_164 = arith.constant 0 : i32
      %scan3A_165 = arith.constant 16 : i32
      %scan3A_166 = arith.addi %scan3A_164, %scan3A_165 : i32
      %scan3A_167 = arith.constant 1 : i32
      scf.for %scan3A_258 = %scan3A_164 to %scan3A_166 step %scan3A_167  : i32 {
        %mul3A_259 = arith.constant 16 : i32
        %mul3A_260 = arith.muli %scan3A_258, %mul3A_259 : i32
        %add3A_261 = arith.constant 0 : i32
        %add3A_262 = arith.addi %mul3A_260, %add3A_261 : i32
        %get3A = arith.index_cast %add3A_262 : i32 to index
        %get3A_263 = arith.constant 0 : index
        %get3A_264 = tpu.vector_load %arg9[%get3A, %get3A_263] {strides = array<i32>} : memref<256x32xf32, #tpu.memory_space<vmem>>, vector<16xf32>,
        %get3A_265 = arith.index_cast %add3A_262 : i32 to index
        %get3A_266 = arith.constant 16 : index
        %get3A_267 = tpu.vector_load %arg9[%get3A_265, %get3A_266] {strides = array<i32>} : memref<256x32xf32, #tpu.memory_space<vmem>>, vector<16xf32>,
        %get3A_268 = arith.index_cast %add3A_262 : i32 to index
        %get3A_269 = arith.constant 0 : index
        %get3A_270 = tpu.vector_load %arg10[%get3A_268, %get3A_269] {strides = array<i32>} : memref<256x32xf32, #tpu.memory_space<vmem>>, vector<16xf32>,
        %get3A_271 = arith.index_cast %add3A_262 : i32 to index
        %get3A_272 = arith.constant 16 : index
        %get3A_273 = tpu.vector_load %arg10[%get3A_271, %get3A_272] {strides = array<i32>} : memref<256x32xf32, #tpu.memory_space<vmem>>, vector<16xf32>,
        %get3A_274 = arith.index_cast %add3A_262 : i32 to index
        %get3A_275 = arith.constant 0 : index
        %get3A_276 = tpu.vector_load %arg11[%get3A_274, %get3A_275] {strides = array<i32>} : memref<256x32xf32, #tpu.memory_space<vmem>>, vector<16xf32>,
        %get3A_277 = arith.index_cast %add3A_262 : i32 to index
        %get3A_278 = arith.constant 16 : index
        %get3A_279 = tpu.vector_load %arg11[%get3A_277, %get3A_278] {strides = array<i32>} : memref<256x32xf32, #tpu.memory_space<vmem>>, vector<16xf32>,
        %mul3A_280 = arith.mulf %get3A_270, %get3A_276 : vector<16xf32>
        %add3A_281 = arith.addf %get3A_264, %mul3A_280 : vector<16xf32>
        %mul3A_282 = arith.mulf %get3A_273, %get3A_279 : vector<16xf32>
        %add3A_283 = arith.addf %get3A_267, %mul3A_282 : vector<16xf32>
        %swap3A = arith.index_cast %add3A_262 : i32 to index
        %swap3A_284 = arith.constant 0 : index
        %swap3A_285 = tpu.vector_load %arg12[%swap3A, %swap3A_284] {strides = array<i32>} : memref<256x32xf32, #tpu.memory_space<vmem>>, vector<16xf32>,
        tpu.vector_store %arg12[%swap3A, %swap3A_284], %add3A_281 {strides = array<i32>} : memref<256x32xf32, #tpu.memory_space<vmem>>, vector<16xf32>,
        %swap3A_286 = arith.index_cast %add3A_262 : i32 to index
        %swap3A_287 = arith.constant 16 : index
        %swap3A_288 = tpu.vector_load %arg12[%swap3A_286, %swap3A_287] {strides = array<i32>} : memref<256x32xf32, #tpu.memory_space<vmem>>, vector<16xf32>,
        tpu.vector_store %arg12[%swap3A_286, %swap3A_287], %add3A_283 {strides = array<i32>} : memref<256x32xf32, #tpu.memory_space<vmem>>, vector<16xf32>,
        %mul3A_289 = arith.mulf %add3A_281, %add3A_281 : vector<16xf32>
        %mul3A_290 = arith.mulf %get3A_276, %get3A_276 : vector<16xf32>
        %sub3A_291 = arith.subf %mul3A_289, %mul3A_290 : vector<16xf32>
        %mul3A_292 = arith.mulf %add3A_283, %add3A_283 : vector<16xf32>
        %mul3A_293 = arith.mulf %get3A_279, %get3A_279 : vector<16xf32>
        %sub3A_294 = arith.subf %mul3A_292, %mul3A_293 : vector<16xf32>
        %add3A_295 = arith.addf %sub3A_291, %sub3A_294 : vector<16xf32>
        %mul3A_296 = arith.constant 5.000000e-01 : f32
        %mul3A_297 = vector.broadcast %mul3A_296 : f32 to vector<16xf32>
        %mul3A_298 = arith.mulf %mul3A_297, %add3A_295 : vector<16xf32>
        %mul3A_299 = arith.mulf %get3A_270, %get3A_273 : vector<16xf32>
        %bitcast_convert_type3A = tpu.bitcast %mul3A_299 : vector<16xf32> -> vector<16xi32>
        %shift_right_arithmetic3A = arith.constant 23 : i32
        %shift_right_arithmetic3A_300 = vector.broadcast %shift_right_arithmetic3A : i32 to vector<16xi32>
        %shift_right_arithmetic3A_301 = arith.shrsi %bitcast_convert_type3A, %shift_right_arithmetic3A_300 : vector<16xi32>
        %sub3A_302 = arith.constant 127 : i32
        %sub3A_303 = vector.broadcast %sub3A_302 : i32 to vector<16xi32>
        %sub3A_304 = arith.subi %shift_right_arithmetic3A_301, %sub3A_303 : vector<16xi32>
        %and3A_305 = arith.constant 8388607 : i32
        %and3A_306 = vector.broadcast %and3A_305 : i32 to vector<16xi32>
        %and3A_307 = arith.andi %bitcast_convert_type3A, %and3A_306 : vector<16xi32>
        %or3A = arith.constant 1065353216 : i32
        %or3A_308 = vector.broadcast %or3A : i32 to vector<16xi32>
        %or3A_309 = arith.ori %and3A_307, %or3A_308 : vector<16xi32>
        %bitcast_convert_type3A_310 = tpu.bitcast %or3A_309 : vector<16xi32> -> vector<16xf32>
        %ge3A_311 = arith.constant 1.41421354 : f32
        %ge3A_312 = vector.broadcast %ge3A_311 : f32 to vector<16xf32>
        %ge3A_313 = arith.cmpf oge, %bitcast_convert_type3A_310, %ge3A_312 : vector<16xf32>
        %mul3A_314 = arith.constant 5.000000e-01 : f32
        %mul3A_315 = vector.broadcast %mul3A_314 : f32 to vector<16xf32>
        %mul3A_316 = arith.mulf %bitcast_convert_type3A_310, %mul3A_315 : vector<16xf32>
        %select_n3A_317 = arith.select %ge3A_313, %mul3A_316, %bitcast_convert_type3A_310 : vector<16xi1>, vector<16xf32>
        %add3A_318 = arith.constant 1 : i32
        %add3A_319 = vector.broadcast %add3A_318 : i32 to vector<16xi32>
        %add3A_320 = arith.addi %sub3A_304, %add3A_319 : vector<16xi32>
        %select_n3A_321 = arith.select %ge3A_313, %add3A_320, %sub3A_304 : vector<16xi1>, vector<16xi32>
        %sub3A_322 = arith.constant 1.000000e+00 : f32
        %sub3A_323 = vector.broadcast %sub3A_322 : f32 to vector<16xf32>
        %sub3A_324 = arith.subf %select_n3A_317, %sub3A_323 : vector<16xf32>
        %mul3A_325 = arith.mulf %sub3A_324, %sub3A_324 : vector<16xf32>
        %mul3A_326 = arith.constant 0.0703768358 : f32
        %mul3A_327 = vector.broadcast %mul3A_326 : f32 to vector<16xf32>
        %mul3A_328 = arith.mulf %mul3A_327, %sub3A_324 : vector<16xf32>
        %add3A_329 = arith.constant -0.115146101 : f32
        %add3A_330 = vector.broadcast %add3A_329 : f32 to vector<16xf32>
        %add3A_331 = arith.addf %mul3A_328, %add3A_330 : vector<16xf32>
        %mul3A_332 = arith.mulf %add3A_331, %sub3A_324 : vector<16xf32>
        %add3A_333 = arith.constant 0.116769984 : f32
        %add3A_334 = vector.broadcast %add3A_333 : f32 to vector<16xf32>
        %add3A_335 = arith.addf %mul3A_332, %add3A_334 : vector<16xf32>
        %mul3A_336 = arith.mulf %add3A_335, %sub3A_324 : vector<16xf32>
        %add3A_337 = arith.constant -0.12420141 : f32
        %add3A_338 = vector.broadcast %add3A_337 : f32 to vector<16xf32>
        %add3A_339 = arith.addf %mul3A_336, %add3A_338 : vector<16xf32>
        %mul3A_340 = arith.mulf %add3A_339, %sub3A_324 : vector<16xf32>
        %add3A_341 = arith.constant 0.142493233 : f32
        %add3A_342 = vector.broadcast %add3A_341 : f32 to vector<16xf32>
        %add3A_343 = arith.addf %mul3A_340, %add3A_342 : vector<16xf32>
        %mul3A_344 = arith.mulf %add3A_343, %sub3A_324 : vector<16xf32>
        %add3A_345 = arith.constant -0.166680574 : f32
        %add3A_346 = vector.broadcast %add3A_345 : f32 to vector<16xf32>
        %add3A_347 = arith.addf %mul3A_344, %add3A_346 : vector<16xf32>
        %mul3A_348 = arith.mulf %add3A_347, %sub3A_324 : vector<16xf32>
        %add3A_349 = arith.constant 0.200007141 : f32
        %add3A_350 = vector.broadcast %add3A_349 : f32 to vector<16xf32>
        %add3A_351 = arith.addf %mul3A_348, %add3A_350 : vector<16xf32>
        %mul3A_352 = arith.mulf %add3A_351, %sub3A_324 : vector<16xf32>
        %add3A_353 = arith.constant -0.24999994 : f32
        %add3A_354 = vector.broadcast %add3A_353 : f32 to vector<16xf32>
        %add3A_355 = arith.addf %mul3A_352, %add3A_354 : vector<16xf32>
        %mul3A_356 = arith.mulf %add3A_355, %sub3A_324 : vector<16xf32>
        %add3A_357 = arith.constant 0.333333313 : f32
        %add3A_358 = vector.broadcast %add3A_357 : f32 to vector<16xf32>
        %add3A_359 = arith.addf %mul3A_356, %add3A_358 : vector<16xf32>
        %mul3A_360 = arith.mulf %add3A_359, %sub3A_324 : vector<16xf32>
        %mul3A_361 = arith.mulf %mul3A_360, %mul3A_325 : vector<16xf32>
        %mul3A_362 = arith.constant 5.000000e-01 : f32
        %mul3A_363 = vector.broadcast %mul3A_362 : f32 to vector<16xf32>
        %mul3A_364 = arith.mulf %mul3A_363, %mul3A_325 : vector<16xf32>
        %sub3A_365 = arith.subf %mul3A_361, %mul3A_364 : vector<16xf32>
        %add3A_366 = arith.addf %sub3A_324, %sub3A_365 : vector<16xf32>
        %convert_element_type3A_367 = arith.sitofp %select_n3A_321 : vector<16xi32> to vector<16xf32>
        %mul3A_368 = arith.constant 0.693147182 : f32
        %mul3A_369 = vector.broadcast %mul3A_368 : f32 to vector<16xf32>
        %mul3A_370 = arith.mulf %convert_element_type3A_367, %mul3A_369 : vector<16xf32>
        %add3A_371 = arith.addf %add3A_366, %mul3A_370 : vector<16xf32>
        %sub3A_372 = arith.subf %mul3A_298, %add3A_371 : vector<16xf32>
        %swap3A_373 = arith.index_cast %add3A_262 : i32 to index
        %swap3A_374 = arith.constant 0 : index
        %swap3A_375 = tpu.vector_load %arg20[%swap3A_373, %swap3A_374] {strides = array<i32>} : memref<256x16xf32, #tpu.memory_space<vmem>>, vector<16xf32>,
        tpu.vector_store %arg20[%swap3A_373, %swap3A_374], %sub3A_372 {strides = array<i32>} : memref<256x16xf32, #tpu.memory_space<vmem>>, vector<16xf32>,
        %mul3A_376 = arith.constant 16 : i32
        %mul3A_377 = arith.muli %scan3A_258, %mul3A_376 : i32
        %add3A_378 = arith.constant 1 : i32
        %add3A_379 = arith.addi %mul3A_377, %add3A_378 : i32
        %get3A_380 = arith.index_cast %add3A_379 : i32 to index
        %get3A_381 = arith.constant 0 : index
        %get3A_382 = tpu.vector_load %arg9[%get3A_380, %get3A_381] {strides = array<i32>} : memref<256x32xf32, #tpu.memory_space<vmem>>, vector<16xf32>,
        %get3A_383 = arith.index_cast %add3A_379 : i32 to index
        %get3A_384 = arith.constant 16 : index
        %get3A_385 = tpu.vector_load %arg9[%get3A_383, %get3A_384] {strides = array<i32>} : memref<256x32xf32, #tpu.memory_space<vmem>>, vector<16xf32>,
        %get3A_386 = arith.index_cast %add3A_379 : i32 to index
        %get3A_387 = arith.constant 0 : index
        %get3A_388 = tpu.vector_load %arg10[%get3A_386, %get3A_387] {strides = array<i32>} : memref<256x32xf32, #tpu.memory_space<vmem>>, vector<16xf32>,
        %get3A_389 = arith.index_cast %add3A_379 : i32 to index
        %get3A_390 = arith.constant 16 : index
        %get3A_391 = tpu.vector_load %arg10[%get3A_389, %get3A_390] {strides = array<i32>} : memref<256x32xf32, #tpu.memory_space<vmem>>, vector<16xf32>,
        %get3A_392 = arith.index_cast %add3A_379 : i32 to index
        %get3A_393 = arith.constant 0 : index
        %get3A_394 = tpu.vector_load %arg11[%get3A_392, %get3A_393] {strides = array<i32>} : memref<256x32xf32, #tpu.memory_space<vmem>>, vector<16xf32>,
        %get3A_395 = arith.index_cast %add3A_379 : i32 to index
        %get3A_396 = arith.constant 16 : index
        %get3A_397 = tpu.vector_load %arg11[%get3A_395, %get3A_396] {strides = array<i32>} : memref<256x32xf32, #tpu.memory_space<vmem>>, vector<16xf32>,
        %mul3A_398 = arith.mulf %get3A_388, %get3A_394 : vector<16xf32>
        %add3A_399 = arith.addf %get3A_382, %mul3A_398 : vector<16xf32>
        %mul3A_400 = arith.mulf %get3A_391, %get3A_397 : vector<16xf32>
        %add3A_401 = arith.addf %get3A_385, %mul3A_400 : vector<16xf32>
        %swap3A_402 = arith.index_cast %add3A_379 : i32 to index
        %swap3A_403 = arith.constant 0 : index
        %swap3A_404 = tpu.vector_load %arg12[%swap3A_402, %swap3A_403] {strides = array<i32>} : memref<256x32xf32, #tpu.memory_space<vmem>>, vector<16xf32>,
        tpu.vector_store %arg12[%swap3A_402, %swap3A_403], %add3A_399 {strides = array<i32>} : memref<256x32xf32, #tpu.memory_space<vmem>>, vector<16xf32>,
        %swap3A_405 = arith.index_cast %add3A_379 : i32 to index
        %swap3A_406 = arith.constant 16 : index
        %swap3A_407 = tpu.vector_load %arg12[%swap3A_405, %swap3A_406] {strides = array<i32>} : memref<256x32xf32, #tpu.memory_space<vmem>>, vector<16xf32>,
        tpu.vector_store %arg12[%swap3A_405, %swap3A_406], %add3A_401 {strides = array<i32>} : memref<256x32xf32, #tpu.memory_space<vmem>>, vector<16xf32>,
        %mul3A_408 = arith.mulf %add3A_399, %add3A_399 : vector<16xf32>
        %mul3A_409 = arith.mulf %get3A_394, %get3A_394 : vector<16xf32>
        %sub3A_410 = arith.subf %mul3A_408, %mul3A_409 : vector<16xf32>
        %mul3A_411 = arith.mulf %add3A_401, %add3A_401 : vector<16xf32>
        %mul3A_412 = arith.mulf %get3A_397, %get3A_397 : vector<16xf32>
        %sub3A_413 = arith.subf %mul3A_411, %mul3A_412 : vector<16xf32>
        %add3A_414 = arith.addf %sub3A_410, %sub3A_413 : vector<16xf32>
        %mul3A_415 = arith.constant 5.000000e-01 : f32
        %mul3A_416 = vector.broadcast %mul3A_415 : f32 to vector<16xf32>
        %mul3A_417 = arith.mulf %mul3A_416, %add3A_414 : vector<16xf32>
        %mul3A_418 = arith.mulf %get3A_388, %get3A_391 : vector<16xf32>
        %bitcast_convert_type3A_419 = tpu.bitcast %mul3A_418 : vector<16xf32> -> vector<16xi32>
        %shift_right_arithmetic3A_420 = arith.constant 23 : i32
        %shift_right_arithmetic3A_421 = vector.broadcast %shift_right_arithmetic3A_420 : i32 to vector<16xi32>
        %shift_right_arithmetic3A_422 = arith.shrsi %bitcast_convert_type3A_419, %shift_right_arithmetic3A_421 : vector<16xi32>
        %sub3A_423 = arith.constant 127 : i32
        %sub3A_424 = vector.broadcast %sub3A_423 : i32 to vector<16xi32>
        %sub3A_425 = arith.subi %shift_right_arithmetic3A_422, %sub3A_424 : vector<16xi32>
        %and3A_426 = arith.constant 8388607 : i32
        %and3A_427 = vector.broadcast %and3A_426 : i32 to vector<16xi32>
        %and3A_428 = arith.andi %bitcast_convert_type3A_419, %and3A_427 : vector<16xi32>
        %or3A_429 = arith.constant 1065353216 : i32
        %or3A_430 = vector.broadcast %or3A_429 : i32 to vector<16xi32>
        %or3A_431 = arith.ori %and3A_428, %or3A_430 : vector<16xi32>
        %bitcast_convert_type3A_432 = tpu.bitcast %or3A_431 : vector<16xi32> -> vector<16xf32>
        %ge3A_433 = arith.constant 1.41421354 : f32
        %ge3A_434 = vector.broadcast %ge3A_433 : f32 to vector<16xf32>
        %ge3A_435 = arith.cmpf oge, %bitcast_convert_type3A_432, %ge3A_434 : vector<16xf32>
        %mul3A_436 = arith.constant 5.000000e-01 : f32
        %mul3A_437 = vector.broadcast %mul3A_436 : f32 to vector<16xf32>
        %mul3A_438 = arith.mulf %bitcast_convert_type3A_432, %mul3A_437 : vector<16xf32>
        %select_n3A_439 = arith.select %ge3A_435, %mul3A_438, %bitcast_convert_type3A_432 : vector<16xi1>, vector<16xf32>
        %add3A_440 = arith.constant 1 : i32
        %add3A_441 = vector.broadcast %add3A_440 : i32 to vector<16xi32>
        %add3A_442 = arith.addi %sub3A_425, %add3A_441 : vector<16xi32>
        %select_n3A_443 = arith.select %ge3A_435, %add3A_442, %sub3A_425 : vector<16xi1>, vector<16xi32>
        %sub3A_444 = arith.constant 1.000000e+00 : f32
        %sub3A_445 = vector.broadcast %sub3A_444 : f32 to vector<16xf32>
        %sub3A_446 = arith.subf %select_n3A_439, %sub3A_445 : vector<16xf32>
        %mul3A_447 = arith.mulf %sub3A_446, %sub3A_446 : vector<16xf32>
        %mul3A_448 = arith.constant 0.0703768358 : f32
        %mul3A_449 = vector.broadcast %mul3A_448 : f32 to vector<16xf32>
        %mul3A_450 = arith.mulf %mul3A_449, %sub3A_446 : vector<16xf32>
        %add3A_451 = arith.constant -0.115146101 : f32
        %add3A_452 = vector.broadcast %add3A_451 : f32 to vector<16xf32>
        %add3A_453 = arith.addf %mul3A_450, %add3A_452 : vector<16xf32>
        %mul3A_454 = arith.mulf %add3A_453, %sub3A_446 : vector<16xf32>
        %add3A_455 = arith.constant 0.116769984 : f32
        %add3A_456 = vector.broadcast %add3A_455 : f32 to vector<16xf32>
        %add3A_457 = arith.addf %mul3A_454, %add3A_456 : vector<16xf32>
        %mul3A_458 = arith.mulf %add3A_457, %sub3A_446 : vector<16xf32>
        %add3A_459 = arith.constant -0.12420141 : f32
        %add3A_460 = vector.broadcast %add3A_459 : f32 to vector<16xf32>
        %add3A_461 = arith.addf %mul3A_458, %add3A_460 : vector<16xf32>
        %mul3A_462 = arith.mulf %add3A_461, %sub3A_446 : vector<16xf32>
        %add3A_463 = arith.constant 0.142493233 : f32
        %add3A_464 = vector.broadcast %add3A_463 : f32 to vector<16xf32>
        %add3A_465 = arith.addf %mul3A_462, %add3A_464 : vector<16xf32>
        %mul3A_466 = arith.mulf %add3A_465, %sub3A_446 : vector<16xf32>
        %add3A_467 = arith.constant -0.166680574 : f32
        %add3A_468 = vector.broadcast %add3A_467 : f32 to vector<16xf32>
        %add3A_469 = arith.addf %mul3A_466, %add3A_468 : vector<16xf32>
        %mul3A_470 = arith.mulf %add3A_469, %sub3A_446 : vector<16xf32>
        %add3A_471 = arith.constant 0.200007141 : f32
        %add3A_472 = vector.broadcast %add3A_471 : f32 to vector<16xf32>
        %add3A_473 = arith.addf %mul3A_470, %add3A_472 : vector<16xf32>
        %mul3A_474 = arith.mulf %add3A_473, %sub3A_446 : vector<16xf32>
        %add3A_475 = arith.constant -0.24999994 : f32
        %add3A_476 = vector.broadcast %add3A_475 : f32 to vector<16xf32>
        %add3A_477 = arith.addf %mul3A_474, %add3A_476 : vector<16xf32>
        %mul3A_478 = arith.mulf %add3A_477, %sub3A_446 : vector<16xf32>
        %add3A_479 = arith.constant 0.333333313 : f32
        %add3A_480 = vector.broadcast %add3A_479 : f32 to vector<16xf32>
        %add3A_481 = arith.addf %mul3A_478, %add3A_480 : vector<16xf32>
        %mul3A_482 = arith.mulf %add3A_481, %sub3A_446 : vector<16xf32>
        %mul3A_483 = arith.mulf %mul3A_482, %mul3A_447 : vector<16xf32>
        %mul3A_484 = arith.constant 5.000000e-01 : f32
        %mul3A_485 = vector.broadcast %mul3A_484 : f32 to vector<16xf32>
        %mul3A_486 = arith.mulf %mul3A_485, %mul3A_447 : vector<16xf32>
        %sub3A_487 = arith.subf %mul3A_483, %mul3A_486 : vector<16xf32>
        %add3A_488 = arith.addf %sub3A_446, %sub3A_487 : vector<16xf32>
        %convert_element_type3A_489 = arith.sitofp %select_n3A_443 : vector<16xi32> to vector<16xf32>
        %mul3A_490 = arith.constant 0.693147182 : f32
        %mul3A_491 = vector.broadcast %mul3A_490 : f32 to vector<16xf32>
        %mul3A_492 = arith.mulf %convert_element_type3A_489, %mul3A_491 : vector<16xf32>
        %add3A_493 = arith.addf %add3A_488, %mul3A_492 : vector<16xf32>
        %sub3A_494 = arith.subf %mul3A_417, %add3A_493 : vector<16xf32>
        %swap3A_495 = arith.index_cast %add3A_379 : i32 to index
        %swap3A_496 = arith.constant 0 : index
        %swap3A_497 = tpu.vector_load %arg20[%swap3A_495, %swap3A_496] {strides = array<i32>} : memref<256x16xf32, #tpu.memory_space<vmem>>, vector<16xf32>,
        tpu.vector_store %arg20[%swap3A_495, %swap3A_496], %sub3A_494 {strides = array<i32>} : memref<256x16xf32, #tpu.memory_space<vmem>>, vector<16xf32>,
        %mul3A_498 = arith.constant 16 : i32
        %mul3A_499 = arith.muli %scan3A_258, %mul3A_498 : i32
        %add3A_500 = arith.constant 2 : i32
        %add3A_501 = arith.addi %mul3A_499, %add3A_500 : i32
        %get3A_502 = arith.index_cast %add3A_501 : i32 to index
        %get3A_503 = arith.constant 0 : index
        %get3A_504 = tpu.vector_load %arg9[%get3A_502, %get3A_503] {strides = array<i32>} : memref<256x32xf32, #tpu.memory_space<vmem>>, vector<16xf32>,
        %get3A_505 = arith.index_cast %add3A_501 : i32 to index
        %get3A_506 = arith.constant 16 : index
        %get3A_507 = tpu.vector_load %arg9[%get3A_505, %get3A_506] {strides = array<i32>} : memref<256x32xf32, #tpu.memory_space<vmem>>, vector<16xf32>,
        %get3A_508 = arith.index_cast %add3A_501 : i32 to index
        %get3A_509 = arith.constant 0 : index
        %get3A_510 = tpu.vector_load %arg10[%get3A_508, %get3A_509] {strides = array<i32>} : memref<256x32xf32, #tpu.memory_space<vmem>>, vector<16xf32>,
        %get3A_511 = arith.index_cast %add3A_501 : i32 to index
        %get3A_512 = arith.constant 16 : index
        %get3A_513 = tpu.vector_load %arg10[%get3A_511, %get3A_512] {strides = array<i32>} : memref<256x32xf32, #tpu.memory_space<vmem>>, vector<16xf32>,
        %get3A_514 = arith.index_cast %add3A_501 : i32 to index
        %get3A_515 = arith.constant 0 : index
        %get3A_516 = tpu.vector_load %arg11[%get3A_514, %get3A_515] {strides = array<i32>} : memref<256x32xf32, #tpu.memory_space<vmem>>, vector<16xf32>,
        %get3A_517 = arith.index_cast %add3A_501 : i32 to index
        %get3A_518 = arith.constant 16 : index
        %get3A_519 = tpu.vector_load %arg11[%get3A_517, %get3A_518] {strides = array<i32>} : memref<256x32xf32, #tpu.memory_space<vmem>>, vector<16xf32>,
        %mul3A_520 = arith.mulf %get3A_510, %get3A_516 : vector<16xf32>
        %add3A_521 = arith.addf %get3A_504, %mul3A_520 : vector<16xf32>
        %mul3A_522 = arith.mulf %get3A_513, %get3A_519 : vector<16xf32>
        %add3A_523 = arith.addf %get3A_507, %mul3A_522 : vector<16xf32>
        %swap3A_524 = arith.index_cast %add3A_501 : i32 to index
        %swap3A_525 = arith.constant 0 : index
        %swap3A_526 = tpu.vector_load %arg12[%swap3A_524, %swap3A_525] {strides = array<i32>} : memref<256x32xf32, #tpu.memory_space<vmem>>, vector<16xf32>,
        tpu.vector_store %arg12[%swap3A_524, %swap3A_525], %add3A_521 {strides = array<i32>} : memref<256x32xf32, #tpu.memory_space<vmem>>, vector<16xf32>,
        %swap3A_527 = arith.index_cast %add3A_501 : i32 to index
        %swap3A_528 = arith.constant 16 : index
        %swap3A_529 = tpu.vector_load %arg12[%swap3A_527, %swap3A_528] {strides = array<i32>} : memref<256x32xf32, #tpu.memory_space<vmem>>, vector<16xf32>,
        tpu.vector_store %arg12[%swap3A_527, %swap3A_528], %add3A_523 {strides = array<i32>} : memref<256x32xf32, #tpu.memory_space<vmem>>, vector<16xf32>,
        %mul3A_530 = arith.mulf %add3A_521, %add3A_521 : vector<16xf32>
        %mul3A_531 = arith.mulf %get3A_516, %get3A_516 : vector<16xf32>
        %sub3A_532 = arith.subf %mul3A_530, %mul3A_531 : vector<16xf32>
        %mul3A_533 = arith.mulf %add3A_523, %add3A_523 : vector<16xf32>
        %mul3A_534 = arith.mulf %get3A_519, %get3A_519 : vector<16xf32>
        %sub3A_535 = arith.subf %mul3A_533, %mul3A_534 : vector<16xf32>
        %add3A_536 = arith.addf %sub3A_532, %sub3A_535 : vector<16xf32>
        %mul3A_537 = arith.constant 5.000000e-01 : f32
        %mul3A_538 = vector.broadcast %mul3A_537 : f32 to vector<16xf32>
        %mul3A_539 = arith.mulf %mul3A_538, %add3A_536 : vector<16xf32>
        %mul3A_540 = arith.mulf %get3A_510, %get3A_513 : vector<16xf32>
        %bitcast_convert_type3A_541 = tpu.bitcast %mul3A_540 : vector<16xf32> -> vector<16xi32>
        %shift_right_arithmetic3A_542 = arith.constant 23 : i32
        %shift_right_arithmetic3A_543 = vector.broadcast %shift_right_arithmetic3A_542 : i32 to vector<16xi32>
        %shift_right_arithmetic3A_544 = arith.shrsi %bitcast_convert_type3A_541, %shift_right_arithmetic3A_543 : vector<16xi32>
        %sub3A_545 = arith.constant 127 : i32
        %sub3A_546 = vector.broadcast %sub3A_545 : i32 to vector<16xi32>
        %sub3A_547 = arith.subi %shift_right_arithmetic3A_544, %sub3A_546 : vector<16xi32>
        %and3A_548 = arith.constant 8388607 : i32
        %and3A_549 = vector.broadcast %and3A_548 : i32 to vector<16xi32>
        %and3A_550 = arith.andi %bitcast_convert_type3A_541, %and3A_549 : vector<16xi32>
        %or3A_551 = arith.constant 1065353216 : i32
        %or3A_552 = vector.broadcast %or3A_551 : i32 to vector<16xi32>
        %or3A_553 = arith.ori %and3A_550, %or3A_552 : vector<16xi32>
        %bitcast_convert_type3A_554 = tpu.bitcast %or3A_553 : vector<16xi32> -> vector<16xf32>
        %ge3A_555 = arith.constant 1.41421354 : f32
        %ge3A_556 = vector.broadcast %ge3A_555 : f32 to vector<16xf32>
        %ge3A_557 = arith.cmpf oge, %bitcast_convert_type3A_554, %ge3A_556 : vector<16xf32>
        %mul3A_558 = arith.constant 5.000000e-01 : f32
        %mul3A_559 = vector.broadcast %mul3A_558 : f32 to vector<16xf32>
        %mul3A_560 = arith.mulf %bitcast_convert_type3A_554, %mul3A_559 : vector<16xf32>
        %select_n3A_561 = arith.select %ge3A_557, %mul3A_560, %bitcast_convert_type3A_554 : vector<16xi1>, vector<16xf32>
        %add3A_562 = arith.constant 1 : i32
        %add3A_563 = vector.broadcast %add3A_562 : i32 to vector<16xi32>
        %add3A_564 = arith.addi %sub3A_547, %add3A_563 : vector<16xi32>
        %select_n3A_565 = arith.select %ge3A_557, %add3A_564, %sub3A_547 : vector<16xi1>, vector<16xi32>
        %sub3A_566 = arith.constant 1.000000e+00 : f32
        %sub3A_567 = vector.broadcast %sub3A_566 : f32 to vector<16xf32>
        %sub3A_568 = arith.subf %select_n3A_561, %sub3A_567 : vector<16xf32>
        %mul3A_569 = arith.mulf %sub3A_568, %sub3A_568 : vector<16xf32>
        %mul3A_570 = arith.constant 0.0703768358 : f32
        %mul3A_571 = vector.broadcast %mul3A_570 : f32 to vector<16xf32>
        %mul3A_572 = arith.mulf %mul3A_571, %sub3A_568 : vector<16xf32>
        %add3A_573 = arith.constant -0.115146101 : f32
        %add3A_574 = vector.broadcast %add3A_573 : f32 to vector<16xf32>
        %add3A_575 = arith.addf %mul3A_572, %add3A_574 : vector<16xf32>
        %mul3A_576 = arith.mulf %add3A_575, %sub3A_568 : vector<16xf32>
        %add3A_577 = arith.constant 0.116769984 : f32
        %add3A_578 = vector.broadcast %add3A_577 : f32 to vector<16xf32>
        %add3A_579 = arith.addf %mul3A_576, %add3A_578 : vector<16xf32>
        %mul3A_580 = arith.mulf %add3A_579, %sub3A_568 : vector<16xf32>
        %add3A_581 = arith.constant -0.12420141 : f32
        %add3A_582 = vector.broadcast %add3A_581 : f32 to vector<16xf32>
        %add3A_583 = arith.addf %mul3A_580, %add3A_582 : vector<16xf32>
        %mul3A_584 = arith.mulf %add3A_583, %sub3A_568 : vector<16xf32>
        %add3A_585 = arith.constant 0.142493233 : f32
        %add3A_586 = vector.broadcast %add3A_585 : f32 to vector<16xf32>
        %add3A_587 = arith.addf %mul3A_584, %add3A_586 : vector<16xf32>
        %mul3A_588 = arith.mulf %add3A_587, %sub3A_568 : vector<16xf32>
        %add3A_589 = arith.constant -0.166680574 : f32
        %add3A_590 = vector.broadcast %add3A_589 : f32 to vector<16xf32>
        %add3A_591 = arith.addf %mul3A_588, %add3A_590 : vector<16xf32>
        %mul3A_592 = arith.mulf %add3A_591, %sub3A_568 : vector<16xf32>
        %add3A_593 = arith.constant 0.200007141 : f32
        %add3A_594 = vector.broadcast %add3A_593 : f32 to vector<16xf32>
        %add3A_595 = arith.addf %mul3A_592, %add3A_594 : vector<16xf32>
        %mul3A_596 = arith.mulf %add3A_595, %sub3A_568 : vector<16xf32>
        %add3A_597 = arith.constant -0.24999994 : f32
        %add3A_598 = vector.broadcast %add3A_597 : f32 to vector<16xf32>
        %add3A_599 = arith.addf %mul3A_596, %add3A_598 : vector<16xf32>
        %mul3A_600 = arith.mulf %add3A_599, %sub3A_568 : vector<16xf32>
        %add3A_601 = arith.constant 0.333333313 : f32
        %add3A_602 = vector.broadcast %add3A_601 : f32 to vector<16xf32>
        %add3A_603 = arith.addf %mul3A_600, %add3A_602 : vector<16xf32>
        %mul3A_604 = arith.mulf %add3A_603, %sub3A_568 : vector<16xf32>
        %mul3A_605 = arith.mulf %mul3A_604, %mul3A_569 : vector<16xf32>
        %mul3A_606 = arith.constant 5.000000e-01 : f32
        %mul3A_607 = vector.broadcast %mul3A_606 : f32 to vector<16xf32>
        %mul3A_608 = arith.mulf %mul3A_607, %mul3A_569 : vector<16xf32>
        %sub3A_609 = arith.subf %mul3A_605, %mul3A_608 : vector<16xf32>
        %add3A_610 = arith.addf %sub3A_568, %sub3A_609 : vector<16xf32>
        %convert_element_type3A_611 = arith.sitofp %select_n3A_565 : vector<16xi32> to vector<16xf32>
        %mul3A_612 = arith.constant 0.693147182 : f32
        %mul3A_613 = vector.broadcast %mul3A_612 : f32 to vector<16xf32>
        %mul3A_614 = arith.mulf %convert_element_type3A_611, %mul3A_613 : vector<16xf32>
        %add3A_615 = arith.addf %add3A_610, %mul3A_614 : vector<16xf32>
        %sub3A_616 = arith.subf %mul3A_539, %add3A_615 : vector<16xf32>
        %swap3A_617 = arith.index_cast %add3A_501 : i32 to index
        %swap3A_618 = arith.constant 0 : index
        %swap3A_619 = tpu.vector_load %arg20[%swap3A_617, %swap3A_618] {strides = array<i32>} : memref<256x16xf32, #tpu.memory_space<vmem>>, vector<16xf32>,
        tpu.vector_store %arg20[%swap3A_617, %swap3A_618], %sub3A_616 {strides = array<i32>} : memref<256x16xf32, #tpu.memory_space<vmem>>, vector<16xf32>,
        %mul3A_620 = arith.constant 16 : i32
        %mul3A_621 = arith.muli %scan3A_258, %mul3A_620 : i32
        %add3A_622 = arith.constant 3 : i32
        %add3A_623 = arith.addi %mul3A_621, %add3A_622 : i32
        %get3A_624 = arith.index_cast %add3A_623 : i32 to index
        %get3A_625 = arith.constant 0 : index
        %get3A_626 = tpu.vector_load %arg9[%get3A_624, %get3A_625] {strides = array<i32>} : memref<256x32xf32, #tpu.memory_space<vmem>>, vector<16xf32>,
        %get3A_627 = arith.index_cast %add3A_623 : i32 to index
        %get3A_628 = arith.constant 16 : index
        %get3A_629 = tpu.vector_load %arg9[%get3A_627, %get3A_628] {strides = array<i32>} : memref<256x32xf32, #tpu.memory_space<vmem>>, vector<16xf32>,
        %get3A_630 = arith.index_cast %add3A_623 : i32 to index
        %get3A_631 = arith.constant 0 : index
        %get3A_632 = tpu.vector_load %arg10[%get3A_630, %get3A_631] {strides = array<i32>} : memref<256x32xf32, #tpu.memory_space<vmem>>, vector<16xf32>,
        %get3A_633 = arith.index_cast %add3A_623 : i32 to index
        %get3A_634 = arith.constant 16 : index
        %get3A_635 = tpu.vector_load %arg10[%get3A_633, %get3A_634] {strides = array<i32>} : memref<256x32xf32, #tpu.memory_space<vmem>>, vector<16xf32>,
        %get3A_636 = arith.index_cast %add3A_623 : i32 to index
        %get3A_637 = arith.constant 0 : index
        %get3A_638 = tpu.vector_load %arg11[%get3A_636, %get3A_637] {strides = array<i32>} : memref<256x32xf32, #tpu.memory_space<vmem>>, vector<16xf32>,
        %get3A_639 = arith.index_cast %add3A_623 : i32 to index
        %get3A_640 = arith.constant 16 : index
        %get3A_641 = tpu.vector_load %arg11[%get3A_639, %get3A_640] {strides = array<i32>} : memref<256x32xf32, #tpu.memory_space<vmem>>, vector<16xf32>,
        %mul3A_642 = arith.mulf %get3A_632, %get3A_638 : vector<16xf32>
        %add3A_643 = arith.addf %get3A_626, %mul3A_642 : vector<16xf32>
        %mul3A_644 = arith.mulf %get3A_635, %get3A_641 : vector<16xf32>
        %add3A_645 = arith.addf %get3A_629, %mul3A_644 : vector<16xf32>
        %swap3A_646 = arith.index_cast %add3A_623 : i32 to index
        %swap3A_647 = arith.constant 0 : index
        %swap3A_648 = tpu.vector_load %arg12[%swap3A_646, %swap3A_647] {strides = array<i32>} : memref<256x32xf32, #tpu.memory_space<vmem>>, vector<16xf32>,
        tpu.vector_store %arg12[%swap3A_646, %swap3A_647], %add3A_643 {strides = array<i32>} : memref<256x32xf32, #tpu.memory_space<vmem>>, vector<16xf32>,
        %swap3A_649 = arith.index_cast %add3A_623 : i32 to index
        %swap3A_650 = arith.constant 16 : index
        %swap3A_651 = tpu.vector_load %arg12[%swap3A_649, %swap3A_650] {strides = array<i32>} : memref<256x32xf32, #tpu.memory_space<vmem>>, vector<16xf32>,
        tpu.vector_store %arg12[%swap3A_649, %swap3A_650], %add3A_645 {strides = array<i32>} : memref<256x32xf32, #tpu.memory_space<vmem>>, vector<16xf32>,
        %mul3A_652 = arith.mulf %add3A_643, %add3A_643 : vector<16xf32>
        %mul3A_653 = arith.mulf %get3A_638, %get3A_638 : vector<16xf32>
        %sub3A_654 = arith.subf %mul3A_652, %mul3A_653 : vector<16xf32>
        %mul3A_655 = arith.mulf %add3A_645, %add3A_645 : vector<16xf32>
        %mul3A_656 = arith.mulf %get3A_641, %get3A_641 : vector<16xf32>
        %sub3A_657 = arith.subf %mul3A_655, %mul3A_656 : vector<16xf32>
        %add3A_658 = arith.addf %sub3A_654, %sub3A_657 : vector<16xf32>
        %mul3A_659 = arith.constant 5.000000e-01 : f32
        %mul3A_660 = vector.broadcast %mul3A_659 : f32 to vector<16xf32>
        %mul3A_661 = arith.mulf %mul3A_660, %add3A_658 : vector<16xf32>
        %mul3A_662 = arith.mulf %get3A_632, %get3A_635 : vector<16xf32>
        %bitcast_convert_type3A_663 = tpu.bitcast %mul3A_662 : vector<16xf32> -> vector<16xi32>
        %shift_right_arithmetic3A_664 = arith.constant 23 : i32
        %shift_right_arithmetic3A_665 = vector.broadcast %shift_right_arithmetic3A_664 : i32 to vector<16xi32>
        %shift_right_arithmetic3A_666 = arith.shrsi %bitcast_convert_type3A_663, %shift_right_arithmetic3A_665 : vector<16xi32>
        %sub3A_667 = arith.constant 127 : i32
        %sub3A_668 = vector.broadcast %sub3A_667 : i32 to vector<16xi32>
        %sub3A_669 = arith.subi %shift_right_arithmetic3A_666, %sub3A_668 : vector<16xi32>
        %and3A_670 = arith.constant 8388607 : i32
        %and3A_671 = vector.broadcast %and3A_670 : i32 to vector<16xi32>
        %and3A_672 = arith.andi %bitcast_convert_type3A_663, %and3A_671 : vector<16xi32>
        %or3A_673 = arith.constant 1065353216 : i32
        %or3A_674 = vector.broadcast %or3A_673 : i32 to vector<16xi32>
        %or3A_675 = arith.ori %and3A_672, %or3A_674 : vector<16xi32>
        %bitcast_convert_type3A_676 = tpu.bitcast %or3A_675 : vector<16xi32> -> vector<16xf32>
        %ge3A_677 = arith.constant 1.41421354 : f32
        %ge3A_678 = vector.broadcast %ge3A_677 : f32 to vector<16xf32>
        %ge3A_679 = arith.cmpf oge, %bitcast_convert_type3A_676, %ge3A_678 : vector<16xf32>
        %mul3A_680 = arith.constant 5.000000e-01 : f32
        %mul3A_681 = vector.broadcast %mul3A_680 : f32 to vector<16xf32>
        %mul3A_682 = arith.mulf %bitcast_convert_type3A_676, %mul3A_681 : vector<16xf32>
        %select_n3A_683 = arith.select %ge3A_679, %mul3A_682, %bitcast_convert_type3A_676 : vector<16xi1>, vector<16xf32>
        %add3A_684 = arith.constant 1 : i32
        %add3A_685 = vector.broadcast %add3A_684 : i32 to vector<16xi32>
        %add3A_686 = arith.addi %sub3A_669, %add3A_685 : vector<16xi32>
        %select_n3A_687 = arith.select %ge3A_679, %add3A_686, %sub3A_669 : vector<16xi1>, vector<16xi32>
        %sub3A_688 = arith.constant 1.000000e+00 : f32
        %sub3A_689 = vector.broadcast %sub3A_688 : f32 to vector<16xf32>
        %sub3A_690 = arith.subf %select_n3A_683, %sub3A_689 : vector<16xf32>
        %mul3A_691 = arith.mulf %sub3A_690, %sub3A_690 : vector<16xf32>
        %mul3A_692 = arith.constant 0.0703768358 : f32
        %mul3A_693 = vector.broadcast %mul3A_692 : f32 to vector<16xf32>
        %mul3A_694 = arith.mulf %mul3A_693, %sub3A_690 : vector<16xf32>
        %add3A_695 = arith.constant -0.115146101 : f32
        %add3A_696 = vector.broadcast %add3A_695 : f32 to vector<16xf32>
        %add3A_697 = arith.addf %mul3A_694, %add3A_696 : vector<16xf32>
        %mul3A_698 = arith.mulf %add3A_697, %sub3A_690 : vector<16xf32>
        %add3A_699 = arith.constant 0.116769984 : f32
        %add3A_700 = vector.broadcast %add3A_699 : f32 to vector<16xf32>
        %add3A_701 = arith.addf %mul3A_698, %add3A_700 : vector<16xf32>
        %mul3A_702 = arith.mulf %add3A_701, %sub3A_690 : vector<16xf32>
        %add3A_703 = arith.constant -0.12420141 : f32
        %add3A_704 = vector.broadcast %add3A_703 : f32 to vector<16xf32>
        %add3A_705 = arith.addf %mul3A_702, %add3A_704 : vector<16xf32>
        %mul3A_706 = arith.mulf %add3A_705, %sub3A_690 : vector<16xf32>
        %add3A_707 = arith.constant 0.142493233 : f32
        %add3A_708 = vector.broadcast %add3A_707 : f32 to vector<16xf32>
        %add3A_709 = arith.addf %mul3A_706, %add3A_708 : vector<16xf32>
        %mul3A_710 = arith.mulf %add3A_709, %sub3A_690 : vector<16xf32>
        %add3A_711 = arith.constant -0.166680574 : f32
        %add3A_712 = vector.broadcast %add3A_711 : f32 to vector<16xf32>
        %add3A_713 = arith.addf %mul3A_710, %add3A_712 : vector<16xf32>
        %mul3A_714 = arith.mulf %add3A_713, %sub3A_690 : vector<16xf32>
        %add3A_715 = arith.constant 0.200007141 : f32
        %add3A_716 = vector.broadcast %add3A_715 : f32 to vector<16xf32>
        %add3A_717 = arith.addf %mul3A_714, %add3A_716 : vector<16xf32>
        %mul3A_718 = arith.mulf %add3A_717, %sub3A_690 : vector<16xf32>
        %add3A_719 = arith.constant -0.24999994 : f32
        %add3A_720 = vector.broadcast %add3A_719 : f32 to vector<16xf32>
        %add3A_721 = arith.addf %mul3A_718, %add3A_720 : vector<16xf32>
        %mul3A_722 = arith.mulf %add3A_721, %sub3A_690 : vector<16xf32>
        %add3A_723 = arith.constant 0.333333313 : f32
        %add3A_724 = vector.broadcast %add3A_723 : f32 to vector<16xf32>
        %add3A_725 = arith.addf %mul3A_722, %add3A_724 : vector<16xf32>
        %mul3A_726 = arith.mulf %add3A_725, %sub3A_690 : vector<16xf32>
        %mul3A_727 = arith.mulf %mul3A_726, %mul3A_691 : vector<16xf32>
        %mul3A_728 = arith.constant 5.000000e-01 : f32
        %mul3A_729 = vector.broadcast %mul3A_728 : f32 to vector<16xf32>
        %mul3A_730 = arith.mulf %mul3A_729, %mul3A_691 : vector<16xf32>
        %sub3A_731 = arith.subf %mul3A_727, %mul3A_730 : vector<16xf32>
        %add3A_732 = arith.addf %sub3A_690, %sub3A_731 : vector<16xf32>
        %convert_element_type3A_733 = arith.sitofp %select_n3A_687 : vector<16xi32> to vector<16xf32>
        %mul3A_734 = arith.constant 0.693147182 : f32
        %mul3A_735 = vector.broadcast %mul3A_734 : f32 to vector<16xf32>
        %mul3A_736 = arith.mulf %convert_element_type3A_733, %mul3A_735 : vector<16xf32>
        %add3A_737 = arith.addf %add3A_732, %mul3A_736 : vector<16xf32>
        %sub3A_738 = arith.subf %mul3A_661, %add3A_737 : vector<16xf32>
        %swap3A_739 = arith.index_cast %add3A_623 : i32 to index
        %swap3A_740 = arith.constant 0 : index
        %swap3A_741 = tpu.vector_load %arg20[%swap3A_739, %swap3A_740] {strides = array<i32>} : memref<256x16xf32, #tpu.memory_space<vmem>>, vector<16xf32>,
        tpu.vector_store %arg20[%swap3A_739, %swap3A_740], %sub3A_738 {strides = array<i32>} : memref<256x16xf32, #tpu.memory_space<vmem>>, vector<16xf32>,
        %mul3A_742 = arith.constant 16 : i32
        %mul3A_743 = arith.muli %scan3A_258, %mul3A_742 : i32
        %add3A_744 = arith.constant 4 : i32
        %add3A_745 = arith.addi %mul3A_743, %add3A_744 : i32
        %get3A_746 = arith.index_cast %add3A_745 : i32 to index
        %get3A_747 = arith.constant 0 : index
        %get3A_748 = tpu.vector_load %arg9[%get3A_746, %get3A_747] {strides = array<i32>} : memref<256x32xf32, #tpu.memory_space<vmem>>, vector<16xf32>,
        %get3A_749 = arith.index_cast %add3A_745 : i32 to index
        %get3A_750 = arith.constant 16 : index
        %get3A_751 = tpu.vector_load %arg9[%get3A_749, %get3A_750] {strides = array<i32>} : memref<256x32xf32, #tpu.memory_space<vmem>>, vector<16xf32>,
        %get3A_752 = arith.index_cast %add3A_745 : i32 to index
        %get3A_753 = arith.constant 0 : index
        %get3A_754 = tpu.vector_load %arg10[%get3A_752, %get3A_753] {strides = array<i32>} : memref<256x32xf32, #tpu.memory_space<vmem>>, vector<16xf32>,
        %get3A_755 = arith.index_cast %add3A_745 : i32 to index
        %get3A_756 = arith.constant 16 : index
        %get3A_757 = tpu.vector_load %arg10[%get3A_755, %get3A_756] {strides = array<i32>} : memref<256x32xf32, #tpu.memory_space<vmem>>, vector<16xf32>,
        %get3A_758 = arith.index_cast %add3A_745 : i32 to index
        %get3A_759 = arith.constant 0 : index
        %get3A_760 = tpu.vector_load %arg11[%get3A_758, %get3A_759] {strides = array<i32>} : memref<256x32xf32, #tpu.memory_space<vmem>>, vector<16xf32>,
        %get3A_761 = arith.index_cast %add3A_745 : i32 to index
        %get3A_762 = arith.constant 16 : index
        %get3A_763 = tpu.vector_load %arg11[%get3A_761, %get3A_762] {strides = array<i32>} : memref<256x32xf32, #tpu.memory_space<vmem>>, vector<16xf32>,
        %mul3A_764 = arith.mulf %get3A_754, %get3A_760 : vector<16xf32>
        %add3A_765 = arith.addf %get3A_748, %mul3A_764 : vector<16xf32>
        %mul3A_766 = arith.mulf %get3A_757, %get3A_763 : vector<16xf32>
        %add3A_767 = arith.addf %get3A_751, %mul3A_766 : vector<16xf32>
        %swap3A_768 = arith.index_cast %add3A_745 : i32 to index
        %swap3A_769 = arith.constant 0 : index
        %swap3A_770 = tpu.vector_load %arg12[%swap3A_768, %swap3A_769] {strides = array<i32>} : memref<256x32xf32, #tpu.memory_space<vmem>>, vector<16xf32>,
        tpu.vector_store %arg12[%swap3A_768, %swap3A_769], %add3A_765 {strides = array<i32>} : memref<256x32xf32, #tpu.memory_space<vmem>>, vector<16xf32>,
        %swap3A_771 = arith.index_cast %add3A_745 : i32 to index
        %swap3A_772 = arith.constant 16 : index
        %swap3A_773 = tpu.vector_load %arg12[%swap3A_771, %swap3A_772] {strides = array<i32>} : memref<256x32xf32, #tpu.memory_space<vmem>>, vector<16xf32>,
        tpu.vector_store %arg12[%swap3A_771, %swap3A_772], %add3A_767 {strides = array<i32>} : memref<256x32xf32, #tpu.memory_space<vmem>>, vector<16xf32>,
        %mul3A_774 = arith.mulf %add3A_765, %add3A_765 : vector<16xf32>
        %mul3A_775 = arith.mulf %get3A_760, %get3A_760 : vector<16xf32>
        %sub3A_776 = arith.subf %mul3A_774, %mul3A_775 : vector<16xf32>
        %mul3A_777 = arith.mulf %add3A_767, %add3A_767 : vector<16xf32>
        %mul3A_778 = arith.mulf %get3A_763, %get3A_763 : vector<16xf32>
        %sub3A_779 = arith.subf %mul3A_777, %mul3A_778 : vector<16xf32>
        %add3A_780 = arith.addf %sub3A_776, %sub3A_779 : vector<16xf32>
        %mul3A_781 = arith.constant 5.000000e-01 : f32
        %mul3A_782 = vector.broadcast %mul3A_781 : f32 to vector<16xf32>
        %mul3A_783 = arith.mulf %mul3A_782, %add3A_780 : vector<16xf32>
        %mul3A_784 = arith.mulf %get3A_754, %get3A_757 : vector<16xf32>
        %bitcast_convert_type3A_785 = tpu.bitcast %mul3A_784 : vector<16xf32> -> vector<16xi32>
        %shift_right_arithmetic3A_786 = arith.constant 23 : i32
        %shift_right_arithmetic3A_787 = vector.broadcast %shift_right_arithmetic3A_786 : i32 to vector<16xi32>
        %shift_right_arithmetic3A_788 = arith.shrsi %bitcast_convert_type3A_785, %shift_right_arithmetic3A_787 : vector<16xi32>
        %sub3A_789 = arith.constant 127 : i32
        %sub3A_790 = vector.broadcast %sub3A_789 : i32 to vector<16xi32>
        %sub3A_791 = arith.subi %shift_right_arithmetic3A_788, %sub3A_790 : vector<16xi32>
        %and3A_792 = arith.constant 8388607 : i32
        %and3A_793 = vector.broadcast %and3A_792 : i32 to vector<16xi32>
        %and3A_794 = arith.andi %bitcast_convert_type3A_785, %and3A_793 : vector<16xi32>
        %or3A_795 = arith.constant 1065353216 : i32
        %or3A_796 = vector.broadcast %or3A_795 : i32 to vector<16xi32>
        %or3A_797 = arith.ori %and3A_794, %or3A_796 : vector<16xi32>
        %bitcast_convert_type3A_798 = tpu.bitcast %or3A_797 : vector<16xi32> -> vector<16xf32>
        %ge3A_799 = arith.constant 1.41421354 : f32
        %ge3A_800 = vector.broadcast %ge3A_799 : f32 to vector<16xf32>
        %ge3A_801 = arith.cmpf oge, %bitcast_convert_type3A_798, %ge3A_800 : vector<16xf32>
        %mul3A_802 = arith.constant 5.000000e-01 : f32
        %mul3A_803 = vector.broadcast %mul3A_802 : f32 to vector<16xf32>
        %mul3A_804 = arith.mulf %bitcast_convert_type3A_798, %mul3A_803 : vector<16xf32>
        %select_n3A_805 = arith.select %ge3A_801, %mul3A_804, %bitcast_convert_type3A_798 : vector<16xi1>, vector<16xf32>
        %add3A_806 = arith.constant 1 : i32
        %add3A_807 = vector.broadcast %add3A_806 : i32 to vector<16xi32>
        %add3A_808 = arith.addi %sub3A_791, %add3A_807 : vector<16xi32>
        %select_n3A_809 = arith.select %ge3A_801, %add3A_808, %sub3A_791 : vector<16xi1>, vector<16xi32>
        %sub3A_810 = arith.constant 1.000000e+00 : f32
        %sub3A_811 = vector.broadcast %sub3A_810 : f32 to vector<16xf32>
        %sub3A_812 = arith.subf %select_n3A_805, %sub3A_811 : vector<16xf32>
        %mul3A_813 = arith.mulf %sub3A_812, %sub3A_812 : vector<16xf32>
        %mul3A_814 = arith.constant 0.0703768358 : f32
        %mul3A_815 = vector.broadcast %mul3A_814 : f32 to vector<16xf32>
        %mul3A_816 = arith.mulf %mul3A_815, %sub3A_812 : vector<16xf32>
        %add3A_817 = arith.constant -0.115146101 : f32
        %add3A_818 = vector.broadcast %add3A_817 : f32 to vector<16xf32>
        %add3A_819 = arith.addf %mul3A_816, %add3A_818 : vector<16xf32>
        %mul3A_820 = arith.mulf %add3A_819, %sub3A_812 : vector<16xf32>
        %add3A_821 = arith.constant 0.116769984 : f32
        %add3A_822 = vector.broadcast %add3A_821 : f32 to vector<16xf32>
        %add3A_823 = arith.addf %mul3A_820, %add3A_822 : vector<16xf32>
        %mul3A_824 = arith.mulf %add3A_823, %sub3A_812 : vector<16xf32>
        %add3A_825 = arith.constant -0.12420141 : f32
        %add3A_826 = vector.broadcast %add3A_825 : f32 to vector<16xf32>
        %add3A_827 = arith.addf %mul3A_824, %add3A_826 : vector<16xf32>
        %mul3A_828 = arith.mulf %add3A_827, %sub3A_812 : vector<16xf32>
        %add3A_829 = arith.constant 0.142493233 : f32
        %add3A_830 = vector.broadcast %add3A_829 : f32 to vector<16xf32>
        %add3A_831 = arith.addf %mul3A_828, %add3A_830 : vector<16xf32>
        %mul3A_832 = arith.mulf %add3A_831, %sub3A_812 : vector<16xf32>
        %add3A_833 = arith.constant -0.166680574 : f32
        %add3A_834 = vector.broadcast %add3A_833 : f32 to vector<16xf32>
        %add3A_835 = arith.addf %mul3A_832, %add3A_834 : vector<16xf32>
        %mul3A_836 = arith.mulf %add3A_835, %sub3A_812 : vector<16xf32>
        %add3A_837 = arith.constant 0.200007141 : f32
        %add3A_838 = vector.broadcast %add3A_837 : f32 to vector<16xf32>
        %add3A_839 = arith.addf %mul3A_836, %add3A_838 : vector<16xf32>
        %mul3A_840 = arith.mulf %add3A_839, %sub3A_812 : vector<16xf32>
        %add3A_841 = arith.constant -0.24999994 : f32
        %add3A_842 = vector.broadcast %add3A_841 : f32 to vector<16xf32>
        %add3A_843 = arith.addf %mul3A_840, %add3A_842 : vector<16xf32>
        %mul3A_844 = arith.mulf %add3A_843, %sub3A_812 : vector<16xf32>
        %add3A_845 = arith.constant 0.333333313 : f32
        %add3A_846 = vector.broadcast %add3A_845 : f32 to vector<16xf32>
        %add3A_847 = arith.addf %mul3A_844, %add3A_846 : vector<16xf32>
        %mul3A_848 = arith.mulf %add3A_847, %sub3A_812 : vector<16xf32>
        %mul3A_849 = arith.mulf %mul3A_848, %mul3A_813 : vector<16xf32>
        %mul3A_850 = arith.constant 5.000000e-01 : f32
        %mul3A_851 = vector.broadcast %mul3A_850 : f32 to vector<16xf32>
        %mul3A_852 = arith.mulf %mul3A_851, %mul3A_813 : vector<16xf32>
        %sub3A_853 = arith.subf %mul3A_849, %mul3A_852 : vector<16xf32>
        %add3A_854 = arith.addf %sub3A_812, %sub3A_853 : vector<16xf32>
        %convert_element_type3A_855 = arith.sitofp %select_n3A_809 : vector<16xi32> to vector<16xf32>
        %mul3A_856 = arith.constant 0.693147182 : f32
        %mul3A_857 = vector.broadcast %mul3A_856 : f32 to vector<16xf32>
        %mul3A_858 = arith.mulf %convert_element_type3A_855, %mul3A_857 : vector<16xf32>
        %add3A_859 = arith.addf %add3A_854, %mul3A_858 : vector<16xf32>
        %sub3A_860 = arith.subf %mul3A_783, %add3A_859 : vector<16xf32>
        %swap3A_861 = arith.index_cast %add3A_745 : i32 to index
        %swap3A_862 = arith.constant 0 : index
        %swap3A_863 = tpu.vector_load %arg20[%swap3A_861, %swap3A_862] {strides = array<i32>} : memref<256x16xf32, #tpu.memory_space<vmem>>, vector<16xf32>,
        tpu.vector_store %arg20[%swap3A_861, %swap3A_862], %sub3A_860 {strides = array<i32>} : memref<256x16xf32, #tpu.memory_space<vmem>>, vector<16xf32>,
        %mul3A_864 = arith.constant 16 : i32
        %mul3A_865 = arith.muli %scan3A_258, %mul3A_864 : i32
        %add3A_866 = arith.constant 5 : i32
        %add3A_867 = arith.addi %mul3A_865, %add3A_866 : i32
        %get3A_868 = arith.index_cast %add3A_867 : i32 to index
        %get3A_869 = arith.constant 0 : index
        %get3A_870 = tpu.vector_load %arg9[%get3A_868, %get3A_869] {strides = array<i32>} : memref<256x32xf32, #tpu.memory_space<vmem>>, vector<16xf32>,
        %get3A_871 = arith.index_cast %add3A_867 : i32 to index
        %get3A_872 = arith.constant 16 : index
        %get3A_873 = tpu.vector_load %arg9[%get3A_871, %get3A_872] {strides = array<i32>} : memref<256x32xf32, #tpu.memory_space<vmem>>, vector<16xf32>,
        %get3A_874 = arith.index_cast %add3A_867 : i32 to index
        %get3A_875 = arith.constant 0 : index
        %get3A_876 = tpu.vector_load %arg10[%get3A_874, %get3A_875] {strides = array<i32>} : memref<256x32xf32, #tpu.memory_space<vmem>>, vector<16xf32>,
        %get3A_877 = arith.index_cast %add3A_867 : i32 to index
        %get3A_878 = arith.constant 16 : index
        %get3A_879 = tpu.vector_load %arg10[%get3A_877, %get3A_878] {strides = array<i32>} : memref<256x32xf32, #tpu.memory_space<vmem>>, vector<16xf32>,
        %get3A_880 = arith.index_cast %add3A_867 : i32 to index
        %get3A_881 = arith.constant 0 : index
        %get3A_882 = tpu.vector_load %arg11[%get3A_880, %get3A_881] {strides = array<i32>} : memref<256x32xf32, #tpu.memory_space<vmem>>, vector<16xf32>,
        %get3A_883 = arith.index_cast %add3A_867 : i32 to index
        %get3A_884 = arith.constant 16 : index
        %get3A_885 = tpu.vector_load %arg11[%get3A_883, %get3A_884] {strides = array<i32>} : memref<256x32xf32, #tpu.memory_space<vmem>>, vector<16xf32>,
        %mul3A_886 = arith.mulf %get3A_876, %get3A_882 : vector<16xf32>
        %add3A_887 = arith.addf %get3A_870, %mul3A_886 : vector<16xf32>
        %mul3A_888 = arith.mulf %get3A_879, %get3A_885 : vector<16xf32>
        %add3A_889 = arith.addf %get3A_873, %mul3A_888 : vector<16xf32>
        %swap3A_890 = arith.index_cast %add3A_867 : i32 to index
        %swap3A_891 = arith.constant 0 : index
        %swap3A_892 = tpu.vector_load %arg12[%swap3A_890, %swap3A_891] {strides = array<i32>} : memref<256x32xf32, #tpu.memory_space<vmem>>, vector<16xf32>,
        tpu.vector_store %arg12[%swap3A_890, %swap3A_891], %add3A_887 {strides = array<i32>} : memref<256x32xf32, #tpu.memory_space<vmem>>, vector<16xf32>,
        %swap3A_893 = arith.index_cast %add3A_867 : i32 to index
        %swap3A_894 = arith.constant 16 : index
        %swap3A_895 = tpu.vector_load %arg12[%swap3A_893, %swap3A_894] {strides = array<i32>} : memref<256x32xf32, #tpu.memory_space<vmem>>, vector<16xf32>,
        tpu.vector_store %arg12[%swap3A_893, %swap3A_894], %add3A_889 {strides = array<i32>} : memref<256x32xf32, #tpu.memory_space<vmem>>, vector<16xf32>,
        %mul3A_896 = arith.mulf %add3A_887, %add3A_887 : vector<16xf32>
        %mul3A_897 = arith.mulf %get3A_882, %get3A_882 : vector<16xf32>
        %sub3A_898 = arith.subf %mul3A_896, %mul3A_897 : vector<16xf32>
        %mul3A_899 = arith.mulf %add3A_889, %add3A_889 : vector<16xf32>
        %mul3A_900 = arith.mulf %get3A_885, %get3A_885 : vector<16xf32>
        %sub3A_901 = arith.subf %mul3A_899, %mul3A_900 : vector<16xf32>
        %add3A_902 = arith.addf %sub3A_898, %sub3A_901 : vector<16xf32>
        %mul3A_903 = arith.constant 5.000000e-01 : f32
        %mul3A_904 = vector.broadcast %mul3A_903 : f32 to vector<16xf32>
        %mul3A_905 = arith.mulf %mul3A_904, %add3A_902 : vector<16xf32>
        %mul3A_906 = arith.mulf %get3A_876, %get3A_879 : vector<16xf32>
        %bitcast_convert_type3A_907 = tpu.bitcast %mul3A_906 : vector<16xf32> -> vector<16xi32>
        %shift_right_arithmetic3A_908 = arith.constant 23 : i32
        %shift_right_arithmetic3A_909 = vector.broadcast %shift_right_arithmetic3A_908 : i32 to vector<16xi32>
        %shift_right_arithmetic3A_910 = arith.shrsi %bitcast_convert_type3A_907, %shift_right_arithmetic3A_909 : vector<16xi32>
        %sub3A_911 = arith.constant 127 : i32
        %sub3A_912 = vector.broadcast %sub3A_911 : i32 to vector<16xi32>
        %sub3A_913 = arith.subi %shift_right_arithmetic3A_910, %sub3A_912 : vector<16xi32>
        %and3A_914 = arith.constant 8388607 : i32
        %and3A_915 = vector.broadcast %and3A_914 : i32 to vector<16xi32>
        %and3A_916 = arith.andi %bitcast_convert_type3A_907, %and3A_915 : vector<16xi32>
        %or3A_917 = arith.constant 1065353216 : i32
        %or3A_918 = vector.broadcast %or3A_917 : i32 to vector<16xi32>
        %or3A_919 = arith.ori %and3A_916, %or3A_918 : vector<16xi32>
        %bitcast_convert_type3A_920 = tpu.bitcast %or3A_919 : vector<16xi32> -> vector<16xf32>
        %ge3A_921 = arith.constant 1.41421354 : f32
        %ge3A_922 = vector.broadcast %ge3A_921 : f32 to vector<16xf32>
        %ge3A_923 = arith.cmpf oge, %bitcast_convert_type3A_920, %ge3A_922 : vector<16xf32>
        %mul3A_924 = arith.constant 5.000000e-01 : f32
        %mul3A_925 = vector.broadcast %mul3A_924 : f32 to vector<16xf32>
        %mul3A_926 = arith.mulf %bitcast_convert_type3A_920, %mul3A_925 : vector<16xf32>
        %select_n3A_927 = arith.select %ge3A_923, %mul3A_926, %bitcast_convert_type3A_920 : vector<16xi1>, vector<16xf32>
        %add3A_928 = arith.constant 1 : i32
        %add3A_929 = vector.broadcast %add3A_928 : i32 to vector<16xi32>
        %add3A_930 = arith.addi %sub3A_913, %add3A_929 : vector<16xi32>
        %select_n3A_931 = arith.select %ge3A_923, %add3A_930, %sub3A_913 : vector<16xi1>, vector<16xi32>
        %sub3A_932 = arith.constant 1.000000e+00 : f32
        %sub3A_933 = vector.broadcast %sub3A_932 : f32 to vector<16xf32>
        %sub3A_934 = arith.subf %select_n3A_927, %sub3A_933 : vector<16xf32>
        %mul3A_935 = arith.mulf %sub3A_934, %sub3A_934 : vector<16xf32>
        %mul3A_936 = arith.constant 0.0703768358 : f32
        %mul3A_937 = vector.broadcast %mul3A_936 : f32 to vector<16xf32>
        %mul3A_938 = arith.mulf %mul3A_937, %sub3A_934 : vector<16xf32>
        %add3A_939 = arith.constant -0.115146101 : f32
        %add3A_940 = vector.broadcast %add3A_939 : f32 to vector<16xf32>
        %add3A_941 = arith.addf %mul3A_938, %add3A_940 : vector<16xf32>
        %mul3A_942 = arith.mulf %add3A_941, %sub3A_934 : vector<16xf32>
        %add3A_943 = arith.constant 0.116769984 : f32
        %add3A_944 = vector.broadcast %add3A_943 : f32 to vector<16xf32>
        %add3A_945 = arith.addf %mul3A_942, %add3A_944 : vector<16xf32>
        %mul3A_946 = arith.mulf %add3A_945, %sub3A_934 : vector<16xf32>
        %add3A_947 = arith.constant -0.12420141 : f32
        %add3A_948 = vector.broadcast %add3A_947 : f32 to vector<16xf32>
        %add3A_949 = arith.addf %mul3A_946, %add3A_948 : vector<16xf32>
        %mul3A_950 = arith.mulf %add3A_949, %sub3A_934 : vector<16xf32>
        %add3A_951 = arith.constant 0.142493233 : f32
        %add3A_952 = vector.broadcast %add3A_951 : f32 to vector<16xf32>
        %add3A_953 = arith.addf %mul3A_950, %add3A_952 : vector<16xf32>
        %mul3A_954 = arith.mulf %add3A_953, %sub3A_934 : vector<16xf32>
        %add3A_955 = arith.constant -0.166680574 : f32
        %add3A_956 = vector.broadcast %add3A_955 : f32 to vector<16xf32>
        %add3A_957 = arith.addf %mul3A_954, %add3A_956 : vector<16xf32>
        %mul3A_958 = arith.mulf %add3A_957, %sub3A_934 : vector<16xf32>
        %add3A_959 = arith.constant 0.200007141 : f32
        %add3A_960 = vector.broadcast %add3A_959 : f32 to vector<16xf32>
        %add3A_961 = arith.addf %mul3A_958, %add3A_960 : vector<16xf32>
        %mul3A_962 = arith.mulf %add3A_961, %sub3A_934 : vector<16xf32>
        %add3A_963 = arith.constant -0.24999994 : f32
        %add3A_964 = vector.broadcast %add3A_963 : f32 to vector<16xf32>
        %add3A_965 = arith.addf %mul3A_962, %add3A_964 : vector<16xf32>
        %mul3A_966 = arith.mulf %add3A_965, %sub3A_934 : vector<16xf32>
        %add3A_967 = arith.constant 0.333333313 : f32
        %add3A_968 = vector.broadcast %add3A_967 : f32 to vector<16xf32>
        %add3A_969 = arith.addf %mul3A_966, %add3A_968 : vector<16xf32>
        %mul3A_970 = arith.mulf %add3A_969, %sub3A_934 : vector<16xf32>
        %mul3A_971 = arith.mulf %mul3A_970, %mul3A_935 : vector<16xf32>
        %mul3A_972 = arith.constant 5.000000e-01 : f32
        %mul3A_973 = vector.broadcast %mul3A_972 : f32 to vector<16xf32>
        %mul3A_974 = arith.mulf %mul3A_973, %mul3A_935 : vector<16xf32>
        %sub3A_975 = arith.subf %mul3A_971, %mul3A_974 : vector<16xf32>
        %add3A_976 = arith.addf %sub3A_934, %sub3A_975 : vector<16xf32>
        %convert_element_type3A_977 = arith.sitofp %select_n3A_931 : vector<16xi32> to vector<16xf32>
        %mul3A_978 = arith.constant 0.693147182 : f32
        %mul3A_979 = vector.broadcast %mul3A_978 : f32 to vector<16xf32>
        %mul3A_980 = arith.mulf %convert_element_type3A_977, %mul3A_979 : vector<16xf32>
        %add3A_981 = arith.addf %add3A_976, %mul3A_980 : vector<16xf32>
        %sub3A_982 = arith.subf %mul3A_905, %add3A_981 : vector<16xf32>
        %swap3A_983 = arith.index_cast %add3A_867 : i32 to index
        %swap3A_984 = arith.constant 0 : index
        %swap3A_985 = tpu.vector_load %arg20[%swap3A_983, %swap3A_984] {strides = array<i32>} : memref<256x16xf32, #tpu.memory_space<vmem>>, vector<16xf32>,
        tpu.vector_store %arg20[%swap3A_983, %swap3A_984], %sub3A_982 {strides = array<i32>} : memref<256x16xf32, #tpu.memory_space<vmem>>, vector<16xf32>,
        %mul3A_986 = arith.constant 16 : i32
        %mul3A_987 = arith.muli %scan3A_258, %mul3A_986 : i32
        %add3A_988 = arith.constant 6 : i32
        %add3A_989 = arith.addi %mul3A_987, %add3A_988 : i32
        %get3A_990 = arith.index_cast %add3A_989 : i32 to index
        %get3A_991 = arith.constant 0 : index
        %get3A_992 = tpu.vector_load %arg9[%get3A_990, %get3A_991] {strides = array<i32>} : memref<256x32xf32, #tpu.memory_space<vmem>>, vector<16xf32>,
        %get3A_993 = arith.index_cast %add3A_989 : i32 to index
        %get3A_994 = arith.constant 16 : index
        %get3A_995 = tpu.vector_load %arg9[%get3A_993, %get3A_994] {strides = array<i32>} : memref<256x32xf32, #tpu.memory_space<vmem>>, vector<16xf32>,
        %get3A_996 = arith.index_cast %add3A_989 : i32 to index
        %get3A_997 = arith.constant 0 : index
        %get3A_998 = tpu.vector_load %arg10[%get3A_996, %get3A_997] {strides = array<i32>} : memref<256x32xf32, #tpu.memory_space<vmem>>, vector<16xf32>,
        %get3A_999 = arith.index_cast %add3A_989 : i32 to index
        %get3A_1000 = arith.constant 16 : index
        %get3A_1001 = tpu.vector_load %arg10[%get3A_999, %get3A_1000] {strides = array<i32>} : memref<256x32xf32, #tpu.memory_space<vmem>>, vector<16xf32>,
        %get3A_1002 = arith.index_cast %add3A_989 : i32 to index
        %get3A_1003 = arith.constant 0 : index
        %get3A_1004 = tpu.vector_load %arg11[%get3A_1002, %get3A_1003] {strides = array<i32>} : memref<256x32xf32, #tpu.memory_space<vmem>>, vector<16xf32>,
        %get3A_1005 = arith.index_cast %add3A_989 : i32 to index
        %get3A_1006 = arith.constant 16 : index
        %get3A_1007 = tpu.vector_load %arg11[%get3A_1005, %get3A_1006] {strides = array<i32>} : memref<256x32xf32, #tpu.memory_space<vmem>>, vector<16xf32>,
        %mul3A_1008 = arith.mulf %get3A_998, %get3A_1004 : vector<16xf32>
        %add3A_1009 = arith.addf %get3A_992, %mul3A_1008 : vector<16xf32>
        %mul3A_1010 = arith.mulf %get3A_1001, %get3A_1007 : vector<16xf32>
        %add3A_1011 = arith.addf %get3A_995, %mul3A_1010 : vector<16xf32>
        %swap3A_1012 = arith.index_cast %add3A_989 : i32 to index
        %swap3A_1013 = arith.constant 0 : index
        %swap3A_1014 = tpu.vector_load %arg12[%swap3A_1012, %swap3A_1013] {strides = array<i32>} : memref<256x32xf32, #tpu.memory_space<vmem>>, vector<16xf32>,
        tpu.vector_store %arg12[%swap3A_1012, %swap3A_1013], %add3A_1009 {strides = array<i32>} : memref<256x32xf32, #tpu.memory_space<vmem>>, vector<16xf32>,
        %swap3A_1015 = arith.index_cast %add3A_989 : i32 to index
        %swap3A_1016 = arith.constant 16 : index
        %swap3A_1017 = tpu.vector_load %arg12[%swap3A_1015, %swap3A_1016] {strides = array<i32>} : memref<256x32xf32, #tpu.memory_space<vmem>>, vector<16xf32>,
        tpu.vector_store %arg12[%swap3A_1015, %swap3A_1016], %add3A_1011 {strides = array<i32>} : memref<256x32xf32, #tpu.memory_space<vmem>>, vector<16xf32>,
        %mul3A_1018 = arith.mulf %add3A_1009, %add3A_1009 : vector<16xf32>
        %mul3A_1019 = arith.mulf %get3A_1004, %get3A_1004 : vector<16xf32>
        %sub3A_1020 = arith.subf %mul3A_1018, %mul3A_1019 : vector<16xf32>
        %mul3A_1021 = arith.mulf %add3A_1011, %add3A_1011 : vector<16xf32>
        %mul3A_1022 = arith.mulf %get3A_1007, %get3A_1007 : vector<16xf32>
        %sub3A_1023 = arith.subf %mul3A_1021, %mul3A_1022 : vector<16xf32>
        %add3A_1024 = arith.addf %sub3A_1020, %sub3A_1023 : vector<16xf32>
        %mul3A_1025 = arith.constant 5.000000e-01 : f32
        %mul3A_1026 = vector.broadcast %mul3A_1025 : f32 to vector<16xf32>
        %mul3A_1027 = arith.mulf %mul3A_1026, %add3A_1024 : vector<16xf32>
        %mul3A_1028 = arith.mulf %get3A_998, %get3A_1001 : vector<16xf32>
        %bitcast_convert_type3A_1029 = tpu.bitcast %mul3A_1028 : vector<16xf32> -> vector<16xi32>
        %shift_right_arithmetic3A_1030 = arith.constant 23 : i32
        %shift_right_arithmetic3A_1031 = vector.broadcast %shift_right_arithmetic3A_1030 : i32 to vector<16xi32>
        %shift_right_arithmetic3A_1032 = arith.shrsi %bitcast_convert_type3A_1029, %shift_right_arithmetic3A_1031 : vector<16xi32>
        %sub3A_1033 = arith.constant 127 : i32
        %sub3A_1034 = vector.broadcast %sub3A_1033 : i32 to vector<16xi32>
        %sub3A_1035 = arith.subi %shift_right_arithmetic3A_1032, %sub3A_1034 : vector<16xi32>
        %and3A_1036 = arith.constant 8388607 : i32
        %and3A_1037 = vector.broadcast %and3A_1036 : i32 to vector<16xi32>
        %and3A_1038 = arith.andi %bitcast_convert_type3A_1029, %and3A_1037 : vector<16xi32>
        %or3A_1039 = arith.constant 1065353216 : i32
        %or3A_1040 = vector.broadcast %or3A_1039 : i32 to vector<16xi32>
        %or3A_1041 = arith.ori %and3A_1038, %or3A_1040 : vector<16xi32>
        %bitcast_convert_type3A_1042 = tpu.bitcast %or3A_1041 : vector<16xi32> -> vector<16xf32>
        %ge3A_1043 = arith.constant 1.41421354 : f32
        %ge3A_1044 = vector.broadcast %ge3A_1043 : f32 to vector<16xf32>
        %ge3A_1045 = arith.cmpf oge, %bitcast_convert_type3A_1042, %ge3A_1044 : vector<16xf32>
        %mul3A_1046 = arith.constant 5.000000e-01 : f32
        %mul3A_1047 = vector.broadcast %mul3A_1046 : f32 to vector<16xf32>
        %mul3A_1048 = arith.mulf %bitcast_convert_type3A_1042, %mul3A_1047 : vector<16xf32>
        %select_n3A_1049 = arith.select %ge3A_1045, %mul3A_1048, %bitcast_convert_type3A_1042 : vector<16xi1>, vector<16xf32>
        %add3A_1050 = arith.constant 1 : i32
        %add3A_1051 = vector.broadcast %add3A_1050 : i32 to vector<16xi32>
        %add3A_1052 = arith.addi %sub3A_1035, %add3A_1051 : vector<16xi32>
        %select_n3A_1053 = arith.select %ge3A_1045, %add3A_1052, %sub3A_1035 : vector<16xi1>, vector<16xi32>
        %sub3A_1054 = arith.constant 1.000000e+00 : f32
        %sub3A_1055 = vector.broadcast %sub3A_1054 : f32 to vector<16xf32>
        %sub3A_1056 = arith.subf %select_n3A_1049, %sub3A_1055 : vector<16xf32>
        %mul3A_1057 = arith.mulf %sub3A_1056, %sub3A_1056 : vector<16xf32>
        %mul3A_1058 = arith.constant 0.0703768358 : f32
        %mul3A_1059 = vector.broadcast %mul3A_1058 : f32 to vector<16xf32>
        %mul3A_1060 = arith.mulf %mul3A_1059, %sub3A_1056 : vector<16xf32>
        %add3A_1061 = arith.constant -0.115146101 : f32
        %add3A_1062 = vector.broadcast %add3A_1061 : f32 to vector<16xf32>
        %add3A_1063 = arith.addf %mul3A_1060, %add3A_1062 : vector<16xf32>
        %mul3A_1064 = arith.mulf %add3A_1063, %sub3A_1056 : vector<16xf32>
        %add3A_1065 = arith.constant 0.116769984 : f32
        %add3A_1066 = vector.broadcast %add3A_1065 : f32 to vector<16xf32>
        %add3A_1067 = arith.addf %mul3A_1064, %add3A_1066 : vector<16xf32>
        %mul3A_1068 = arith.mulf %add3A_1067, %sub3A_1056 : vector<16xf32>
        %add3A_1069 = arith.constant -0.12420141 : f32
        %add3A_1070 = vector.broadcast %add3A_1069 : f32 to vector<16xf32>
        %add3A_1071 = arith.addf %mul3A_1068, %add3A_1070 : vector<16xf32>
        %mul3A_1072 = arith.mulf %add3A_1071, %sub3A_1056 : vector<16xf32>
        %add3A_1073 = arith.constant 0.142493233 : f32
        %add3A_1074 = vector.broadcast %add3A_1073 : f32 to vector<16xf32>
        %add3A_1075 = arith.addf %mul3A_1072, %add3A_1074 : vector<16xf32>
        %mul3A_1076 = arith.mulf %add3A_1075, %sub3A_1056 : vector<16xf32>
        %add3A_1077 = arith.constant -0.166680574 : f32
        %add3A_1078 = vector.broadcast %add3A_1077 : f32 to vector<16xf32>
        %add3A_1079 = arith.addf %mul3A_1076, %add3A_1078 : vector<16xf32>
        %mul3A_1080 = arith.mulf %add3A_1079, %sub3A_1056 : vector<16xf32>
        %add3A_1081 = arith.constant 0.200007141 : f32
        %add3A_1082 = vector.broadcast %add3A_1081 : f32 to vector<16xf32>
        %add3A_1083 = arith.addf %mul3A_1080, %add3A_1082 : vector<16xf32>
        %mul3A_1084 = arith.mulf %add3A_1083, %sub3A_1056 : vector<16xf32>
        %add3A_1085 = arith.constant -0.24999994 : f32
        %add3A_1086 = vector.broadcast %add3A_1085 : f32 to vector<16xf32>
        %add3A_1087 = arith.addf %mul3A_1084, %add3A_1086 : vector<16xf32>
        %mul3A_1088 = arith.mulf %add3A_1087, %sub3A_1056 : vector<16xf32>
        %add3A_1089 = arith.constant 0.333333313 : f32
        %add3A_1090 = vector.broadcast %add3A_1089 : f32 to vector<16xf32>
        %add3A_1091 = arith.addf %mul3A_1088, %add3A_1090 : vector<16xf32>
        %mul3A_1092 = arith.mulf %add3A_1091, %sub3A_1056 : vector<16xf32>
        %mul3A_1093 = arith.mulf %mul3A_1092, %mul3A_1057 : vector<16xf32>
        %mul3A_1094 = arith.constant 5.000000e-01 : f32
        %mul3A_1095 = vector.broadcast %mul3A_1094 : f32 to vector<16xf32>
        %mul3A_1096 = arith.mulf %mul3A_1095, %mul3A_1057 : vector<16xf32>
        %sub3A_1097 = arith.subf %mul3A_1093, %mul3A_1096 : vector<16xf32>
        %add3A_1098 = arith.addf %sub3A_1056, %sub3A_1097 : vector<16xf32>
        %convert_element_type3A_1099 = arith.sitofp %select_n3A_1053 : vector<16xi32> to vector<16xf32>
        %mul3A_1100 = arith.constant 0.693147182 : f32
        %mul3A_1101 = vector.broadcast %mul3A_1100 : f32 to vector<16xf32>
        %mul3A_1102 = arith.mulf %convert_element_type3A_1099, %mul3A_1101 : vector<16xf32>
        %add3A_1103 = arith.addf %add3A_1098, %mul3A_1102 : vector<16xf32>
        %sub3A_1104 = arith.subf %mul3A_1027, %add3A_1103 : vector<16xf32>
        %swap3A_1105 = arith.index_cast %add3A_989 : i32 to index
        %swap3A_1106 = arith.constant 0 : index
        %swap3A_1107 = tpu.vector_load %arg20[%swap3A_1105, %swap3A_1106] {strides = array<i32>} : memref<256x16xf32, #tpu.memory_space<vmem>>, vector<16xf32>,
        tpu.vector_store %arg20[%swap3A_1105, %swap3A_1106], %sub3A_1104 {strides = array<i32>} : memref<256x16xf32, #tpu.memory_space<vmem>>, vector<16xf32>,
        %mul3A_1108 = arith.constant 16 : i32
        %mul3A_1109 = arith.muli %scan3A_258, %mul3A_1108 : i32
        %add3A_1110 = arith.constant 7 : i32
        %add3A_1111 = arith.addi %mul3A_1109, %add3A_1110 : i32
        %get3A_1112 = arith.index_cast %add3A_1111 : i32 to index
        %get3A_1113 = arith.constant 0 : index
        %get3A_1114 = tpu.vector_load %arg9[%get3A_1112, %get3A_1113] {strides = array<i32>} : memref<256x32xf32, #tpu.memory_space<vmem>>, vector<16xf32>,
        %get3A_1115 = arith.index_cast %add3A_1111 : i32 to index
        %get3A_1116 = arith.constant 16 : index
        %get3A_1117 = tpu.vector_load %arg9[%get3A_1115, %get3A_1116] {strides = array<i32>} : memref<256x32xf32, #tpu.memory_space<vmem>>, vector<16xf32>,
        %get3A_1118 = arith.index_cast %add3A_1111 : i32 to index
        %get3A_1119 = arith.constant 0 : index
        %get3A_1120 = tpu.vector_load %arg10[%get3A_1118, %get3A_1119] {strides = array<i32>} : memref<256x32xf32, #tpu.memory_space<vmem>>, vector<16xf32>,
        %get3A_1121 = arith.index_cast %add3A_1111 : i32 to index
        %get3A_1122 = arith.constant 16 : index
        %get3A_1123 = tpu.vector_load %arg10[%get3A_1121, %get3A_1122] {strides = array<i32>} : memref<256x32xf32, #tpu.memory_space<vmem>>, vector<16xf32>,
        %get3A_1124 = arith.index_cast %add3A_1111 : i32 to index
        %get3A_1125 = arith.constant 0 : index
        %get3A_1126 = tpu.vector_load %arg11[%get3A_1124, %get3A_1125] {strides = array<i32>} : memref<256x32xf32, #tpu.memory_space<vmem>>, vector<16xf32>,
        %get3A_1127 = arith.index_cast %add3A_1111 : i32 to index
        %get3A_1128 = arith.constant 16 : index
        %get3A_1129 = tpu.vector_load %arg11[%get3A_1127, %get3A_1128] {strides = array<i32>} : memref<256x32xf32, #tpu.memory_space<vmem>>, vector<16xf32>,
        %mul3A_1130 = arith.mulf %get3A_1120, %get3A_1126 : vector<16xf32>
        %add3A_1131 = arith.addf %get3A_1114, %mul3A_1130 : vector<16xf32>
        %mul3A_1132 = arith.mulf %get3A_1123, %get3A_1129 : vector<16xf32>
        %add3A_1133 = arith.addf %get3A_1117, %mul3A_1132 : vector<16xf32>
        %swap3A_1134 = arith.index_cast %add3A_1111 : i32 to index
        %swap3A_1135 = arith.constant 0 : index
        %swap3A_1136 = tpu.vector_load %arg12[%swap3A_1134, %swap3A_1135] {strides = array<i32>} : memref<256x32xf32, #tpu.memory_space<vmem>>, vector<16xf32>,
        tpu.vector_store %arg12[%swap3A_1134, %swap3A_1135], %add3A_1131 {strides = array<i32>} : memref<256x32xf32, #tpu.memory_space<vmem>>, vector<16xf32>,
        %swap3A_1137 = arith.index_cast %add3A_1111 : i32 to index
        %swap3A_1138 = arith.constant 16 : index
        %swap3A_1139 = tpu.vector_load %arg12[%swap3A_1137, %swap3A_1138] {strides = array<i32>} : memref<256x32xf32, #tpu.memory_space<vmem>>, vector<16xf32>,
        tpu.vector_store %arg12[%swap3A_1137, %swap3A_1138], %add3A_1133 {strides = array<i32>} : memref<256x32xf32, #tpu.memory_space<vmem>>, vector<16xf32>,
        %mul3A_1140 = arith.mulf %add3A_1131, %add3A_1131 : vector<16xf32>
        %mul3A_1141 = arith.mulf %get3A_1126, %get3A_1126 : vector<16xf32>
        %sub3A_1142 = arith.subf %mul3A_1140, %mul3A_1141 : vector<16xf32>
        %mul3A_1143 = arith.mulf %add3A_1133, %add3A_1133 : vector<16xf32>
        %mul3A_1144 = arith.mulf %get3A_1129, %get3A_1129 : vector<16xf32>
        %sub3A_1145 = arith.subf %mul3A_1143, %mul3A_1144 : vector<16xf32>
        %add3A_1146 = arith.addf %sub3A_1142, %sub3A_1145 : vector<16xf32>
        %mul3A_1147 = arith.constant 5.000000e-01 : f32
        %mul3A_1148 = vector.broadcast %mul3A_1147 : f32 to vector<16xf32>
        %mul3A_1149 = arith.mulf %mul3A_1148, %add3A_1146 : vector<16xf32>
        %mul3A_1150 = arith.mulf %get3A_1120, %get3A_1123 : vector<16xf32>
        %bitcast_convert_type3A_1151 = tpu.bitcast %mul3A_1150 : vector<16xf32> -> vector<16xi32>
        %shift_right_arithmetic3A_1152 = arith.constant 23 : i32
        %shift_right_arithmetic3A_1153 = vector.broadcast %shift_right_arithmetic3A_1152 : i32 to vector<16xi32>
        %shift_right_arithmetic3A_1154 = arith.shrsi %bitcast_convert_type3A_1151, %shift_right_arithmetic3A_1153 : vector<16xi32>
        %sub3A_1155 = arith.constant 127 : i32
        %sub3A_1156 = vector.broadcast %sub3A_1155 : i32 to vector<16xi32>
        %sub3A_1157 = arith.subi %shift_right_arithmetic3A_1154, %sub3A_1156 : vector<16xi32>
        %and3A_1158 = arith.constant 8388607 : i32
        %and3A_1159 = vector.broadcast %and3A_1158 : i32 to vector<16xi32>
        %and3A_1160 = arith.andi %bitcast_convert_type3A_1151, %and3A_1159 : vector<16xi32>
        %or3A_1161 = arith.constant 1065353216 : i32
        %or3A_1162 = vector.broadcast %or3A_1161 : i32 to vector<16xi32>
        %or3A_1163 = arith.ori %and3A_1160, %or3A_1162 : vector<16xi32>
        %bitcast_convert_type3A_1164 = tpu.bitcast %or3A_1163 : vector<16xi32> -> vector<16xf32>
        %ge3A_1165 = arith.constant 1.41421354 : f32
        %ge3A_1166 = vector.broadcast %ge3A_1165 : f32 to vector<16xf32>
        %ge3A_1167 = arith.cmpf oge, %bitcast_convert_type3A_1164, %ge3A_1166 : vector<16xf32>
        %mul3A_1168 = arith.constant 5.000000e-01 : f32
        %mul3A_1169 = vector.broadcast %mul3A_1168 : f32 to vector<16xf32>
        %mul3A_1170 = arith.mulf %bitcast_convert_type3A_1164, %mul3A_1169 : vector<16xf32>
        %select_n3A_1171 = arith.select %ge3A_1167, %mul3A_1170, %bitcast_convert_type3A_1164 : vector<16xi1>, vector<16xf32>
        %add3A_1172 = arith.constant 1 : i32
        %add3A_1173 = vector.broadcast %add3A_1172 : i32 to vector<16xi32>
        %add3A_1174 = arith.addi %sub3A_1157, %add3A_1173 : vector<16xi32>
        %select_n3A_1175 = arith.select %ge3A_1167, %add3A_1174, %sub3A_1157 : vector<16xi1>, vector<16xi32>
        %sub3A_1176 = arith.constant 1.000000e+00 : f32
        %sub3A_1177 = vector.broadcast %sub3A_1176 : f32 to vector<16xf32>
        %sub3A_1178 = arith.subf %select_n3A_1171, %sub3A_1177 : vector<16xf32>
        %mul3A_1179 = arith.mulf %sub3A_1178, %sub3A_1178 : vector<16xf32>
        %mul3A_1180 = arith.constant 0.0703768358 : f32
        %mul3A_1181 = vector.broadcast %mul3A_1180 : f32 to vector<16xf32>
        %mul3A_1182 = arith.mulf %mul3A_1181, %sub3A_1178 : vector<16xf32>
        %add3A_1183 = arith.constant -0.115146101 : f32
        %add3A_1184 = vector.broadcast %add3A_1183 : f32 to vector<16xf32>
        %add3A_1185 = arith.addf %mul3A_1182, %add3A_1184 : vector<16xf32>
        %mul3A_1186 = arith.mulf %add3A_1185, %sub3A_1178 : vector<16xf32>
        %add3A_1187 = arith.constant 0.116769984 : f32
        %add3A_1188 = vector.broadcast %add3A_1187 : f32 to vector<16xf32>
        %add3A_1189 = arith.addf %mul3A_1186, %add3A_1188 : vector<16xf32>
        %mul3A_1190 = arith.mulf %add3A_1189, %sub3A_1178 : vector<16xf32>
        %add3A_1191 = arith.constant -0.12420141 : f32
        %add3A_1192 = vector.broadcast %add3A_1191 : f32 to vector<16xf32>
        %add3A_1193 = arith.addf %mul3A_1190, %add3A_1192 : vector<16xf32>
        %mul3A_1194 = arith.mulf %add3A_1193, %sub3A_1178 : vector<16xf32>
        %add3A_1195 = arith.constant 0.142493233 : f32
        %add3A_1196 = vector.broadcast %add3A_1195 : f32 to vector<16xf32>
        %add3A_1197 = arith.addf %mul3A_1194, %add3A_1196 : vector<16xf32>
        %mul3A_1198 = arith.mulf %add3A_1197, %sub3A_1178 : vector<16xf32>
        %add3A_1199 = arith.constant -0.166680574 : f32
        %add3A_1200 = vector.broadcast %add3A_1199 : f32 to vector<16xf32>
        %add3A_1201 = arith.addf %mul3A_1198, %add3A_1200 : vector<16xf32>
        %mul3A_1202 = arith.mulf %add3A_1201, %sub3A_1178 : vector<16xf32>
        %add3A_1203 = arith.constant 0.200007141 : f32
        %add3A_1204 = vector.broadcast %add3A_1203 : f32 to vector<16xf32>
        %add3A_1205 = arith.addf %mul3A_1202, %add3A_1204 : vector<16xf32>
        %mul3A_1206 = arith.mulf %add3A_1205, %sub3A_1178 : vector<16xf32>
        %add3A_1207 = arith.constant -0.24999994 : f32
        %add3A_1208 = vector.broadcast %add3A_1207 : f32 to vector<16xf32>
        %add3A_1209 = arith.addf %mul3A_1206, %add3A_1208 : vector<16xf32>
        %mul3A_1210 = arith.mulf %add3A_1209, %sub3A_1178 : vector<16xf32>
        %add3A_1211 = arith.constant 0.333333313 : f32
        %add3A_1212 = vector.broadcast %add3A_1211 : f32 to vector<16xf32>
        %add3A_1213 = arith.addf %mul3A_1210, %add3A_1212 : vector<16xf32>
        %mul3A_1214 = arith.mulf %add3A_1213, %sub3A_1178 : vector<16xf32>
        %mul3A_1215 = arith.mulf %mul3A_1214, %mul3A_1179 : vector<16xf32>
        %mul3A_1216 = arith.constant 5.000000e-01 : f32
        %mul3A_1217 = vector.broadcast %mul3A_1216 : f32 to vector<16xf32>
        %mul3A_1218 = arith.mulf %mul3A_1217, %mul3A_1179 : vector<16xf32>
        %sub3A_1219 = arith.subf %mul3A_1215, %mul3A_1218 : vector<16xf32>
        %add3A_1220 = arith.addf %sub3A_1178, %sub3A_1219 : vector<16xf32>
        %convert_element_type3A_1221 = arith.sitofp %select_n3A_1175 : vector<16xi32> to vector<16xf32>
        %mul3A_1222 = arith.constant 0.693147182 : f32
        %mul3A_1223 = vector.broadcast %mul3A_1222 : f32 to vector<16xf32>
        %mul3A_1224 = arith.mulf %convert_element_type3A_1221, %mul3A_1223 : vector<16xf32>
        %add3A_1225 = arith.addf %add3A_1220, %mul3A_1224 : vector<16xf32>
        %sub3A_1226 = arith.subf %mul3A_1149, %add3A_1225 : vector<16xf32>
        %swap3A_1227 = arith.index_cast %add3A_1111 : i32 to index
        %swap3A_1228 = arith.constant 0 : index
        %swap3A_1229 = tpu.vector_load %arg20[%swap3A_1227, %swap3A_1228] {strides = array<i32>} : memref<256x16xf32, #tpu.memory_space<vmem>>, vector<16xf32>,
        tpu.vector_store %arg20[%swap3A_1227, %swap3A_1228], %sub3A_1226 {strides = array<i32>} : memref<256x16xf32, #tpu.memory_space<vmem>>, vector<16xf32>,
        %mul3A_1230 = arith.constant 16 : i32
        %mul3A_1231 = arith.muli %scan3A_258, %mul3A_1230 : i32
        %add3A_1232 = arith.constant 8 : i32
        %add3A_1233 = arith.addi %mul3A_1231, %add3A_1232 : i32
        %get3A_1234 = arith.index_cast %add3A_1233 : i32 to index
        %get3A_1235 = arith.constant 0 : index
        %get3A_1236 = tpu.vector_load %arg9[%get3A_1234, %get3A_1235] {strides = array<i32>} : memref<256x32xf32, #tpu.memory_space<vmem>>, vector<16xf32>,
        %get3A_1237 = arith.index_cast %add3A_1233 : i32 to index
        %get3A_1238 = arith.constant 16 : index
        %get3A_1239 = tpu.vector_load %arg9[%get3A_1237, %get3A_1238] {strides = array<i32>} : memref<256x32xf32, #tpu.memory_space<vmem>>, vector<16xf32>,
        %get3A_1240 = arith.index_cast %add3A_1233 : i32 to index
        %get3A_1241 = arith.constant 0 : index
        %get3A_1242 = tpu.vector_load %arg10[%get3A_1240, %get3A_1241] {strides = array<i32>} : memref<256x32xf32, #tpu.memory_space<vmem>>, vector<16xf32>,
        %get3A_1243 = arith.index_cast %add3A_1233 : i32 to index
        %get3A_1244 = arith.constant 16 : index
        %get3A_1245 = tpu.vector_load %arg10[%get3A_1243, %get3A_1244] {strides = array<i32>} : memref<256x32xf32, #tpu.memory_space<vmem>>, vector<16xf32>,
        %get3A_1246 = arith.index_cast %add3A_1233 : i32 to index
        %get3A_1247 = arith.constant 0 : index
        %get3A_1248 = tpu.vector_load %arg11[%get3A_1246, %get3A_1247] {strides = array<i32>} : memref<256x32xf32, #tpu.memory_space<vmem>>, vector<16xf32>,
        %get3A_1249 = arith.index_cast %add3A_1233 : i32 to index
        %get3A_1250 = arith.constant 16 : index
        %get3A_1251 = tpu.vector_load %arg11[%get3A_1249, %get3A_1250] {strides = array<i32>} : memref<256x32xf32, #tpu.memory_space<vmem>>, vector<16xf32>,
        %mul3A_1252 = arith.mulf %get3A_1242, %get3A_1248 : vector<16xf32>
        %add3A_1253 = arith.addf %get3A_1236, %mul3A_1252 : vector<16xf32>
        %mul3A_1254 = arith.mulf %get3A_1245, %get3A_1251 : vector<16xf32>
        %add3A_1255 = arith.addf %get3A_1239, %mul3A_1254 : vector<16xf32>
        %swap3A_1256 = arith.index_cast %add3A_1233 : i32 to index
        %swap3A_1257 = arith.constant 0 : index
        %swap3A_1258 = tpu.vector_load %arg12[%swap3A_1256, %swap3A_1257] {strides = array<i32>} : memref<256x32xf32, #tpu.memory_space<vmem>>, vector<16xf32>,
        tpu.vector_store %arg12[%swap3A_1256, %swap3A_1257], %add3A_1253 {strides = array<i32>} : memref<256x32xf32, #tpu.memory_space<vmem>>, vector<16xf32>,
        %swap3A_1259 = arith.index_cast %add3A_1233 : i32 to index
        %swap3A_1260 = arith.constant 16 : index
        %swap3A_1261 = tpu.vector_load %arg12[%swap3A_1259, %swap3A_1260] {strides = array<i32>} : memref<256x32xf32, #tpu.memory_space<vmem>>, vector<16xf32>,
        tpu.vector_store %arg12[%swap3A_1259, %swap3A_1260], %add3A_1255 {strides = array<i32>} : memref<256x32xf32, #tpu.memory_space<vmem>>, vector<16xf32>,
        %mul3A_1262 = arith.mulf %add3A_1253, %add3A_1253 : vector<16xf32>
        %mul3A_1263 = arith.mulf %get3A_1248, %get3A_1248 : vector<16xf32>
        %sub3A_1264 = arith.subf %mul3A_1262, %mul3A_1263 : vector<16xf32>
        %mul3A_1265 = arith.mulf %add3A_1255, %add3A_1255 : vector<16xf32>
        %mul3A_1266 = arith.mulf %get3A_1251, %get3A_1251 : vector<16xf32>
        %sub3A_1267 = arith.subf %mul3A_1265, %mul3A_1266 : vector<16xf32>
        %add3A_1268 = arith.addf %sub3A_1264, %sub3A_1267 : vector<16xf32>
        %mul3A_1269 = arith.constant 5.000000e-01 : f32
        %mul3A_1270 = vector.broadcast %mul3A_1269 : f32 to vector<16xf32>
        %mul3A_1271 = arith.mulf %mul3A_1270, %add3A_1268 : vector<16xf32>
        %mul3A_1272 = arith.mulf %get3A_1242, %get3A_1245 : vector<16xf32>
        %bitcast_convert_type3A_1273 = tpu.bitcast %mul3A_1272 : vector<16xf32> -> vector<16xi32>
        %shift_right_arithmetic3A_1274 = arith.constant 23 : i32
        %shift_right_arithmetic3A_1275 = vector.broadcast %shift_right_arithmetic3A_1274 : i32 to vector<16xi32>
        %shift_right_arithmetic3A_1276 = arith.shrsi %bitcast_convert_type3A_1273, %shift_right_arithmetic3A_1275 : vector<16xi32>
        %sub3A_1277 = arith.constant 127 : i32
        %sub3A_1278 = vector.broadcast %sub3A_1277 : i32 to vector<16xi32>
        %sub3A_1279 = arith.subi %shift_right_arithmetic3A_1276, %sub3A_1278 : vector<16xi32>
        %and3A_1280 = arith.constant 8388607 : i32
        %and3A_1281 = vector.broadcast %and3A_1280 : i32 to vector<16xi32>
        %and3A_1282 = arith.andi %bitcast_convert_type3A_1273, %and3A_1281 : vector<16xi32>
        %or3A_1283 = arith.constant 1065353216 : i32
        %or3A_1284 = vector.broadcast %or3A_1283 : i32 to vector<16xi32>
        %or3A_1285 = arith.ori %and3A_1282, %or3A_1284 : vector<16xi32>
        %bitcast_convert_type3A_1286 = tpu.bitcast %or3A_1285 : vector<16xi32> -> vector<16xf32>
        %ge3A_1287 = arith.constant 1.41421354 : f32
        %ge3A_1288 = vector.broadcast %ge3A_1287 : f32 to vector<16xf32>
        %ge3A_1289 = arith.cmpf oge, %bitcast_convert_type3A_1286, %ge3A_1288 : vector<16xf32>
        %mul3A_1290 = arith.constant 5.000000e-01 : f32
        %mul3A_1291 = vector.broadcast %mul3A_1290 : f32 to vector<16xf32>
        %mul3A_1292 = arith.mulf %bitcast_convert_type3A_1286, %mul3A_1291 : vector<16xf32>
        %select_n3A_1293 = arith.select %ge3A_1289, %mul3A_1292, %bitcast_convert_type3A_1286 : vector<16xi1>, vector<16xf32>
        %add3A_1294 = arith.constant 1 : i32
        %add3A_1295 = vector.broadcast %add3A_1294 : i32 to vector<16xi32>
        %add3A_1296 = arith.addi %sub3A_1279, %add3A_1295 : vector<16xi32>
        %select_n3A_1297 = arith.select %ge3A_1289, %add3A_1296, %sub3A_1279 : vector<16xi1>, vector<16xi32>
        %sub3A_1298 = arith.constant 1.000000e+00 : f32
        %sub3A_1299 = vector.broadcast %sub3A_1298 : f32 to vector<16xf32>
        %sub3A_1300 = arith.subf %select_n3A_1293, %sub3A_1299 : vector<16xf32>
        %mul3A_1301 = arith.mulf %sub3A_1300, %sub3A_1300 : vector<16xf32>
        %mul3A_1302 = arith.constant 0.0703768358 : f32
        %mul3A_1303 = vector.broadcast %mul3A_1302 : f32 to vector<16xf32>
        %mul3A_1304 = arith.mulf %mul3A_1303, %sub3A_1300 : vector<16xf32>
        %add3A_1305 = arith.constant -0.115146101 : f32
        %add3A_1306 = vector.broadcast %add3A_1305 : f32 to vector<16xf32>
        %add3A_1307 = arith.addf %mul3A_1304, %add3A_1306 : vector<16xf32>
        %mul3A_1308 = arith.mulf %add3A_1307, %sub3A_1300 : vector<16xf32>
        %add3A_1309 = arith.constant 0.116769984 : f32
        %add3A_1310 = vector.broadcast %add3A_1309 : f32 to vector<16xf32>
        %add3A_1311 = arith.addf %mul3A_1308, %add3A_1310 : vector<16xf32>
        %mul3A_1312 = arith.mulf %add3A_1311, %sub3A_1300 : vector<16xf32>
        %add3A_1313 = arith.constant -0.12420141 : f32
        %add3A_1314 = vector.broadcast %add3A_1313 : f32 to vector<16xf32>
        %add3A_1315 = arith.addf %mul3A_1312, %add3A_1314 : vector<16xf32>
        %mul3A_1316 = arith.mulf %add3A_1315, %sub3A_1300 : vector<16xf32>
        %add3A_1317 = arith.constant 0.142493233 : f32
        %add3A_1318 = vector.broadcast %add3A_1317 : f32 to vector<16xf32>
        %add3A_1319 = arith.addf %mul3A_1316, %add3A_1318 : vector<16xf32>
        %mul3A_1320 = arith.mulf %add3A_1319, %sub3A_1300 : vector<16xf32>
        %add3A_1321 = arith.constant -0.166680574 : f32
        %add3A_1322 = vector.broadcast %add3A_1321 : f32 to vector<16xf32>
        %add3A_1323 = arith.addf %mul3A_1320, %add3A_1322 : vector<16xf32>
        %mul3A_1324 = arith.mulf %add3A_1323, %sub3A_1300 : vector<16xf32>
        %add3A_1325 = arith.constant 0.200007141 : f32
        %add3A_1326 = vector.broadcast %add3A_1325 : f32 to vector<16xf32>
        %add3A_1327 = arith.addf %mul3A_1324, %add3A_1326 : vector<16xf32>
        %mul3A_1328 = arith.mulf %add3A_1327, %sub3A_1300 : vector<16xf32>
        %add3A_1329 = arith.constant -0.24999994 : f32
        %add3A_1330 = vector.broadcast %add3A_1329 : f32 to vector<16xf32>
        %add3A_1331 = arith.addf %mul3A_1328, %add3A_1330 : vector<16xf32>
        %mul3A_1332 = arith.mulf %add3A_1331, %sub3A_1300 : vector<16xf32>
        %add3A_1333 = arith.constant 0.333333313 : f32
        %add3A_1334 = vector.broadcast %add3A_1333 : f32 to vector<16xf32>
        %add3A_1335 = arith.addf %mul3A_1332, %add3A_1334 : vector<16xf32>
        %mul3A_1336 = arith.mulf %add3A_1335, %sub3A_1300 : vector<16xf32>
        %mul3A_1337 = arith.mulf %mul3A_1336, %mul3A_1301 : vector<16xf32>
        %mul3A_1338 = arith.constant 5.000000e-01 : f32
        %mul3A_1339 = vector.broadcast %mul3A_1338 : f32 to vector<16xf32>
        %mul3A_1340 = arith.mulf %mul3A_1339, %mul3A_1301 : vector<16xf32>
        %sub3A_1341 = arith.subf %mul3A_1337, %mul3A_1340 : vector<16xf32>
        %add3A_1342 = arith.addf %sub3A_1300, %sub3A_1341 : vector<16xf32>
        %convert_element_type3A_1343 = arith.sitofp %select_n3A_1297 : vector<16xi32> to vector<16xf32>
        %mul3A_1344 = arith.constant 0.693147182 : f32
        %mul3A_1345 = vector.broadcast %mul3A_1344 : f32 to vector<16xf32>
        %mul3A_1346 = arith.mulf %convert_element_type3A_1343, %mul3A_1345 : vector<16xf32>
        %add3A_1347 = arith.addf %add3A_1342, %mul3A_1346 : vector<16xf32>
        %sub3A_1348 = arith.subf %mul3A_1271, %add3A_1347 : vector<16xf32>
        %swap3A_1349 = arith.index_cast %add3A_1233 : i32 to index
        %swap3A_1350 = arith.constant 0 : index
        %swap3A_1351 = tpu.vector_load %arg20[%swap3A_1349, %swap3A_1350] {strides = array<i32>} : memref<256x16xf32, #tpu.memory_space<vmem>>, vector<16xf32>,
        tpu.vector_store %arg20[%swap3A_1349, %swap3A_1350], %sub3A_1348 {strides = array<i32>} : memref<256x16xf32, #tpu.memory_space<vmem>>, vector<16xf32>,
        %mul3A_1352 = arith.constant 16 : i32
        %mul3A_1353 = arith.muli %scan3A_258, %mul3A_1352 : i32
        %add3A_1354 = arith.constant 9 : i32
        %add3A_1355 = arith.addi %mul3A_1353, %add3A_1354 : i32
        %get3A_1356 = arith.index_cast %add3A_1355 : i32 to index
        %get3A_1357 = arith.constant 0 : index
        %get3A_1358 = tpu.vector_load %arg9[%get3A_1356, %get3A_1357] {strides = array<i32>} : memref<256x32xf32, #tpu.memory_space<vmem>>, vector<16xf32>,
        %get3A_1359 = arith.index_cast %add3A_1355 : i32 to index
        %get3A_1360 = arith.constant 16 : index
        %get3A_1361 = tpu.vector_load %arg9[%get3A_1359, %get3A_1360] {strides = array<i32>} : memref<256x32xf32, #tpu.memory_space<vmem>>, vector<16xf32>,
        %get3A_1362 = arith.index_cast %add3A_1355 : i32 to index
        %get3A_1363 = arith.constant 0 : index
        %get3A_1364 = tpu.vector_load %arg10[%get3A_1362, %get3A_1363] {strides = array<i32>} : memref<256x32xf32, #tpu.memory_space<vmem>>, vector<16xf32>,
        %get3A_1365 = arith.index_cast %add3A_1355 : i32 to index
        %get3A_1366 = arith.constant 16 : index
        %get3A_1367 = tpu.vector_load %arg10[%get3A_1365, %get3A_1366] {strides = array<i32>} : memref<256x32xf32, #tpu.memory_space<vmem>>, vector<16xf32>,
        %get3A_1368 = arith.index_cast %add3A_1355 : i32 to index
        %get3A_1369 = arith.constant 0 : index
        %get3A_1370 = tpu.vector_load %arg11[%get3A_1368, %get3A_1369] {strides = array<i32>} : memref<256x32xf32, #tpu.memory_space<vmem>>, vector<16xf32>,
        %get3A_1371 = arith.index_cast %add3A_1355 : i32 to index
        %get3A_1372 = arith.constant 16 : index
        %get3A_1373 = tpu.vector_load %arg11[%get3A_1371, %get3A_1372] {strides = array<i32>} : memref<256x32xf32, #tpu.memory_space<vmem>>, vector<16xf32>,
        %mul3A_1374 = arith.mulf %get3A_1364, %get3A_1370 : vector<16xf32>
        %add3A_1375 = arith.addf %get3A_1358, %mul3A_1374 : vector<16xf32>
        %mul3A_1376 = arith.mulf %get3A_1367, %get3A_1373 : vector<16xf32>
        %add3A_1377 = arith.addf %get3A_1361, %mul3A_1376 : vector<16xf32>
        %swap3A_1378 = arith.index_cast %add3A_1355 : i32 to index
        %swap3A_1379 = arith.constant 0 : index
        %swap3A_1380 = tpu.vector_load %arg12[%swap3A_1378, %swap3A_1379] {strides = array<i32>} : memref<256x32xf32, #tpu.memory_space<vmem>>, vector<16xf32>,
        tpu.vector_store %arg12[%swap3A_1378, %swap3A_1379], %add3A_1375 {strides = array<i32>} : memref<256x32xf32, #tpu.memory_space<vmem>>, vector<16xf32>,
        %swap3A_1381 = arith.index_cast %add3A_1355 : i32 to index
        %swap3A_1382 = arith.constant 16 : index
        %swap3A_1383 = tpu.vector_load %arg12[%swap3A_1381, %swap3A_1382] {strides = array<i32>} : memref<256x32xf32, #tpu.memory_space<vmem>>, vector<16xf32>,
        tpu.vector_store %arg12[%swap3A_1381, %swap3A_1382], %add3A_1377 {strides = array<i32>} : memref<256x32xf32, #tpu.memory_space<vmem>>, vector<16xf32>,
        %mul3A_1384 = arith.mulf %add3A_1375, %add3A_1375 : vector<16xf32>
        %mul3A_1385 = arith.mulf %get3A_1370, %get3A_1370 : vector<16xf32>
        %sub3A_1386 = arith.subf %mul3A_1384, %mul3A_1385 : vector<16xf32>
        %mul3A_1387 = arith.mulf %add3A_1377, %add3A_1377 : vector<16xf32>
        %mul3A_1388 = arith.mulf %get3A_1373, %get3A_1373 : vector<16xf32>
        %sub3A_1389 = arith.subf %mul3A_1387, %mul3A_1388 : vector<16xf32>
        %add3A_1390 = arith.addf %sub3A_1386, %sub3A_1389 : vector<16xf32>
        %mul3A_1391 = arith.constant 5.000000e-01 : f32
        %mul3A_1392 = vector.broadcast %mul3A_1391 : f32 to vector<16xf32>
        %mul3A_1393 = arith.mulf %mul3A_1392, %add3A_1390 : vector<16xf32>
        %mul3A_1394 = arith.mulf %get3A_1364, %get3A_1367 : vector<16xf32>
        %bitcast_convert_type3A_1395 = tpu.bitcast %mul3A_1394 : vector<16xf32> -> vector<16xi32>
        %shift_right_arithmetic3A_1396 = arith.constant 23 : i32
        %shift_right_arithmetic3A_1397 = vector.broadcast %shift_right_arithmetic3A_1396 : i32 to vector<16xi32>
        %shift_right_arithmetic3A_1398 = arith.shrsi %bitcast_convert_type3A_1395, %shift_right_arithmetic3A_1397 : vector<16xi32>
        %sub3A_1399 = arith.constant 127 : i32
        %sub3A_1400 = vector.broadcast %sub3A_1399 : i32 to vector<16xi32>
        %sub3A_1401 = arith.subi %shift_right_arithmetic3A_1398, %sub3A_1400 : vector<16xi32>
        %and3A_1402 = arith.constant 8388607 : i32
        %and3A_1403 = vector.broadcast %and3A_1402 : i32 to vector<16xi32>
        %and3A_1404 = arith.andi %bitcast_convert_type3A_1395, %and3A_1403 : vector<16xi32>
        %or3A_1405 = arith.constant 1065353216 : i32
        %or3A_1406 = vector.broadcast %or3A_1405 : i32 to vector<16xi32>
        %or3A_1407 = arith.ori %and3A_1404, %or3A_1406 : vector<16xi32>
        %bitcast_convert_type3A_1408 = tpu.bitcast %or3A_1407 : vector<16xi32> -> vector<16xf32>
        %ge3A_1409 = arith.constant 1.41421354 : f32
        %ge3A_1410 = vector.broadcast %ge3A_1409 : f32 to vector<16xf32>
        %ge3A_1411 = arith.cmpf oge, %bitcast_convert_type3A_1408, %ge3A_1410 : vector<16xf32>
        %mul3A_1412 = arith.constant 5.000000e-01 : f32
        %mul3A_1413 = vector.broadcast %mul3A_1412 : f32 to vector<16xf32>
        %mul3A_1414 = arith.mulf %bitcast_convert_type3A_1408, %mul3A_1413 : vector<16xf32>
        %select_n3A_1415 = arith.select %ge3A_1411, %mul3A_1414, %bitcast_convert_type3A_1408 : vector<16xi1>, vector<16xf32>
        %add3A_1416 = arith.constant 1 : i32
        %add3A_1417 = vector.broadcast %add3A_1416 : i32 to vector<16xi32>
        %add3A_1418 = arith.addi %sub3A_1401, %add3A_1417 : vector<16xi32>
        %select_n3A_1419 = arith.select %ge3A_1411, %add3A_1418, %sub3A_1401 : vector<16xi1>, vector<16xi32>
        %sub3A_1420 = arith.constant 1.000000e+00 : f32
        %sub3A_1421 = vector.broadcast %sub3A_1420 : f32 to vector<16xf32>
        %sub3A_1422 = arith.subf %select_n3A_1415, %sub3A_1421 : vector<16xf32>
        %mul3A_1423 = arith.mulf %sub3A_1422, %sub3A_1422 : vector<16xf32>
        %mul3A_1424 = arith.constant 0.0703768358 : f32
        %mul3A_1425 = vector.broadcast %mul3A_1424 : f32 to vector<16xf32>
        %mul3A_1426 = arith.mulf %mul3A_1425, %sub3A_1422 : vector<16xf32>
        %add3A_1427 = arith.constant -0.115146101 : f32
        %add3A_1428 = vector.broadcast %add3A_1427 : f32 to vector<16xf32>
        %add3A_1429 = arith.addf %mul3A_1426, %add3A_1428 : vector<16xf32>
        %mul3A_1430 = arith.mulf %add3A_1429, %sub3A_1422 : vector<16xf32>
        %add3A_1431 = arith.constant 0.116769984 : f32
        %add3A_1432 = vector.broadcast %add3A_1431 : f32 to vector<16xf32>
        %add3A_1433 = arith.addf %mul3A_1430, %add3A_1432 : vector<16xf32>
        %mul3A_1434 = arith.mulf %add3A_1433, %sub3A_1422 : vector<16xf32>
        %add3A_1435 = arith.constant -0.12420141 : f32
        %add3A_1436 = vector.broadcast %add3A_1435 : f32 to vector<16xf32>
        %add3A_1437 = arith.addf %mul3A_1434, %add3A_1436 : vector<16xf32>
        %mul3A_1438 = arith.mulf %add3A_1437, %sub3A_1422 : vector<16xf32>
        %add3A_1439 = arith.constant 0.142493233 : f32
        %add3A_1440 = vector.broadcast %add3A_1439 : f32 to vector<16xf32>
        %add3A_1441 = arith.addf %mul3A_1438, %add3A_1440 : vector<16xf32>
        %mul3A_1442 = arith.mulf %add3A_1441, %sub3A_1422 : vector<16xf32>
        %add3A_1443 = arith.constant -0.166680574 : f32
        %add3A_1444 = vector.broadcast %add3A_1443 : f32 to vector<16xf32>
        %add3A_1445 = arith.addf %mul3A_1442, %add3A_1444 : vector<16xf32>
        %mul3A_1446 = arith.mulf %add3A_1445, %sub3A_1422 : vector<16xf32>
        %add3A_1447 = arith.constant 0.200007141 : f32
        %add3A_1448 = vector.broadcast %add3A_1447 : f32 to vector<16xf32>
        %add3A_1449 = arith.addf %mul3A_1446, %add3A_1448 : vector<16xf32>
        %mul3A_1450 = arith.mulf %add3A_1449, %sub3A_1422 : vector<16xf32>
        %add3A_1451 = arith.constant -0.24999994 : f32
        %add3A_1452 = vector.broadcast %add3A_1451 : f32 to vector<16xf32>
        %add3A_1453 = arith.addf %mul3A_1450, %add3A_1452 : vector<16xf32>
        %mul3A_1454 = arith.mulf %add3A_1453, %sub3A_1422 : vector<16xf32>
        %add3A_1455 = arith.constant 0.333333313 : f32
        %add3A_1456 = vector.broadcast %add3A_1455 : f32 to vector<16xf32>
        %add3A_1457 = arith.addf %mul3A_1454, %add3A_1456 : vector<16xf32>
        %mul3A_1458 = arith.mulf %add3A_1457, %sub3A_1422 : vector<16xf32>
        %mul3A_1459 = arith.mulf %mul3A_1458, %mul3A_1423 : vector<16xf32>
        %mul3A_1460 = arith.constant 5.000000e-01 : f32
        %mul3A_1461 = vector.broadcast %mul3A_1460 : f32 to vector<16xf32>
        %mul3A_1462 = arith.mulf %mul3A_1461, %mul3A_1423 : vector<16xf32>
        %sub3A_1463 = arith.subf %mul3A_1459, %mul3A_1462 : vector<16xf32>
        %add3A_1464 = arith.addf %sub3A_1422, %sub3A_1463 : vector<16xf32>
        %convert_element_type3A_1465 = arith.sitofp %select_n3A_1419 : vector<16xi32> to vector<16xf32>
        %mul3A_1466 = arith.constant 0.693147182 : f32
        %mul3A_1467 = vector.broadcast %mul3A_1466 : f32 to vector<16xf32>
        %mul3A_1468 = arith.mulf %convert_element_type3A_1465, %mul3A_1467 : vector<16xf32>
        %add3A_1469 = arith.addf %add3A_1464, %mul3A_1468 : vector<16xf32>
        %sub3A_1470 = arith.subf %mul3A_1393, %add3A_1469 : vector<16xf32>
        %swap3A_1471 = arith.index_cast %add3A_1355 : i32 to index
        %swap3A_1472 = arith.constant 0 : index
        %swap3A_1473 = tpu.vector_load %arg20[%swap3A_1471, %swap3A_1472] {strides = array<i32>} : memref<256x16xf32, #tpu.memory_space<vmem>>, vector<16xf32>,
        tpu.vector_store %arg20[%swap3A_1471, %swap3A_1472], %sub3A_1470 {strides = array<i32>} : memref<256x16xf32, #tpu.memory_space<vmem>>, vector<16xf32>,
        %mul3A_1474 = arith.constant 16 : i32
        %mul3A_1475 = arith.muli %scan3A_258, %mul3A_1474 : i32
        %add3A_1476 = arith.constant 10 : i32
        %add3A_1477 = arith.addi %mul3A_1475, %add3A_1476 : i32
        %get3A_1478 = arith.index_cast %add3A_1477 : i32 to index
        %get3A_1479 = arith.constant 0 : index
        %get3A_1480 = tpu.vector_load %arg9[%get3A_1478, %get3A_1479] {strides = array<i32>} : memref<256x32xf32, #tpu.memory_space<vmem>>, vector<16xf32>,
        %get3A_1481 = arith.index_cast %add3A_1477 : i32 to index
        %get3A_1482 = arith.constant 16 : index
        %get3A_1483 = tpu.vector_load %arg9[%get3A_1481, %get3A_1482] {strides = array<i32>} : memref<256x32xf32, #tpu.memory_space<vmem>>, vector<16xf32>,
        %get3A_1484 = arith.index_cast %add3A_1477 : i32 to index
        %get3A_1485 = arith.constant 0 : index
        %get3A_1486 = tpu.vector_load %arg10[%get3A_1484, %get3A_1485] {strides = array<i32>} : memref<256x32xf32, #tpu.memory_space<vmem>>, vector<16xf32>,
        %get3A_1487 = arith.index_cast %add3A_1477 : i32 to index
        %get3A_1488 = arith.constant 16 : index
        %get3A_1489 = tpu.vector_load %arg10[%get3A_1487, %get3A_1488] {strides = array<i32>} : memref<256x32xf32, #tpu.memory_space<vmem>>, vector<16xf32>,
        %get3A_1490 = arith.index_cast %add3A_1477 : i32 to index
        %get3A_1491 = arith.constant 0 : index
        %get3A_1492 = tpu.vector_load %arg11[%get3A_1490, %get3A_1491] {strides = array<i32>} : memref<256x32xf32, #tpu.memory_space<vmem>>, vector<16xf32>,
        %get3A_1493 = arith.index_cast %add3A_1477 : i32 to index
        %get3A_1494 = arith.constant 16 : index
        %get3A_1495 = tpu.vector_load %arg11[%get3A_1493, %get3A_1494] {strides = array<i32>} : memref<256x32xf32, #tpu.memory_space<vmem>>, vector<16xf32>,
        %mul3A_1496 = arith.mulf %get3A_1486, %get3A_1492 : vector<16xf32>
        %add3A_1497 = arith.addf %get3A_1480, %mul3A_1496 : vector<16xf32>
        %mul3A_1498 = arith.mulf %get3A_1489, %get3A_1495 : vector<16xf32>
        %add3A_1499 = arith.addf %get3A_1483, %mul3A_1498 : vector<16xf32>
        %swap3A_1500 = arith.index_cast %add3A_1477 : i32 to index
        %swap3A_1501 = arith.constant 0 : index
        %swap3A_1502 = tpu.vector_load %arg12[%swap3A_1500, %swap3A_1501] {strides = array<i32>} : memref<256x32xf32, #tpu.memory_space<vmem>>, vector<16xf32>,
        tpu.vector_store %arg12[%swap3A_1500, %swap3A_1501], %add3A_1497 {strides = array<i32>} : memref<256x32xf32, #tpu.memory_space<vmem>>, vector<16xf32>,
        %swap3A_1503 = arith.index_cast %add3A_1477 : i32 to index
        %swap3A_1504 = arith.constant 16 : index
        %swap3A_1505 = tpu.vector_load %arg12[%swap3A_1503, %swap3A_1504] {strides = array<i32>} : memref<256x32xf32, #tpu.memory_space<vmem>>, vector<16xf32>,
        tpu.vector_store %arg12[%swap3A_1503, %swap3A_1504], %add3A_1499 {strides = array<i32>} : memref<256x32xf32, #tpu.memory_space<vmem>>, vector<16xf32>,
        %mul3A_1506 = arith.mulf %add3A_1497, %add3A_1497 : vector<16xf32>
        %mul3A_1507 = arith.mulf %get3A_1492, %get3A_1492 : vector<16xf32>
        %sub3A_1508 = arith.subf %mul3A_1506, %mul3A_1507 : vector<16xf32>
        %mul3A_1509 = arith.mulf %add3A_1499, %add3A_1499 : vector<16xf32>
        %mul3A_1510 = arith.mulf %get3A_1495, %get3A_1495 : vector<16xf32>
        %sub3A_1511 = arith.subf %mul3A_1509, %mul3A_1510 : vector<16xf32>
        %add3A_1512 = arith.addf %sub3A_1508, %sub3A_1511 : vector<16xf32>
        %mul3A_1513 = arith.constant 5.000000e-01 : f32
        %mul3A_1514 = vector.broadcast %mul3A_1513 : f32 to vector<16xf32>
        %mul3A_1515 = arith.mulf %mul3A_1514, %add3A_1512 : vector<16xf32>
        %mul3A_1516 = arith.mulf %get3A_1486, %get3A_1489 : vector<16xf32>
        %bitcast_convert_type3A_1517 = tpu.bitcast %mul3A_1516 : vector<16xf32> -> vector<16xi32>
        %shift_right_arithmetic3A_1518 = arith.constant 23 : i32
        %shift_right_arithmetic3A_1519 = vector.broadcast %shift_right_arithmetic3A_1518 : i32 to vector<16xi32>
        %shift_right_arithmetic3A_1520 = arith.shrsi %bitcast_convert_type3A_1517, %shift_right_arithmetic3A_1519 : vector<16xi32>
        %sub3A_1521 = arith.constant 127 : i32
        %sub3A_1522 = vector.broadcast %sub3A_1521 : i32 to vector<16xi32>
        %sub3A_1523 = arith.subi %shift_right_arithmetic3A_1520, %sub3A_1522 : vector<16xi32>
        %and3A_1524 = arith.constant 8388607 : i32
        %and3A_1525 = vector.broadcast %and3A_1524 : i32 to vector<16xi32>
        %and3A_1526 = arith.andi %bitcast_convert_type3A_1517, %and3A_1525 : vector<16xi32>
        %or3A_1527 = arith.constant 1065353216 : i32
        %or3A_1528 = vector.broadcast %or3A_1527 : i32 to vector<16xi32>
        %or3A_1529 = arith.ori %and3A_1526, %or3A_1528 : vector<16xi32>
        %bitcast_convert_type3A_1530 = tpu.bitcast %or3A_1529 : vector<16xi32> -> vector<16xf32>
        %ge3A_1531 = arith.constant 1.41421354 : f32
        %ge3A_1532 = vector.broadcast %ge3A_1531 : f32 to vector<16xf32>
        %ge3A_1533 = arith.cmpf oge, %bitcast_convert_type3A_1530, %ge3A_1532 : vector<16xf32>
        %mul3A_1534 = arith.constant 5.000000e-01 : f32
        %mul3A_1535 = vector.broadcast %mul3A_1534 : f32 to vector<16xf32>
        %mul3A_1536 = arith.mulf %bitcast_convert_type3A_1530, %mul3A_1535 : vector<16xf32>
        %select_n3A_1537 = arith.select %ge3A_1533, %mul3A_1536, %bitcast_convert_type3A_1530 : vector<16xi1>, vector<16xf32>
        %add3A_1538 = arith.constant 1 : i32
        %add3A_1539 = vector.broadcast %add3A_1538 : i32 to vector<16xi32>
        %add3A_1540 = arith.addi %sub3A_1523, %add3A_1539 : vector<16xi32>
        %select_n3A_1541 = arith.select %ge3A_1533, %add3A_1540, %sub3A_1523 : vector<16xi1>, vector<16xi32>
        %sub3A_1542 = arith.constant 1.000000e+00 : f32
        %sub3A_1543 = vector.broadcast %sub3A_1542 : f32 to vector<16xf32>
        %sub3A_1544 = arith.subf %select_n3A_1537, %sub3A_1543 : vector<16xf32>
        %mul3A_1545 = arith.mulf %sub3A_1544, %sub3A_1544 : vector<16xf32>
        %mul3A_1546 = arith.constant 0.0703768358 : f32
        %mul3A_1547 = vector.broadcast %mul3A_1546 : f32 to vector<16xf32>
        %mul3A_1548 = arith.mulf %mul3A_1547, %sub3A_1544 : vector<16xf32>
        %add3A_1549 = arith.constant -0.115146101 : f32
        %add3A_1550 = vector.broadcast %add3A_1549 : f32 to vector<16xf32>
        %add3A_1551 = arith.addf %mul3A_1548, %add3A_1550 : vector<16xf32>
        %mul3A_1552 = arith.mulf %add3A_1551, %sub3A_1544 : vector<16xf32>
        %add3A_1553 = arith.constant 0.116769984 : f32
        %add3A_1554 = vector.broadcast %add3A_1553 : f32 to vector<16xf32>
        %add3A_1555 = arith.addf %mul3A_1552, %add3A_1554 : vector<16xf32>
        %mul3A_1556 = arith.mulf %add3A_1555, %sub3A_1544 : vector<16xf32>
        %add3A_1557 = arith.constant -0.12420141 : f32
        %add3A_1558 = vector.broadcast %add3A_1557 : f32 to vector<16xf32>
        %add3A_1559 = arith.addf %mul3A_1556, %add3A_1558 : vector<16xf32>
        %mul3A_1560 = arith.mulf %add3A_1559, %sub3A_1544 : vector<16xf32>
        %add3A_1561 = arith.constant 0.142493233 : f32
        %add3A_1562 = vector.broadcast %add3A_1561 : f32 to vector<16xf32>
        %add3A_1563 = arith.addf %mul3A_1560, %add3A_1562 : vector<16xf32>
        %mul3A_1564 = arith.mulf %add3A_1563, %sub3A_1544 : vector<16xf32>
        %add3A_1565 = arith.constant -0.166680574 : f32
        %add3A_1566 = vector.broadcast %add3A_1565 : f32 to vector<16xf32>
        %add3A_1567 = arith.addf %mul3A_1564, %add3A_1566 : vector<16xf32>
        %mul3A_1568 = arith.mulf %add3A_1567, %sub3A_1544 : vector<16xf32>
        %add3A_1569 = arith.constant 0.200007141 : f32
        %add3A_1570 = vector.broadcast %add3A_1569 : f32 to vector<16xf32>
        %add3A_1571 = arith.addf %mul3A_1568, %add3A_1570 : vector<16xf32>
        %mul3A_1572 = arith.mulf %add3A_1571, %sub3A_1544 : vector<16xf32>
        %add3A_1573 = arith.constant -0.24999994 : f32
        %add3A_1574 = vector.broadcast %add3A_1573 : f32 to vector<16xf32>
        %add3A_1575 = arith.addf %mul3A_1572, %add3A_1574 : vector<16xf32>
        %mul3A_1576 = arith.mulf %add3A_1575, %sub3A_1544 : vector<16xf32>
        %add3A_1577 = arith.constant 0.333333313 : f32
        %add3A_1578 = vector.broadcast %add3A_1577 : f32 to vector<16xf32>
        %add3A_1579 = arith.addf %mul3A_1576, %add3A_1578 : vector<16xf32>
        %mul3A_1580 = arith.mulf %add3A_1579, %sub3A_1544 : vector<16xf32>
        %mul3A_1581 = arith.mulf %mul3A_1580, %mul3A_1545 : vector<16xf32>
        %mul3A_1582 = arith.constant 5.000000e-01 : f32
        %mul3A_1583 = vector.broadcast %mul3A_1582 : f32 to vector<16xf32>
        %mul3A_1584 = arith.mulf %mul3A_1583, %mul3A_1545 : vector<16xf32>
        %sub3A_1585 = arith.subf %mul3A_1581, %mul3A_1584 : vector<16xf32>
        %add3A_1586 = arith.addf %sub3A_1544, %sub3A_1585 : vector<16xf32>
        %convert_element_type3A_1587 = arith.sitofp %select_n3A_1541 : vector<16xi32> to vector<16xf32>
        %mul3A_1588 = arith.constant 0.693147182 : f32
        %mul3A_1589 = vector.broadcast %mul3A_1588 : f32 to vector<16xf32>
        %mul3A_1590 = arith.mulf %convert_element_type3A_1587, %mul3A_1589 : vector<16xf32>
        %add3A_1591 = arith.addf %add3A_1586, %mul3A_1590 : vector<16xf32>
        %sub3A_1592 = arith.subf %mul3A_1515, %add3A_1591 : vector<16xf32>
        %swap3A_1593 = arith.index_cast %add3A_1477 : i32 to index
        %swap3A_1594 = arith.constant 0 : index
        %swap3A_1595 = tpu.vector_load %arg20[%swap3A_1593, %swap3A_1594] {strides = array<i32>} : memref<256x16xf32, #tpu.memory_space<vmem>>, vector<16xf32>,
        tpu.vector_store %arg20[%swap3A_1593, %swap3A_1594], %sub3A_1592 {strides = array<i32>} : memref<256x16xf32, #tpu.memory_space<vmem>>, vector<16xf32>,
        %mul3A_1596 = arith.constant 16 : i32
        %mul3A_1597 = arith.muli %scan3A_258, %mul3A_1596 : i32
        %add3A_1598 = arith.constant 11 : i32
        %add3A_1599 = arith.addi %mul3A_1597, %add3A_1598 : i32
        %get3A_1600 = arith.index_cast %add3A_1599 : i32 to index
        %get3A_1601 = arith.constant 0 : index
        %get3A_1602 = tpu.vector_load %arg9[%get3A_1600, %get3A_1601] {strides = array<i32>} : memref<256x32xf32, #tpu.memory_space<vmem>>, vector<16xf32>,
        %get3A_1603 = arith.index_cast %add3A_1599 : i32 to index
        %get3A_1604 = arith.constant 16 : index
        %get3A_1605 = tpu.vector_load %arg9[%get3A_1603, %get3A_1604] {strides = array<i32>} : memref<256x32xf32, #tpu.memory_space<vmem>>, vector<16xf32>,
        %get3A_1606 = arith.index_cast %add3A_1599 : i32 to index
        %get3A_1607 = arith.constant 0 : index
        %get3A_1608 = tpu.vector_load %arg10[%get3A_1606, %get3A_1607] {strides = array<i32>} : memref<256x32xf32, #tpu.memory_space<vmem>>, vector<16xf32>,
        %get3A_1609 = arith.index_cast %add3A_1599 : i32 to index
        %get3A_1610 = arith.constant 16 : index
        %get3A_1611 = tpu.vector_load %arg10[%get3A_1609, %get3A_1610] {strides = array<i32>} : memref<256x32xf32, #tpu.memory_space<vmem>>, vector<16xf32>,
        %get3A_1612 = arith.index_cast %add3A_1599 : i32 to index
        %get3A_1613 = arith.constant 0 : index
        %get3A_1614 = tpu.vector_load %arg11[%get3A_1612, %get3A_1613] {strides = array<i32>} : memref<256x32xf32, #tpu.memory_space<vmem>>, vector<16xf32>,
        %get3A_1615 = arith.index_cast %add3A_1599 : i32 to index
        %get3A_1616 = arith.constant 16 : index
        %get3A_1617 = tpu.vector_load %arg11[%get3A_1615, %get3A_1616] {strides = array<i32>} : memref<256x32xf32, #tpu.memory_space<vmem>>, vector<16xf32>,
        %mul3A_1618 = arith.mulf %get3A_1608, %get3A_1614 : vector<16xf32>
        %add3A_1619 = arith.addf %get3A_1602, %mul3A_1618 : vector<16xf32>
        %mul3A_1620 = arith.mulf %get3A_1611, %get3A_1617 : vector<16xf32>
        %add3A_1621 = arith.addf %get3A_1605, %mul3A_1620 : vector<16xf32>
        %swap3A_1622 = arith.index_cast %add3A_1599 : i32 to index
        %swap3A_1623 = arith.constant 0 : index
        %swap3A_1624 = tpu.vector_load %arg12[%swap3A_1622, %swap3A_1623] {strides = array<i32>} : memref<256x32xf32, #tpu.memory_space<vmem>>, vector<16xf32>,
        tpu.vector_store %arg12[%swap3A_1622, %swap3A_1623], %add3A_1619 {strides = array<i32>} : memref<256x32xf32, #tpu.memory_space<vmem>>, vector<16xf32>,
        %swap3A_1625 = arith.index_cast %add3A_1599 : i32 to index
        %swap3A_1626 = arith.constant 16 : index
        %swap3A_1627 = tpu.vector_load %arg12[%swap3A_1625, %swap3A_1626] {strides = array<i32>} : memref<256x32xf32, #tpu.memory_space<vmem>>, vector<16xf32>,
        tpu.vector_store %arg12[%swap3A_1625, %swap3A_1626], %add3A_1621 {strides = array<i32>} : memref<256x32xf32, #tpu.memory_space<vmem>>, vector<16xf32>,
        %mul3A_1628 = arith.mulf %add3A_1619, %add3A_1619 : vector<16xf32>
        %mul3A_1629 = arith.mulf %get3A_1614, %get3A_1614 : vector<16xf32>
        %sub3A_1630 = arith.subf %mul3A_1628, %mul3A_1629 : vector<16xf32>
        %mul3A_1631 = arith.mulf %add3A_1621, %add3A_1621 : vector<16xf32>
        %mul3A_1632 = arith.mulf %get3A_1617, %get3A_1617 : vector<16xf32>
        %sub3A_1633 = arith.subf %mul3A_1631, %mul3A_1632 : vector<16xf32>
        %add3A_1634 = arith.addf %sub3A_1630, %sub3A_1633 : vector<16xf32>
        %mul3A_1635 = arith.constant 5.000000e-01 : f32
        %mul3A_1636 = vector.broadcast %mul3A_1635 : f32 to vector<16xf32>
        %mul3A_1637 = arith.mulf %mul3A_1636, %add3A_1634 : vector<16xf32>
        %mul3A_1638 = arith.mulf %get3A_1608, %get3A_1611 : vector<16xf32>
        %bitcast_convert_type3A_1639 = tpu.bitcast %mul3A_1638 : vector<16xf32> -> vector<16xi32>
        %shift_right_arithmetic3A_1640 = arith.constant 23 : i32
        %shift_right_arithmetic3A_1641 = vector.broadcast %shift_right_arithmetic3A_1640 : i32 to vector<16xi32>
        %shift_right_arithmetic3A_1642 = arith.shrsi %bitcast_convert_type3A_1639, %shift_right_arithmetic3A_1641 : vector<16xi32>
        %sub3A_1643 = arith.constant 127 : i32
        %sub3A_1644 = vector.broadcast %sub3A_1643 : i32 to vector<16xi32>
        %sub3A_1645 = arith.subi %shift_right_arithmetic3A_1642, %sub3A_1644 : vector<16xi32>
        %and3A_1646 = arith.constant 8388607 : i32
        %and3A_1647 = vector.broadcast %and3A_1646 : i32 to vector<16xi32>
        %and3A_1648 = arith.andi %bitcast_convert_type3A_1639, %and3A_1647 : vector<16xi32>
        %or3A_1649 = arith.constant 1065353216 : i32
        %or3A_1650 = vector.broadcast %or3A_1649 : i32 to vector<16xi32>
        %or3A_1651 = arith.ori %and3A_1648, %or3A_1650 : vector<16xi32>
        %bitcast_convert_type3A_1652 = tpu.bitcast %or3A_1651 : vector<16xi32> -> vector<16xf32>
        %ge3A_1653 = arith.constant 1.41421354 : f32
        %ge3A_1654 = vector.broadcast %ge3A_1653 : f32 to vector<16xf32>
        %ge3A_1655 = arith.cmpf oge, %bitcast_convert_type3A_1652, %ge3A_1654 : vector<16xf32>
        %mul3A_1656 = arith.constant 5.000000e-01 : f32
        %mul3A_1657 = vector.broadcast %mul3A_1656 : f32 to vector<16xf32>
        %mul3A_1658 = arith.mulf %bitcast_convert_type3A_1652, %mul3A_1657 : vector<16xf32>
        %select_n3A_1659 = arith.select %ge3A_1655, %mul3A_1658, %bitcast_convert_type3A_1652 : vector<16xi1>, vector<16xf32>
        %add3A_1660 = arith.constant 1 : i32
        %add3A_1661 = vector.broadcast %add3A_1660 : i32 to vector<16xi32>
        %add3A_1662 = arith.addi %sub3A_1645, %add3A_1661 : vector<16xi32>
        %select_n3A_1663 = arith.select %ge3A_1655, %add3A_1662, %sub3A_1645 : vector<16xi1>, vector<16xi32>
        %sub3A_1664 = arith.constant 1.000000e+00 : f32
        %sub3A_1665 = vector.broadcast %sub3A_1664 : f32 to vector<16xf32>
        %sub3A_1666 = arith.subf %select_n3A_1659, %sub3A_1665 : vector<16xf32>
        %mul3A_1667 = arith.mulf %sub3A_1666, %sub3A_1666 : vector<16xf32>
        %mul3A_1668 = arith.constant 0.0703768358 : f32
        %mul3A_1669 = vector.broadcast %mul3A_1668 : f32 to vector<16xf32>
        %mul3A_1670 = arith.mulf %mul3A_1669, %sub3A_1666 : vector<16xf32>
        %add3A_1671 = arith.constant -0.115146101 : f32
        %add3A_1672 = vector.broadcast %add3A_1671 : f32 to vector<16xf32>
        %add3A_1673 = arith.addf %mul3A_1670, %add3A_1672 : vector<16xf32>
        %mul3A_1674 = arith.mulf %add3A_1673, %sub3A_1666 : vector<16xf32>
        %add3A_1675 = arith.constant 0.116769984 : f32
        %add3A_1676 = vector.broadcast %add3A_1675 : f32 to vector<16xf32>
        %add3A_1677 = arith.addf %mul3A_1674, %add3A_1676 : vector<16xf32>
        %mul3A_1678 = arith.mulf %add3A_1677, %sub3A_1666 : vector<16xf32>
        %add3A_1679 = arith.constant -0.12420141 : f32
        %add3A_1680 = vector.broadcast %add3A_1679 : f32 to vector<16xf32>
        %add3A_1681 = arith.addf %mul3A_1678, %add3A_1680 : vector<16xf32>
        %mul3A_1682 = arith.mulf %add3A_1681, %sub3A_1666 : vector<16xf32>
        %add3A_1683 = arith.constant 0.142493233 : f32
        %add3A_1684 = vector.broadcast %add3A_1683 : f32 to vector<16xf32>
        %add3A_1685 = arith.addf %mul3A_1682, %add3A_1684 : vector<16xf32>
        %mul3A_1686 = arith.mulf %add3A_1685, %sub3A_1666 : vector<16xf32>
        %add3A_1687 = arith.constant -0.166680574 : f32
        %add3A_1688 = vector.broadcast %add3A_1687 : f32 to vector<16xf32>
        %add3A_1689 = arith.addf %mul3A_1686, %add3A_1688 : vector<16xf32>
        %mul3A_1690 = arith.mulf %add3A_1689, %sub3A_1666 : vector<16xf32>
        %add3A_1691 = arith.constant 0.200007141 : f32
        %add3A_1692 = vector.broadcast %add3A_1691 : f32 to vector<16xf32>
        %add3A_1693 = arith.addf %mul3A_1690, %add3A_1692 : vector<16xf32>
        %mul3A_1694 = arith.mulf %add3A_1693, %sub3A_1666 : vector<16xf32>
        %add3A_1695 = arith.constant -0.24999994 : f32
        %add3A_1696 = vector.broadcast %add3A_1695 : f32 to vector<16xf32>
        %add3A_1697 = arith.addf %mul3A_1694, %add3A_1696 : vector<16xf32>
        %mul3A_1698 = arith.mulf %add3A_1697, %sub3A_1666 : vector<16xf32>
        %add3A_1699 = arith.constant 0.333333313 : f32
        %add3A_1700 = vector.broadcast %add3A_1699 : f32 to vector<16xf32>
        %add3A_1701 = arith.addf %mul3A_1698, %add3A_1700 : vector<16xf32>
        %mul3A_1702 = arith.mulf %add3A_1701, %sub3A_1666 : vector<16xf32>
        %mul3A_1703 = arith.mulf %mul3A_1702, %mul3A_1667 : vector<16xf32>
        %mul3A_1704 = arith.constant 5.000000e-01 : f32
        %mul3A_1705 = vector.broadcast %mul3A_1704 : f32 to vector<16xf32>
        %mul3A_1706 = arith.mulf %mul3A_1705, %mul3A_1667 : vector<16xf32>
        %sub3A_1707 = arith.subf %mul3A_1703, %mul3A_1706 : vector<16xf32>
        %add3A_1708 = arith.addf %sub3A_1666, %sub3A_1707 : vector<16xf32>
        %convert_element_type3A_1709 = arith.sitofp %select_n3A_1663 : vector<16xi32> to vector<16xf32>
        %mul3A_1710 = arith.constant 0.693147182 : f32
        %mul3A_1711 = vector.broadcast %mul3A_1710 : f32 to vector<16xf32>
        %mul3A_1712 = arith.mulf %convert_element_type3A_1709, %mul3A_1711 : vector<16xf32>
        %add3A_1713 = arith.addf %add3A_1708, %mul3A_1712 : vector<16xf32>
        %sub3A_1714 = arith.subf %mul3A_1637, %add3A_1713 : vector<16xf32>
        %swap3A_1715 = arith.index_cast %add3A_1599 : i32 to index
        %swap3A_1716 = arith.constant 0 : index
        %swap3A_1717 = tpu.vector_load %arg20[%swap3A_1715, %swap3A_1716] {strides = array<i32>} : memref<256x16xf32, #tpu.memory_space<vmem>>, vector<16xf32>,
        tpu.vector_store %arg20[%swap3A_1715, %swap3A_1716], %sub3A_1714 {strides = array<i32>} : memref<256x16xf32, #tpu.memory_space<vmem>>, vector<16xf32>,
        %mul3A_1718 = arith.constant 16 : i32
        %mul3A_1719 = arith.muli %scan3A_258, %mul3A_1718 : i32
        %add3A_1720 = arith.constant 12 : i32
        %add3A_1721 = arith.addi %mul3A_1719, %add3A_1720 : i32
        %get3A_1722 = arith.index_cast %add3A_1721 : i32 to index
        %get3A_1723 = arith.constant 0 : index
        %get3A_1724 = tpu.vector_load %arg9[%get3A_1722, %get3A_1723] {strides = array<i32>} : memref<256x32xf32, #tpu.memory_space<vmem>>, vector<16xf32>,
        %get3A_1725 = arith.index_cast %add3A_1721 : i32 to index
        %get3A_1726 = arith.constant 16 : index
        %get3A_1727 = tpu.vector_load %arg9[%get3A_1725, %get3A_1726] {strides = array<i32>} : memref<256x32xf32, #tpu.memory_space<vmem>>, vector<16xf32>,
        %get3A_1728 = arith.index_cast %add3A_1721 : i32 to index
        %get3A_1729 = arith.constant 0 : index
        %get3A_1730 = tpu.vector_load %arg10[%get3A_1728, %get3A_1729] {strides = array<i32>} : memref<256x32xf32, #tpu.memory_space<vmem>>, vector<16xf32>,
        %get3A_1731 = arith.index_cast %add3A_1721 : i32 to index
        %get3A_1732 = arith.constant 16 : index
        %get3A_1733 = tpu.vector_load %arg10[%get3A_1731, %get3A_1732] {strides = array<i32>} : memref<256x32xf32, #tpu.memory_space<vmem>>, vector<16xf32>,
        %get3A_1734 = arith.index_cast %add3A_1721 : i32 to index
        %get3A_1735 = arith.constant 0 : index
        %get3A_1736 = tpu.vector_load %arg11[%get3A_1734, %get3A_1735] {strides = array<i32>} : memref<256x32xf32, #tpu.memory_space<vmem>>, vector<16xf32>,
        %get3A_1737 = arith.index_cast %add3A_1721 : i32 to index
        %get3A_1738 = arith.constant 16 : index
        %get3A_1739 = tpu.vector_load %arg11[%get3A_1737, %get3A_1738] {strides = array<i32>} : memref<256x32xf32, #tpu.memory_space<vmem>>, vector<16xf32>,
        %mul3A_1740 = arith.mulf %get3A_1730, %get3A_1736 : vector<16xf32>
        %add3A_1741 = arith.addf %get3A_1724, %mul3A_1740 : vector<16xf32>
        %mul3A_1742 = arith.mulf %get3A_1733, %get3A_1739 : vector<16xf32>
        %add3A_1743 = arith.addf %get3A_1727, %mul3A_1742 : vector<16xf32>
        %swap3A_1744 = arith.index_cast %add3A_1721 : i32 to index
        %swap3A_1745 = arith.constant 0 : index
        %swap3A_1746 = tpu.vector_load %arg12[%swap3A_1744, %swap3A_1745] {strides = array<i32>} : memref<256x32xf32, #tpu.memory_space<vmem>>, vector<16xf32>,
        tpu.vector_store %arg12[%swap3A_1744, %swap3A_1745], %add3A_1741 {strides = array<i32>} : memref<256x32xf32, #tpu.memory_space<vmem>>, vector<16xf32>,
        %swap3A_1747 = arith.index_cast %add3A_1721 : i32 to index
        %swap3A_1748 = arith.constant 16 : index
        %swap3A_1749 = tpu.vector_load %arg12[%swap3A_1747, %swap3A_1748] {strides = array<i32>} : memref<256x32xf32, #tpu.memory_space<vmem>>, vector<16xf32>,
        tpu.vector_store %arg12[%swap3A_1747, %swap3A_1748], %add3A_1743 {strides = array<i32>} : memref<256x32xf32, #tpu.memory_space<vmem>>, vector<16xf32>,
        %mul3A_1750 = arith.mulf %add3A_1741, %add3A_1741 : vector<16xf32>
        %mul3A_1751 = arith.mulf %get3A_1736, %get3A_1736 : vector<16xf32>
        %sub3A_1752 = arith.subf %mul3A_1750, %mul3A_1751 : vector<16xf32>
        %mul3A_1753 = arith.mulf %add3A_1743, %add3A_1743 : vector<16xf32>
        %mul3A_1754 = arith.mulf %get3A_1739, %get3A_1739 : vector<16xf32>
        %sub3A_1755 = arith.subf %mul3A_1753, %mul3A_1754 : vector<16xf32>
        %add3A_1756 = arith.addf %sub3A_1752, %sub3A_1755 : vector<16xf32>
        %mul3A_1757 = arith.constant 5.000000e-01 : f32
        %mul3A_1758 = vector.broadcast %mul3A_1757 : f32 to vector<16xf32>
        %mul3A_1759 = arith.mulf %mul3A_1758, %add3A_1756 : vector<16xf32>
        %mul3A_1760 = arith.mulf %get3A_1730, %get3A_1733 : vector<16xf32>
        %bitcast_convert_type3A_1761 = tpu.bitcast %mul3A_1760 : vector<16xf32> -> vector<16xi32>
        %shift_right_arithmetic3A_1762 = arith.constant 23 : i32
        %shift_right_arithmetic3A_1763 = vector.broadcast %shift_right_arithmetic3A_1762 : i32 to vector<16xi32>
        %shift_right_arithmetic3A_1764 = arith.shrsi %bitcast_convert_type3A_1761, %shift_right_arithmetic3A_1763 : vector<16xi32>
        %sub3A_1765 = arith.constant 127 : i32
        %sub3A_1766 = vector.broadcast %sub3A_1765 : i32 to vector<16xi32>
        %sub3A_1767 = arith.subi %shift_right_arithmetic3A_1764, %sub3A_1766 : vector<16xi32>
        %and3A_1768 = arith.constant 8388607 : i32
        %and3A_1769 = vector.broadcast %and3A_1768 : i32 to vector<16xi32>
        %and3A_1770 = arith.andi %bitcast_convert_type3A_1761, %and3A_1769 : vector<16xi32>
        %or3A_1771 = arith.constant 1065353216 : i32
        %or3A_1772 = vector.broadcast %or3A_1771 : i32 to vector<16xi32>
        %or3A_1773 = arith.ori %and3A_1770, %or3A_1772 : vector<16xi32>
        %bitcast_convert_type3A_1774 = tpu.bitcast %or3A_1773 : vector<16xi32> -> vector<16xf32>
        %ge3A_1775 = arith.constant 1.41421354 : f32
        %ge3A_1776 = vector.broadcast %ge3A_1775 : f32 to vector<16xf32>
        %ge3A_1777 = arith.cmpf oge, %bitcast_convert_type3A_1774, %ge3A_1776 : vector<16xf32>
        %mul3A_1778 = arith.constant 5.000000e-01 : f32
        %mul3A_1779 = vector.broadcast %mul3A_1778 : f32 to vector<16xf32>
        %mul3A_1780 = arith.mulf %bitcast_convert_type3A_1774, %mul3A_1779 : vector<16xf32>
        %select_n3A_1781 = arith.select %ge3A_1777, %mul3A_1780, %bitcast_convert_type3A_1774 : vector<16xi1>, vector<16xf32>
        %add3A_1782 = arith.constant 1 : i32
        %add3A_1783 = vector.broadcast %add3A_1782 : i32 to vector<16xi32>
        %add3A_1784 = arith.addi %sub3A_1767, %add3A_1783 : vector<16xi32>
        %select_n3A_1785 = arith.select %ge3A_1777, %add3A_1784, %sub3A_1767 : vector<16xi1>, vector<16xi32>
        %sub3A_1786 = arith.constant 1.000000e+00 : f32
        %sub3A_1787 = vector.broadcast %sub3A_1786 : f32 to vector<16xf32>
        %sub3A_1788 = arith.subf %select_n3A_1781, %sub3A_1787 : vector<16xf32>
        %mul3A_1789 = arith.mulf %sub3A_1788, %sub3A_1788 : vector<16xf32>
        %mul3A_1790 = arith.constant 0.0703768358 : f32
        %mul3A_1791 = vector.broadcast %mul3A_1790 : f32 to vector<16xf32>
        %mul3A_1792 = arith.mulf %mul3A_1791, %sub3A_1788 : vector<16xf32>
        %add3A_1793 = arith.constant -0.115146101 : f32
        %add3A_1794 = vector.broadcast %add3A_1793 : f32 to vector<16xf32>
        %add3A_1795 = arith.addf %mul3A_1792, %add3A_1794 : vector<16xf32>
        %mul3A_1796 = arith.mulf %add3A_1795, %sub3A_1788 : vector<16xf32>
        %add3A_1797 = arith.constant 0.116769984 : f32
        %add3A_1798 = vector.broadcast %add3A_1797 : f32 to vector<16xf32>
        %add3A_1799 = arith.addf %mul3A_1796, %add3A_1798 : vector<16xf32>
        %mul3A_1800 = arith.mulf %add3A_1799, %sub3A_1788 : vector<16xf32>
        %add3A_1801 = arith.constant -0.12420141 : f32
        %add3A_1802 = vector.broadcast %add3A_1801 : f32 to vector<16xf32>
        %add3A_1803 = arith.addf %mul3A_1800, %add3A_1802 : vector<16xf32>
        %mul3A_1804 = arith.mulf %add3A_1803, %sub3A_1788 : vector<16xf32>
        %add3A_1805 = arith.constant 0.142493233 : f32
        %add3A_1806 = vector.broadcast %add3A_1805 : f32 to vector<16xf32>
        %add3A_1807 = arith.addf %mul3A_1804, %add3A_1806 : vector<16xf32>
        %mul3A_1808 = arith.mulf %add3A_1807, %sub3A_1788 : vector<16xf32>
        %add3A_1809 = arith.constant -0.166680574 : f32
        %add3A_1810 = vector.broadcast %add3A_1809 : f32 to vector<16xf32>
        %add3A_1811 = arith.addf %mul3A_1808, %add3A_1810 : vector<16xf32>
        %mul3A_1812 = arith.mulf %add3A_1811, %sub3A_1788 : vector<16xf32>
        %add3A_1813 = arith.constant 0.200007141 : f32
        %add3A_1814 = vector.broadcast %add3A_1813 : f32 to vector<16xf32>
        %add3A_1815 = arith.addf %mul3A_1812, %add3A_1814 : vector<16xf32>
        %mul3A_1816 = arith.mulf %add3A_1815, %sub3A_1788 : vector<16xf32>
        %add3A_1817 = arith.constant -0.24999994 : f32
        %add3A_1818 = vector.broadcast %add3A_1817 : f32 to vector<16xf32>
        %add3A_1819 = arith.addf %mul3A_1816, %add3A_1818 : vector<16xf32>
        %mul3A_1820 = arith.mulf %add3A_1819, %sub3A_1788 : vector<16xf32>
        %add3A_1821 = arith.constant 0.333333313 : f32
        %add3A_1822 = vector.broadcast %add3A_1821 : f32 to vector<16xf32>
        %add3A_1823 = arith.addf %mul3A_1820, %add3A_1822 : vector<16xf32>
        %mul3A_1824 = arith.mulf %add3A_1823, %sub3A_1788 : vector<16xf32>
        %mul3A_1825 = arith.mulf %mul3A_1824, %mul3A_1789 : vector<16xf32>
        %mul3A_1826 = arith.constant 5.000000e-01 : f32
        %mul3A_1827 = vector.broadcast %mul3A_1826 : f32 to vector<16xf32>
        %mul3A_1828 = arith.mulf %mul3A_1827, %mul3A_1789 : vector<16xf32>
        %sub3A_1829 = arith.subf %mul3A_1825, %mul3A_1828 : vector<16xf32>
        %add3A_1830 = arith.addf %sub3A_1788, %sub3A_1829 : vector<16xf32>
        %convert_element_type3A_1831 = arith.sitofp %select_n3A_1785 : vector<16xi32> to vector<16xf32>
        %mul3A_1832 = arith.constant 0.693147182 : f32
        %mul3A_1833 = vector.broadcast %mul3A_1832 : f32 to vector<16xf32>
        %mul3A_1834 = arith.mulf %convert_element_type3A_1831, %mul3A_1833 : vector<16xf32>
        %add3A_1835 = arith.addf %add3A_1830, %mul3A_1834 : vector<16xf32>
        %sub3A_1836 = arith.subf %mul3A_1759, %add3A_1835 : vector<16xf32>
        %swap3A_1837 = arith.index_cast %add3A_1721 : i32 to index
        %swap3A_1838 = arith.constant 0 : index
        %swap3A_1839 = tpu.vector_load %arg20[%swap3A_1837, %swap3A_1838] {strides = array<i32>} : memref<256x16xf32, #tpu.memory_space<vmem>>, vector<16xf32>,
        tpu.vector_store %arg20[%swap3A_1837, %swap3A_1838], %sub3A_1836 {strides = array<i32>} : memref<256x16xf32, #tpu.memory_space<vmem>>, vector<16xf32>,
        %mul3A_1840 = arith.constant 16 : i32
        %mul3A_1841 = arith.muli %scan3A_258, %mul3A_1840 : i32
        %add3A_1842 = arith.constant 13 : i32
        %add3A_1843 = arith.addi %mul3A_1841, %add3A_1842 : i32
        %get3A_1844 = arith.index_cast %add3A_1843 : i32 to index
        %get3A_1845 = arith.constant 0 : index
        %get3A_1846 = tpu.vector_load %arg9[%get3A_1844, %get3A_1845] {strides = array<i32>} : memref<256x32xf32, #tpu.memory_space<vmem>>, vector<16xf32>,
        %get3A_1847 = arith.index_cast %add3A_1843 : i32 to index
        %get3A_1848 = arith.constant 16 : index
        %get3A_1849 = tpu.vector_load %arg9[%get3A_1847, %get3A_1848] {strides = array<i32>} : memref<256x32xf32, #tpu.memory_space<vmem>>, vector<16xf32>,
        %get3A_1850 = arith.index_cast %add3A_1843 : i32 to index
        %get3A_1851 = arith.constant 0 : index
        %get3A_1852 = tpu.vector_load %arg10[%get3A_1850, %get3A_1851] {strides = array<i32>} : memref<256x32xf32, #tpu.memory_space<vmem>>, vector<16xf32>,
        %get3A_1853 = arith.index_cast %add3A_1843 : i32 to index
        %get3A_1854 = arith.constant 16 : index
        %get3A_1855 = tpu.vector_load %arg10[%get3A_1853, %get3A_1854] {strides = array<i32>} : memref<256x32xf32, #tpu.memory_space<vmem>>, vector<16xf32>,
        %get3A_1856 = arith.index_cast %add3A_1843 : i32 to index
        %get3A_1857 = arith.constant 0 : index
        %get3A_1858 = tpu.vector_load %arg11[%get3A_1856, %get3A_1857] {strides = array<i32>} : memref<256x32xf32, #tpu.memory_space<vmem>>, vector<16xf32>,
        %get3A_1859 = arith.index_cast %add3A_1843 : i32 to index
        %get3A_1860 = arith.constant 16 : index
        %get3A_1861 = tpu.vector_load %arg11[%get3A_1859, %get3A_1860] {strides = array<i32>} : memref<256x32xf32, #tpu.memory_space<vmem>>, vector<16xf32>,
        %mul3A_1862 = arith.mulf %get3A_1852, %get3A_1858 : vector<16xf32>
        %add3A_1863 = arith.addf %get3A_1846, %mul3A_1862 : vector<16xf32>
        %mul3A_1864 = arith.mulf %get3A_1855, %get3A_1861 : vector<16xf32>
        %add3A_1865 = arith.addf %get3A_1849, %mul3A_1864 : vector<16xf32>
        %swap3A_1866 = arith.index_cast %add3A_1843 : i32 to index
        %swap3A_1867 = arith.constant 0 : index
        %swap3A_1868 = tpu.vector_load %arg12[%swap3A_1866, %swap3A_1867] {strides = array<i32>} : memref<256x32xf32, #tpu.memory_space<vmem>>, vector<16xf32>,
        tpu.vector_store %arg12[%swap3A_1866, %swap3A_1867], %add3A_1863 {strides = array<i32>} : memref<256x32xf32, #tpu.memory_space<vmem>>, vector<16xf32>,
        %swap3A_1869 = arith.index_cast %add3A_1843 : i32 to index
        %swap3A_1870 = arith.constant 16 : index
        %swap3A_1871 = tpu.vector_load %arg12[%swap3A_1869, %swap3A_1870] {strides = array<i32>} : memref<256x32xf32, #tpu.memory_space<vmem>>, vector<16xf32>,
        tpu.vector_store %arg12[%swap3A_1869, %swap3A_1870], %add3A_1865 {strides = array<i32>} : memref<256x32xf32, #tpu.memory_space<vmem>>, vector<16xf32>,
        %mul3A_1872 = arith.mulf %add3A_1863, %add3A_1863 : vector<16xf32>
        %mul3A_1873 = arith.mulf %get3A_1858, %get3A_1858 : vector<16xf32>
        %sub3A_1874 = arith.subf %mul3A_1872, %mul3A_1873 : vector<16xf32>
        %mul3A_1875 = arith.mulf %add3A_1865, %add3A_1865 : vector<16xf32>
        %mul3A_1876 = arith.mulf %get3A_1861, %get3A_1861 : vector<16xf32>
        %sub3A_1877 = arith.subf %mul3A_1875, %mul3A_1876 : vector<16xf32>
        %add3A_1878 = arith.addf %sub3A_1874, %sub3A_1877 : vector<16xf32>
        %mul3A_1879 = arith.constant 5.000000e-01 : f32
        %mul3A_1880 = vector.broadcast %mul3A_1879 : f32 to vector<16xf32>
        %mul3A_1881 = arith.mulf %mul3A_1880, %add3A_1878 : vector<16xf32>
        %mul3A_1882 = arith.mulf %get3A_1852, %get3A_1855 : vector<16xf32>
        %bitcast_convert_type3A_1883 = tpu.bitcast %mul3A_1882 : vector<16xf32> -> vector<16xi32>
        %shift_right_arithmetic3A_1884 = arith.constant 23 : i32
        %shift_right_arithmetic3A_1885 = vector.broadcast %shift_right_arithmetic3A_1884 : i32 to vector<16xi32>
        %shift_right_arithmetic3A_1886 = arith.shrsi %bitcast_convert_type3A_1883, %shift_right_arithmetic3A_1885 : vector<16xi32>
        %sub3A_1887 = arith.constant 127 : i32
        %sub3A_1888 = vector.broadcast %sub3A_1887 : i32 to vector<16xi32>
        %sub3A_1889 = arith.subi %shift_right_arithmetic3A_1886, %sub3A_1888 : vector<16xi32>
        %and3A_1890 = arith.constant 8388607 : i32
        %and3A_1891 = vector.broadcast %and3A_1890 : i32 to vector<16xi32>
        %and3A_1892 = arith.andi %bitcast_convert_type3A_1883, %and3A_1891 : vector<16xi32>
        %or3A_1893 = arith.constant 1065353216 : i32
        %or3A_1894 = vector.broadcast %or3A_1893 : i32 to vector<16xi32>
        %or3A_1895 = arith.ori %and3A_1892, %or3A_1894 : vector<16xi32>
        %bitcast_convert_type3A_1896 = tpu.bitcast %or3A_1895 : vector<16xi32> -> vector<16xf32>
        %ge3A_1897 = arith.constant 1.41421354 : f32
        %ge3A_1898 = vector.broadcast %ge3A_1897 : f32 to vector<16xf32>
        %ge3A_1899 = arith.cmpf oge, %bitcast_convert_type3A_1896, %ge3A_1898 : vector<16xf32>
        %mul3A_1900 = arith.constant 5.000000e-01 : f32
        %mul3A_1901 = vector.broadcast %mul3A_1900 : f32 to vector<16xf32>
        %mul3A_1902 = arith.mulf %bitcast_convert_type3A_1896, %mul3A_1901 : vector<16xf32>
        %select_n3A_1903 = arith.select %ge3A_1899, %mul3A_1902, %bitcast_convert_type3A_1896 : vector<16xi1>, vector<16xf32>
        %add3A_1904 = arith.constant 1 : i32
        %add3A_1905 = vector.broadcast %add3A_1904 : i32 to vector<16xi32>
        %add3A_1906 = arith.addi %sub3A_1889, %add3A_1905 : vector<16xi32>
        %select_n3A_1907 = arith.select %ge3A_1899, %add3A_1906, %sub3A_1889 : vector<16xi1>, vector<16xi32>
        %sub3A_1908 = arith.constant 1.000000e+00 : f32
        %sub3A_1909 = vector.broadcast %sub3A_1908 : f32 to vector<16xf32>
        %sub3A_1910 = arith.subf %select_n3A_1903, %sub3A_1909 : vector<16xf32>
        %mul3A_1911 = arith.mulf %sub3A_1910, %sub3A_1910 : vector<16xf32>
        %mul3A_1912 = arith.constant 0.0703768358 : f32
        %mul3A_1913 = vector.broadcast %mul3A_1912 : f32 to vector<16xf32>
        %mul3A_1914 = arith.mulf %mul3A_1913, %sub3A_1910 : vector<16xf32>
        %add3A_1915 = arith.constant -0.115146101 : f32
        %add3A_1916 = vector.broadcast %add3A_1915 : f32 to vector<16xf32>
        %add3A_1917 = arith.addf %mul3A_1914, %add3A_1916 : vector<16xf32>
        %mul3A_1918 = arith.mulf %add3A_1917, %sub3A_1910 : vector<16xf32>
        %add3A_1919 = arith.constant 0.116769984 : f32
        %add3A_1920 = vector.broadcast %add3A_1919 : f32 to vector<16xf32>
        %add3A_1921 = arith.addf %mul3A_1918, %add3A_1920 : vector<16xf32>
        %mul3A_1922 = arith.mulf %add3A_1921, %sub3A_1910 : vector<16xf32>
        %add3A_1923 = arith.constant -0.12420141 : f32
        %add3A_1924 = vector.broadcast %add3A_1923 : f32 to vector<16xf32>
        %add3A_1925 = arith.addf %mul3A_1922, %add3A_1924 : vector<16xf32>
        %mul3A_1926 = arith.mulf %add3A_1925, %sub3A_1910 : vector<16xf32>
        %add3A_1927 = arith.constant 0.142493233 : f32
        %add3A_1928 = vector.broadcast %add3A_1927 : f32 to vector<16xf32>
        %add3A_1929 = arith.addf %mul3A_1926, %add3A_1928 : vector<16xf32>
        %mul3A_1930 = arith.mulf %add3A_1929, %sub3A_1910 : vector<16xf32>
        %add3A_1931 = arith.constant -0.166680574 : f32
        %add3A_1932 = vector.broadcast %add3A_1931 : f32 to vector<16xf32>
        %add3A_1933 = arith.addf %mul3A_1930, %add3A_1932 : vector<16xf32>
        %mul3A_1934 = arith.mulf %add3A_1933, %sub3A_1910 : vector<16xf32>
        %add3A_1935 = arith.constant 0.200007141 : f32
        %add3A_1936 = vector.broadcast %add3A_1935 : f32 to vector<16xf32>
        %add3A_1937 = arith.addf %mul3A_1934, %add3A_1936 : vector<16xf32>
        %mul3A_1938 = arith.mulf %add3A_1937, %sub3A_1910 : vector<16xf32>
        %add3A_1939 = arith.constant -0.24999994 : f32
        %add3A_1940 = vector.broadcast %add3A_1939 : f32 to vector<16xf32>
        %add3A_1941 = arith.addf %mul3A_1938, %add3A_1940 : vector<16xf32>
        %mul3A_1942 = arith.mulf %add3A_1941, %sub3A_1910 : vector<16xf32>
        %add3A_1943 = arith.constant 0.333333313 : f32
        %add3A_1944 = vector.broadcast %add3A_1943 : f32 to vector<16xf32>
        %add3A_1945 = arith.addf %mul3A_1942, %add3A_1944 : vector<16xf32>
        %mul3A_1946 = arith.mulf %add3A_1945, %sub3A_1910 : vector<16xf32>
        %mul3A_1947 = arith.mulf %mul3A_1946, %mul3A_1911 : vector<16xf32>
        %mul3A_1948 = arith.constant 5.000000e-01 : f32
        %mul3A_1949 = vector.broadcast %mul3A_1948 : f32 to vector<16xf32>
        %mul3A_1950 = arith.mulf %mul3A_1949, %mul3A_1911 : vector<16xf32>
        %sub3A_1951 = arith.subf %mul3A_1947, %mul3A_1950 : vector<16xf32>
        %add3A_1952 = arith.addf %sub3A_1910, %sub3A_1951 : vector<16xf32>
        %convert_element_type3A_1953 = arith.sitofp %select_n3A_1907 : vector<16xi32> to vector<16xf32>
        %mul3A_1954 = arith.constant 0.693147182 : f32
        %mul3A_1955 = vector.broadcast %mul3A_1954 : f32 to vector<16xf32>
        %mul3A_1956 = arith.mulf %convert_element_type3A_1953, %mul3A_1955 : vector<16xf32>
        %add3A_1957 = arith.addf %add3A_1952, %mul3A_1956 : vector<16xf32>
        %sub3A_1958 = arith.subf %mul3A_1881, %add3A_1957 : vector<16xf32>
        %swap3A_1959 = arith.index_cast %add3A_1843 : i32 to index
        %swap3A_1960 = arith.constant 0 : index
        %swap3A_1961 = tpu.vector_load %arg20[%swap3A_1959, %swap3A_1960] {strides = array<i32>} : memref<256x16xf32, #tpu.memory_space<vmem>>, vector<16xf32>,
        tpu.vector_store %arg20[%swap3A_1959, %swap3A_1960], %sub3A_1958 {strides = array<i32>} : memref<256x16xf32, #tpu.memory_space<vmem>>, vector<16xf32>,
        %mul3A_1962 = arith.constant 16 : i32
        %mul3A_1963 = arith.muli %scan3A_258, %mul3A_1962 : i32
        %add3A_1964 = arith.constant 14 : i32
        %add3A_1965 = arith.addi %mul3A_1963, %add3A_1964 : i32
        %get3A_1966 = arith.index_cast %add3A_1965 : i32 to index
        %get3A_1967 = arith.constant 0 : index
        %get3A_1968 = tpu.vector_load %arg9[%get3A_1966, %get3A_1967] {strides = array<i32>} : memref<256x32xf32, #tpu.memory_space<vmem>>, vector<16xf32>,
        %get3A_1969 = arith.index_cast %add3A_1965 : i32 to index
        %get3A_1970 = arith.constant 16 : index
        %get3A_1971 = tpu.vector_load %arg9[%get3A_1969, %get3A_1970] {strides = array<i32>} : memref<256x32xf32, #tpu.memory_space<vmem>>, vector<16xf32>,
        %get3A_1972 = arith.index_cast %add3A_1965 : i32 to index
        %get3A_1973 = arith.constant 0 : index
        %get3A_1974 = tpu.vector_load %arg10[%get3A_1972, %get3A_1973] {strides = array<i32>} : memref<256x32xf32, #tpu.memory_space<vmem>>, vector<16xf32>,
        %get3A_1975 = arith.index_cast %add3A_1965 : i32 to index
        %get3A_1976 = arith.constant 16 : index
        %get3A_1977 = tpu.vector_load %arg10[%get3A_1975, %get3A_1976] {strides = array<i32>} : memref<256x32xf32, #tpu.memory_space<vmem>>, vector<16xf32>,
        %get3A_1978 = arith.index_cast %add3A_1965 : i32 to index
        %get3A_1979 = arith.constant 0 : index
        %get3A_1980 = tpu.vector_load %arg11[%get3A_1978, %get3A_1979] {strides = array<i32>} : memref<256x32xf32, #tpu.memory_space<vmem>>, vector<16xf32>,
        %get3A_1981 = arith.index_cast %add3A_1965 : i32 to index
        %get3A_1982 = arith.constant 16 : index
        %get3A_1983 = tpu.vector_load %arg11[%get3A_1981, %get3A_1982] {strides = array<i32>} : memref<256x32xf32, #tpu.memory_space<vmem>>, vector<16xf32>,
        %mul3A_1984 = arith.mulf %get3A_1974, %get3A_1980 : vector<16xf32>
        %add3A_1985 = arith.addf %get3A_1968, %mul3A_1984 : vector<16xf32>
        %mul3A_1986 = arith.mulf %get3A_1977, %get3A_1983 : vector<16xf32>
        %add3A_1987 = arith.addf %get3A_1971, %mul3A_1986 : vector<16xf32>
        %swap3A_1988 = arith.index_cast %add3A_1965 : i32 to index
        %swap3A_1989 = arith.constant 0 : index
        %swap3A_1990 = tpu.vector_load %arg12[%swap3A_1988, %swap3A_1989] {strides = array<i32>} : memref<256x32xf32, #tpu.memory_space<vmem>>, vector<16xf32>,
        tpu.vector_store %arg12[%swap3A_1988, %swap3A_1989], %add3A_1985 {strides = array<i32>} : memref<256x32xf32, #tpu.memory_space<vmem>>, vector<16xf32>,
        %swap3A_1991 = arith.index_cast %add3A_1965 : i32 to index
        %swap3A_1992 = arith.constant 16 : index
        %swap3A_1993 = tpu.vector_load %arg12[%swap3A_1991, %swap3A_1992] {strides = array<i32>} : memref<256x32xf32, #tpu.memory_space<vmem>>, vector<16xf32>,
        tpu.vector_store %arg12[%swap3A_1991, %swap3A_1992], %add3A_1987 {strides = array<i32>} : memref<256x32xf32, #tpu.memory_space<vmem>>, vector<16xf32>,
        %mul3A_1994 = arith.mulf %add3A_1985, %add3A_1985 : vector<16xf32>
        %mul3A_1995 = arith.mulf %get3A_1980, %get3A_1980 : vector<16xf32>
        %sub3A_1996 = arith.subf %mul3A_1994, %mul3A_1995 : vector<16xf32>
        %mul3A_1997 = arith.mulf %add3A_1987, %add3A_1987 : vector<16xf32>
        %mul3A_1998 = arith.mulf %get3A_1983, %get3A_1983 : vector<16xf32>
        %sub3A_1999 = arith.subf %mul3A_1997, %mul3A_1998 : vector<16xf32>
        %add3A_2000 = arith.addf %sub3A_1996, %sub3A_1999 : vector<16xf32>
        %mul3A_2001 = arith.constant 5.000000e-01 : f32
        %mul3A_2002 = vector.broadcast %mul3A_2001 : f32 to vector<16xf32>
        %mul3A_2003 = arith.mulf %mul3A_2002, %add3A_2000 : vector<16xf32>
        %mul3A_2004 = arith.mulf %get3A_1974, %get3A_1977 : vector<16xf32>
        %bitcast_convert_type3A_2005 = tpu.bitcast %mul3A_2004 : vector<16xf32> -> vector<16xi32>
        %shift_right_arithmetic3A_2006 = arith.constant 23 : i32
        %shift_right_arithmetic3A_2007 = vector.broadcast %shift_right_arithmetic3A_2006 : i32 to vector<16xi32>
        %shift_right_arithmetic3A_2008 = arith.shrsi %bitcast_convert_type3A_2005, %shift_right_arithmetic3A_2007 : vector<16xi32>
        %sub3A_2009 = arith.constant 127 : i32
        %sub3A_2010 = vector.broadcast %sub3A_2009 : i32 to vector<16xi32>
        %sub3A_2011 = arith.subi %shift_right_arithmetic3A_2008, %sub3A_2010 : vector<16xi32>
        %and3A_2012 = arith.constant 8388607 : i32
        %and3A_2013 = vector.broadcast %and3A_2012 : i32 to vector<16xi32>
        %and3A_2014 = arith.andi %bitcast_convert_type3A_2005, %and3A_2013 : vector<16xi32>
        %or3A_2015 = arith.constant 1065353216 : i32
        %or3A_2016 = vector.broadcast %or3A_2015 : i32 to vector<16xi32>
        %or3A_2017 = arith.ori %and3A_2014, %or3A_2016 : vector<16xi32>
        %bitcast_convert_type3A_2018 = tpu.bitcast %or3A_2017 : vector<16xi32> -> vector<16xf32>
        %ge3A_2019 = arith.constant 1.41421354 : f32
        %ge3A_2020 = vector.broadcast %ge3A_2019 : f32 to vector<16xf32>
        %ge3A_2021 = arith.cmpf oge, %bitcast_convert_type3A_2018, %ge3A_2020 : vector<16xf32>
        %mul3A_2022 = arith.constant 5.000000e-01 : f32
        %mul3A_2023 = vector.broadcast %mul3A_2022 : f32 to vector<16xf32>
        %mul3A_2024 = arith.mulf %bitcast_convert_type3A_2018, %mul3A_2023 : vector<16xf32>
        %select_n3A_2025 = arith.select %ge3A_2021, %mul3A_2024, %bitcast_convert_type3A_2018 : vector<16xi1>, vector<16xf32>
        %add3A_2026 = arith.constant 1 : i32
        %add3A_2027 = vector.broadcast %add3A_2026 : i32 to vector<16xi32>
        %add3A_2028 = arith.addi %sub3A_2011, %add3A_2027 : vector<16xi32>
        %select_n3A_2029 = arith.select %ge3A_2021, %add3A_2028, %sub3A_2011 : vector<16xi1>, vector<16xi32>
        %sub3A_2030 = arith.constant 1.000000e+00 : f32
        %sub3A_2031 = vector.broadcast %sub3A_2030 : f32 to vector<16xf32>
        %sub3A_2032 = arith.subf %select_n3A_2025, %sub3A_2031 : vector<16xf32>
        %mul3A_2033 = arith.mulf %sub3A_2032, %sub3A_2032 : vector<16xf32>
        %mul3A_2034 = arith.constant 0.0703768358 : f32
        %mul3A_2035 = vector.broadcast %mul3A_2034 : f32 to vector<16xf32>
        %mul3A_2036 = arith.mulf %mul3A_2035, %sub3A_2032 : vector<16xf32>
        %add3A_2037 = arith.constant -0.115146101 : f32
        %add3A_2038 = vector.broadcast %add3A_2037 : f32 to vector<16xf32>
        %add3A_2039 = arith.addf %mul3A_2036, %add3A_2038 : vector<16xf32>
        %mul3A_2040 = arith.mulf %add3A_2039, %sub3A_2032 : vector<16xf32>
        %add3A_2041 = arith.constant 0.116769984 : f32
        %add3A_2042 = vector.broadcast %add3A_2041 : f32 to vector<16xf32>
        %add3A_2043 = arith.addf %mul3A_2040, %add3A_2042 : vector<16xf32>
        %mul3A_2044 = arith.mulf %add3A_2043, %sub3A_2032 : vector<16xf32>
        %add3A_2045 = arith.constant -0.12420141 : f32
        %add3A_2046 = vector.broadcast %add3A_2045 : f32 to vector<16xf32>
        %add3A_2047 = arith.addf %mul3A_2044, %add3A_2046 : vector<16xf32>
        %mul3A_2048 = arith.mulf %add3A_2047, %sub3A_2032 : vector<16xf32>
        %add3A_2049 = arith.constant 0.142493233 : f32
        %add3A_2050 = vector.broadcast %add3A_2049 : f32 to vector<16xf32>
        %add3A_2051 = arith.addf %mul3A_2048, %add3A_2050 : vector<16xf32>
        %mul3A_2052 = arith.mulf %add3A_2051, %sub3A_2032 : vector<16xf32>
        %add3A_2053 = arith.constant -0.166680574 : f32
        %add3A_2054 = vector.broadcast %add3A_2053 : f32 to vector<16xf32>
        %add3A_2055 = arith.addf %mul3A_2052, %add3A_2054 : vector<16xf32>
        %mul3A_2056 = arith.mulf %add3A_2055, %sub3A_2032 : vector<16xf32>
        %add3A_2057 = arith.constant 0.200007141 : f32
        %add3A_2058 = vector.broadcast %add3A_2057 : f32 to vector<16xf32>
        %add3A_2059 = arith.addf %mul3A_2056, %add3A_2058 : vector<16xf32>
        %mul3A_2060 = arith.mulf %add3A_2059, %sub3A_2032 : vector<16xf32>
        %add3A_2061 = arith.constant -0.24999994 : f32
        %add3A_2062 = vector.broadcast %add3A_2061 : f32 to vector<16xf32>
        %add3A_2063 = arith.addf %mul3A_2060, %add3A_2062 : vector<16xf32>
        %mul3A_2064 = arith.mulf %add3A_2063, %sub3A_2032 : vector<16xf32>
        %add3A_2065 = arith.constant 0.333333313 : f32
        %add3A_2066 = vector.broadcast %add3A_2065 : f32 to vector<16xf32>
        %add3A_2067 = arith.addf %mul3A_2064, %add3A_2066 : vector<16xf32>
        %mul3A_2068 = arith.mulf %add3A_2067, %sub3A_2032 : vector<16xf32>
        %mul3A_2069 = arith.mulf %mul3A_2068, %mul3A_2033 : vector<16xf32>
        %mul3A_2070 = arith.constant 5.000000e-01 : f32
        %mul3A_2071 = vector.broadcast %mul3A_2070 : f32 to vector<16xf32>
        %mul3A_2072 = arith.mulf %mul3A_2071, %mul3A_2033 : vector<16xf32>
        %sub3A_2073 = arith.subf %mul3A_2069, %mul3A_2072 : vector<16xf32>
        %add3A_2074 = arith.addf %sub3A_2032, %sub3A_2073 : vector<16xf32>
        %convert_element_type3A_2075 = arith.sitofp %select_n3A_2029 : vector<16xi32> to vector<16xf32>
        %mul3A_2076 = arith.constant 0.693147182 : f32
        %mul3A_2077 = vector.broadcast %mul3A_2076 : f32 to vector<16xf32>
        %mul3A_2078 = arith.mulf %convert_element_type3A_2075, %mul3A_2077 : vector<16xf32>
        %add3A_2079 = arith.addf %add3A_2074, %mul3A_2078 : vector<16xf32>
        %sub3A_2080 = arith.subf %mul3A_2003, %add3A_2079 : vector<16xf32>
        %swap3A_2081 = arith.index_cast %add3A_1965 : i32 to index
        %swap3A_2082 = arith.constant 0 : index
        %swap3A_2083 = tpu.vector_load %arg20[%swap3A_2081, %swap3A_2082] {strides = array<i32>} : memref<256x16xf32, #tpu.memory_space<vmem>>, vector<16xf32>,
        tpu.vector_store %arg20[%swap3A_2081, %swap3A_2082], %sub3A_2080 {strides = array<i32>} : memref<256x16xf32, #tpu.memory_space<vmem>>, vector<16xf32>,
        %mul3A_2084 = arith.constant 16 : i32
        %mul3A_2085 = arith.muli %scan3A_258, %mul3A_2084 : i32
        %add3A_2086 = arith.constant 15 : i32
        %add3A_2087 = arith.addi %mul3A_2085, %add3A_2086 : i32
        %get3A_2088 = arith.index_cast %add3A_2087 : i32 to index
        %get3A_2089 = arith.constant 0 : index
        %get3A_2090 = tpu.vector_load %arg9[%get3A_2088, %get3A_2089] {strides = array<i32>} : memref<256x32xf32, #tpu.memory_space<vmem>>, vector<16xf32>,
        %get3A_2091 = arith.index_cast %add3A_2087 : i32 to index
        %get3A_2092 = arith.constant 16 : index
        %get3A_2093 = tpu.vector_load %arg9[%get3A_2091, %get3A_2092] {strides = array<i32>} : memref<256x32xf32, #tpu.memory_space<vmem>>, vector<16xf32>,
        %get3A_2094 = arith.index_cast %add3A_2087 : i32 to index
        %get3A_2095 = arith.constant 0 : index
        %get3A_2096 = tpu.vector_load %arg10[%get3A_2094, %get3A_2095] {strides = array<i32>} : memref<256x32xf32, #tpu.memory_space<vmem>>, vector<16xf32>,
        %get3A_2097 = arith.index_cast %add3A_2087 : i32 to index
        %get3A_2098 = arith.constant 16 : index
        %get3A_2099 = tpu.vector_load %arg10[%get3A_2097, %get3A_2098] {strides = array<i32>} : memref<256x32xf32, #tpu.memory_space<vmem>>, vector<16xf32>,
        %get3A_2100 = arith.index_cast %add3A_2087 : i32 to index
        %get3A_2101 = arith.constant 0 : index
        %get3A_2102 = tpu.vector_load %arg11[%get3A_2100, %get3A_2101] {strides = array<i32>} : memref<256x32xf32, #tpu.memory_space<vmem>>, vector<16xf32>,
        %get3A_2103 = arith.index_cast %add3A_2087 : i32 to index
        %get3A_2104 = arith.constant 16 : index
        %get3A_2105 = tpu.vector_load %arg11[%get3A_2103, %get3A_2104] {strides = array<i32>} : memref<256x32xf32, #tpu.memory_space<vmem>>, vector<16xf32>,
        %mul3A_2106 = arith.mulf %get3A_2096, %get3A_2102 : vector<16xf32>
        %add3A_2107 = arith.addf %get3A_2090, %mul3A_2106 : vector<16xf32>
        %mul3A_2108 = arith.mulf %get3A_2099, %get3A_2105 : vector<16xf32>
        %add3A_2109 = arith.addf %get3A_2093, %mul3A_2108 : vector<16xf32>
        %swap3A_2110 = arith.index_cast %add3A_2087 : i32 to index
        %swap3A_2111 = arith.constant 0 : index
        %swap3A_2112 = tpu.vector_load %arg12[%swap3A_2110, %swap3A_2111] {strides = array<i32>} : memref<256x32xf32, #tpu.memory_space<vmem>>, vector<16xf32>,
        tpu.vector_store %arg12[%swap3A_2110, %swap3A_2111], %add3A_2107 {strides = array<i32>} : memref<256x32xf32, #tpu.memory_space<vmem>>, vector<16xf32>,
        %swap3A_2113 = arith.index_cast %add3A_2087 : i32 to index
        %swap3A_2114 = arith.constant 16 : index
        %swap3A_2115 = tpu.vector_load %arg12[%swap3A_2113, %swap3A_2114] {strides = array<i32>} : memref<256x32xf32, #tpu.memory_space<vmem>>, vector<16xf32>,
        tpu.vector_store %arg12[%swap3A_2113, %swap3A_2114], %add3A_2109 {strides = array<i32>} : memref<256x32xf32, #tpu.memory_space<vmem>>, vector<16xf32>,
        %mul3A_2116 = arith.mulf %add3A_2107, %add3A_2107 : vector<16xf32>
        %mul3A_2117 = arith.mulf %get3A_2102, %get3A_2102 : vector<16xf32>
        %sub3A_2118 = arith.subf %mul3A_2116, %mul3A_2117 : vector<16xf32>
        %mul3A_2119 = arith.mulf %add3A_2109, %add3A_2109 : vector<16xf32>
        %mul3A_2120 = arith.mulf %get3A_2105, %get3A_2105 : vector<16xf32>
        %sub3A_2121 = arith.subf %mul3A_2119, %mul3A_2120 : vector<16xf32>
        %add3A_2122 = arith.addf %sub3A_2118, %sub3A_2121 : vector<16xf32>
        %mul3A_2123 = arith.constant 5.000000e-01 : f32
        %mul3A_2124 = vector.broadcast %mul3A_2123 : f32 to vector<16xf32>
        %mul3A_2125 = arith.mulf %mul3A_2124, %add3A_2122 : vector<16xf32>
        %mul3A_2126 = arith.mulf %get3A_2096, %get3A_2099 : vector<16xf32>
        %bitcast_convert_type3A_2127 = tpu.bitcast %mul3A_2126 : vector<16xf32> -> vector<16xi32>
        %shift_right_arithmetic3A_2128 = arith.constant 23 : i32
        %shift_right_arithmetic3A_2129 = vector.broadcast %shift_right_arithmetic3A_2128 : i32 to vector<16xi32>
        %shift_right_arithmetic3A_2130 = arith.shrsi %bitcast_convert_type3A_2127, %shift_right_arithmetic3A_2129 : vector<16xi32>
        %sub3A_2131 = arith.constant 127 : i32
        %sub3A_2132 = vector.broadcast %sub3A_2131 : i32 to vector<16xi32>
        %sub3A_2133 = arith.subi %shift_right_arithmetic3A_2130, %sub3A_2132 : vector<16xi32>
        %and3A_2134 = arith.constant 8388607 : i32
        %and3A_2135 = vector.broadcast %and3A_2134 : i32 to vector<16xi32>
        %and3A_2136 = arith.andi %bitcast_convert_type3A_2127, %and3A_2135 : vector<16xi32>
        %or3A_2137 = arith.constant 1065353216 : i32
        %or3A_2138 = vector.broadcast %or3A_2137 : i32 to vector<16xi32>
        %or3A_2139 = arith.ori %and3A_2136, %or3A_2138 : vector<16xi32>
        %bitcast_convert_type3A_2140 = tpu.bitcast %or3A_2139 : vector<16xi32> -> vector<16xf32>
        %ge3A_2141 = arith.constant 1.41421354 : f32
        %ge3A_2142 = vector.broadcast %ge3A_2141 : f32 to vector<16xf32>
        %ge3A_2143 = arith.cmpf oge, %bitcast_convert_type3A_2140, %ge3A_2142 : vector<16xf32>
        %mul3A_2144 = arith.constant 5.000000e-01 : f32
        %mul3A_2145 = vector.broadcast %mul3A_2144 : f32 to vector<16xf32>
        %mul3A_2146 = arith.mulf %bitcast_convert_type3A_2140, %mul3A_2145 : vector<16xf32>
        %select_n3A_2147 = arith.select %ge3A_2143, %mul3A_2146, %bitcast_convert_type3A_2140 : vector<16xi1>, vector<16xf32>
        %add3A_2148 = arith.constant 1 : i32
        %add3A_2149 = vector.broadcast %add3A_2148 : i32 to vector<16xi32>
        %add3A_2150 = arith.addi %sub3A_2133, %add3A_2149 : vector<16xi32>
        %select_n3A_2151 = arith.select %ge3A_2143, %add3A_2150, %sub3A_2133 : vector<16xi1>, vector<16xi32>
        %sub3A_2152 = arith.constant 1.000000e+00 : f32
        %sub3A_2153 = vector.broadcast %sub3A_2152 : f32 to vector<16xf32>
        %sub3A_2154 = arith.subf %select_n3A_2147, %sub3A_2153 : vector<16xf32>
        %mul3A_2155 = arith.mulf %sub3A_2154, %sub3A_2154 : vector<16xf32>
        %mul3A_2156 = arith.constant 0.0703768358 : f32
        %mul3A_2157 = vector.broadcast %mul3A_2156 : f32 to vector<16xf32>
        %mul3A_2158 = arith.mulf %mul3A_2157, %sub3A_2154 : vector<16xf32>
        %add3A_2159 = arith.constant -0.115146101 : f32
        %add3A_2160 = vector.broadcast %add3A_2159 : f32 to vector<16xf32>
        %add3A_2161 = arith.addf %mul3A_2158, %add3A_2160 : vector<16xf32>
        %mul3A_2162 = arith.mulf %add3A_2161, %sub3A_2154 : vector<16xf32>
        %add3A_2163 = arith.constant 0.116769984 : f32
        %add3A_2164 = vector.broadcast %add3A_2163 : f32 to vector<16xf32>
        %add3A_2165 = arith.addf %mul3A_2162, %add3A_2164 : vector<16xf32>
        %mul3A_2166 = arith.mulf %add3A_2165, %sub3A_2154 : vector<16xf32>
        %add3A_2167 = arith.constant -0.12420141 : f32
        %add3A_2168 = vector.broadcast %add3A_2167 : f32 to vector<16xf32>
        %add3A_2169 = arith.addf %mul3A_2166, %add3A_2168 : vector<16xf32>
        %mul3A_2170 = arith.mulf %add3A_2169, %sub3A_2154 : vector<16xf32>
        %add3A_2171 = arith.constant 0.142493233 : f32
        %add3A_2172 = vector.broadcast %add3A_2171 : f32 to vector<16xf32>
        %add3A_2173 = arith.addf %mul3A_2170, %add3A_2172 : vector<16xf32>
        %mul3A_2174 = arith.mulf %add3A_2173, %sub3A_2154 : vector<16xf32>
        %add3A_2175 = arith.constant -0.166680574 : f32
        %add3A_2176 = vector.broadcast %add3A_2175 : f32 to vector<16xf32>
        %add3A_2177 = arith.addf %mul3A_2174, %add3A_2176 : vector<16xf32>
        %mul3A_2178 = arith.mulf %add3A_2177, %sub3A_2154 : vector<16xf32>
        %add3A_2179 = arith.constant 0.200007141 : f32
        %add3A_2180 = vector.broadcast %add3A_2179 : f32 to vector<16xf32>
        %add3A_2181 = arith.addf %mul3A_2178, %add3A_2180 : vector<16xf32>
        %mul3A_2182 = arith.mulf %add3A_2181, %sub3A_2154 : vector<16xf32>
        %add3A_2183 = arith.constant -0.24999994 : f32
        %add3A_2184 = vector.broadcast %add3A_2183 : f32 to vector<16xf32>
        %add3A_2185 = arith.addf %mul3A_2182, %add3A_2184 : vector<16xf32>
        %mul3A_2186 = arith.mulf %add3A_2185, %sub3A_2154 : vector<16xf32>
        %add3A_2187 = arith.constant 0.333333313 : f32
        %add3A_2188 = vector.broadcast %add3A_2187 : f32 to vector<16xf32>
        %add3A_2189 = arith.addf %mul3A_2186, %add3A_2188 : vector<16xf32>
        %mul3A_2190 = arith.mulf %add3A_2189, %sub3A_2154 : vector<16xf32>
        %mul3A_2191 = arith.mulf %mul3A_2190, %mul3A_2155 : vector<16xf32>
        %mul3A_2192 = arith.constant 5.000000e-01 : f32
        %mul3A_2193 = vector.broadcast %mul3A_2192 : f32 to vector<16xf32>
        %mul3A_2194 = arith.mulf %mul3A_2193, %mul3A_2155 : vector<16xf32>
        %sub3A_2195 = arith.subf %mul3A_2191, %mul3A_2194 : vector<16xf32>
        %add3A_2196 = arith.addf %sub3A_2154, %sub3A_2195 : vector<16xf32>
        %convert_element_type3A_2197 = arith.sitofp %select_n3A_2151 : vector<16xi32> to vector<16xf32>
        %mul3A_2198 = arith.constant 0.693147182 : f32
        %mul3A_2199 = vector.broadcast %mul3A_2198 : f32 to vector<16xf32>
        %mul3A_2200 = arith.mulf %convert_element_type3A_2197, %mul3A_2199 : vector<16xf32>
        %add3A_2201 = arith.addf %add3A_2196, %mul3A_2200 : vector<16xf32>
        %sub3A_2202 = arith.subf %mul3A_2125, %add3A_2201 : vector<16xf32>
        %swap3A_2203 = arith.index_cast %add3A_2087 : i32 to index
        %swap3A_2204 = arith.constant 0 : index
        %swap3A_2205 = tpu.vector_load %arg20[%swap3A_2203, %swap3A_2204] {strides = array<i32>} : memref<256x16xf32, #tpu.memory_space<vmem>>, vector<16xf32>,
        tpu.vector_store %arg20[%swap3A_2203, %swap3A_2204], %sub3A_2202 {strides = array<i32>} : memref<256x16xf32, #tpu.memory_space<vmem>>, vector<16xf32>,
        %mul3A_2206 = arith.constant 16 : i32
        %mul3A_2207 = arith.muli %scan3A_258, %mul3A_2206 : i32
        %add3A_2208 = vector.broadcast %mul3A_2207 : i32 to vector<16xi32>
        %add3A_2209 = arith.addi %add3A_2208, %iota3A : vector<16xi32>
        %broadcast_in_dim3A = arith.constant 0.000000e+00 : f32
        %broadcast_in_dim3A_2210 = vector.broadcast %broadcast_in_dim3A : f32 to vector<16xf32>
        %broadcast_in_dim3A_2211 = arith.constant 0 : i32
        %broadcast_in_dim3A_2212 = vector.broadcast %broadcast_in_dim3A_2211 : i32 to vector<16xi32>
        %gather3A = tpu.vector_load_idx %arg20[%add3A_2209, %broadcast_in_dim3A_2212] : memref<256x16xf32, #tpu.memory_space<vmem>>[vector<16xi32>, vector<16xi32>], vector<16xf32>,
        %add3A_2213 = arith.addf %broadcast_in_dim3A_2210, %gather3A : vector<16xf32>
        %broadcast_in_dim3A_2214 = arith.constant 1 : i32
        %broadcast_in_dim3A_2215 = vector.broadcast %broadcast_in_dim3A_2214 : i32 to vector<16xi32>
        %gather3A_2216 = tpu.vector_load_idx %arg20[%add3A_2209, %broadcast_in_dim3A_2215] : memref<256x16xf32, #tpu.memory_space<vmem>>[vector<16xi32>, vector<16xi32>], vector<16xf32>,
        %add3A_2217 = arith.addf %add3A_2213, %gather3A_2216 : vector<16xf32>
        %broadcast_in_dim3A_2218 = arith.constant 2 : i32
        %broadcast_in_dim3A_2219 = vector.broadcast %broadcast_in_dim3A_2218 : i32 to vector<16xi32>
        %gather3A_2220 = tpu.vector_load_idx %arg20[%add3A_2209, %broadcast_in_dim3A_2219] : memref<256x16xf32, #tpu.memory_space<vmem>>[vector<16xi32>, vector<16xi32>], vector<16xf32>,
        %add3A_2221 = arith.addf %add3A_2217, %gather3A_2220 : vector<16xf32>
        %broadcast_in_dim3A_2222 = arith.constant 3 : i32
        %broadcast_in_dim3A_2223 = vector.broadcast %broadcast_in_dim3A_2222 : i32 to vector<16xi32>
        %gather3A_2224 = tpu.vector_load_idx %arg20[%add3A_2209, %broadcast_in_dim3A_2223] : memref<256x16xf32, #tpu.memory_space<vmem>>[vector<16xi32>, vector<16xi32>], vector<16xf32>,
        %add3A_2225 = arith.addf %add3A_2221, %gather3A_2224 : vector<16xf32>
        %broadcast_in_dim3A_2226 = arith.constant 4 : i32
        %broadcast_in_dim3A_2227 = vector.broadcast %broadcast_in_dim3A_2226 : i32 to vector<16xi32>
        %gather3A_2228 = tpu.vector_load_idx %arg20[%add3A_2209, %broadcast_in_dim3A_2227] : memref<256x16xf32, #tpu.memory_space<vmem>>[vector<16xi32>, vector<16xi32>], vector<16xf32>,
        %add3A_2229 = arith.addf %add3A_2225, %gather3A_2228 : vector<16xf32>
        %broadcast_in_dim3A_2230 = arith.constant 5 : i32
        %broadcast_in_dim3A_2231 = vector.broadcast %broadcast_in_dim3A_2230 : i32 to vector<16xi32>
        %gather3A_2232 = tpu.vector_load_idx %arg20[%add3A_2209, %broadcast_in_dim3A_2231] : memref<256x16xf32, #tpu.memory_space<vmem>>[vector<16xi32>, vector<16xi32>], vector<16xf32>,
        %add3A_2233 = arith.addf %add3A_2229, %gather3A_2232 : vector<16xf32>
        %broadcast_in_dim3A_2234 = arith.constant 6 : i32
        %broadcast_in_dim3A_2235 = vector.broadcast %broadcast_in_dim3A_2234 : i32 to vector<16xi32>
        %gather3A_2236 = tpu.vector_load_idx %arg20[%add3A_2209, %broadcast_in_dim3A_2235] : memref<256x16xf32, #tpu.memory_space<vmem>>[vector<16xi32>, vector<16xi32>], vector<16xf32>,
        %add3A_2237 = arith.addf %add3A_2233, %gather3A_2236 : vector<16xf32>
        %broadcast_in_dim3A_2238 = arith.constant 7 : i32
        %broadcast_in_dim3A_2239 = vector.broadcast %broadcast_in_dim3A_2238 : i32 to vector<16xi32>
        %gather3A_2240 = tpu.vector_load_idx %arg20[%add3A_2209, %broadcast_in_dim3A_2239] : memref<256x16xf32, #tpu.memory_space<vmem>>[vector<16xi32>, vector<16xi32>], vector<16xf32>,
        %add3A_2241 = arith.addf %add3A_2237, %gather3A_2240 : vector<16xf32>
        %broadcast_in_dim3A_2242 = arith.constant 8 : i32
        %broadcast_in_dim3A_2243 = vector.broadcast %broadcast_in_dim3A_2242 : i32 to vector<16xi32>
        %gather3A_2244 = tpu.vector_load_idx %arg20[%add3A_2209, %broadcast_in_dim3A_2243] : memref<256x16xf32, #tpu.memory_space<vmem>>[vector<16xi32>, vector<16xi32>], vector<16xf32>,
        %add3A_2245 = arith.addf %add3A_2241, %gather3A_2244 : vector<16xf32>
        %broadcast_in_dim3A_2246 = arith.constant 9 : i32
        %broadcast_in_dim3A_2247 = vector.broadcast %broadcast_in_dim3A_2246 : i32 to vector<16xi32>
        %gather3A_2248 = tpu.vector_load_idx %arg20[%add3A_2209, %broadcast_in_dim3A_2247] : memref<256x16xf32, #tpu.memory_space<vmem>>[vector<16xi32>, vector<16xi32>], vector<16xf32>,
        %add3A_2249 = arith.addf %add3A_2245, %gather3A_2248 : vector<16xf32>
        %broadcast_in_dim3A_2250 = arith.constant 10 : i32
        %broadcast_in_dim3A_2251 = vector.broadcast %broadcast_in_dim3A_2250 : i32 to vector<16xi32>
        %gather3A_2252 = tpu.vector_load_idx %arg20[%add3A_2209, %broadcast_in_dim3A_2251] : memref<256x16xf32, #tpu.memory_space<vmem>>[vector<16xi32>, vector<16xi32>], vector<16xf32>,
        %add3A_2253 = arith.addf %add3A_2249, %gather3A_2252 : vector<16xf32>
        %broadcast_in_dim3A_2254 = arith.constant 11 : i32
        %broadcast_in_dim3A_2255 = vector.broadcast %broadcast_in_dim3A_2254 : i32 to vector<16xi32>
        %gather3A_2256 = tpu.vector_load_idx %arg20[%add3A_2209, %broadcast_in_dim3A_2255] : memref<256x16xf32, #tpu.memory_space<vmem>>[vector<16xi32>, vector<16xi32>], vector<16xf32>,
        %add3A_2257 = arith.addf %add3A_2253, %gather3A_2256 : vector<16xf32>
        %broadcast_in_dim3A_2258 = arith.constant 12 : i32
        %broadcast_in_dim3A_2259 = vector.broadcast %broadcast_in_dim3A_2258 : i32 to vector<16xi32>
        %gather3A_2260 = tpu.vector_load_idx %arg20[%add3A_2209, %broadcast_in_dim3A_2259] : memref<256x16xf32, #tpu.memory_space<vmem>>[vector<16xi32>, vector<16xi32>], vector<16xf32>,
        %add3A_2261 = arith.addf %add3A_2257, %gather3A_2260 : vector<16xf32>
        %broadcast_in_dim3A_2262 = arith.constant 13 : i32
        %broadcast_in_dim3A_2263 = vector.broadcast %broadcast_in_dim3A_2262 : i32 to vector<16xi32>
        %gather3A_2264 = tpu.vector_load_idx %arg20[%add3A_2209, %broadcast_in_dim3A_2263] : memref<256x16xf32, #tpu.memory_space<vmem>>[vector<16xi32>, vector<16xi32>], vector<16xf32>,
        %add3A_2265 = arith.addf %add3A_2261, %gather3A_2264 : vector<16xf32>
        %broadcast_in_dim3A_2266 = arith.constant 14 : i32
        %broadcast_in_dim3A_2267 = vector.broadcast %broadcast_in_dim3A_2266 : i32 to vector<16xi32>
        %gather3A_2268 = tpu.vector_load_idx %arg20[%add3A_2209, %broadcast_in_dim3A_2267] : memref<256x16xf32, #tpu.memory_space<vmem>>[vector<16xi32>, vector<16xi32>], vector<16xf32>,
        %add3A_2269 = arith.addf %add3A_2265, %gather3A_2268 : vector<16xf32>
        %broadcast_in_dim3A_2270 = arith.constant 15 : i32
        %broadcast_in_dim3A_2271 = vector.broadcast %broadcast_in_dim3A_2270 : i32 to vector<16xi32>
        %gather3A_2272 = tpu.vector_load_idx %arg20[%add3A_2209, %broadcast_in_dim3A_2271] : memref<256x16xf32, #tpu.memory_space<vmem>>[vector<16xi32>, vector<16xi32>], vector<16xf32>,
        %add3A_2273 = arith.addf %add3A_2269, %gather3A_2272 : vector<16xf32>
        %mul3A_2274 = arith.constant 16 : i32
        %mul3A_2275 = arith.muli %scan3A_258, %mul3A_2274 : i32
        %swap3A_2276 = arith.index_cast %mul3A_2275 : i32 to index
        %swap3A_2277 = tpu.vector_load %arg13[%swap3A_2276] {strides = array<i32>} : memref<256xf32, #tpu.memory_space<vmem>>, vector<16xf32>,
        tpu.vector_store %arg13[%swap3A_2276], %add3A_2273 {strides = array<i32>} : memref<256xf32, #tpu.memory_space<vmem>>, vector<16xf32>,
      }
      %scan3A_168 = arith.constant 16 : i32
      %dma_start3A_169 = arith.constant 0 : i32
      %dma_start3A_170 = tpu.memref_slice %arg6[%add3A_162, %dma_start3A_169] : memref<819200x32xf32, #tpu.memory_space<hbm>> -> memref<256x32xf32, #tpu.memory_space<hbm>>
      %dma_start3A_171 = arith.constant 0 : i32
      %dma_start3A_172 = tpu.memref_slice %arg6[%add3A_162, %dma_start3A_171] : memref<819200x32xf32, #tpu.memory_space<hbm>> -> memref<256x32xf32, #tpu.memory_space<hbm>>
      tpu.enqueue_dma source(%arg12 : memref<256x32xf32, #tpu.memory_space<vmem>>) target(%dma_start3A_172 : memref<256x32xf32, #tpu.memory_space<hbm>>) target_semaphore(%arg23 : memref<!tpu.dma_semaphore, #tpu.memory_space<semaphore_mem>>)
      %dma_start3A_173 = tpu.memref_slice %arg7[%add3A_162] : memref<819200xf32, #tpu.memory_space<hbm>> -> memref<256xf32, #tpu.memory_space<hbm>>
      %dma_start3A_174 = tpu.memref_slice %arg7[%add3A_162] : memref<819200xf32, #tpu.memory_space<hbm>> -> memref<256xf32, #tpu.memory_space<hbm>>
      tpu.enqueue_dma source(%arg13 : memref<256xf32, #tpu.memory_space<vmem>>) target(%dma_start3A_174 : memref<256xf32, #tpu.memory_space<hbm>>) target_semaphore(%arg23 : memref<!tpu.dma_semaphore, #tpu.memory_space<semaphore_mem>>)
      %add3A_175 = arith.constant 1 : i32
      %add3A_176 = arith.addi %add3A_95, %add3A_175 : i32
      %dma_wait3A_177 = arith.constant 0 : i32
      %dma_wait3A_178 = arith.constant 0 : i32
      %dma_wait3A_179 = tpu.memref_slice %arg15[%dma_wait3A_177, %dma_wait3A_178] : memref<256x32xf32, #tpu.memory_space<vmem>> -> memref<128x32xf32, #tpu.memory_space<vmem>>
      %dma_wait3A_180 = arith.constant 0 : i32
      %dma_wait3A_181 = arith.constant 0 : i32
      %dma_wait3A_182 = tpu.memref_slice %arg3[%dma_wait3A_180, %dma_wait3A_181] : memref<1000000x32xf32, #tpu.memory_space<hbm>> -> memref<128x32xf32, #tpu.memory_space<hbm>>
      %dma_wait3A_183 = arith.constant 0 : i32
      %dma_wait3A_184 = arith.constant 0 : i32
      %dma_wait3A_185 = tpu.memref_slice %arg15[%dma_wait3A_183, %dma_wait3A_184] : memref<256x32xf32, #tpu.memory_space<vmem>> -> memref<128x32xf32, #tpu.memory_space<vmem>>
      %dma_wait3A_186 = arith.constant 0 : i32
      %dma_wait3A_187 = arith.constant 0 : i32
      %dma_wait3A_188 = tpu.memref_slice %arg3[%dma_wait3A_186, %dma_wait3A_187] : memref<1000000x32xf32, #tpu.memory_space<hbm>> -> memref<128x32xf32, #tpu.memory_space<hbm>>
      tpu.wait_dma2 semaphore(%arg22 : memref<!tpu.dma_semaphore, #tpu.memory_space<semaphore_mem>>) src(%dma_wait3A_188 : memref<128x32xf32, #tpu.memory_space<hbm>>) dst(%dma_wait3A_185 : memref<128x32xf32, #tpu.memory_space<vmem>>)
      %dma_wait3A_189 = arith.constant 0 : i32
      %dma_wait3A_190 = arith.constant 0 : i32
      %dma_wait3A_191 = tpu.memref_slice %arg16[%dma_wait3A_189, %dma_wait3A_190] : memref<256x32xf32, #tpu.memory_space<vmem>> -> memref<128x32xf32, #tpu.memory_space<vmem>>
      %dma_wait3A_192 = arith.constant 0 : i32
      %dma_wait3A_193 = arith.constant 0 : i32
      %dma_wait3A_194 = tpu.memref_slice %arg4[%dma_wait3A_192, %dma_wait3A_193] : memref<1000000x32xf32, #tpu.memory_space<hbm>> -> memref<128x32xf32, #tpu.memory_space<hbm>>
      %dma_wait3A_195 = arith.constant 0 : i32
      %dma_wait3A_196 = arith.constant 0 : i32
      %dma_wait3A_197 = tpu.memref_slice %arg16[%dma_wait3A_195, %dma_wait3A_196] : memref<256x32xf32, #tpu.memory_space<vmem>> -> memref<128x32xf32, #tpu.memory_space<vmem>>
      %dma_wait3A_198 = arith.constant 0 : i32
      %dma_wait3A_199 = arith.constant 0 : i32
      %dma_wait3A_200 = tpu.memref_slice %arg4[%dma_wait3A_198, %dma_wait3A_199] : memref<1000000x32xf32, #tpu.memory_space<hbm>> -> memref<128x32xf32, #tpu.memory_space<hbm>>
      tpu.wait_dma2 semaphore(%arg22 : memref<!tpu.dma_semaphore, #tpu.memory_space<semaphore_mem>>) src(%dma_wait3A_200 : memref<128x32xf32, #tpu.memory_space<hbm>>) dst(%dma_wait3A_197 : memref<128x32xf32, #tpu.memory_space<vmem>>)
      %dma_wait3A_201 = arith.constant 128 : i32
      %dma_wait3A_202 = arith.constant 0 : i32
      %dma_wait3A_203 = tpu.memref_slice %arg15[%dma_wait3A_201, %dma_wait3A_202] : memref<256x32xf32, #tpu.memory_space<vmem>> -> memref<128x32xf32, #tpu.memory_space<vmem>>
      %dma_wait3A_204 = arith.constant 0 : i32
      %dma_wait3A_205 = arith.constant 0 : i32
      %dma_wait3A_206 = tpu.memref_slice %arg3[%dma_wait3A_204, %dma_wait3A_205] : memref<1000000x32xf32, #tpu.memory_space<hbm>> -> memref<128x32xf32, #tpu.memory_space<hbm>>
      %dma_wait3A_207 = arith.constant 128 : i32
      %dma_wait3A_208 = arith.constant 0 : i32
      %dma_wait3A_209 = tpu.memref_slice %arg15[%dma_wait3A_207, %dma_wait3A_208] : memref<256x32xf32, #tpu.memory_space<vmem>> -> memref<128x32xf32, #tpu.memory_space<vmem>>
      %dma_wait3A_210 = arith.constant 0 : i32
      %dma_wait3A_211 = arith.constant 0 : i32
      %dma_wait3A_212 = tpu.memref_slice %arg3[%dma_wait3A_210, %dma_wait3A_211] : memref<1000000x32xf32, #tpu.memory_space<hbm>> -> memref<128x32xf32, #tpu.memory_space<hbm>>
      tpu.wait_dma2 semaphore(%arg22 : memref<!tpu.dma_semaphore, #tpu.memory_space<semaphore_mem>>) src(%dma_wait3A_212 : memref<128x32xf32, #tpu.memory_space<hbm>>) dst(%dma_wait3A_209 : memref<128x32xf32, #tpu.memory_space<vmem>>)
      %dma_wait3A_213 = arith.constant 128 : i32
      %dma_wait3A_214 = arith.constant 0 : i32
      %dma_wait3A_215 = tpu.memref_slice %arg16[%dma_wait3A_213, %dma_wait3A_214] : memref<256x32xf32, #tpu.memory_space<vmem>> -> memref<128x32xf32, #tpu.memory_space<vmem>>
      %dma_wait3A_216 = arith.constant 0 : i32
      %dma_wait3A_217 = arith.constant 0 : i32
      %dma_wait3A_218 = tpu.memref_slice %arg4[%dma_wait3A_216, %dma_wait3A_217] : memref<1000000x32xf32, #tpu.memory_space<hbm>> -> memref<128x32xf32, #tpu.memory_space<hbm>>
      %dma_wait3A_219 = arith.constant 128 : i32
      %dma_wait3A_220 = arith.constant 0 : i32
      %dma_wait3A_221 = tpu.memref_slice %arg16[%dma_wait3A_219, %dma_wait3A_220] : memref<256x32xf32, #tpu.memory_space<vmem>> -> memref<128x32xf32, #tpu.memory_space<vmem>>
      %dma_wait3A_222 = arith.constant 0 : i32
      %dma_wait3A_223 = arith.constant 0 : i32
      %dma_wait3A_224 = tpu.memref_slice %arg4[%dma_wait3A_222, %dma_wait3A_223] : memref<1000000x32xf32, #tpu.memory_space<hbm>> -> memref<128x32xf32, #tpu.memory_space<hbm>>
      tpu.wait_dma2 semaphore(%arg22 : memref<!tpu.dma_semaphore, #tpu.memory_space<semaphore_mem>>) src(%dma_wait3A_224 : memref<128x32xf32, #tpu.memory_space<hbm>>) dst(%dma_wait3A_221 : memref<128x32xf32, #tpu.memory_space<vmem>>)
      %dma_wait3A_225 = arith.constant 0 : i32
      %dma_wait3A_226 = arith.constant 0 : i32
      %dma_wait3A_227 = tpu.memref_slice %arg5[%dma_wait3A_225, %dma_wait3A_226] : memref<819200x32xf32, #tpu.memory_space<hbm>> -> memref<256x32xf32, #tpu.memory_space<hbm>>
      %dma_wait3A_228 = arith.constant 0 : i32
      %dma_wait3A_229 = arith.constant 0 : i32
      %dma_wait3A_230 = tpu.memref_slice %arg5[%dma_wait3A_228, %dma_wait3A_229] : memref<819200x32xf32, #tpu.memory_space<hbm>> -> memref<256x32xf32, #tpu.memory_space<hbm>>
      tpu.wait_dma2 semaphore(%arg22 : memref<!tpu.dma_semaphore, #tpu.memory_space<semaphore_mem>>) src(%dma_wait3A_230 : memref<256x32xf32, #tpu.memory_space<hbm>>) dst(%arg17 : memref<256x32xf32, #tpu.memory_space<vmem>>)
      %add3A_231 = arith.constant 1 : i32
      %add3A_232 = arith.addi %add3A_176, %add3A_231 : i32
      %lt3A_233 = arith.constant 100 : i32
      %lt3A_234 = arith.cmpi slt, %add3A_232, %lt3A_233 : i32
      %convert_element_type3A_235 = arith.extui %lt3A_234 : i1 to i32
      %cond3A_236 = arith.constant 0 : i32
      %cond3A_237 = arith.cmpi ne, %convert_element_type3A_235, %cond3A_236 : i32
      scf.if %cond3A_237 {
        %add3A_258 = arith.constant 1 : i32
        %add3A_259 = arith.addi %add3A_176, %add3A_258 : i32
        %mul3A_260 = arith.constant 256 : i32
        %mul3A_261 = arith.muli %add3A_259, %mul3A_260 : i32
        %add3A_262 = arith.addi %mul3A_2, %mul3A_261 : i32
        %jit3A_263 = arith.constant 256 : i32
        %div3A_264 = arith.divsi %add3A_262, %jit3A_263 : i32
        %sign3A_265 = arith.constant 0 : i32
        %sign3A_266 = arith.cmpi sgt, %add3A_262, %sign3A_265 : i32
        %sign3A_267 = arith.extui %sign3A_266 : i1 to i32
        %sign3A_268 = arith.constant 0 : i32
        %sign3A_269 = arith.cmpi slt, %add3A_262, %sign3A_268 : i32
        %sign3A_270 = arith.extui %sign3A_269 : i1 to i32
        %sign3A_271 = arith.subi %sign3A_267, %sign3A_270 : i32
        %sign3A_272 = arith.constant 0 : i32
        %sign3A_273 = arith.cmpi sgt, %jit3A_263, %sign3A_272 : i32
        %sign3A_274 = arith.extui %sign3A_273 : i1 to i32
        %sign3A_275 = arith.constant 0 : i32
        %sign3A_276 = arith.cmpi slt, %jit3A_263, %sign3A_275 : i32
        %sign3A_277 = arith.extui %sign3A_276 : i1 to i32
        %sign3A_278 = arith.subi %sign3A_274, %sign3A_277 : i32
        %ne3A_279 = arith.cmpi ne, %sign3A_271, %sign3A_278 : i32
        %rem3A_280 = arith.remsi %add3A_262, %jit3A_263 : i32
        %ne3A_281 = arith.constant 0 : i32
        %ne3A_282 = arith.cmpi ne, %rem3A_280, %ne3A_281 : i32
        %and3A_283 = arith.andi %ne3A_279, %ne3A_282 : i1
        %sub3A_284 = arith.constant 1 : i32
        %sub3A_285 = arith.subi %div3A_264, %sub3A_284 : i32
        %select_n3A_286 = arith.select %and3A_283, %sub3A_285, %div3A_264 : i32
        "tpu.region"() ({
          %run_scoped3A = tpu.sem_alloc : memref<!tpu.dma_semaphore, #tpu.memory_space<semaphore_mem>>
          %dma_start3A_335 = arith.constant 0 : i32
          %dma_start3A_336 = arith.constant 0 : i32
          %dma_start3A_337 = tpu.memref_slice %arg2[%select_n3A_286, %dma_start3A_335, %dma_start3A_336] : memref<3200x2x128xi32, #tpu.memory_space<hbm>> -> memref<1x2x128xi32, #tpu.memory_space<hbm>>
          %dma_start3A_338 = arith.constant 0 : i32
          %dma_start3A_339 = arith.constant 0 : i32
          %dma_start3A_340 = tpu.memref_slice %arg2[%select_n3A_286, %dma_start3A_338, %dma_start3A_339] : memref<3200x2x128xi32, #tpu.memory_space<hbm>> -> memref<1x2x128xi32, #tpu.memory_space<hbm>>
          tpu.enqueue_dma source(%dma_start3A_340 : memref<1x2x128xi32, #tpu.memory_space<hbm>>) target(%arg8 : memref<1x2x128xi32, #tpu.memory_space<vmem>>) target_semaphore(%run_scoped3A : memref<!tpu.dma_semaphore, #tpu.memory_space<semaphore_mem>>)
          %dma_wait3A_341 = arith.constant 0 : i32
          %dma_wait3A_342 = arith.constant 0 : i32
          %dma_wait3A_343 = tpu.memref_slice %arg2[%select_n3A_286, %dma_wait3A_341, %dma_wait3A_342] : memref<3200x2x128xi32, #tpu.memory_space<hbm>> -> memref<1x2x128xi32, #tpu.memory_space<hbm>>
          %dma_wait3A_344 = arith.constant 0 : i32
          %dma_wait3A_345 = arith.constant 0 : i32
          %dma_wait3A_346 = tpu.memref_slice %arg2[%select_n3A_286, %dma_wait3A_344, %dma_wait3A_345] : memref<3200x2x128xi32, #tpu.memory_space<hbm>> -> memref<1x2x128xi32, #tpu.memory_space<hbm>>
          tpu.wait_dma2 semaphore(%run_scoped3A : memref<!tpu.dma_semaphore, #tpu.memory_space<semaphore_mem>>) src(%dma_wait3A_346 : memref<1x2x128xi32, #tpu.memory_space<hbm>>) dst(%arg8 : memref<1x2x128xi32, #tpu.memory_space<vmem>>)
          tpu.yield
        }) : () -> ()
        %dma_start3A_287 = arith.constant 0 : i32
        %dma_start3A_288 = arith.constant 0 : i32
        %dma_start3A_289 = arith.constant 0 : i32
        %dma_start3A_290 = arith.constant 0 : i32
        %dma_start3A_291 = tpu.memref_slice %arg9[%dma_start3A_289, %dma_start3A_290] : memref<256x32xf32, #tpu.memory_space<vmem>> -> memref<128x32xf32, #tpu.memory_space<vmem>>
        %dma_start3A_292 = arith.constant 0 : i32
        %dma_start3A_293 = tpu.memref_slice %arg8[%dma_start3A_287, %dma_start3A_288, %dma_start3A_292] : memref<1x2x128xi32, #tpu.memory_space<vmem>> -> memref<1x1x128xi32, #tpu.memory_space<vmem>>
        %dma_start3A_294 = tpu.memref_squeeze %dma_start3A_293 : memref<1x1x128xi32, #tpu.memory_space<vmem>> -> memref<128xi32, #tpu.memory_space<vmem>>
        %dma_start3A_295 = arith.constant 0 : i32
        %dma_start3A_296 = arith.constant 0 : i32
        %dma_start3A_297 = tpu.memref_slice %arg3[%dma_start3A_295, %dma_start3A_296] : memref<1000000x32xf32, #tpu.memory_space<hbm>> -> memref<1000000x32xf32, #tpu.memory_space<hbm>>
        tpu.enqueue_indirect_dma source(%dma_start3A_297 : memref<1000000x32xf32, #tpu.memory_space<hbm>>) target(%dma_start3A_291 : memref<128x32xf32, #tpu.memory_space<vmem>>) offsets(%dma_start3A_294 : memref<128xi32, #tpu.memory_space<vmem>>) semaphore(%arg21 : memref<!tpu.dma_semaphore, #tpu.memory_space<semaphore_mem>>)
        %dma_start3A_298 = arith.constant 0 : i32
        %dma_start3A_299 = arith.constant 0 : i32
        %dma_start3A_300 = arith.constant 0 : i32
        %dma_start3A_301 = arith.constant 0 : i32
        %dma_start3A_302 = tpu.memref_slice %arg10[%dma_start3A_300, %dma_start3A_301] : memref<256x32xf32, #tpu.memory_space<vmem>> -> memref<128x32xf32, #tpu.memory_space<vmem>>
        %dma_start3A_303 = arith.constant 0 : i32
        %dma_start3A_304 = tpu.memref_slice %arg8[%dma_start3A_298, %dma_start3A_299, %dma_start3A_303] : memref<1x2x128xi32, #tpu.memory_space<vmem>> -> memref<1x1x128xi32, #tpu.memory_space<vmem>>
        %dma_start3A_305 = tpu.memref_squeeze %dma_start3A_304 : memref<1x1x128xi32, #tpu.memory_space<vmem>> -> memref<128xi32, #tpu.memory_space<vmem>>
        %dma_start3A_306 = arith.constant 0 : i32
        %dma_start3A_307 = arith.constant 0 : i32
        %dma_start3A_308 = tpu.memref_slice %arg4[%dma_start3A_306, %dma_start3A_307] : memref<1000000x32xf32, #tpu.memory_space<hbm>> -> memref<1000000x32xf32, #tpu.memory_space<hbm>>
        tpu.enqueue_indirect_dma source(%dma_start3A_308 : memref<1000000x32xf32, #tpu.memory_space<hbm>>) target(%dma_start3A_302 : memref<128x32xf32, #tpu.memory_space<vmem>>) offsets(%dma_start3A_305 : memref<128xi32, #tpu.memory_space<vmem>>) semaphore(%arg21 : memref<!tpu.dma_semaphore, #tpu.memory_space<semaphore_mem>>)
        %dma_start3A_309 = arith.constant 0 : i32
        %dma_start3A_310 = arith.constant 1 : i32
        %dma_start3A_311 = arith.constant 128 : i32
        %dma_start3A_312 = arith.constant 0 : i32
        %dma_start3A_313 = tpu.memref_slice %arg9[%dma_start3A_311, %dma_start3A_312] : memref<256x32xf32, #tpu.memory_space<vmem>> -> memref<128x32xf32, #tpu.memory_space<vmem>>
        %dma_start3A_314 = arith.constant 0 : i32
        %dma_start3A_315 = tpu.memref_slice %arg8[%dma_start3A_309, %dma_start3A_310, %dma_start3A_314] : memref<1x2x128xi32, #tpu.memory_space<vmem>> -> memref<1x1x128xi32, #tpu.memory_space<vmem>>
        %dma_start3A_316 = tpu.memref_squeeze %dma_start3A_315 : memref<1x1x128xi32, #tpu.memory_space<vmem>> -> memref<128xi32, #tpu.memory_space<vmem>>
        %dma_start3A_317 = arith.constant 0 : i32
        %dma_start3A_318 = arith.constant 0 : i32
        %dma_start3A_319 = tpu.memref_slice %arg3[%dma_start3A_317, %dma_start3A_318] : memref<1000000x32xf32, #tpu.memory_space<hbm>> -> memref<1000000x32xf32, #tpu.memory_space<hbm>>
        tpu.enqueue_indirect_dma source(%dma_start3A_319 : memref<1000000x32xf32, #tpu.memory_space<hbm>>) target(%dma_start3A_313 : memref<128x32xf32, #tpu.memory_space<vmem>>) offsets(%dma_start3A_316 : memref<128xi32, #tpu.memory_space<vmem>>) semaphore(%arg21 : memref<!tpu.dma_semaphore, #tpu.memory_space<semaphore_mem>>)
        %dma_start3A_320 = arith.constant 0 : i32
        %dma_start3A_321 = arith.constant 1 : i32
        %dma_start3A_322 = arith.constant 128 : i32
        %dma_start3A_323 = arith.constant 0 : i32
        %dma_start3A_324 = tpu.memref_slice %arg10[%dma_start3A_322, %dma_start3A_323] : memref<256x32xf32, #tpu.memory_space<vmem>> -> memref<128x32xf32, #tpu.memory_space<vmem>>
        %dma_start3A_325 = arith.constant 0 : i32
        %dma_start3A_326 = tpu.memref_slice %arg8[%dma_start3A_320, %dma_start3A_321, %dma_start3A_325] : memref<1x2x128xi32, #tpu.memory_space<vmem>> -> memref<1x1x128xi32, #tpu.memory_space<vmem>>
        %dma_start3A_327 = tpu.memref_squeeze %dma_start3A_326 : memref<1x1x128xi32, #tpu.memory_space<vmem>> -> memref<128xi32, #tpu.memory_space<vmem>>
        %dma_start3A_328 = arith.constant 0 : i32
        %dma_start3A_329 = arith.constant 0 : i32
        %dma_start3A_330 = tpu.memref_slice %arg4[%dma_start3A_328, %dma_start3A_329] : memref<1000000x32xf32, #tpu.memory_space<hbm>> -> memref<1000000x32xf32, #tpu.memory_space<hbm>>
        tpu.enqueue_indirect_dma source(%dma_start3A_330 : memref<1000000x32xf32, #tpu.memory_space<hbm>>) target(%dma_start3A_324 : memref<128x32xf32, #tpu.memory_space<vmem>>) offsets(%dma_start3A_327 : memref<128xi32, #tpu.memory_space<vmem>>) semaphore(%arg21 : memref<!tpu.dma_semaphore, #tpu.memory_space<semaphore_mem>>)
        %dma_start3A_331 = arith.constant 0 : i32
        %dma_start3A_332 = tpu.memref_slice %arg5[%add3A_262, %dma_start3A_331] : memref<819200x32xf32, #tpu.memory_space<hbm>> -> memref<256x32xf32, #tpu.memory_space<hbm>>
        %dma_start3A_333 = arith.constant 0 : i32
        %dma_start3A_334 = tpu.memref_slice %arg5[%add3A_262, %dma_start3A_333] : memref<819200x32xf32, #tpu.memory_space<hbm>> -> memref<256x32xf32, #tpu.memory_space<hbm>>
        tpu.enqueue_dma source(%dma_start3A_334 : memref<256x32xf32, #tpu.memory_space<hbm>>) target(%arg11 : memref<256x32xf32, #tpu.memory_space<vmem>>) target_semaphore(%arg21 : memref<!tpu.dma_semaphore, #tpu.memory_space<semaphore_mem>>)
      } else {
      }
      %ge3A_238 = arith.constant 2 : i32
      %ge3A_239 = arith.cmpi sge, %add3A_176, %ge3A_238 : i32
      %convert_element_type3A_240 = arith.extui %ge3A_239 : i1 to i32
      %cond3A_241 = arith.constant 0 : i32
      %cond3A_242 = arith.cmpi ne, %convert_element_type3A_240, %cond3A_241 : i32
      scf.if %cond3A_242 {
        %dma_wait3A_258 = arith.constant 0 : i32
        %dma_wait3A_259 = arith.constant 0 : i32
        %dma_wait3A_260 = tpu.memref_slice %arg6[%dma_wait3A_258, %dma_wait3A_259] : memref<819200x32xf32, #tpu.memory_space<hbm>> -> memref<256x32xf32, #tpu.memory_space<hbm>>
        %dma_wait3A_261 = arith.constant 0 : i32
        %dma_wait3A_262 = arith.constant 0 : i32
        %dma_wait3A_263 = tpu.memref_slice %arg6[%dma_wait3A_261, %dma_wait3A_262] : memref<819200x32xf32, #tpu.memory_space<hbm>> -> memref<256x32xf32, #tpu.memory_space<hbm>>
        tpu.wait_dma2 semaphore(%arg24 : memref<!tpu.dma_semaphore, #tpu.memory_space<semaphore_mem>>) src(%arg18 : memref<256x32xf32, #tpu.memory_space<vmem>>) dst(%dma_wait3A_263 : memref<256x32xf32, #tpu.memory_space<hbm>>)
        %dma_wait3A_264 = arith.constant 0 : i32
        %dma_wait3A_265 = tpu.memref_slice %arg7[%dma_wait3A_264] : memref<819200xf32, #tpu.memory_space<hbm>> -> memref<256xf32, #tpu.memory_space<hbm>>
        %dma_wait3A_266 = arith.constant 0 : i32
        %dma_wait3A_267 = tpu.memref_slice %arg7[%dma_wait3A_266] : memref<819200xf32, #tpu.memory_space<hbm>> -> memref<256xf32, #tpu.memory_space<hbm>>
        tpu.wait_dma2 semaphore(%arg24 : memref<!tpu.dma_semaphore, #tpu.memory_space<semaphore_mem>>) src(%arg19 : memref<256xf32, #tpu.memory_space<vmem>>) dst(%dma_wait3A_267 : memref<256xf32, #tpu.memory_space<hbm>>)
      } else {
      }
      %mul3A_243 = arith.constant 256 : i32
      %mul3A_244 = arith.muli %add3A_176, %mul3A_243 : i32
      %add3A_245 = arith.addi %mul3A_2, %mul3A_244 : i32
      %scan3A_246 = arith.constant 0 : i32
      %scan3A_247 = arith.constant 0 : i32
      %scan3A_248 = arith.constant 16 : i32
      %scan3A_249 = arith.addi %scan3A_247, %scan3A_248 : i32
      %scan3A_250 = arith.constant 1 : i32
      scf.for %scan3A_258 = %scan3A_247 to %scan3A_249 step %scan3A_250  : i32 {
        %mul3A_259 = arith.constant 16 : i32
        %mul3A_260 = arith.muli %scan3A_258, %mul3A_259 : i32
        %add3A_261 = arith.constant 0 : i32
        %add3A_262 = arith.addi %mul3A_260, %add3A_261 : i32
        %get3A = arith.index_cast %add3A_262 : i32 to index
        %get3A_263 = arith.constant 0 : index
        %get3A_264 = tpu.vector_load %arg15[%get3A, %get3A_263] {strides = array<i32>} : memref<256x32xf32, #tpu.memory_space<vmem>>, vector<16xf32>,
        %get3A_265 = arith.index_cast %add3A_262 : i32 to index
        %get3A_266 = arith.constant 16 : index
        %get3A_267 = tpu.vector_load %arg15[%get3A_265, %get3A_266] {strides = array<i32>} : memref<256x32xf32, #tpu.memory_space<vmem>>, vector<16xf32>,
        %get3A_268 = arith.index_cast %add3A_262 : i32 to index
        %get3A_269 = arith.constant 0 : index
        %get3A_270 = tpu.vector_load %arg16[%get3A_268, %get3A_269] {strides = array<i32>} : memref<256x32xf32, #tpu.memory_space<vmem>>, vector<16xf32>,
        %get3A_271 = arith.index_cast %add3A_262 : i32 to index
        %get3A_272 = arith.constant 16 : index
        %get3A_273 = tpu.vector_load %arg16[%get3A_271, %get3A_272] {strides = array<i32>} : memref<256x32xf32, #tpu.memory_space<vmem>>, vector<16xf32>,
        %get3A_274 = arith.index_cast %add3A_262 : i32 to index
        %get3A_275 = arith.constant 0 : index
        %get3A_276 = tpu.vector_load %arg17[%get3A_274, %get3A_275] {strides = array<i32>} : memref<256x32xf32, #tpu.memory_space<vmem>>, vector<16xf32>,
        %get3A_277 = arith.index_cast %add3A_262 : i32 to index
        %get3A_278 = arith.constant 16 : index
        %get3A_279 = tpu.vector_load %arg17[%get3A_277, %get3A_278] {strides = array<i32>} : memref<256x32xf32, #tpu.memory_space<vmem>>, vector<16xf32>,
        %mul3A_280 = arith.mulf %get3A_270, %get3A_276 : vector<16xf32>
        %add3A_281 = arith.addf %get3A_264, %mul3A_280 : vector<16xf32>
        %mul3A_282 = arith.mulf %get3A_273, %get3A_279 : vector<16xf32>
        %add3A_283 = arith.addf %get3A_267, %mul3A_282 : vector<16xf32>
        %swap3A = arith.index_cast %add3A_262 : i32 to index
        %swap3A_284 = arith.constant 0 : index
        %swap3A_285 = tpu.vector_load %arg18[%swap3A, %swap3A_284] {strides = array<i32>} : memref<256x32xf32, #tpu.memory_space<vmem>>, vector<16xf32>,
        tpu.vector_store %arg18[%swap3A, %swap3A_284], %add3A_281 {strides = array<i32>} : memref<256x32xf32, #tpu.memory_space<vmem>>, vector<16xf32>,
        %swap3A_286 = arith.index_cast %add3A_262 : i32 to index
        %swap3A_287 = arith.constant 16 : index
        %swap3A_288 = tpu.vector_load %arg18[%swap3A_286, %swap3A_287] {strides = array<i32>} : memref<256x32xf32, #tpu.memory_space<vmem>>, vector<16xf32>,
        tpu.vector_store %arg18[%swap3A_286, %swap3A_287], %add3A_283 {strides = array<i32>} : memref<256x32xf32, #tpu.memory_space<vmem>>, vector<16xf32>,
        %mul3A_289 = arith.mulf %add3A_281, %add3A_281 : vector<16xf32>
        %mul3A_290 = arith.mulf %get3A_276, %get3A_276 : vector<16xf32>
        %sub3A_291 = arith.subf %mul3A_289, %mul3A_290 : vector<16xf32>
        %mul3A_292 = arith.mulf %add3A_283, %add3A_283 : vector<16xf32>
        %mul3A_293 = arith.mulf %get3A_279, %get3A_279 : vector<16xf32>
        %sub3A_294 = arith.subf %mul3A_292, %mul3A_293 : vector<16xf32>
        %add3A_295 = arith.addf %sub3A_291, %sub3A_294 : vector<16xf32>
        %mul3A_296 = arith.constant 5.000000e-01 : f32
        %mul3A_297 = vector.broadcast %mul3A_296 : f32 to vector<16xf32>
        %mul3A_298 = arith.mulf %mul3A_297, %add3A_295 : vector<16xf32>
        %mul3A_299 = arith.mulf %get3A_270, %get3A_273 : vector<16xf32>
        %bitcast_convert_type3A = tpu.bitcast %mul3A_299 : vector<16xf32> -> vector<16xi32>
        %shift_right_arithmetic3A = arith.constant 23 : i32
        %shift_right_arithmetic3A_300 = vector.broadcast %shift_right_arithmetic3A : i32 to vector<16xi32>
        %shift_right_arithmetic3A_301 = arith.shrsi %bitcast_convert_type3A, %shift_right_arithmetic3A_300 : vector<16xi32>
        %sub3A_302 = arith.constant 127 : i32
        %sub3A_303 = vector.broadcast %sub3A_302 : i32 to vector<16xi32>
        %sub3A_304 = arith.subi %shift_right_arithmetic3A_301, %sub3A_303 : vector<16xi32>
        %and3A_305 = arith.constant 8388607 : i32
        %and3A_306 = vector.broadcast %and3A_305 : i32 to vector<16xi32>
        %and3A_307 = arith.andi %bitcast_convert_type3A, %and3A_306 : vector<16xi32>
        %or3A = arith.constant 1065353216 : i32
        %or3A_308 = vector.broadcast %or3A : i32 to vector<16xi32>
        %or3A_309 = arith.ori %and3A_307, %or3A_308 : vector<16xi32>
        %bitcast_convert_type3A_310 = tpu.bitcast %or3A_309 : vector<16xi32> -> vector<16xf32>
        %ge3A_311 = arith.constant 1.41421354 : f32
        %ge3A_312 = vector.broadcast %ge3A_311 : f32 to vector<16xf32>
        %ge3A_313 = arith.cmpf oge, %bitcast_convert_type3A_310, %ge3A_312 : vector<16xf32>
        %mul3A_314 = arith.constant 5.000000e-01 : f32
        %mul3A_315 = vector.broadcast %mul3A_314 : f32 to vector<16xf32>
        %mul3A_316 = arith.mulf %bitcast_convert_type3A_310, %mul3A_315 : vector<16xf32>
        %select_n3A_317 = arith.select %ge3A_313, %mul3A_316, %bitcast_convert_type3A_310 : vector<16xi1>, vector<16xf32>
        %add3A_318 = arith.constant 1 : i32
        %add3A_319 = vector.broadcast %add3A_318 : i32 to vector<16xi32>
        %add3A_320 = arith.addi %sub3A_304, %add3A_319 : vector<16xi32>
        %select_n3A_321 = arith.select %ge3A_313, %add3A_320, %sub3A_304 : vector<16xi1>, vector<16xi32>
        %sub3A_322 = arith.constant 1.000000e+00 : f32
        %sub3A_323 = vector.broadcast %sub3A_322 : f32 to vector<16xf32>
        %sub3A_324 = arith.subf %select_n3A_317, %sub3A_323 : vector<16xf32>
        %mul3A_325 = arith.mulf %sub3A_324, %sub3A_324 : vector<16xf32>
        %mul3A_326 = arith.constant 0.0703768358 : f32
        %mul3A_327 = vector.broadcast %mul3A_326 : f32 to vector<16xf32>
        %mul3A_328 = arith.mulf %mul3A_327, %sub3A_324 : vector<16xf32>
        %add3A_329 = arith.constant -0.115146101 : f32
        %add3A_330 = vector.broadcast %add3A_329 : f32 to vector<16xf32>
        %add3A_331 = arith.addf %mul3A_328, %add3A_330 : vector<16xf32>
        %mul3A_332 = arith.mulf %add3A_331, %sub3A_324 : vector<16xf32>
        %add3A_333 = arith.constant 0.116769984 : f32
        %add3A_334 = vector.broadcast %add3A_333 : f32 to vector<16xf32>
        %add3A_335 = arith.addf %mul3A_332, %add3A_334 : vector<16xf32>
        %mul3A_336 = arith.mulf %add3A_335, %sub3A_324 : vector<16xf32>
        %add3A_337 = arith.constant -0.12420141 : f32
        %add3A_338 = vector.broadcast %add3A_337 : f32 to vector<16xf32>
        %add3A_339 = arith.addf %mul3A_336, %add3A_338 : vector<16xf32>
        %mul3A_340 = arith.mulf %add3A_339, %sub3A_324 : vector<16xf32>
        %add3A_341 = arith.constant 0.142493233 : f32
        %add3A_342 = vector.broadcast %add3A_341 : f32 to vector<16xf32>
        %add3A_343 = arith.addf %mul3A_340, %add3A_342 : vector<16xf32>
        %mul3A_344 = arith.mulf %add3A_343, %sub3A_324 : vector<16xf32>
        %add3A_345 = arith.constant -0.166680574 : f32
        %add3A_346 = vector.broadcast %add3A_345 : f32 to vector<16xf32>
        %add3A_347 = arith.addf %mul3A_344, %add3A_346 : vector<16xf32>
        %mul3A_348 = arith.mulf %add3A_347, %sub3A_324 : vector<16xf32>
        %add3A_349 = arith.constant 0.200007141 : f32
        %add3A_350 = vector.broadcast %add3A_349 : f32 to vector<16xf32>
        %add3A_351 = arith.addf %mul3A_348, %add3A_350 : vector<16xf32>
        %mul3A_352 = arith.mulf %add3A_351, %sub3A_324 : vector<16xf32>
        %add3A_353 = arith.constant -0.24999994 : f32
        %add3A_354 = vector.broadcast %add3A_353 : f32 to vector<16xf32>
        %add3A_355 = arith.addf %mul3A_352, %add3A_354 : vector<16xf32>
        %mul3A_356 = arith.mulf %add3A_355, %sub3A_324 : vector<16xf32>
        %add3A_357 = arith.constant 0.333333313 : f32
        %add3A_358 = vector.broadcast %add3A_357 : f32 to vector<16xf32>
        %add3A_359 = arith.addf %mul3A_356, %add3A_358 : vector<16xf32>
        %mul3A_360 = arith.mulf %add3A_359, %sub3A_324 : vector<16xf32>
        %mul3A_361 = arith.mulf %mul3A_360, %mul3A_325 : vector<16xf32>
        %mul3A_362 = arith.constant 5.000000e-01 : f32
        %mul3A_363 = vector.broadcast %mul3A_362 : f32 to vector<16xf32>
        %mul3A_364 = arith.mulf %mul3A_363, %mul3A_325 : vector<16xf32>
        %sub3A_365 = arith.subf %mul3A_361, %mul3A_364 : vector<16xf32>
        %add3A_366 = arith.addf %sub3A_324, %sub3A_365 : vector<16xf32>
        %convert_element_type3A_367 = arith.sitofp %select_n3A_321 : vector<16xi32> to vector<16xf32>
        %mul3A_368 = arith.constant 0.693147182 : f32
        %mul3A_369 = vector.broadcast %mul3A_368 : f32 to vector<16xf32>
        %mul3A_370 = arith.mulf %convert_element_type3A_367, %mul3A_369 : vector<16xf32>
        %add3A_371 = arith.addf %add3A_366, %mul3A_370 : vector<16xf32>
        %sub3A_372 = arith.subf %mul3A_298, %add3A_371 : vector<16xf32>
        %swap3A_373 = arith.index_cast %add3A_262 : i32 to index
        %swap3A_374 = arith.constant 0 : index
        %swap3A_375 = tpu.vector_load %arg20[%swap3A_373, %swap3A_374] {strides = array<i32>} : memref<256x16xf32, #tpu.memory_space<vmem>>, vector<16xf32>,
        tpu.vector_store %arg20[%swap3A_373, %swap3A_374], %sub3A_372 {strides = array<i32>} : memref<256x16xf32, #tpu.memory_space<vmem>>, vector<16xf32>,
        %mul3A_376 = arith.constant 16 : i32
        %mul3A_377 = arith.muli %scan3A_258, %mul3A_376 : i32
        %add3A_378 = arith.constant 1 : i32
        %add3A_379 = arith.addi %mul3A_377, %add3A_378 : i32
        %get3A_380 = arith.index_cast %add3A_379 : i32 to index
        %get3A_381 = arith.constant 0 : index
        %get3A_382 = tpu.vector_load %arg15[%get3A_380, %get3A_381] {strides = array<i32>} : memref<256x32xf32, #tpu.memory_space<vmem>>, vector<16xf32>,
        %get3A_383 = arith.index_cast %add3A_379 : i32 to index
        %get3A_384 = arith.constant 16 : index
        %get3A_385 = tpu.vector_load %arg15[%get3A_383, %get3A_384] {strides = array<i32>} : memref<256x32xf32, #tpu.memory_space<vmem>>, vector<16xf32>,
        %get3A_386 = arith.index_cast %add3A_379 : i32 to index
        %get3A_387 = arith.constant 0 : index
        %get3A_388 = tpu.vector_load %arg16[%get3A_386, %get3A_387] {strides = array<i32>} : memref<256x32xf32, #tpu.memory_space<vmem>>, vector<16xf32>,
        %get3A_389 = arith.index_cast %add3A_379 : i32 to index
        %get3A_390 = arith.constant 16 : index
        %get3A_391 = tpu.vector_load %arg16[%get3A_389, %get3A_390] {strides = array<i32>} : memref<256x32xf32, #tpu.memory_space<vmem>>, vector<16xf32>,
        %get3A_392 = arith.index_cast %add3A_379 : i32 to index
        %get3A_393 = arith.constant 0 : index
        %get3A_394 = tpu.vector_load %arg17[%get3A_392, %get3A_393] {strides = array<i32>} : memref<256x32xf32, #tpu.memory_space<vmem>>, vector<16xf32>,
        %get3A_395 = arith.index_cast %add3A_379 : i32 to index
        %get3A_396 = arith.constant 16 : index
        %get3A_397 = tpu.vector_load %arg17[%get3A_395, %get3A_396] {strides = array<i32>} : memref<256x32xf32, #tpu.memory_space<vmem>>, vector<16xf32>,
        %mul3A_398 = arith.mulf %get3A_388, %get3A_394 : vector<16xf32>
        %add3A_399 = arith.addf %get3A_382, %mul3A_398 : vector<16xf32>
        %mul3A_400 = arith.mulf %get3A_391, %get3A_397 : vector<16xf32>
        %add3A_401 = arith.addf %get3A_385, %mul3A_400 : vector<16xf32>
        %swap3A_402 = arith.index_cast %add3A_379 : i32 to index
        %swap3A_403 = arith.constant 0 : index
        %swap3A_404 = tpu.vector_load %arg18[%swap3A_402, %swap3A_403] {strides = array<i32>} : memref<256x32xf32, #tpu.memory_space<vmem>>, vector<16xf32>,
        tpu.vector_store %arg18[%swap3A_402, %swap3A_403], %add3A_399 {strides = array<i32>} : memref<256x32xf32, #tpu.memory_space<vmem>>, vector<16xf32>,
        %swap3A_405 = arith.index_cast %add3A_379 : i32 to index
        %swap3A_406 = arith.constant 16 : index
        %swap3A_407 = tpu.vector_load %arg18[%swap3A_405, %swap3A_406] {strides = array<i32>} : memref<256x32xf32, #tpu.memory_space<vmem>>, vector<16xf32>,
        tpu.vector_store %arg18[%swap3A_405, %swap3A_406], %add3A_401 {strides = array<i32>} : memref<256x32xf32, #tpu.memory_space<vmem>>, vector<16xf32>,
        %mul3A_408 = arith.mulf %add3A_399, %add3A_399 : vector<16xf32>
        %mul3A_409 = arith.mulf %get3A_394, %get3A_394 : vector<16xf32>
        %sub3A_410 = arith.subf %mul3A_408, %mul3A_409 : vector<16xf32>
        %mul3A_411 = arith.mulf %add3A_401, %add3A_401 : vector<16xf32>
        %mul3A_412 = arith.mulf %get3A_397, %get3A_397 : vector<16xf32>
        %sub3A_413 = arith.subf %mul3A_411, %mul3A_412 : vector<16xf32>
        %add3A_414 = arith.addf %sub3A_410, %sub3A_413 : vector<16xf32>
        %mul3A_415 = arith.constant 5.000000e-01 : f32
        %mul3A_416 = vector.broadcast %mul3A_415 : f32 to vector<16xf32>
        %mul3A_417 = arith.mulf %mul3A_416, %add3A_414 : vector<16xf32>
        %mul3A_418 = arith.mulf %get3A_388, %get3A_391 : vector<16xf32>
        %bitcast_convert_type3A_419 = tpu.bitcast %mul3A_418 : vector<16xf32> -> vector<16xi32>
        %shift_right_arithmetic3A_420 = arith.constant 23 : i32
        %shift_right_arithmetic3A_421 = vector.broadcast %shift_right_arithmetic3A_420 : i32 to vector<16xi32>
        %shift_right_arithmetic3A_422 = arith.shrsi %bitcast_convert_type3A_419, %shift_right_arithmetic3A_421 : vector<16xi32>
        %sub3A_423 = arith.constant 127 : i32
        %sub3A_424 = vector.broadcast %sub3A_423 : i32 to vector<16xi32>
        %sub3A_425 = arith.subi %shift_right_arithmetic3A_422, %sub3A_424 : vector<16xi32>
        %and3A_426 = arith.constant 8388607 : i32
        %and3A_427 = vector.broadcast %and3A_426 : i32 to vector<16xi32>
        %and3A_428 = arith.andi %bitcast_convert_type3A_419, %and3A_427 : vector<16xi32>
        %or3A_429 = arith.constant 1065353216 : i32
        %or3A_430 = vector.broadcast %or3A_429 : i32 to vector<16xi32>
        %or3A_431 = arith.ori %and3A_428, %or3A_430 : vector<16xi32>
        %bitcast_convert_type3A_432 = tpu.bitcast %or3A_431 : vector<16xi32> -> vector<16xf32>
        %ge3A_433 = arith.constant 1.41421354 : f32
        %ge3A_434 = vector.broadcast %ge3A_433 : f32 to vector<16xf32>
        %ge3A_435 = arith.cmpf oge, %bitcast_convert_type3A_432, %ge3A_434 : vector<16xf32>
        %mul3A_436 = arith.constant 5.000000e-01 : f32
        %mul3A_437 = vector.broadcast %mul3A_436 : f32 to vector<16xf32>
        %mul3A_438 = arith.mulf %bitcast_convert_type3A_432, %mul3A_437 : vector<16xf32>
        %select_n3A_439 = arith.select %ge3A_435, %mul3A_438, %bitcast_convert_type3A_432 : vector<16xi1>, vector<16xf32>
        %add3A_440 = arith.constant 1 : i32
        %add3A_441 = vector.broadcast %add3A_440 : i32 to vector<16xi32>
        %add3A_442 = arith.addi %sub3A_425, %add3A_441 : vector<16xi32>
        %select_n3A_443 = arith.select %ge3A_435, %add3A_442, %sub3A_425 : vector<16xi1>, vector<16xi32>
        %sub3A_444 = arith.constant 1.000000e+00 : f32
        %sub3A_445 = vector.broadcast %sub3A_444 : f32 to vector<16xf32>
        %sub3A_446 = arith.subf %select_n3A_439, %sub3A_445 : vector<16xf32>
        %mul3A_447 = arith.mulf %sub3A_446, %sub3A_446 : vector<16xf32>
        %mul3A_448 = arith.constant 0.0703768358 : f32
        %mul3A_449 = vector.broadcast %mul3A_448 : f32 to vector<16xf32>
        %mul3A_450 = arith.mulf %mul3A_449, %sub3A_446 : vector<16xf32>
        %add3A_451 = arith.constant -0.115146101 : f32
        %add3A_452 = vector.broadcast %add3A_451 : f32 to vector<16xf32>
        %add3A_453 = arith.addf %mul3A_450, %add3A_452 : vector<16xf32>
        %mul3A_454 = arith.mulf %add3A_453, %sub3A_446 : vector<16xf32>
        %add3A_455 = arith.constant 0.116769984 : f32
        %add3A_456 = vector.broadcast %add3A_455 : f32 to vector<16xf32>
        %add3A_457 = arith.addf %mul3A_454, %add3A_456 : vector<16xf32>
        %mul3A_458 = arith.mulf %add3A_457, %sub3A_446 : vector<16xf32>
        %add3A_459 = arith.constant -0.12420141 : f32
        %add3A_460 = vector.broadcast %add3A_459 : f32 to vector<16xf32>
        %add3A_461 = arith.addf %mul3A_458, %add3A_460 : vector<16xf32>
        %mul3A_462 = arith.mulf %add3A_461, %sub3A_446 : vector<16xf32>
        %add3A_463 = arith.constant 0.142493233 : f32
        %add3A_464 = vector.broadcast %add3A_463 : f32 to vector<16xf32>
        %add3A_465 = arith.addf %mul3A_462, %add3A_464 : vector<16xf32>
        %mul3A_466 = arith.mulf %add3A_465, %sub3A_446 : vector<16xf32>
        %add3A_467 = arith.constant -0.166680574 : f32
        %add3A_468 = vector.broadcast %add3A_467 : f32 to vector<16xf32>
        %add3A_469 = arith.addf %mul3A_466, %add3A_468 : vector<16xf32>
        %mul3A_470 = arith.mulf %add3A_469, %sub3A_446 : vector<16xf32>
        %add3A_471 = arith.constant 0.200007141 : f32
        %add3A_472 = vector.broadcast %add3A_471 : f32 to vector<16xf32>
        %add3A_473 = arith.addf %mul3A_470, %add3A_472 : vector<16xf32>
        %mul3A_474 = arith.mulf %add3A_473, %sub3A_446 : vector<16xf32>
        %add3A_475 = arith.constant -0.24999994 : f32
        %add3A_476 = vector.broadcast %add3A_475 : f32 to vector<16xf32>
        %add3A_477 = arith.addf %mul3A_474, %add3A_476 : vector<16xf32>
        %mul3A_478 = arith.mulf %add3A_477, %sub3A_446 : vector<16xf32>
        %add3A_479 = arith.constant 0.333333313 : f32
        %add3A_480 = vector.broadcast %add3A_479 : f32 to vector<16xf32>
        %add3A_481 = arith.addf %mul3A_478, %add3A_480 : vector<16xf32>
        %mul3A_482 = arith.mulf %add3A_481, %sub3A_446 : vector<16xf32>
        %mul3A_483 = arith.mulf %mul3A_482, %mul3A_447 : vector<16xf32>
        %mul3A_484 = arith.constant 5.000000e-01 : f32
        %mul3A_485 = vector.broadcast %mul3A_484 : f32 to vector<16xf32>
        %mul3A_486 = arith.mulf %mul3A_485, %mul3A_447 : vector<16xf32>
        %sub3A_487 = arith.subf %mul3A_483, %mul3A_486 : vector<16xf32>
        %add3A_488 = arith.addf %sub3A_446, %sub3A_487 : vector<16xf32>
        %convert_element_type3A_489 = arith.sitofp %select_n3A_443 : vector<16xi32> to vector<16xf32>
        %mul3A_490 = arith.constant 0.693147182 : f32
        %mul3A_491 = vector.broadcast %mul3A_490 : f32 to vector<16xf32>
        %mul3A_492 = arith.mulf %convert_element_type3A_489, %mul3A_491 : vector<16xf32>
        %add3A_493 = arith.addf %add3A_488, %mul3A_492 : vector<16xf32>
        %sub3A_494 = arith.subf %mul3A_417, %add3A_493 : vector<16xf32>
        %swap3A_495 = arith.index_cast %add3A_379 : i32 to index
        %swap3A_496 = arith.constant 0 : index
        %swap3A_497 = tpu.vector_load %arg20[%swap3A_495, %swap3A_496] {strides = array<i32>} : memref<256x16xf32, #tpu.memory_space<vmem>>, vector<16xf32>,
        tpu.vector_store %arg20[%swap3A_495, %swap3A_496], %sub3A_494 {strides = array<i32>} : memref<256x16xf32, #tpu.memory_space<vmem>>, vector<16xf32>,
        %mul3A_498 = arith.constant 16 : i32
        %mul3A_499 = arith.muli %scan3A_258, %mul3A_498 : i32
        %add3A_500 = arith.constant 2 : i32
        %add3A_501 = arith.addi %mul3A_499, %add3A_500 : i32
        %get3A_502 = arith.index_cast %add3A_501 : i32 to index
        %get3A_503 = arith.constant 0 : index
        %get3A_504 = tpu.vector_load %arg15[%get3A_502, %get3A_503] {strides = array<i32>} : memref<256x32xf32, #tpu.memory_space<vmem>>, vector<16xf32>,
        %get3A_505 = arith.index_cast %add3A_501 : i32 to index
        %get3A_506 = arith.constant 16 : index
        %get3A_507 = tpu.vector_load %arg15[%get3A_505, %get3A_506] {strides = array<i32>} : memref<256x32xf32, #tpu.memory_space<vmem>>, vector<16xf32>,
        %get3A_508 = arith.index_cast %add3A_501 : i32 to index
        %get3A_509 = arith.constant 0 : index
        %get3A_510 = tpu.vector_load %arg16[%get3A_508, %get3A_509] {strides = array<i32>} : memref<256x32xf32, #tpu.memory_space<vmem>>, vector<16xf32>,
        %get3A_511 = arith.index_cast %add3A_501 : i32 to index
        %get3A_512 = arith.constant 16 : index
        %get3A_513 = tpu.vector_load %arg16[%get3A_511, %get3A_512] {strides = array<i32>} : memref<256x32xf32, #tpu.memory_space<vmem>>, vector<16xf32>,
        %get3A_514 = arith.index_cast %add3A_501 : i32 to index
        %get3A_515 = arith.constant 0 : index
        %get3A_516 = tpu.vector_load %arg17[%get3A_514, %get3A_515] {strides = array<i32>} : memref<256x32xf32, #tpu.memory_space<vmem>>, vector<16xf32>,
        %get3A_517 = arith.index_cast %add3A_501 : i32 to index
        %get3A_518 = arith.constant 16 : index
        %get3A_519 = tpu.vector_load %arg17[%get3A_517, %get3A_518] {strides = array<i32>} : memref<256x32xf32, #tpu.memory_space<vmem>>, vector<16xf32>,
        %mul3A_520 = arith.mulf %get3A_510, %get3A_516 : vector<16xf32>
        %add3A_521 = arith.addf %get3A_504, %mul3A_520 : vector<16xf32>
        %mul3A_522 = arith.mulf %get3A_513, %get3A_519 : vector<16xf32>
        %add3A_523 = arith.addf %get3A_507, %mul3A_522 : vector<16xf32>
        %swap3A_524 = arith.index_cast %add3A_501 : i32 to index
        %swap3A_525 = arith.constant 0 : index
        %swap3A_526 = tpu.vector_load %arg18[%swap3A_524, %swap3A_525] {strides = array<i32>} : memref<256x32xf32, #tpu.memory_space<vmem>>, vector<16xf32>,
        tpu.vector_store %arg18[%swap3A_524, %swap3A_525], %add3A_521 {strides = array<i32>} : memref<256x32xf32, #tpu.memory_space<vmem>>, vector<16xf32>,
        %swap3A_527 = arith.index_cast %add3A_501 : i32 to index
        %swap3A_528 = arith.constant 16 : index
        %swap3A_529 = tpu.vector_load %arg18[%swap3A_527, %swap3A_528] {strides = array<i32>} : memref<256x32xf32, #tpu.memory_space<vmem>>, vector<16xf32>,
        tpu.vector_store %arg18[%swap3A_527, %swap3A_528], %add3A_523 {strides = array<i32>} : memref<256x32xf32, #tpu.memory_space<vmem>>, vector<16xf32>,
        %mul3A_530 = arith.mulf %add3A_521, %add3A_521 : vector<16xf32>
        %mul3A_531 = arith.mulf %get3A_516, %get3A_516 : vector<16xf32>
        %sub3A_532 = arith.subf %mul3A_530, %mul3A_531 : vector<16xf32>
        %mul3A_533 = arith.mulf %add3A_523, %add3A_523 : vector<16xf32>
        %mul3A_534 = arith.mulf %get3A_519, %get3A_519 : vector<16xf32>
        %sub3A_535 = arith.subf %mul3A_533, %mul3A_534 : vector<16xf32>
        %add3A_536 = arith.addf %sub3A_532, %sub3A_535 : vector<16xf32>
        %mul3A_537 = arith.constant 5.000000e-01 : f32
        %mul3A_538 = vector.broadcast %mul3A_537 : f32 to vector<16xf32>
        %mul3A_539 = arith.mulf %mul3A_538, %add3A_536 : vector<16xf32>
        %mul3A_540 = arith.mulf %get3A_510, %get3A_513 : vector<16xf32>
        %bitcast_convert_type3A_541 = tpu.bitcast %mul3A_540 : vector<16xf32> -> vector<16xi32>
        %shift_right_arithmetic3A_542 = arith.constant 23 : i32
        %shift_right_arithmetic3A_543 = vector.broadcast %shift_right_arithmetic3A_542 : i32 to vector<16xi32>
        %shift_right_arithmetic3A_544 = arith.shrsi %bitcast_convert_type3A_541, %shift_right_arithmetic3A_543 : vector<16xi32>
        %sub3A_545 = arith.constant 127 : i32
        %sub3A_546 = vector.broadcast %sub3A_545 : i32 to vector<16xi32>
        %sub3A_547 = arith.subi %shift_right_arithmetic3A_544, %sub3A_546 : vector<16xi32>
        %and3A_548 = arith.constant 8388607 : i32
        %and3A_549 = vector.broadcast %and3A_548 : i32 to vector<16xi32>
        %and3A_550 = arith.andi %bitcast_convert_type3A_541, %and3A_549 : vector<16xi32>
        %or3A_551 = arith.constant 1065353216 : i32
        %or3A_552 = vector.broadcast %or3A_551 : i32 to vector<16xi32>
        %or3A_553 = arith.ori %and3A_550, %or3A_552 : vector<16xi32>
        %bitcast_convert_type3A_554 = tpu.bitcast %or3A_553 : vector<16xi32> -> vector<16xf32>
        %ge3A_555 = arith.constant 1.41421354 : f32
        %ge3A_556 = vector.broadcast %ge3A_555 : f32 to vector<16xf32>
        %ge3A_557 = arith.cmpf oge, %bitcast_convert_type3A_554, %ge3A_556 : vector<16xf32>
        %mul3A_558 = arith.constant 5.000000e-01 : f32
        %mul3A_559 = vector.broadcast %mul3A_558 : f32 to vector<16xf32>
        %mul3A_560 = arith.mulf %bitcast_convert_type3A_554, %mul3A_559 : vector<16xf32>
        %select_n3A_561 = arith.select %ge3A_557, %mul3A_560, %bitcast_convert_type3A_554 : vector<16xi1>, vector<16xf32>
        %add3A_562 = arith.constant 1 : i32
        %add3A_563 = vector.broadcast %add3A_562 : i32 to vector<16xi32>
        %add3A_564 = arith.addi %sub3A_547, %add3A_563 : vector<16xi32>
        %select_n3A_565 = arith.select %ge3A_557, %add3A_564, %sub3A_547 : vector<16xi1>, vector<16xi32>
        %sub3A_566 = arith.constant 1.000000e+00 : f32
        %sub3A_567 = vector.broadcast %sub3A_566 : f32 to vector<16xf32>
        %sub3A_568 = arith.subf %select_n3A_561, %sub3A_567 : vector<16xf32>
        %mul3A_569 = arith.mulf %sub3A_568, %sub3A_568 : vector<16xf32>
        %mul3A_570 = arith.constant 0.0703768358 : f32
        %mul3A_571 = vector.broadcast %mul3A_570 : f32 to vector<16xf32>
        %mul3A_572 = arith.mulf %mul3A_571, %sub3A_568 : vector<16xf32>
        %add3A_573 = arith.constant -0.115146101 : f32
        %add3A_574 = vector.broadcast %add3A_573 : f32 to vector<16xf32>
        %add3A_575 = arith.addf %mul3A_572, %add3A_574 : vector<16xf32>
        %mul3A_576 = arith.mulf %add3A_575, %sub3A_568 : vector<16xf32>
        %add3A_577 = arith.constant 0.116769984 : f32
        %add3A_578 = vector.broadcast %add3A_577 : f32 to vector<16xf32>
        %add3A_579 = arith.addf %mul3A_576, %add3A_578 : vector<16xf32>
        %mul3A_580 = arith.mulf %add3A_579, %sub3A_568 : vector<16xf32>
        %add3A_581 = arith.constant -0.12420141 : f32
        %add3A_582 = vector.broadcast %add3A_581 : f32 to vector<16xf32>
        %add3A_583 = arith.addf %mul3A_580, %add3A_582 : vector<16xf32>
        %mul3A_584 = arith.mulf %add3A_583, %sub3A_568 : vector<16xf32>
        %add3A_585 = arith.constant 0.142493233 : f32
        %add3A_586 = vector.broadcast %add3A_585 : f32 to vector<16xf32>
        %add3A_587 = arith.addf %mul3A_584, %add3A_586 : vector<16xf32>
        %mul3A_588 = arith.mulf %add3A_587, %sub3A_568 : vector<16xf32>
        %add3A_589 = arith.constant -0.166680574 : f32
        %add3A_590 = vector.broadcast %add3A_589 : f32 to vector<16xf32>
        %add3A_591 = arith.addf %mul3A_588, %add3A_590 : vector<16xf32>
        %mul3A_592 = arith.mulf %add3A_591, %sub3A_568 : vector<16xf32>
        %add3A_593 = arith.constant 0.200007141 : f32
        %add3A_594 = vector.broadcast %add3A_593 : f32 to vector<16xf32>
        %add3A_595 = arith.addf %mul3A_592, %add3A_594 : vector<16xf32>
        %mul3A_596 = arith.mulf %add3A_595, %sub3A_568 : vector<16xf32>
        %add3A_597 = arith.constant -0.24999994 : f32
        %add3A_598 = vector.broadcast %add3A_597 : f32 to vector<16xf32>
        %add3A_599 = arith.addf %mul3A_596, %add3A_598 : vector<16xf32>
        %mul3A_600 = arith.mulf %add3A_599, %sub3A_568 : vector<16xf32>
        %add3A_601 = arith.constant 0.333333313 : f32
        %add3A_602 = vector.broadcast %add3A_601 : f32 to vector<16xf32>
        %add3A_603 = arith.addf %mul3A_600, %add3A_602 : vector<16xf32>
        %mul3A_604 = arith.mulf %add3A_603, %sub3A_568 : vector<16xf32>
        %mul3A_605 = arith.mulf %mul3A_604, %mul3A_569 : vector<16xf32>
        %mul3A_606 = arith.constant 5.000000e-01 : f32
        %mul3A_607 = vector.broadcast %mul3A_606 : f32 to vector<16xf32>
        %mul3A_608 = arith.mulf %mul3A_607, %mul3A_569 : vector<16xf32>
        %sub3A_609 = arith.subf %mul3A_605, %mul3A_608 : vector<16xf32>
        %add3A_610 = arith.addf %sub3A_568, %sub3A_609 : vector<16xf32>
        %convert_element_type3A_611 = arith.sitofp %select_n3A_565 : vector<16xi32> to vector<16xf32>
        %mul3A_612 = arith.constant 0.693147182 : f32
        %mul3A_613 = vector.broadcast %mul3A_612 : f32 to vector<16xf32>
        %mul3A_614 = arith.mulf %convert_element_type3A_611, %mul3A_613 : vector<16xf32>
        %add3A_615 = arith.addf %add3A_610, %mul3A_614 : vector<16xf32>
        %sub3A_616 = arith.subf %mul3A_539, %add3A_615 : vector<16xf32>
        %swap3A_617 = arith.index_cast %add3A_501 : i32 to index
        %swap3A_618 = arith.constant 0 : index
        %swap3A_619 = tpu.vector_load %arg20[%swap3A_617, %swap3A_618] {strides = array<i32>} : memref<256x16xf32, #tpu.memory_space<vmem>>, vector<16xf32>,
        tpu.vector_store %arg20[%swap3A_617, %swap3A_618], %sub3A_616 {strides = array<i32>} : memref<256x16xf32, #tpu.memory_space<vmem>>, vector<16xf32>,
        %mul3A_620 = arith.constant 16 : i32
        %mul3A_621 = arith.muli %scan3A_258, %mul3A_620 : i32
        %add3A_622 = arith.constant 3 : i32
        %add3A_623 = arith.addi %mul3A_621, %add3A_622 : i32
        %get3A_624 = arith.index_cast %add3A_623 : i32 to index
        %get3A_625 = arith.constant 0 : index
        %get3A_626 = tpu.vector_load %arg15[%get3A_624, %get3A_625] {strides = array<i32>} : memref<256x32xf32, #tpu.memory_space<vmem>>, vector<16xf32>,
        %get3A_627 = arith.index_cast %add3A_623 : i32 to index
        %get3A_628 = arith.constant 16 : index
        %get3A_629 = tpu.vector_load %arg15[%get3A_627, %get3A_628] {strides = array<i32>} : memref<256x32xf32, #tpu.memory_space<vmem>>, vector<16xf32>,
        %get3A_630 = arith.index_cast %add3A_623 : i32 to index
        %get3A_631 = arith.constant 0 : index
        %get3A_632 = tpu.vector_load %arg16[%get3A_630, %get3A_631] {strides = array<i32>} : memref<256x32xf32, #tpu.memory_space<vmem>>, vector<16xf32>,
        %get3A_633 = arith.index_cast %add3A_623 : i32 to index
        %get3A_634 = arith.constant 16 : index
        %get3A_635 = tpu.vector_load %arg16[%get3A_633, %get3A_634] {strides = array<i32>} : memref<256x32xf32, #tpu.memory_space<vmem>>, vector<16xf32>,
        %get3A_636 = arith.index_cast %add3A_623 : i32 to index
        %get3A_637 = arith.constant 0 : index
        %get3A_638 = tpu.vector_load %arg17[%get3A_636, %get3A_637] {strides = array<i32>} : memref<256x32xf32, #tpu.memory_space<vmem>>, vector<16xf32>,
        %get3A_639 = arith.index_cast %add3A_623 : i32 to index
        %get3A_640 = arith.constant 16 : index
        %get3A_641 = tpu.vector_load %arg17[%get3A_639, %get3A_640] {strides = array<i32>} : memref<256x32xf32, #tpu.memory_space<vmem>>, vector<16xf32>,
        %mul3A_642 = arith.mulf %get3A_632, %get3A_638 : vector<16xf32>
        %add3A_643 = arith.addf %get3A_626, %mul3A_642 : vector<16xf32>
        %mul3A_644 = arith.mulf %get3A_635, %get3A_641 : vector<16xf32>
        %add3A_645 = arith.addf %get3A_629, %mul3A_644 : vector<16xf32>
        %swap3A_646 = arith.index_cast %add3A_623 : i32 to index
        %swap3A_647 = arith.constant 0 : index
        %swap3A_648 = tpu.vector_load %arg18[%swap3A_646, %swap3A_647] {strides = array<i32>} : memref<256x32xf32, #tpu.memory_space<vmem>>, vector<16xf32>,
        tpu.vector_store %arg18[%swap3A_646, %swap3A_647], %add3A_643 {strides = array<i32>} : memref<256x32xf32, #tpu.memory_space<vmem>>, vector<16xf32>,
        %swap3A_649 = arith.index_cast %add3A_623 : i32 to index
        %swap3A_650 = arith.constant 16 : index
        %swap3A_651 = tpu.vector_load %arg18[%swap3A_649, %swap3A_650] {strides = array<i32>} : memref<256x32xf32, #tpu.memory_space<vmem>>, vector<16xf32>,
        tpu.vector_store %arg18[%swap3A_649, %swap3A_650], %add3A_645 {strides = array<i32>} : memref<256x32xf32, #tpu.memory_space<vmem>>, vector<16xf32>,
        %mul3A_652 = arith.mulf %add3A_643, %add3A_643 : vector<16xf32>
        %mul3A_653 = arith.mulf %get3A_638, %get3A_638 : vector<16xf32>
        %sub3A_654 = arith.subf %mul3A_652, %mul3A_653 : vector<16xf32>
        %mul3A_655 = arith.mulf %add3A_645, %add3A_645 : vector<16xf32>
        %mul3A_656 = arith.mulf %get3A_641, %get3A_641 : vector<16xf32>
        %sub3A_657 = arith.subf %mul3A_655, %mul3A_656 : vector<16xf32>
        %add3A_658 = arith.addf %sub3A_654, %sub3A_657 : vector<16xf32>
        %mul3A_659 = arith.constant 5.000000e-01 : f32
        %mul3A_660 = vector.broadcast %mul3A_659 : f32 to vector<16xf32>
        %mul3A_661 = arith.mulf %mul3A_660, %add3A_658 : vector<16xf32>
        %mul3A_662 = arith.mulf %get3A_632, %get3A_635 : vector<16xf32>
        %bitcast_convert_type3A_663 = tpu.bitcast %mul3A_662 : vector<16xf32> -> vector<16xi32>
        %shift_right_arithmetic3A_664 = arith.constant 23 : i32
        %shift_right_arithmetic3A_665 = vector.broadcast %shift_right_arithmetic3A_664 : i32 to vector<16xi32>
        %shift_right_arithmetic3A_666 = arith.shrsi %bitcast_convert_type3A_663, %shift_right_arithmetic3A_665 : vector<16xi32>
        %sub3A_667 = arith.constant 127 : i32
        %sub3A_668 = vector.broadcast %sub3A_667 : i32 to vector<16xi32>
        %sub3A_669 = arith.subi %shift_right_arithmetic3A_666, %sub3A_668 : vector<16xi32>
        %and3A_670 = arith.constant 8388607 : i32
        %and3A_671 = vector.broadcast %and3A_670 : i32 to vector<16xi32>
        %and3A_672 = arith.andi %bitcast_convert_type3A_663, %and3A_671 : vector<16xi32>
        %or3A_673 = arith.constant 1065353216 : i32
        %or3A_674 = vector.broadcast %or3A_673 : i32 to vector<16xi32>
        %or3A_675 = arith.ori %and3A_672, %or3A_674 : vector<16xi32>
        %bitcast_convert_type3A_676 = tpu.bitcast %or3A_675 : vector<16xi32> -> vector<16xf32>
        %ge3A_677 = arith.constant 1.41421354 : f32
        %ge3A_678 = vector.broadcast %ge3A_677 : f32 to vector<16xf32>
        %ge3A_679 = arith.cmpf oge, %bitcast_convert_type3A_676, %ge3A_678 : vector<16xf32>
        %mul3A_680 = arith.constant 5.000000e-01 : f32
        %mul3A_681 = vector.broadcast %mul3A_680 : f32 to vector<16xf32>
        %mul3A_682 = arith.mulf %bitcast_convert_type3A_676, %mul3A_681 : vector<16xf32>
        %select_n3A_683 = arith.select %ge3A_679, %mul3A_682, %bitcast_convert_type3A_676 : vector<16xi1>, vector<16xf32>
        %add3A_684 = arith.constant 1 : i32
        %add3A_685 = vector.broadcast %add3A_684 : i32 to vector<16xi32>
        %add3A_686 = arith.addi %sub3A_669, %add3A_685 : vector<16xi32>
        %select_n3A_687 = arith.select %ge3A_679, %add3A_686, %sub3A_669 : vector<16xi1>, vector<16xi32>
        %sub3A_688 = arith.constant 1.000000e+00 : f32
        %sub3A_689 = vector.broadcast %sub3A_688 : f32 to vector<16xf32>
        %sub3A_690 = arith.subf %select_n3A_683, %sub3A_689 : vector<16xf32>
        %mul3A_691 = arith.mulf %sub3A_690, %sub3A_690 : vector<16xf32>
        %mul3A_692 = arith.constant 0.0703768358 : f32
        %mul3A_693 = vector.broadcast %mul3A_692 : f32 to vector<16xf32>
        %mul3A_694 = arith.mulf %mul3A_693, %sub3A_690 : vector<16xf32>
        %add3A_695 = arith.constant -0.115146101 : f32
        %add3A_696 = vector.broadcast %add3A_695 : f32 to vector<16xf32>
        %add3A_697 = arith.addf %mul3A_694, %add3A_696 : vector<16xf32>
        %mul3A_698 = arith.mulf %add3A_697, %sub3A_690 : vector<16xf32>
        %add3A_699 = arith.constant 0.116769984 : f32
        %add3A_700 = vector.broadcast %add3A_699 : f32 to vector<16xf32>
        %add3A_701 = arith.addf %mul3A_698, %add3A_700 : vector<16xf32>
        %mul3A_702 = arith.mulf %add3A_701, %sub3A_690 : vector<16xf32>
        %add3A_703 = arith.constant -0.12420141 : f32
        %add3A_704 = vector.broadcast %add3A_703 : f32 to vector<16xf32>
        %add3A_705 = arith.addf %mul3A_702, %add3A_704 : vector<16xf32>
        %mul3A_706 = arith.mulf %add3A_705, %sub3A_690 : vector<16xf32>
        %add3A_707 = arith.constant 0.142493233 : f32
        %add3A_708 = vector.broadcast %add3A_707 : f32 to vector<16xf32>
        %add3A_709 = arith.addf %mul3A_706, %add3A_708 : vector<16xf32>
        %mul3A_710 = arith.mulf %add3A_709, %sub3A_690 : vector<16xf32>
        %add3A_711 = arith.constant -0.166680574 : f32
        %add3A_712 = vector.broadcast %add3A_711 : f32 to vector<16xf32>
        %add3A_713 = arith.addf %mul3A_710, %add3A_712 : vector<16xf32>
        %mul3A_714 = arith.mulf %add3A_713, %sub3A_690 : vector<16xf32>
        %add3A_715 = arith.constant 0.200007141 : f32
        %add3A_716 = vector.broadcast %add3A_715 : f32 to vector<16xf32>
        %add3A_717 = arith.addf %mul3A_714, %add3A_716 : vector<16xf32>
        %mul3A_718 = arith.mulf %add3A_717, %sub3A_690 : vector<16xf32>
        %add3A_719 = arith.constant -0.24999994 : f32
        %add3A_720 = vector.broadcast %add3A_719 : f32 to vector<16xf32>
        %add3A_721 = arith.addf %mul3A_718, %add3A_720 : vector<16xf32>
        %mul3A_722 = arith.mulf %add3A_721, %sub3A_690 : vector<16xf32>
        %add3A_723 = arith.constant 0.333333313 : f32
        %add3A_724 = vector.broadcast %add3A_723 : f32 to vector<16xf32>
        %add3A_725 = arith.addf %mul3A_722, %add3A_724 : vector<16xf32>
        %mul3A_726 = arith.mulf %add3A_725, %sub3A_690 : vector<16xf32>
        %mul3A_727 = arith.mulf %mul3A_726, %mul3A_691 : vector<16xf32>
        %mul3A_728 = arith.constant 5.000000e-01 : f32
        %mul3A_729 = vector.broadcast %mul3A_728 : f32 to vector<16xf32>
        %mul3A_730 = arith.mulf %mul3A_729, %mul3A_691 : vector<16xf32>
        %sub3A_731 = arith.subf %mul3A_727, %mul3A_730 : vector<16xf32>
        %add3A_732 = arith.addf %sub3A_690, %sub3A_731 : vector<16xf32>
        %convert_element_type3A_733 = arith.sitofp %select_n3A_687 : vector<16xi32> to vector<16xf32>
        %mul3A_734 = arith.constant 0.693147182 : f32
        %mul3A_735 = vector.broadcast %mul3A_734 : f32 to vector<16xf32>
        %mul3A_736 = arith.mulf %convert_element_type3A_733, %mul3A_735 : vector<16xf32>
        %add3A_737 = arith.addf %add3A_732, %mul3A_736 : vector<16xf32>
        %sub3A_738 = arith.subf %mul3A_661, %add3A_737 : vector<16xf32>
        %swap3A_739 = arith.index_cast %add3A_623 : i32 to index
        %swap3A_740 = arith.constant 0 : index
        %swap3A_741 = tpu.vector_load %arg20[%swap3A_739, %swap3A_740] {strides = array<i32>} : memref<256x16xf32, #tpu.memory_space<vmem>>, vector<16xf32>,
        tpu.vector_store %arg20[%swap3A_739, %swap3A_740], %sub3A_738 {strides = array<i32>} : memref<256x16xf32, #tpu.memory_space<vmem>>, vector<16xf32>,
        %mul3A_742 = arith.constant 16 : i32
        %mul3A_743 = arith.muli %scan3A_258, %mul3A_742 : i32
        %add3A_744 = arith.constant 4 : i32
        %add3A_745 = arith.addi %mul3A_743, %add3A_744 : i32
        %get3A_746 = arith.index_cast %add3A_745 : i32 to index
        %get3A_747 = arith.constant 0 : index
        %get3A_748 = tpu.vector_load %arg15[%get3A_746, %get3A_747] {strides = array<i32>} : memref<256x32xf32, #tpu.memory_space<vmem>>, vector<16xf32>,
        %get3A_749 = arith.index_cast %add3A_745 : i32 to index
        %get3A_750 = arith.constant 16 : index
        %get3A_751 = tpu.vector_load %arg15[%get3A_749, %get3A_750] {strides = array<i32>} : memref<256x32xf32, #tpu.memory_space<vmem>>, vector<16xf32>,
        %get3A_752 = arith.index_cast %add3A_745 : i32 to index
        %get3A_753 = arith.constant 0 : index
        %get3A_754 = tpu.vector_load %arg16[%get3A_752, %get3A_753] {strides = array<i32>} : memref<256x32xf32, #tpu.memory_space<vmem>>, vector<16xf32>,
        %get3A_755 = arith.index_cast %add3A_745 : i32 to index
        %get3A_756 = arith.constant 16 : index
        %get3A_757 = tpu.vector_load %arg16[%get3A_755, %get3A_756] {strides = array<i32>} : memref<256x32xf32, #tpu.memory_space<vmem>>, vector<16xf32>,
        %get3A_758 = arith.index_cast %add3A_745 : i32 to index
        %get3A_759 = arith.constant 0 : index
        %get3A_760 = tpu.vector_load %arg17[%get3A_758, %get3A_759] {strides = array<i32>} : memref<256x32xf32, #tpu.memory_space<vmem>>, vector<16xf32>,
        %get3A_761 = arith.index_cast %add3A_745 : i32 to index
        %get3A_762 = arith.constant 16 : index
        %get3A_763 = tpu.vector_load %arg17[%get3A_761, %get3A_762] {strides = array<i32>} : memref<256x32xf32, #tpu.memory_space<vmem>>, vector<16xf32>,
        %mul3A_764 = arith.mulf %get3A_754, %get3A_760 : vector<16xf32>
        %add3A_765 = arith.addf %get3A_748, %mul3A_764 : vector<16xf32>
        %mul3A_766 = arith.mulf %get3A_757, %get3A_763 : vector<16xf32>
        %add3A_767 = arith.addf %get3A_751, %mul3A_766 : vector<16xf32>
        %swap3A_768 = arith.index_cast %add3A_745 : i32 to index
        %swap3A_769 = arith.constant 0 : index
        %swap3A_770 = tpu.vector_load %arg18[%swap3A_768, %swap3A_769] {strides = array<i32>} : memref<256x32xf32, #tpu.memory_space<vmem>>, vector<16xf32>,
        tpu.vector_store %arg18[%swap3A_768, %swap3A_769], %add3A_765 {strides = array<i32>} : memref<256x32xf32, #tpu.memory_space<vmem>>, vector<16xf32>,
        %swap3A_771 = arith.index_cast %add3A_745 : i32 to index
        %swap3A_772 = arith.constant 16 : index
        %swap3A_773 = tpu.vector_load %arg18[%swap3A_771, %swap3A_772] {strides = array<i32>} : memref<256x32xf32, #tpu.memory_space<vmem>>, vector<16xf32>,
        tpu.vector_store %arg18[%swap3A_771, %swap3A_772], %add3A_767 {strides = array<i32>} : memref<256x32xf32, #tpu.memory_space<vmem>>, vector<16xf32>,
        %mul3A_774 = arith.mulf %add3A_765, %add3A_765 : vector<16xf32>
        %mul3A_775 = arith.mulf %get3A_760, %get3A_760 : vector<16xf32>
        %sub3A_776 = arith.subf %mul3A_774, %mul3A_775 : vector<16xf32>
        %mul3A_777 = arith.mulf %add3A_767, %add3A_767 : vector<16xf32>
        %mul3A_778 = arith.mulf %get3A_763, %get3A_763 : vector<16xf32>
        %sub3A_779 = arith.subf %mul3A_777, %mul3A_778 : vector<16xf32>
        %add3A_780 = arith.addf %sub3A_776, %sub3A_779 : vector<16xf32>
        %mul3A_781 = arith.constant 5.000000e-01 : f32
        %mul3A_782 = vector.broadcast %mul3A_781 : f32 to vector<16xf32>
        %mul3A_783 = arith.mulf %mul3A_782, %add3A_780 : vector<16xf32>
        %mul3A_784 = arith.mulf %get3A_754, %get3A_757 : vector<16xf32>
        %bitcast_convert_type3A_785 = tpu.bitcast %mul3A_784 : vector<16xf32> -> vector<16xi32>
        %shift_right_arithmetic3A_786 = arith.constant 23 : i32
        %shift_right_arithmetic3A_787 = vector.broadcast %shift_right_arithmetic3A_786 : i32 to vector<16xi32>
        %shift_right_arithmetic3A_788 = arith.shrsi %bitcast_convert_type3A_785, %shift_right_arithmetic3A_787 : vector<16xi32>
        %sub3A_789 = arith.constant 127 : i32
        %sub3A_790 = vector.broadcast %sub3A_789 : i32 to vector<16xi32>
        %sub3A_791 = arith.subi %shift_right_arithmetic3A_788, %sub3A_790 : vector<16xi32>
        %and3A_792 = arith.constant 8388607 : i32
        %and3A_793 = vector.broadcast %and3A_792 : i32 to vector<16xi32>
        %and3A_794 = arith.andi %bitcast_convert_type3A_785, %and3A_793 : vector<16xi32>
        %or3A_795 = arith.constant 1065353216 : i32
        %or3A_796 = vector.broadcast %or3A_795 : i32 to vector<16xi32>
        %or3A_797 = arith.ori %and3A_794, %or3A_796 : vector<16xi32>
        %bitcast_convert_type3A_798 = tpu.bitcast %or3A_797 : vector<16xi32> -> vector<16xf32>
        %ge3A_799 = arith.constant 1.41421354 : f32
        %ge3A_800 = vector.broadcast %ge3A_799 : f32 to vector<16xf32>
        %ge3A_801 = arith.cmpf oge, %bitcast_convert_type3A_798, %ge3A_800 : vector<16xf32>
        %mul3A_802 = arith.constant 5.000000e-01 : f32
        %mul3A_803 = vector.broadcast %mul3A_802 : f32 to vector<16xf32>
        %mul3A_804 = arith.mulf %bitcast_convert_type3A_798, %mul3A_803 : vector<16xf32>
        %select_n3A_805 = arith.select %ge3A_801, %mul3A_804, %bitcast_convert_type3A_798 : vector<16xi1>, vector<16xf32>
        %add3A_806 = arith.constant 1 : i32
        %add3A_807 = vector.broadcast %add3A_806 : i32 to vector<16xi32>
        %add3A_808 = arith.addi %sub3A_791, %add3A_807 : vector<16xi32>
        %select_n3A_809 = arith.select %ge3A_801, %add3A_808, %sub3A_791 : vector<16xi1>, vector<16xi32>
        %sub3A_810 = arith.constant 1.000000e+00 : f32
        %sub3A_811 = vector.broadcast %sub3A_810 : f32 to vector<16xf32>
        %sub3A_812 = arith.subf %select_n3A_805, %sub3A_811 : vector<16xf32>
        %mul3A_813 = arith.mulf %sub3A_812, %sub3A_812 : vector<16xf32>
        %mul3A_814 = arith.constant 0.0703768358 : f32
        %mul3A_815 = vector.broadcast %mul3A_814 : f32 to vector<16xf32>
        %mul3A_816 = arith.mulf %mul3A_815, %sub3A_812 : vector<16xf32>
        %add3A_817 = arith.constant -0.115146101 : f32
        %add3A_818 = vector.broadcast %add3A_817 : f32 to vector<16xf32>
        %add3A_819 = arith.addf %mul3A_816, %add3A_818 : vector<16xf32>
        %mul3A_820 = arith.mulf %add3A_819, %sub3A_812 : vector<16xf32>
        %add3A_821 = arith.constant 0.116769984 : f32
        %add3A_822 = vector.broadcast %add3A_821 : f32 to vector<16xf32>
        %add3A_823 = arith.addf %mul3A_820, %add3A_822 : vector<16xf32>
        %mul3A_824 = arith.mulf %add3A_823, %sub3A_812 : vector<16xf32>
        %add3A_825 = arith.constant -0.12420141 : f32
        %add3A_826 = vector.broadcast %add3A_825 : f32 to vector<16xf32>
        %add3A_827 = arith.addf %mul3A_824, %add3A_826 : vector<16xf32>
        %mul3A_828 = arith.mulf %add3A_827, %sub3A_812 : vector<16xf32>
        %add3A_829 = arith.constant 0.142493233 : f32
        %add3A_830 = vector.broadcast %add3A_829 : f32 to vector<16xf32>
        %add3A_831 = arith.addf %mul3A_828, %add3A_830 : vector<16xf32>
        %mul3A_832 = arith.mulf %add3A_831, %sub3A_812 : vector<16xf32>
        %add3A_833 = arith.constant -0.166680574 : f32
        %add3A_834 = vector.broadcast %add3A_833 : f32 to vector<16xf32>
        %add3A_835 = arith.addf %mul3A_832, %add3A_834 : vector<16xf32>
        %mul3A_836 = arith.mulf %add3A_835, %sub3A_812 : vector<16xf32>
        %add3A_837 = arith.constant 0.200007141 : f32
        %add3A_838 = vector.broadcast %add3A_837 : f32 to vector<16xf32>
        %add3A_839 = arith.addf %mul3A_836, %add3A_838 : vector<16xf32>
        %mul3A_840 = arith.mulf %add3A_839, %sub3A_812 : vector<16xf32>
        %add3A_841 = arith.constant -0.24999994 : f32
        %add3A_842 = vector.broadcast %add3A_841 : f32 to vector<16xf32>
        %add3A_843 = arith.addf %mul3A_840, %add3A_842 : vector<16xf32>
        %mul3A_844 = arith.mulf %add3A_843, %sub3A_812 : vector<16xf32>
        %add3A_845 = arith.constant 0.333333313 : f32
        %add3A_846 = vector.broadcast %add3A_845 : f32 to vector<16xf32>
        %add3A_847 = arith.addf %mul3A_844, %add3A_846 : vector<16xf32>
        %mul3A_848 = arith.mulf %add3A_847, %sub3A_812 : vector<16xf32>
        %mul3A_849 = arith.mulf %mul3A_848, %mul3A_813 : vector<16xf32>
        %mul3A_850 = arith.constant 5.000000e-01 : f32
        %mul3A_851 = vector.broadcast %mul3A_850 : f32 to vector<16xf32>
        %mul3A_852 = arith.mulf %mul3A_851, %mul3A_813 : vector<16xf32>
        %sub3A_853 = arith.subf %mul3A_849, %mul3A_852 : vector<16xf32>
        %add3A_854 = arith.addf %sub3A_812, %sub3A_853 : vector<16xf32>
        %convert_element_type3A_855 = arith.sitofp %select_n3A_809 : vector<16xi32> to vector<16xf32>
        %mul3A_856 = arith.constant 0.693147182 : f32
        %mul3A_857 = vector.broadcast %mul3A_856 : f32 to vector<16xf32>
        %mul3A_858 = arith.mulf %convert_element_type3A_855, %mul3A_857 : vector<16xf32>
        %add3A_859 = arith.addf %add3A_854, %mul3A_858 : vector<16xf32>
        %sub3A_860 = arith.subf %mul3A_783, %add3A_859 : vector<16xf32>
        %swap3A_861 = arith.index_cast %add3A_745 : i32 to index
        %swap3A_862 = arith.constant 0 : index
        %swap3A_863 = tpu.vector_load %arg20[%swap3A_861, %swap3A_862] {strides = array<i32>} : memref<256x16xf32, #tpu.memory_space<vmem>>, vector<16xf32>,
        tpu.vector_store %arg20[%swap3A_861, %swap3A_862], %sub3A_860 {strides = array<i32>} : memref<256x16xf32, #tpu.memory_space<vmem>>, vector<16xf32>,
        %mul3A_864 = arith.constant 16 : i32
        %mul3A_865 = arith.muli %scan3A_258, %mul3A_864 : i32
        %add3A_866 = arith.constant 5 : i32
        %add3A_867 = arith.addi %mul3A_865, %add3A_866 : i32
        %get3A_868 = arith.index_cast %add3A_867 : i32 to index
        %get3A_869 = arith.constant 0 : index
        %get3A_870 = tpu.vector_load %arg15[%get3A_868, %get3A_869] {strides = array<i32>} : memref<256x32xf32, #tpu.memory_space<vmem>>, vector<16xf32>,
        %get3A_871 = arith.index_cast %add3A_867 : i32 to index
        %get3A_872 = arith.constant 16 : index
        %get3A_873 = tpu.vector_load %arg15[%get3A_871, %get3A_872] {strides = array<i32>} : memref<256x32xf32, #tpu.memory_space<vmem>>, vector<16xf32>,
        %get3A_874 = arith.index_cast %add3A_867 : i32 to index
        %get3A_875 = arith.constant 0 : index
        %get3A_876 = tpu.vector_load %arg16[%get3A_874, %get3A_875] {strides = array<i32>} : memref<256x32xf32, #tpu.memory_space<vmem>>, vector<16xf32>,
        %get3A_877 = arith.index_cast %add3A_867 : i32 to index
        %get3A_878 = arith.constant 16 : index
        %get3A_879 = tpu.vector_load %arg16[%get3A_877, %get3A_878] {strides = array<i32>} : memref<256x32xf32, #tpu.memory_space<vmem>>, vector<16xf32>,
        %get3A_880 = arith.index_cast %add3A_867 : i32 to index
        %get3A_881 = arith.constant 0 : index
        %get3A_882 = tpu.vector_load %arg17[%get3A_880, %get3A_881] {strides = array<i32>} : memref<256x32xf32, #tpu.memory_space<vmem>>, vector<16xf32>,
        %get3A_883 = arith.index_cast %add3A_867 : i32 to index
        %get3A_884 = arith.constant 16 : index
        %get3A_885 = tpu.vector_load %arg17[%get3A_883, %get3A_884] {strides = array<i32>} : memref<256x32xf32, #tpu.memory_space<vmem>>, vector<16xf32>,
        %mul3A_886 = arith.mulf %get3A_876, %get3A_882 : vector<16xf32>
        %add3A_887 = arith.addf %get3A_870, %mul3A_886 : vector<16xf32>
        %mul3A_888 = arith.mulf %get3A_879, %get3A_885 : vector<16xf32>
        %add3A_889 = arith.addf %get3A_873, %mul3A_888 : vector<16xf32>
        %swap3A_890 = arith.index_cast %add3A_867 : i32 to index
        %swap3A_891 = arith.constant 0 : index
        %swap3A_892 = tpu.vector_load %arg18[%swap3A_890, %swap3A_891] {strides = array<i32>} : memref<256x32xf32, #tpu.memory_space<vmem>>, vector<16xf32>,
        tpu.vector_store %arg18[%swap3A_890, %swap3A_891], %add3A_887 {strides = array<i32>} : memref<256x32xf32, #tpu.memory_space<vmem>>, vector<16xf32>,
        %swap3A_893 = arith.index_cast %add3A_867 : i32 to index
        %swap3A_894 = arith.constant 16 : index
        %swap3A_895 = tpu.vector_load %arg18[%swap3A_893, %swap3A_894] {strides = array<i32>} : memref<256x32xf32, #tpu.memory_space<vmem>>, vector<16xf32>,
        tpu.vector_store %arg18[%swap3A_893, %swap3A_894], %add3A_889 {strides = array<i32>} : memref<256x32xf32, #tpu.memory_space<vmem>>, vector<16xf32>,
        %mul3A_896 = arith.mulf %add3A_887, %add3A_887 : vector<16xf32>
        %mul3A_897 = arith.mulf %get3A_882, %get3A_882 : vector<16xf32>
        %sub3A_898 = arith.subf %mul3A_896, %mul3A_897 : vector<16xf32>
        %mul3A_899 = arith.mulf %add3A_889, %add3A_889 : vector<16xf32>
        %mul3A_900 = arith.mulf %get3A_885, %get3A_885 : vector<16xf32>
        %sub3A_901 = arith.subf %mul3A_899, %mul3A_900 : vector<16xf32>
        %add3A_902 = arith.addf %sub3A_898, %sub3A_901 : vector<16xf32>
        %mul3A_903 = arith.constant 5.000000e-01 : f32
        %mul3A_904 = vector.broadcast %mul3A_903 : f32 to vector<16xf32>
        %mul3A_905 = arith.mulf %mul3A_904, %add3A_902 : vector<16xf32>
        %mul3A_906 = arith.mulf %get3A_876, %get3A_879 : vector<16xf32>
        %bitcast_convert_type3A_907 = tpu.bitcast %mul3A_906 : vector<16xf32> -> vector<16xi32>
        %shift_right_arithmetic3A_908 = arith.constant 23 : i32
        %shift_right_arithmetic3A_909 = vector.broadcast %shift_right_arithmetic3A_908 : i32 to vector<16xi32>
        %shift_right_arithmetic3A_910 = arith.shrsi %bitcast_convert_type3A_907, %shift_right_arithmetic3A_909 : vector<16xi32>
        %sub3A_911 = arith.constant 127 : i32
        %sub3A_912 = vector.broadcast %sub3A_911 : i32 to vector<16xi32>
        %sub3A_913 = arith.subi %shift_right_arithmetic3A_910, %sub3A_912 : vector<16xi32>
        %and3A_914 = arith.constant 8388607 : i32
        %and3A_915 = vector.broadcast %and3A_914 : i32 to vector<16xi32>
        %and3A_916 = arith.andi %bitcast_convert_type3A_907, %and3A_915 : vector<16xi32>
        %or3A_917 = arith.constant 1065353216 : i32
        %or3A_918 = vector.broadcast %or3A_917 : i32 to vector<16xi32>
        %or3A_919 = arith.ori %and3A_916, %or3A_918 : vector<16xi32>
        %bitcast_convert_type3A_920 = tpu.bitcast %or3A_919 : vector<16xi32> -> vector<16xf32>
        %ge3A_921 = arith.constant 1.41421354 : f32
        %ge3A_922 = vector.broadcast %ge3A_921 : f32 to vector<16xf32>
        %ge3A_923 = arith.cmpf oge, %bitcast_convert_type3A_920, %ge3A_922 : vector<16xf32>
        %mul3A_924 = arith.constant 5.000000e-01 : f32
        %mul3A_925 = vector.broadcast %mul3A_924 : f32 to vector<16xf32>
        %mul3A_926 = arith.mulf %bitcast_convert_type3A_920, %mul3A_925 : vector<16xf32>
        %select_n3A_927 = arith.select %ge3A_923, %mul3A_926, %bitcast_convert_type3A_920 : vector<16xi1>, vector<16xf32>
        %add3A_928 = arith.constant 1 : i32
        %add3A_929 = vector.broadcast %add3A_928 : i32 to vector<16xi32>
        %add3A_930 = arith.addi %sub3A_913, %add3A_929 : vector<16xi32>
        %select_n3A_931 = arith.select %ge3A_923, %add3A_930, %sub3A_913 : vector<16xi1>, vector<16xi32>
        %sub3A_932 = arith.constant 1.000000e+00 : f32
        %sub3A_933 = vector.broadcast %sub3A_932 : f32 to vector<16xf32>
        %sub3A_934 = arith.subf %select_n3A_927, %sub3A_933 : vector<16xf32>
        %mul3A_935 = arith.mulf %sub3A_934, %sub3A_934 : vector<16xf32>
        %mul3A_936 = arith.constant 0.0703768358 : f32
        %mul3A_937 = vector.broadcast %mul3A_936 : f32 to vector<16xf32>
        %mul3A_938 = arith.mulf %mul3A_937, %sub3A_934 : vector<16xf32>
        %add3A_939 = arith.constant -0.115146101 : f32
        %add3A_940 = vector.broadcast %add3A_939 : f32 to vector<16xf32>
        %add3A_941 = arith.addf %mul3A_938, %add3A_940 : vector<16xf32>
        %mul3A_942 = arith.mulf %add3A_941, %sub3A_934 : vector<16xf32>
        %add3A_943 = arith.constant 0.116769984 : f32
        %add3A_944 = vector.broadcast %add3A_943 : f32 to vector<16xf32>
        %add3A_945 = arith.addf %mul3A_942, %add3A_944 : vector<16xf32>
        %mul3A_946 = arith.mulf %add3A_945, %sub3A_934 : vector<16xf32>
        %add3A_947 = arith.constant -0.12420141 : f32
        %add3A_948 = vector.broadcast %add3A_947 : f32 to vector<16xf32>
        %add3A_949 = arith.addf %mul3A_946, %add3A_948 : vector<16xf32>
        %mul3A_950 = arith.mulf %add3A_949, %sub3A_934 : vector<16xf32>
        %add3A_951 = arith.constant 0.142493233 : f32
        %add3A_952 = vector.broadcast %add3A_951 : f32 to vector<16xf32>
        %add3A_953 = arith.addf %mul3A_950, %add3A_952 : vector<16xf32>
        %mul3A_954 = arith.mulf %add3A_953, %sub3A_934 : vector<16xf32>
        %add3A_955 = arith.constant -0.166680574 : f32
        %add3A_956 = vector.broadcast %add3A_955 : f32 to vector<16xf32>
        %add3A_957 = arith.addf %mul3A_954, %add3A_956 : vector<16xf32>
        %mul3A_958 = arith.mulf %add3A_957, %sub3A_934 : vector<16xf32>
        %add3A_959 = arith.constant 0.200007141 : f32
        %add3A_960 = vector.broadcast %add3A_959 : f32 to vector<16xf32>
        %add3A_961 = arith.addf %mul3A_958, %add3A_960 : vector<16xf32>
        %mul3A_962 = arith.mulf %add3A_961, %sub3A_934 : vector<16xf32>
        %add3A_963 = arith.constant -0.24999994 : f32
        %add3A_964 = vector.broadcast %add3A_963 : f32 to vector<16xf32>
        %add3A_965 = arith.addf %mul3A_962, %add3A_964 : vector<16xf32>
        %mul3A_966 = arith.mulf %add3A_965, %sub3A_934 : vector<16xf32>
        %add3A_967 = arith.constant 0.333333313 : f32
        %add3A_968 = vector.broadcast %add3A_967 : f32 to vector<16xf32>
        %add3A_969 = arith.addf %mul3A_966, %add3A_968 : vector<16xf32>
        %mul3A_970 = arith.mulf %add3A_969, %sub3A_934 : vector<16xf32>
        %mul3A_971 = arith.mulf %mul3A_970, %mul3A_935 : vector<16xf32>
        %mul3A_972 = arith.constant 5.000000e-01 : f32
        %mul3A_973 = vector.broadcast %mul3A_972 : f32 to vector<16xf32>
        %mul3A_974 = arith.mulf %mul3A_973, %mul3A_935 : vector<16xf32>
        %sub3A_975 = arith.subf %mul3A_971, %mul3A_974 : vector<16xf32>
        %add3A_976 = arith.addf %sub3A_934, %sub3A_975 : vector<16xf32>
        %convert_element_type3A_977 = arith.sitofp %select_n3A_931 : vector<16xi32> to vector<16xf32>
        %mul3A_978 = arith.constant 0.693147182 : f32
        %mul3A_979 = vector.broadcast %mul3A_978 : f32 to vector<16xf32>
        %mul3A_980 = arith.mulf %convert_element_type3A_977, %mul3A_979 : vector<16xf32>
        %add3A_981 = arith.addf %add3A_976, %mul3A_980 : vector<16xf32>
        %sub3A_982 = arith.subf %mul3A_905, %add3A_981 : vector<16xf32>
        %swap3A_983 = arith.index_cast %add3A_867 : i32 to index
        %swap3A_984 = arith.constant 0 : index
        %swap3A_985 = tpu.vector_load %arg20[%swap3A_983, %swap3A_984] {strides = array<i32>} : memref<256x16xf32, #tpu.memory_space<vmem>>, vector<16xf32>,
        tpu.vector_store %arg20[%swap3A_983, %swap3A_984], %sub3A_982 {strides = array<i32>} : memref<256x16xf32, #tpu.memory_space<vmem>>, vector<16xf32>,
        %mul3A_986 = arith.constant 16 : i32
        %mul3A_987 = arith.muli %scan3A_258, %mul3A_986 : i32
        %add3A_988 = arith.constant 6 : i32
        %add3A_989 = arith.addi %mul3A_987, %add3A_988 : i32
        %get3A_990 = arith.index_cast %add3A_989 : i32 to index
        %get3A_991 = arith.constant 0 : index
        %get3A_992 = tpu.vector_load %arg15[%get3A_990, %get3A_991] {strides = array<i32>} : memref<256x32xf32, #tpu.memory_space<vmem>>, vector<16xf32>,
        %get3A_993 = arith.index_cast %add3A_989 : i32 to index
        %get3A_994 = arith.constant 16 : index
        %get3A_995 = tpu.vector_load %arg15[%get3A_993, %get3A_994] {strides = array<i32>} : memref<256x32xf32, #tpu.memory_space<vmem>>, vector<16xf32>,
        %get3A_996 = arith.index_cast %add3A_989 : i32 to index
        %get3A_997 = arith.constant 0 : index
        %get3A_998 = tpu.vector_load %arg16[%get3A_996, %get3A_997] {strides = array<i32>} : memref<256x32xf32, #tpu.memory_space<vmem>>, vector<16xf32>,
        %get3A_999 = arith.index_cast %add3A_989 : i32 to index
        %get3A_1000 = arith.constant 16 : index
        %get3A_1001 = tpu.vector_load %arg16[%get3A_999, %get3A_1000] {strides = array<i32>} : memref<256x32xf32, #tpu.memory_space<vmem>>, vector<16xf32>,
        %get3A_1002 = arith.index_cast %add3A_989 : i32 to index
        %get3A_1003 = arith.constant 0 : index
        %get3A_1004 = tpu.vector_load %arg17[%get3A_1002, %get3A_1003] {strides = array<i32>} : memref<256x32xf32, #tpu.memory_space<vmem>>, vector<16xf32>,
        %get3A_1005 = arith.index_cast %add3A_989 : i32 to index
        %get3A_1006 = arith.constant 16 : index
        %get3A_1007 = tpu.vector_load %arg17[%get3A_1005, %get3A_1006] {strides = array<i32>} : memref<256x32xf32, #tpu.memory_space<vmem>>, vector<16xf32>,
        %mul3A_1008 = arith.mulf %get3A_998, %get3A_1004 : vector<16xf32>
        %add3A_1009 = arith.addf %get3A_992, %mul3A_1008 : vector<16xf32>
        %mul3A_1010 = arith.mulf %get3A_1001, %get3A_1007 : vector<16xf32>
        %add3A_1011 = arith.addf %get3A_995, %mul3A_1010 : vector<16xf32>
        %swap3A_1012 = arith.index_cast %add3A_989 : i32 to index
        %swap3A_1013 = arith.constant 0 : index
        %swap3A_1014 = tpu.vector_load %arg18[%swap3A_1012, %swap3A_1013] {strides = array<i32>} : memref<256x32xf32, #tpu.memory_space<vmem>>, vector<16xf32>,
        tpu.vector_store %arg18[%swap3A_1012, %swap3A_1013], %add3A_1009 {strides = array<i32>} : memref<256x32xf32, #tpu.memory_space<vmem>>, vector<16xf32>,
        %swap3A_1015 = arith.index_cast %add3A_989 : i32 to index
        %swap3A_1016 = arith.constant 16 : index
        %swap3A_1017 = tpu.vector_load %arg18[%swap3A_1015, %swap3A_1016] {strides = array<i32>} : memref<256x32xf32, #tpu.memory_space<vmem>>, vector<16xf32>,
        tpu.vector_store %arg18[%swap3A_1015, %swap3A_1016], %add3A_1011 {strides = array<i32>} : memref<256x32xf32, #tpu.memory_space<vmem>>, vector<16xf32>,
        %mul3A_1018 = arith.mulf %add3A_1009, %add3A_1009 : vector<16xf32>
        %mul3A_1019 = arith.mulf %get3A_1004, %get3A_1004 : vector<16xf32>
        %sub3A_1020 = arith.subf %mul3A_1018, %mul3A_1019 : vector<16xf32>
        %mul3A_1021 = arith.mulf %add3A_1011, %add3A_1011 : vector<16xf32>
        %mul3A_1022 = arith.mulf %get3A_1007, %get3A_1007 : vector<16xf32>
        %sub3A_1023 = arith.subf %mul3A_1021, %mul3A_1022 : vector<16xf32>
        %add3A_1024 = arith.addf %sub3A_1020, %sub3A_1023 : vector<16xf32>
        %mul3A_1025 = arith.constant 5.000000e-01 : f32
        %mul3A_1026 = vector.broadcast %mul3A_1025 : f32 to vector<16xf32>
        %mul3A_1027 = arith.mulf %mul3A_1026, %add3A_1024 : vector<16xf32>
        %mul3A_1028 = arith.mulf %get3A_998, %get3A_1001 : vector<16xf32>
        %bitcast_convert_type3A_1029 = tpu.bitcast %mul3A_1028 : vector<16xf32> -> vector<16xi32>
        %shift_right_arithmetic3A_1030 = arith.constant 23 : i32
        %shift_right_arithmetic3A_1031 = vector.broadcast %shift_right_arithmetic3A_1030 : i32 to vector<16xi32>
        %shift_right_arithmetic3A_1032 = arith.shrsi %bitcast_convert_type3A_1029, %shift_right_arithmetic3A_1031 : vector<16xi32>
        %sub3A_1033 = arith.constant 127 : i32
        %sub3A_1034 = vector.broadcast %sub3A_1033 : i32 to vector<16xi32>
        %sub3A_1035 = arith.subi %shift_right_arithmetic3A_1032, %sub3A_1034 : vector<16xi32>
        %and3A_1036 = arith.constant 8388607 : i32
        %and3A_1037 = vector.broadcast %and3A_1036 : i32 to vector<16xi32>
        %and3A_1038 = arith.andi %bitcast_convert_type3A_1029, %and3A_1037 : vector<16xi32>
        %or3A_1039 = arith.constant 1065353216 : i32
        %or3A_1040 = vector.broadcast %or3A_1039 : i32 to vector<16xi32>
        %or3A_1041 = arith.ori %and3A_1038, %or3A_1040 : vector<16xi32>
        %bitcast_convert_type3A_1042 = tpu.bitcast %or3A_1041 : vector<16xi32> -> vector<16xf32>
        %ge3A_1043 = arith.constant 1.41421354 : f32
        %ge3A_1044 = vector.broadcast %ge3A_1043 : f32 to vector<16xf32>
        %ge3A_1045 = arith.cmpf oge, %bitcast_convert_type3A_1042, %ge3A_1044 : vector<16xf32>
        %mul3A_1046 = arith.constant 5.000000e-01 : f32
        %mul3A_1047 = vector.broadcast %mul3A_1046 : f32 to vector<16xf32>
        %mul3A_1048 = arith.mulf %bitcast_convert_type3A_1042, %mul3A_1047 : vector<16xf32>
        %select_n3A_1049 = arith.select %ge3A_1045, %mul3A_1048, %bitcast_convert_type3A_1042 : vector<16xi1>, vector<16xf32>
        %add3A_1050 = arith.constant 1 : i32
        %add3A_1051 = vector.broadcast %add3A_1050 : i32 to vector<16xi32>
        %add3A_1052 = arith.addi %sub3A_1035, %add3A_1051 : vector<16xi32>
        %select_n3A_1053 = arith.select %ge3A_1045, %add3A_1052, %sub3A_1035 : vector<16xi1>, vector<16xi32>
        %sub3A_1054 = arith.constant 1.000000e+00 : f32
        %sub3A_1055 = vector.broadcast %sub3A_1054 : f32 to vector<16xf32>
        %sub3A_1056 = arith.subf %select_n3A_1049, %sub3A_1055 : vector<16xf32>
        %mul3A_1057 = arith.mulf %sub3A_1056, %sub3A_1056 : vector<16xf32>
        %mul3A_1058 = arith.constant 0.0703768358 : f32
        %mul3A_1059 = vector.broadcast %mul3A_1058 : f32 to vector<16xf32>
        %mul3A_1060 = arith.mulf %mul3A_1059, %sub3A_1056 : vector<16xf32>
        %add3A_1061 = arith.constant -0.115146101 : f32
        %add3A_1062 = vector.broadcast %add3A_1061 : f32 to vector<16xf32>
        %add3A_1063 = arith.addf %mul3A_1060, %add3A_1062 : vector<16xf32>
        %mul3A_1064 = arith.mulf %add3A_1063, %sub3A_1056 : vector<16xf32>
        %add3A_1065 = arith.constant 0.116769984 : f32
        %add3A_1066 = vector.broadcast %add3A_1065 : f32 to vector<16xf32>
        %add3A_1067 = arith.addf %mul3A_1064, %add3A_1066 : vector<16xf32>
        %mul3A_1068 = arith.mulf %add3A_1067, %sub3A_1056 : vector<16xf32>
        %add3A_1069 = arith.constant -0.12420141 : f32
        %add3A_1070 = vector.broadcast %add3A_1069 : f32 to vector<16xf32>
        %add3A_1071 = arith.addf %mul3A_1068, %add3A_1070 : vector<16xf32>
        %mul3A_1072 = arith.mulf %add3A_1071, %sub3A_1056 : vector<16xf32>
        %add3A_1073 = arith.constant 0.142493233 : f32
        %add3A_1074 = vector.broadcast %add3A_1073 : f32 to vector<16xf32>
        %add3A_1075 = arith.addf %mul3A_1072, %add3A_1074 : vector<16xf32>
        %mul3A_1076 = arith.mulf %add3A_1075, %sub3A_1056 : vector<16xf32>
        %add3A_1077 = arith.constant -0.166680574 : f32
        %add3A_1078 = vector.broadcast %add3A_1077 : f32 to vector<16xf32>
        %add3A_1079 = arith.addf %mul3A_1076, %add3A_1078 : vector<16xf32>
        %mul3A_1080 = arith.mulf %add3A_1079, %sub3A_1056 : vector<16xf32>
        %add3A_1081 = arith.constant 0.200007141 : f32
        %add3A_1082 = vector.broadcast %add3A_1081 : f32 to vector<16xf32>
        %add3A_1083 = arith.addf %mul3A_1080, %add3A_1082 : vector<16xf32>
        %mul3A_1084 = arith.mulf %add3A_1083, %sub3A_1056 : vector<16xf32>
        %add3A_1085 = arith.constant -0.24999994 : f32
        %add3A_1086 = vector.broadcast %add3A_1085 : f32 to vector<16xf32>
        %add3A_1087 = arith.addf %mul3A_1084, %add3A_1086 : vector<16xf32>
        %mul3A_1088 = arith.mulf %add3A_1087, %sub3A_1056 : vector<16xf32>
        %add3A_1089 = arith.constant 0.333333313 : f32
        %add3A_1090 = vector.broadcast %add3A_1089 : f32 to vector<16xf32>
        %add3A_1091 = arith.addf %mul3A_1088, %add3A_1090 : vector<16xf32>
        %mul3A_1092 = arith.mulf %add3A_1091, %sub3A_1056 : vector<16xf32>
        %mul3A_1093 = arith.mulf %mul3A_1092, %mul3A_1057 : vector<16xf32>
        %mul3A_1094 = arith.constant 5.000000e-01 : f32
        %mul3A_1095 = vector.broadcast %mul3A_1094 : f32 to vector<16xf32>
        %mul3A_1096 = arith.mulf %mul3A_1095, %mul3A_1057 : vector<16xf32>
        %sub3A_1097 = arith.subf %mul3A_1093, %mul3A_1096 : vector<16xf32>
        %add3A_1098 = arith.addf %sub3A_1056, %sub3A_1097 : vector<16xf32>
        %convert_element_type3A_1099 = arith.sitofp %select_n3A_1053 : vector<16xi32> to vector<16xf32>
        %mul3A_1100 = arith.constant 0.693147182 : f32
        %mul3A_1101 = vector.broadcast %mul3A_1100 : f32 to vector<16xf32>
        %mul3A_1102 = arith.mulf %convert_element_type3A_1099, %mul3A_1101 : vector<16xf32>
        %add3A_1103 = arith.addf %add3A_1098, %mul3A_1102 : vector<16xf32>
        %sub3A_1104 = arith.subf %mul3A_1027, %add3A_1103 : vector<16xf32>
        %swap3A_1105 = arith.index_cast %add3A_989 : i32 to index
        %swap3A_1106 = arith.constant 0 : index
        %swap3A_1107 = tpu.vector_load %arg20[%swap3A_1105, %swap3A_1106] {strides = array<i32>} : memref<256x16xf32, #tpu.memory_space<vmem>>, vector<16xf32>,
        tpu.vector_store %arg20[%swap3A_1105, %swap3A_1106], %sub3A_1104 {strides = array<i32>} : memref<256x16xf32, #tpu.memory_space<vmem>>, vector<16xf32>,
        %mul3A_1108 = arith.constant 16 : i32
        %mul3A_1109 = arith.muli %scan3A_258, %mul3A_1108 : i32
        %add3A_1110 = arith.constant 7 : i32
        %add3A_1111 = arith.addi %mul3A_1109, %add3A_1110 : i32
        %get3A_1112 = arith.index_cast %add3A_1111 : i32 to index
        %get3A_1113 = arith.constant 0 : index
        %get3A_1114 = tpu.vector_load %arg15[%get3A_1112, %get3A_1113] {strides = array<i32>} : memref<256x32xf32, #tpu.memory_space<vmem>>, vector<16xf32>,
        %get3A_1115 = arith.index_cast %add3A_1111 : i32 to index
        %get3A_1116 = arith.constant 16 : index
        %get3A_1117 = tpu.vector_load %arg15[%get3A_1115, %get3A_1116] {strides = array<i32>} : memref<256x32xf32, #tpu.memory_space<vmem>>, vector<16xf32>,
        %get3A_1118 = arith.index_cast %add3A_1111 : i32 to index
        %get3A_1119 = arith.constant 0 : index
        %get3A_1120 = tpu.vector_load %arg16[%get3A_1118, %get3A_1119] {strides = array<i32>} : memref<256x32xf32, #tpu.memory_space<vmem>>, vector<16xf32>,
        %get3A_1121 = arith.index_cast %add3A_1111 : i32 to index
        %get3A_1122 = arith.constant 16 : index
        %get3A_1123 = tpu.vector_load %arg16[%get3A_1121, %get3A_1122] {strides = array<i32>} : memref<256x32xf32, #tpu.memory_space<vmem>>, vector<16xf32>,
        %get3A_1124 = arith.index_cast %add3A_1111 : i32 to index
        %get3A_1125 = arith.constant 0 : index
        %get3A_1126 = tpu.vector_load %arg17[%get3A_1124, %get3A_1125] {strides = array<i32>} : memref<256x32xf32, #tpu.memory_space<vmem>>, vector<16xf32>,
        %get3A_1127 = arith.index_cast %add3A_1111 : i32 to index
        %get3A_1128 = arith.constant 16 : index
        %get3A_1129 = tpu.vector_load %arg17[%get3A_1127, %get3A_1128] {strides = array<i32>} : memref<256x32xf32, #tpu.memory_space<vmem>>, vector<16xf32>,
        %mul3A_1130 = arith.mulf %get3A_1120, %get3A_1126 : vector<16xf32>
        %add3A_1131 = arith.addf %get3A_1114, %mul3A_1130 : vector<16xf32>
        %mul3A_1132 = arith.mulf %get3A_1123, %get3A_1129 : vector<16xf32>
        %add3A_1133 = arith.addf %get3A_1117, %mul3A_1132 : vector<16xf32>
        %swap3A_1134 = arith.index_cast %add3A_1111 : i32 to index
        %swap3A_1135 = arith.constant 0 : index
        %swap3A_1136 = tpu.vector_load %arg18[%swap3A_1134, %swap3A_1135] {strides = array<i32>} : memref<256x32xf32, #tpu.memory_space<vmem>>, vector<16xf32>,
        tpu.vector_store %arg18[%swap3A_1134, %swap3A_1135], %add3A_1131 {strides = array<i32>} : memref<256x32xf32, #tpu.memory_space<vmem>>, vector<16xf32>,
        %swap3A_1137 = arith.index_cast %add3A_1111 : i32 to index
        %swap3A_1138 = arith.constant 16 : index
        %swap3A_1139 = tpu.vector_load %arg18[%swap3A_1137, %swap3A_1138] {strides = array<i32>} : memref<256x32xf32, #tpu.memory_space<vmem>>, vector<16xf32>,
        tpu.vector_store %arg18[%swap3A_1137, %swap3A_1138], %add3A_1133 {strides = array<i32>} : memref<256x32xf32, #tpu.memory_space<vmem>>, vector<16xf32>,
        %mul3A_1140 = arith.mulf %add3A_1131, %add3A_1131 : vector<16xf32>
        %mul3A_1141 = arith.mulf %get3A_1126, %get3A_1126 : vector<16xf32>
        %sub3A_1142 = arith.subf %mul3A_1140, %mul3A_1141 : vector<16xf32>
        %mul3A_1143 = arith.mulf %add3A_1133, %add3A_1133 : vector<16xf32>
        %mul3A_1144 = arith.mulf %get3A_1129, %get3A_1129 : vector<16xf32>
        %sub3A_1145 = arith.subf %mul3A_1143, %mul3A_1144 : vector<16xf32>
        %add3A_1146 = arith.addf %sub3A_1142, %sub3A_1145 : vector<16xf32>
        %mul3A_1147 = arith.constant 5.000000e-01 : f32
        %mul3A_1148 = vector.broadcast %mul3A_1147 : f32 to vector<16xf32>
        %mul3A_1149 = arith.mulf %mul3A_1148, %add3A_1146 : vector<16xf32>
        %mul3A_1150 = arith.mulf %get3A_1120, %get3A_1123 : vector<16xf32>
        %bitcast_convert_type3A_1151 = tpu.bitcast %mul3A_1150 : vector<16xf32> -> vector<16xi32>
        %shift_right_arithmetic3A_1152 = arith.constant 23 : i32
        %shift_right_arithmetic3A_1153 = vector.broadcast %shift_right_arithmetic3A_1152 : i32 to vector<16xi32>
        %shift_right_arithmetic3A_1154 = arith.shrsi %bitcast_convert_type3A_1151, %shift_right_arithmetic3A_1153 : vector<16xi32>
        %sub3A_1155 = arith.constant 127 : i32
        %sub3A_1156 = vector.broadcast %sub3A_1155 : i32 to vector<16xi32>
        %sub3A_1157 = arith.subi %shift_right_arithmetic3A_1154, %sub3A_1156 : vector<16xi32>
        %and3A_1158 = arith.constant 8388607 : i32
        %and3A_1159 = vector.broadcast %and3A_1158 : i32 to vector<16xi32>
        %and3A_1160 = arith.andi %bitcast_convert_type3A_1151, %and3A_1159 : vector<16xi32>
        %or3A_1161 = arith.constant 1065353216 : i32
        %or3A_1162 = vector.broadcast %or3A_1161 : i32 to vector<16xi32>
        %or3A_1163 = arith.ori %and3A_1160, %or3A_1162 : vector<16xi32>
        %bitcast_convert_type3A_1164 = tpu.bitcast %or3A_1163 : vector<16xi32> -> vector<16xf32>
        %ge3A_1165 = arith.constant 1.41421354 : f32
        %ge3A_1166 = vector.broadcast %ge3A_1165 : f32 to vector<16xf32>
        %ge3A_1167 = arith.cmpf oge, %bitcast_convert_type3A_1164, %ge3A_1166 : vector<16xf32>
        %mul3A_1168 = arith.constant 5.000000e-01 : f32
        %mul3A_1169 = vector.broadcast %mul3A_1168 : f32 to vector<16xf32>
        %mul3A_1170 = arith.mulf %bitcast_convert_type3A_1164, %mul3A_1169 : vector<16xf32>
        %select_n3A_1171 = arith.select %ge3A_1167, %mul3A_1170, %bitcast_convert_type3A_1164 : vector<16xi1>, vector<16xf32>
        %add3A_1172 = arith.constant 1 : i32
        %add3A_1173 = vector.broadcast %add3A_1172 : i32 to vector<16xi32>
        %add3A_1174 = arith.addi %sub3A_1157, %add3A_1173 : vector<16xi32>
        %select_n3A_1175 = arith.select %ge3A_1167, %add3A_1174, %sub3A_1157 : vector<16xi1>, vector<16xi32>
        %sub3A_1176 = arith.constant 1.000000e+00 : f32
        %sub3A_1177 = vector.broadcast %sub3A_1176 : f32 to vector<16xf32>
        %sub3A_1178 = arith.subf %select_n3A_1171, %sub3A_1177 : vector<16xf32>
        %mul3A_1179 = arith.mulf %sub3A_1178, %sub3A_1178 : vector<16xf32>
        %mul3A_1180 = arith.constant 0.0703768358 : f32
        %mul3A_1181 = vector.broadcast %mul3A_1180 : f32 to vector<16xf32>
        %mul3A_1182 = arith.mulf %mul3A_1181, %sub3A_1178 : vector<16xf32>
        %add3A_1183 = arith.constant -0.115146101 : f32
        %add3A_1184 = vector.broadcast %add3A_1183 : f32 to vector<16xf32>
        %add3A_1185 = arith.addf %mul3A_1182, %add3A_1184 : vector<16xf32>
        %mul3A_1186 = arith.mulf %add3A_1185, %sub3A_1178 : vector<16xf32>
        %add3A_1187 = arith.constant 0.116769984 : f32
        %add3A_1188 = vector.broadcast %add3A_1187 : f32 to vector<16xf32>
        %add3A_1189 = arith.addf %mul3A_1186, %add3A_1188 : vector<16xf32>
        %mul3A_1190 = arith.mulf %add3A_1189, %sub3A_1178 : vector<16xf32>
        %add3A_1191 = arith.constant -0.12420141 : f32
        %add3A_1192 = vector.broadcast %add3A_1191 : f32 to vector<16xf32>
        %add3A_1193 = arith.addf %mul3A_1190, %add3A_1192 : vector<16xf32>
        %mul3A_1194 = arith.mulf %add3A_1193, %sub3A_1178 : vector<16xf32>
        %add3A_1195 = arith.constant 0.142493233 : f32
        %add3A_1196 = vector.broadcast %add3A_1195 : f32 to vector<16xf32>
        %add3A_1197 = arith.addf %mul3A_1194, %add3A_1196 : vector<16xf32>
        %mul3A_1198 = arith.mulf %add3A_1197, %sub3A_1178 : vector<16xf32>
        %add3A_1199 = arith.constant -0.166680574 : f32
        %add3A_1200 = vector.broadcast %add3A_1199 : f32 to vector<16xf32>
        %add3A_1201 = arith.addf %mul3A_1198, %add3A_1200 : vector<16xf32>
        %mul3A_1202 = arith.mulf %add3A_1201, %sub3A_1178 : vector<16xf32>
        %add3A_1203 = arith.constant 0.200007141 : f32
        %add3A_1204 = vector.broadcast %add3A_1203 : f32 to vector<16xf32>
        %add3A_1205 = arith.addf %mul3A_1202, %add3A_1204 : vector<16xf32>
        %mul3A_1206 = arith.mulf %add3A_1205, %sub3A_1178 : vector<16xf32>
        %add3A_1207 = arith.constant -0.24999994 : f32
        %add3A_1208 = vector.broadcast %add3A_1207 : f32 to vector<16xf32>
        %add3A_1209 = arith.addf %mul3A_1206, %add3A_1208 : vector<16xf32>
        %mul3A_1210 = arith.mulf %add3A_1209, %sub3A_1178 : vector<16xf32>
        %add3A_1211 = arith.constant 0.333333313 : f32
        %add3A_1212 = vector.broadcast %add3A_1211 : f32 to vector<16xf32>
        %add3A_1213 = arith.addf %mul3A_1210, %add3A_1212 : vector<16xf32>
        %mul3A_1214 = arith.mulf %add3A_1213, %sub3A_1178 : vector<16xf32>
        %mul3A_1215 = arith.mulf %mul3A_1214, %mul3A_1179 : vector<16xf32>
        %mul3A_1216 = arith.constant 5.000000e-01 : f32
        %mul3A_1217 = vector.broadcast %mul3A_1216 : f32 to vector<16xf32>
        %mul3A_1218 = arith.mulf %mul3A_1217, %mul3A_1179 : vector<16xf32>
        %sub3A_1219 = arith.subf %mul3A_1215, %mul3A_1218 : vector<16xf32>
        %add3A_1220 = arith.addf %sub3A_1178, %sub3A_1219 : vector<16xf32>
        %convert_element_type3A_1221 = arith.sitofp %select_n3A_1175 : vector<16xi32> to vector<16xf32>
        %mul3A_1222 = arith.constant 0.693147182 : f32
        %mul3A_1223 = vector.broadcast %mul3A_1222 : f32 to vector<16xf32>
        %mul3A_1224 = arith.mulf %convert_element_type3A_1221, %mul3A_1223 : vector<16xf32>
        %add3A_1225 = arith.addf %add3A_1220, %mul3A_1224 : vector<16xf32>
        %sub3A_1226 = arith.subf %mul3A_1149, %add3A_1225 : vector<16xf32>
        %swap3A_1227 = arith.index_cast %add3A_1111 : i32 to index
        %swap3A_1228 = arith.constant 0 : index
        %swap3A_1229 = tpu.vector_load %arg20[%swap3A_1227, %swap3A_1228] {strides = array<i32>} : memref<256x16xf32, #tpu.memory_space<vmem>>, vector<16xf32>,
        tpu.vector_store %arg20[%swap3A_1227, %swap3A_1228], %sub3A_1226 {strides = array<i32>} : memref<256x16xf32, #tpu.memory_space<vmem>>, vector<16xf32>,
        %mul3A_1230 = arith.constant 16 : i32
        %mul3A_1231 = arith.muli %scan3A_258, %mul3A_1230 : i32
        %add3A_1232 = arith.constant 8 : i32
        %add3A_1233 = arith.addi %mul3A_1231, %add3A_1232 : i32
        %get3A_1234 = arith.index_cast %add3A_1233 : i32 to index
        %get3A_1235 = arith.constant 0 : index
        %get3A_1236 = tpu.vector_load %arg15[%get3A_1234, %get3A_1235] {strides = array<i32>} : memref<256x32xf32, #tpu.memory_space<vmem>>, vector<16xf32>,
        %get3A_1237 = arith.index_cast %add3A_1233 : i32 to index
        %get3A_1238 = arith.constant 16 : index
        %get3A_1239 = tpu.vector_load %arg15[%get3A_1237, %get3A_1238] {strides = array<i32>} : memref<256x32xf32, #tpu.memory_space<vmem>>, vector<16xf32>,
        %get3A_1240 = arith.index_cast %add3A_1233 : i32 to index
        %get3A_1241 = arith.constant 0 : index
        %get3A_1242 = tpu.vector_load %arg16[%get3A_1240, %get3A_1241] {strides = array<i32>} : memref<256x32xf32, #tpu.memory_space<vmem>>, vector<16xf32>,
        %get3A_1243 = arith.index_cast %add3A_1233 : i32 to index
        %get3A_1244 = arith.constant 16 : index
        %get3A_1245 = tpu.vector_load %arg16[%get3A_1243, %get3A_1244] {strides = array<i32>} : memref<256x32xf32, #tpu.memory_space<vmem>>, vector<16xf32>,
        %get3A_1246 = arith.index_cast %add3A_1233 : i32 to index
        %get3A_1247 = arith.constant 0 : index
        %get3A_1248 = tpu.vector_load %arg17[%get3A_1246, %get3A_1247] {strides = array<i32>} : memref<256x32xf32, #tpu.memory_space<vmem>>, vector<16xf32>,
        %get3A_1249 = arith.index_cast %add3A_1233 : i32 to index
        %get3A_1250 = arith.constant 16 : index
        %get3A_1251 = tpu.vector_load %arg17[%get3A_1249, %get3A_1250] {strides = array<i32>} : memref<256x32xf32, #tpu.memory_space<vmem>>, vector<16xf32>,
        %mul3A_1252 = arith.mulf %get3A_1242, %get3A_1248 : vector<16xf32>
        %add3A_1253 = arith.addf %get3A_1236, %mul3A_1252 : vector<16xf32>
        %mul3A_1254 = arith.mulf %get3A_1245, %get3A_1251 : vector<16xf32>
        %add3A_1255 = arith.addf %get3A_1239, %mul3A_1254 : vector<16xf32>
        %swap3A_1256 = arith.index_cast %add3A_1233 : i32 to index
        %swap3A_1257 = arith.constant 0 : index
        %swap3A_1258 = tpu.vector_load %arg18[%swap3A_1256, %swap3A_1257] {strides = array<i32>} : memref<256x32xf32, #tpu.memory_space<vmem>>, vector<16xf32>,
        tpu.vector_store %arg18[%swap3A_1256, %swap3A_1257], %add3A_1253 {strides = array<i32>} : memref<256x32xf32, #tpu.memory_space<vmem>>, vector<16xf32>,
        %swap3A_1259 = arith.index_cast %add3A_1233 : i32 to index
        %swap3A_1260 = arith.constant 16 : index
        %swap3A_1261 = tpu.vector_load %arg18[%swap3A_1259, %swap3A_1260] {strides = array<i32>} : memref<256x32xf32, #tpu.memory_space<vmem>>, vector<16xf32>,
        tpu.vector_store %arg18[%swap3A_1259, %swap3A_1260], %add3A_1255 {strides = array<i32>} : memref<256x32xf32, #tpu.memory_space<vmem>>, vector<16xf32>,
        %mul3A_1262 = arith.mulf %add3A_1253, %add3A_1253 : vector<16xf32>
        %mul3A_1263 = arith.mulf %get3A_1248, %get3A_1248 : vector<16xf32>
        %sub3A_1264 = arith.subf %mul3A_1262, %mul3A_1263 : vector<16xf32>
        %mul3A_1265 = arith.mulf %add3A_1255, %add3A_1255 : vector<16xf32>
        %mul3A_1266 = arith.mulf %get3A_1251, %get3A_1251 : vector<16xf32>
        %sub3A_1267 = arith.subf %mul3A_1265, %mul3A_1266 : vector<16xf32>
        %add3A_1268 = arith.addf %sub3A_1264, %sub3A_1267 : vector<16xf32>
        %mul3A_1269 = arith.constant 5.000000e-01 : f32
        %mul3A_1270 = vector.broadcast %mul3A_1269 : f32 to vector<16xf32>
        %mul3A_1271 = arith.mulf %mul3A_1270, %add3A_1268 : vector<16xf32>
        %mul3A_1272 = arith.mulf %get3A_1242, %get3A_1245 : vector<16xf32>
        %bitcast_convert_type3A_1273 = tpu.bitcast %mul3A_1272 : vector<16xf32> -> vector<16xi32>
        %shift_right_arithmetic3A_1274 = arith.constant 23 : i32
        %shift_right_arithmetic3A_1275 = vector.broadcast %shift_right_arithmetic3A_1274 : i32 to vector<16xi32>
        %shift_right_arithmetic3A_1276 = arith.shrsi %bitcast_convert_type3A_1273, %shift_right_arithmetic3A_1275 : vector<16xi32>
        %sub3A_1277 = arith.constant 127 : i32
        %sub3A_1278 = vector.broadcast %sub3A_1277 : i32 to vector<16xi32>
        %sub3A_1279 = arith.subi %shift_right_arithmetic3A_1276, %sub3A_1278 : vector<16xi32>
        %and3A_1280 = arith.constant 8388607 : i32
        %and3A_1281 = vector.broadcast %and3A_1280 : i32 to vector<16xi32>
        %and3A_1282 = arith.andi %bitcast_convert_type3A_1273, %and3A_1281 : vector<16xi32>
        %or3A_1283 = arith.constant 1065353216 : i32
        %or3A_1284 = vector.broadcast %or3A_1283 : i32 to vector<16xi32>
        %or3A_1285 = arith.ori %and3A_1282, %or3A_1284 : vector<16xi32>
        %bitcast_convert_type3A_1286 = tpu.bitcast %or3A_1285 : vector<16xi32> -> vector<16xf32>
        %ge3A_1287 = arith.constant 1.41421354 : f32
        %ge3A_1288 = vector.broadcast %ge3A_1287 : f32 to vector<16xf32>
        %ge3A_1289 = arith.cmpf oge, %bitcast_convert_type3A_1286, %ge3A_1288 : vector<16xf32>
        %mul3A_1290 = arith.constant 5.000000e-01 : f32
        %mul3A_1291 = vector.broadcast %mul3A_1290 : f32 to vector<16xf32>
        %mul3A_1292 = arith.mulf %bitcast_convert_type3A_1286, %mul3A_1291 : vector<16xf32>
        %select_n3A_1293 = arith.select %ge3A_1289, %mul3A_1292, %bitcast_convert_type3A_1286 : vector<16xi1>, vector<16xf32>
        %add3A_1294 = arith.constant 1 : i32
        %add3A_1295 = vector.broadcast %add3A_1294 : i32 to vector<16xi32>
        %add3A_1296 = arith.addi %sub3A_1279, %add3A_1295 : vector<16xi32>
        %select_n3A_1297 = arith.select %ge3A_1289, %add3A_1296, %sub3A_1279 : vector<16xi1>, vector<16xi32>
        %sub3A_1298 = arith.constant 1.000000e+00 : f32
        %sub3A_1299 = vector.broadcast %sub3A_1298 : f32 to vector<16xf32>
        %sub3A_1300 = arith.subf %select_n3A_1293, %sub3A_1299 : vector<16xf32>
        %mul3A_1301 = arith.mulf %sub3A_1300, %sub3A_1300 : vector<16xf32>
        %mul3A_1302 = arith.constant 0.0703768358 : f32
        %mul3A_1303 = vector.broadcast %mul3A_1302 : f32 to vector<16xf32>
        %mul3A_1304 = arith.mulf %mul3A_1303, %sub3A_1300 : vector<16xf32>
        %add3A_1305 = arith.constant -0.115146101 : f32
        %add3A_1306 = vector.broadcast %add3A_1305 : f32 to vector<16xf32>
        %add3A_1307 = arith.addf %mul3A_1304, %add3A_1306 : vector<16xf32>
        %mul3A_1308 = arith.mulf %add3A_1307, %sub3A_1300 : vector<16xf32>
        %add3A_1309 = arith.constant 0.116769984 : f32
        %add3A_1310 = vector.broadcast %add3A_1309 : f32 to vector<16xf32>
        %add3A_1311 = arith.addf %mul3A_1308, %add3A_1310 : vector<16xf32>
        %mul3A_1312 = arith.mulf %add3A_1311, %sub3A_1300 : vector<16xf32>
        %add3A_1313 = arith.constant -0.12420141 : f32
        %add3A_1314 = vector.broadcast %add3A_1313 : f32 to vector<16xf32>
        %add3A_1315 = arith.addf %mul3A_1312, %add3A_1314 : vector<16xf32>
        %mul3A_1316 = arith.mulf %add3A_1315, %sub3A_1300 : vector<16xf32>
        %add3A_1317 = arith.constant 0.142493233 : f32
        %add3A_1318 = vector.broadcast %add3A_1317 : f32 to vector<16xf32>
        %add3A_1319 = arith.addf %mul3A_1316, %add3A_1318 : vector<16xf32>
        %mul3A_1320 = arith.mulf %add3A_1319, %sub3A_1300 : vector<16xf32>
        %add3A_1321 = arith.constant -0.166680574 : f32
        %add3A_1322 = vector.broadcast %add3A_1321 : f32 to vector<16xf32>
        %add3A_1323 = arith.addf %mul3A_1320, %add3A_1322 : vector<16xf32>
        %mul3A_1324 = arith.mulf %add3A_1323, %sub3A_1300 : vector<16xf32>
        %add3A_1325 = arith.constant 0.200007141 : f32
        %add3A_1326 = vector.broadcast %add3A_1325 : f32 to vector<16xf32>
        %add3A_1327 = arith.addf %mul3A_1324, %add3A_1326 : vector<16xf32>
        %mul3A_1328 = arith.mulf %add3A_1327, %sub3A_1300 : vector<16xf32>
        %add3A_1329 = arith.constant -0.24999994 : f32
        %add3A_1330 = vector.broadcast %add3A_1329 : f32 to vector<16xf32>
        %add3A_1331 = arith.addf %mul3A_1328, %add3A_1330 : vector<16xf32>
        %mul3A_1332 = arith.mulf %add3A_1331, %sub3A_1300 : vector<16xf32>
        %add3A_1333 = arith.constant 0.333333313 : f32
        %add3A_1334 = vector.broadcast %add3A_1333 : f32 to vector<16xf32>
        %add3A_1335 = arith.addf %mul3A_1332, %add3A_1334 : vector<16xf32>
        %mul3A_1336 = arith.mulf %add3A_1335, %sub3A_1300 : vector<16xf32>
        %mul3A_1337 = arith.mulf %mul3A_1336, %mul3A_1301 : vector<16xf32>
        %mul3A_1338 = arith.constant 5.000000e-01 : f32
        %mul3A_1339 = vector.broadcast %mul3A_1338 : f32 to vector<16xf32>
        %mul3A_1340 = arith.mulf %mul3A_1339, %mul3A_1301 : vector<16xf32>
        %sub3A_1341 = arith.subf %mul3A_1337, %mul3A_1340 : vector<16xf32>
        %add3A_1342 = arith.addf %sub3A_1300, %sub3A_1341 : vector<16xf32>
        %convert_element_type3A_1343 = arith.sitofp %select_n3A_1297 : vector<16xi32> to vector<16xf32>
        %mul3A_1344 = arith.constant 0.693147182 : f32
        %mul3A_1345 = vector.broadcast %mul3A_1344 : f32 to vector<16xf32>
        %mul3A_1346 = arith.mulf %convert_element_type3A_1343, %mul3A_1345 : vector<16xf32>
        %add3A_1347 = arith.addf %add3A_1342, %mul3A_1346 : vector<16xf32>
        %sub3A_1348 = arith.subf %mul3A_1271, %add3A_1347 : vector<16xf32>
        %swap3A_1349 = arith.index_cast %add3A_1233 : i32 to index
        %swap3A_1350 = arith.constant 0 : index
        %swap3A_1351 = tpu.vector_load %arg20[%swap3A_1349, %swap3A_1350] {strides = array<i32>} : memref<256x16xf32, #tpu.memory_space<vmem>>, vector<16xf32>,
        tpu.vector_store %arg20[%swap3A_1349, %swap3A_1350], %sub3A_1348 {strides = array<i32>} : memref<256x16xf32, #tpu.memory_space<vmem>>, vector<16xf32>,
        %mul3A_1352 = arith.constant 16 : i32
        %mul3A_1353 = arith.muli %scan3A_258, %mul3A_1352 : i32
        %add3A_1354 = arith.constant 9 : i32
        %add3A_1355 = arith.addi %mul3A_1353, %add3A_1354 : i32
        %get3A_1356 = arith.index_cast %add3A_1355 : i32 to index
        %get3A_1357 = arith.constant 0 : index
        %get3A_1358 = tpu.vector_load %arg15[%get3A_1356, %get3A_1357] {strides = array<i32>} : memref<256x32xf32, #tpu.memory_space<vmem>>, vector<16xf32>,
        %get3A_1359 = arith.index_cast %add3A_1355 : i32 to index
        %get3A_1360 = arith.constant 16 : index
        %get3A_1361 = tpu.vector_load %arg15[%get3A_1359, %get3A_1360] {strides = array<i32>} : memref<256x32xf32, #tpu.memory_space<vmem>>, vector<16xf32>,
        %get3A_1362 = arith.index_cast %add3A_1355 : i32 to index
        %get3A_1363 = arith.constant 0 : index
        %get3A_1364 = tpu.vector_load %arg16[%get3A_1362, %get3A_1363] {strides = array<i32>} : memref<256x32xf32, #tpu.memory_space<vmem>>, vector<16xf32>,
        %get3A_1365 = arith.index_cast %add3A_1355 : i32 to index
        %get3A_1366 = arith.constant 16 : index
        %get3A_1367 = tpu.vector_load %arg16[%get3A_1365, %get3A_1366] {strides = array<i32>} : memref<256x32xf32, #tpu.memory_space<vmem>>, vector<16xf32>,
        %get3A_1368 = arith.index_cast %add3A_1355 : i32 to index
        %get3A_1369 = arith.constant 0 : index
        %get3A_1370 = tpu.vector_load %arg17[%get3A_1368, %get3A_1369] {strides = array<i32>} : memref<256x32xf32, #tpu.memory_space<vmem>>, vector<16xf32>,
        %get3A_1371 = arith.index_cast %add3A_1355 : i32 to index
        %get3A_1372 = arith.constant 16 : index
        %get3A_1373 = tpu.vector_load %arg17[%get3A_1371, %get3A_1372] {strides = array<i32>} : memref<256x32xf32, #tpu.memory_space<vmem>>, vector<16xf32>,
        %mul3A_1374 = arith.mulf %get3A_1364, %get3A_1370 : vector<16xf32>
        %add3A_1375 = arith.addf %get3A_1358, %mul3A_1374 : vector<16xf32>
        %mul3A_1376 = arith.mulf %get3A_1367, %get3A_1373 : vector<16xf32>
        %add3A_1377 = arith.addf %get3A_1361, %mul3A_1376 : vector<16xf32>
        %swap3A_1378 = arith.index_cast %add3A_1355 : i32 to index
        %swap3A_1379 = arith.constant 0 : index
        %swap3A_1380 = tpu.vector_load %arg18[%swap3A_1378, %swap3A_1379] {strides = array<i32>} : memref<256x32xf32, #tpu.memory_space<vmem>>, vector<16xf32>,
        tpu.vector_store %arg18[%swap3A_1378, %swap3A_1379], %add3A_1375 {strides = array<i32>} : memref<256x32xf32, #tpu.memory_space<vmem>>, vector<16xf32>,
        %swap3A_1381 = arith.index_cast %add3A_1355 : i32 to index
        %swap3A_1382 = arith.constant 16 : index
        %swap3A_1383 = tpu.vector_load %arg18[%swap3A_1381, %swap3A_1382] {strides = array<i32>} : memref<256x32xf32, #tpu.memory_space<vmem>>, vector<16xf32>,
        tpu.vector_store %arg18[%swap3A_1381, %swap3A_1382], %add3A_1377 {strides = array<i32>} : memref<256x32xf32, #tpu.memory_space<vmem>>, vector<16xf32>,
        %mul3A_1384 = arith.mulf %add3A_1375, %add3A_1375 : vector<16xf32>
        %mul3A_1385 = arith.mulf %get3A_1370, %get3A_1370 : vector<16xf32>
        %sub3A_1386 = arith.subf %mul3A_1384, %mul3A_1385 : vector<16xf32>
        %mul3A_1387 = arith.mulf %add3A_1377, %add3A_1377 : vector<16xf32>
        %mul3A_1388 = arith.mulf %get3A_1373, %get3A_1373 : vector<16xf32>
        %sub3A_1389 = arith.subf %mul3A_1387, %mul3A_1388 : vector<16xf32>
        %add3A_1390 = arith.addf %sub3A_1386, %sub3A_1389 : vector<16xf32>
        %mul3A_1391 = arith.constant 5.000000e-01 : f32
        %mul3A_1392 = vector.broadcast %mul3A_1391 : f32 to vector<16xf32>
        %mul3A_1393 = arith.mulf %mul3A_1392, %add3A_1390 : vector<16xf32>
        %mul3A_1394 = arith.mulf %get3A_1364, %get3A_1367 : vector<16xf32>
        %bitcast_convert_type3A_1395 = tpu.bitcast %mul3A_1394 : vector<16xf32> -> vector<16xi32>
        %shift_right_arithmetic3A_1396 = arith.constant 23 : i32
        %shift_right_arithmetic3A_1397 = vector.broadcast %shift_right_arithmetic3A_1396 : i32 to vector<16xi32>
        %shift_right_arithmetic3A_1398 = arith.shrsi %bitcast_convert_type3A_1395, %shift_right_arithmetic3A_1397 : vector<16xi32>
        %sub3A_1399 = arith.constant 127 : i32
        %sub3A_1400 = vector.broadcast %sub3A_1399 : i32 to vector<16xi32>
        %sub3A_1401 = arith.subi %shift_right_arithmetic3A_1398, %sub3A_1400 : vector<16xi32>
        %and3A_1402 = arith.constant 8388607 : i32
        %and3A_1403 = vector.broadcast %and3A_1402 : i32 to vector<16xi32>
        %and3A_1404 = arith.andi %bitcast_convert_type3A_1395, %and3A_1403 : vector<16xi32>
        %or3A_1405 = arith.constant 1065353216 : i32
        %or3A_1406 = vector.broadcast %or3A_1405 : i32 to vector<16xi32>
        %or3A_1407 = arith.ori %and3A_1404, %or3A_1406 : vector<16xi32>
        %bitcast_convert_type3A_1408 = tpu.bitcast %or3A_1407 : vector<16xi32> -> vector<16xf32>
        %ge3A_1409 = arith.constant 1.41421354 : f32
        %ge3A_1410 = vector.broadcast %ge3A_1409 : f32 to vector<16xf32>
        %ge3A_1411 = arith.cmpf oge, %bitcast_convert_type3A_1408, %ge3A_1410 : vector<16xf32>
        %mul3A_1412 = arith.constant 5.000000e-01 : f32
        %mul3A_1413 = vector.broadcast %mul3A_1412 : f32 to vector<16xf32>
        %mul3A_1414 = arith.mulf %bitcast_convert_type3A_1408, %mul3A_1413 : vector<16xf32>
        %select_n3A_1415 = arith.select %ge3A_1411, %mul3A_1414, %bitcast_convert_type3A_1408 : vector<16xi1>, vector<16xf32>
        %add3A_1416 = arith.constant 1 : i32
        %add3A_1417 = vector.broadcast %add3A_1416 : i32 to vector<16xi32>
        %add3A_1418 = arith.addi %sub3A_1401, %add3A_1417 : vector<16xi32>
        %select_n3A_1419 = arith.select %ge3A_1411, %add3A_1418, %sub3A_1401 : vector<16xi1>, vector<16xi32>
        %sub3A_1420 = arith.constant 1.000000e+00 : f32
        %sub3A_1421 = vector.broadcast %sub3A_1420 : f32 to vector<16xf32>
        %sub3A_1422 = arith.subf %select_n3A_1415, %sub3A_1421 : vector<16xf32>
        %mul3A_1423 = arith.mulf %sub3A_1422, %sub3A_1422 : vector<16xf32>
        %mul3A_1424 = arith.constant 0.0703768358 : f32
        %mul3A_1425 = vector.broadcast %mul3A_1424 : f32 to vector<16xf32>
        %mul3A_1426 = arith.mulf %mul3A_1425, %sub3A_1422 : vector<16xf32>
        %add3A_1427 = arith.constant -0.115146101 : f32
        %add3A_1428 = vector.broadcast %add3A_1427 : f32 to vector<16xf32>
        %add3A_1429 = arith.addf %mul3A_1426, %add3A_1428 : vector<16xf32>
        %mul3A_1430 = arith.mulf %add3A_1429, %sub3A_1422 : vector<16xf32>
        %add3A_1431 = arith.constant 0.116769984 : f32
        %add3A_1432 = vector.broadcast %add3A_1431 : f32 to vector<16xf32>
        %add3A_1433 = arith.addf %mul3A_1430, %add3A_1432 : vector<16xf32>
        %mul3A_1434 = arith.mulf %add3A_1433, %sub3A_1422 : vector<16xf32>
        %add3A_1435 = arith.constant -0.12420141 : f32
        %add3A_1436 = vector.broadcast %add3A_1435 : f32 to vector<16xf32>
        %add3A_1437 = arith.addf %mul3A_1434, %add3A_1436 : vector<16xf32>
        %mul3A_1438 = arith.mulf %add3A_1437, %sub3A_1422 : vector<16xf32>
        %add3A_1439 = arith.constant 0.142493233 : f32
        %add3A_1440 = vector.broadcast %add3A_1439 : f32 to vector<16xf32>
        %add3A_1441 = arith.addf %mul3A_1438, %add3A_1440 : vector<16xf32>
        %mul3A_1442 = arith.mulf %add3A_1441, %sub3A_1422 : vector<16xf32>
        %add3A_1443 = arith.constant -0.166680574 : f32
        %add3A_1444 = vector.broadcast %add3A_1443 : f32 to vector<16xf32>
        %add3A_1445 = arith.addf %mul3A_1442, %add3A_1444 : vector<16xf32>
        %mul3A_1446 = arith.mulf %add3A_1445, %sub3A_1422 : vector<16xf32>
        %add3A_1447 = arith.constant 0.200007141 : f32
        %add3A_1448 = vector.broadcast %add3A_1447 : f32 to vector<16xf32>
        %add3A_1449 = arith.addf %mul3A_1446, %add3A_1448 : vector<16xf32>
        %mul3A_1450 = arith.mulf %add3A_1449, %sub3A_1422 : vector<16xf32>
        %add3A_1451 = arith.constant -0.24999994 : f32
        %add3A_1452 = vector.broadcast %add3A_1451 : f32 to vector<16xf32>
        %add3A_1453 = arith.addf %mul3A_1450, %add3A_1452 : vector<16xf32>
        %mul3A_1454 = arith.mulf %add3A_1453, %sub3A_1422 : vector<16xf32>
        %add3A_1455 = arith.constant 0.333333313 : f32
        %add3A_1456 = vector.broadcast %add3A_1455 : f32 to vector<16xf32>
        %add3A_1457 = arith.addf %mul3A_1454, %add3A_1456 : vector<16xf32>
        %mul3A_1458 = arith.mulf %add3A_1457, %sub3A_1422 : vector<16xf32>
        %mul3A_1459 = arith.mulf %mul3A_1458, %mul3A_1423 : vector<16xf32>
        %mul3A_1460 = arith.constant 5.000000e-01 : f32
        %mul3A_1461 = vector.broadcast %mul3A_1460 : f32 to vector<16xf32>
        %mul3A_1462 = arith.mulf %mul3A_1461, %mul3A_1423 : vector<16xf32>
        %sub3A_1463 = arith.subf %mul3A_1459, %mul3A_1462 : vector<16xf32>
        %add3A_1464 = arith.addf %sub3A_1422, %sub3A_1463 : vector<16xf32>
        %convert_element_type3A_1465 = arith.sitofp %select_n3A_1419 : vector<16xi32> to vector<16xf32>
        %mul3A_1466 = arith.constant 0.693147182 : f32
        %mul3A_1467 = vector.broadcast %mul3A_1466 : f32 to vector<16xf32>
        %mul3A_1468 = arith.mulf %convert_element_type3A_1465, %mul3A_1467 : vector<16xf32>
        %add3A_1469 = arith.addf %add3A_1464, %mul3A_1468 : vector<16xf32>
        %sub3A_1470 = arith.subf %mul3A_1393, %add3A_1469 : vector<16xf32>
        %swap3A_1471 = arith.index_cast %add3A_1355 : i32 to index
        %swap3A_1472 = arith.constant 0 : index
        %swap3A_1473 = tpu.vector_load %arg20[%swap3A_1471, %swap3A_1472] {strides = array<i32>} : memref<256x16xf32, #tpu.memory_space<vmem>>, vector<16xf32>,
        tpu.vector_store %arg20[%swap3A_1471, %swap3A_1472], %sub3A_1470 {strides = array<i32>} : memref<256x16xf32, #tpu.memory_space<vmem>>, vector<16xf32>,
        %mul3A_1474 = arith.constant 16 : i32
        %mul3A_1475 = arith.muli %scan3A_258, %mul3A_1474 : i32
        %add3A_1476 = arith.constant 10 : i32
        %add3A_1477 = arith.addi %mul3A_1475, %add3A_1476 : i32
        %get3A_1478 = arith.index_cast %add3A_1477 : i32 to index
        %get3A_1479 = arith.constant 0 : index
        %get3A_1480 = tpu.vector_load %arg15[%get3A_1478, %get3A_1479] {strides = array<i32>} : memref<256x32xf32, #tpu.memory_space<vmem>>, vector<16xf32>,
        %get3A_1481 = arith.index_cast %add3A_1477 : i32 to index
        %get3A_1482 = arith.constant 16 : index
        %get3A_1483 = tpu.vector_load %arg15[%get3A_1481, %get3A_1482] {strides = array<i32>} : memref<256x32xf32, #tpu.memory_space<vmem>>, vector<16xf32>,
        %get3A_1484 = arith.index_cast %add3A_1477 : i32 to index
        %get3A_1485 = arith.constant 0 : index
        %get3A_1486 = tpu.vector_load %arg16[%get3A_1484, %get3A_1485] {strides = array<i32>} : memref<256x32xf32, #tpu.memory_space<vmem>>, vector<16xf32>,
        %get3A_1487 = arith.index_cast %add3A_1477 : i32 to index
        %get3A_1488 = arith.constant 16 : index
        %get3A_1489 = tpu.vector_load %arg16[%get3A_1487, %get3A_1488] {strides = array<i32>} : memref<256x32xf32, #tpu.memory_space<vmem>>, vector<16xf32>,
        %get3A_1490 = arith.index_cast %add3A_1477 : i32 to index
        %get3A_1491 = arith.constant 0 : index
        %get3A_1492 = tpu.vector_load %arg17[%get3A_1490, %get3A_1491] {strides = array<i32>} : memref<256x32xf32, #tpu.memory_space<vmem>>, vector<16xf32>,
        %get3A_1493 = arith.index_cast %add3A_1477 : i32 to index
        %get3A_1494 = arith.constant 16 : index
        %get3A_1495 = tpu.vector_load %arg17[%get3A_1493, %get3A_1494] {strides = array<i32>} : memref<256x32xf32, #tpu.memory_space<vmem>>, vector<16xf32>,
        %mul3A_1496 = arith.mulf %get3A_1486, %get3A_1492 : vector<16xf32>
        %add3A_1497 = arith.addf %get3A_1480, %mul3A_1496 : vector<16xf32>
        %mul3A_1498 = arith.mulf %get3A_1489, %get3A_1495 : vector<16xf32>
        %add3A_1499 = arith.addf %get3A_1483, %mul3A_1498 : vector<16xf32>
        %swap3A_1500 = arith.index_cast %add3A_1477 : i32 to index
        %swap3A_1501 = arith.constant 0 : index
        %swap3A_1502 = tpu.vector_load %arg18[%swap3A_1500, %swap3A_1501] {strides = array<i32>} : memref<256x32xf32, #tpu.memory_space<vmem>>, vector<16xf32>,
        tpu.vector_store %arg18[%swap3A_1500, %swap3A_1501], %add3A_1497 {strides = array<i32>} : memref<256x32xf32, #tpu.memory_space<vmem>>, vector<16xf32>,
        %swap3A_1503 = arith.index_cast %add3A_1477 : i32 to index
        %swap3A_1504 = arith.constant 16 : index
        %swap3A_1505 = tpu.vector_load %arg18[%swap3A_1503, %swap3A_1504] {strides = array<i32>} : memref<256x32xf32, #tpu.memory_space<vmem>>, vector<16xf32>,
        tpu.vector_store %arg18[%swap3A_1503, %swap3A_1504], %add3A_1499 {strides = array<i32>} : memref<256x32xf32, #tpu.memory_space<vmem>>, vector<16xf32>,
        %mul3A_1506 = arith.mulf %add3A_1497, %add3A_1497 : vector<16xf32>
        %mul3A_1507 = arith.mulf %get3A_1492, %get3A_1492 : vector<16xf32>
        %sub3A_1508 = arith.subf %mul3A_1506, %mul3A_1507 : vector<16xf32>
        %mul3A_1509 = arith.mulf %add3A_1499, %add3A_1499 : vector<16xf32>
        %mul3A_1510 = arith.mulf %get3A_1495, %get3A_1495 : vector<16xf32>
        %sub3A_1511 = arith.subf %mul3A_1509, %mul3A_1510 : vector<16xf32>
        %add3A_1512 = arith.addf %sub3A_1508, %sub3A_1511 : vector<16xf32>
        %mul3A_1513 = arith.constant 5.000000e-01 : f32
        %mul3A_1514 = vector.broadcast %mul3A_1513 : f32 to vector<16xf32>
        %mul3A_1515 = arith.mulf %mul3A_1514, %add3A_1512 : vector<16xf32>
        %mul3A_1516 = arith.mulf %get3A_1486, %get3A_1489 : vector<16xf32>
        %bitcast_convert_type3A_1517 = tpu.bitcast %mul3A_1516 : vector<16xf32> -> vector<16xi32>
        %shift_right_arithmetic3A_1518 = arith.constant 23 : i32
        %shift_right_arithmetic3A_1519 = vector.broadcast %shift_right_arithmetic3A_1518 : i32 to vector<16xi32>
        %shift_right_arithmetic3A_1520 = arith.shrsi %bitcast_convert_type3A_1517, %shift_right_arithmetic3A_1519 : vector<16xi32>
        %sub3A_1521 = arith.constant 127 : i32
        %sub3A_1522 = vector.broadcast %sub3A_1521 : i32 to vector<16xi32>
        %sub3A_1523 = arith.subi %shift_right_arithmetic3A_1520, %sub3A_1522 : vector<16xi32>
        %and3A_1524 = arith.constant 8388607 : i32
        %and3A_1525 = vector.broadcast %and3A_1524 : i32 to vector<16xi32>
        %and3A_1526 = arith.andi %bitcast_convert_type3A_1517, %and3A_1525 : vector<16xi32>
        %or3A_1527 = arith.constant 1065353216 : i32
        %or3A_1528 = vector.broadcast %or3A_1527 : i32 to vector<16xi32>
        %or3A_1529 = arith.ori %and3A_1526, %or3A_1528 : vector<16xi32>
        %bitcast_convert_type3A_1530 = tpu.bitcast %or3A_1529 : vector<16xi32> -> vector<16xf32>
        %ge3A_1531 = arith.constant 1.41421354 : f32
        %ge3A_1532 = vector.broadcast %ge3A_1531 : f32 to vector<16xf32>
        %ge3A_1533 = arith.cmpf oge, %bitcast_convert_type3A_1530, %ge3A_1532 : vector<16xf32>
        %mul3A_1534 = arith.constant 5.000000e-01 : f32
        %mul3A_1535 = vector.broadcast %mul3A_1534 : f32 to vector<16xf32>
        %mul3A_1536 = arith.mulf %bitcast_convert_type3A_1530, %mul3A_1535 : vector<16xf32>
        %select_n3A_1537 = arith.select %ge3A_1533, %mul3A_1536, %bitcast_convert_type3A_1530 : vector<16xi1>, vector<16xf32>
        %add3A_1538 = arith.constant 1 : i32
        %add3A_1539 = vector.broadcast %add3A_1538 : i32 to vector<16xi32>
        %add3A_1540 = arith.addi %sub3A_1523, %add3A_1539 : vector<16xi32>
        %select_n3A_1541 = arith.select %ge3A_1533, %add3A_1540, %sub3A_1523 : vector<16xi1>, vector<16xi32>
        %sub3A_1542 = arith.constant 1.000000e+00 : f32
        %sub3A_1543 = vector.broadcast %sub3A_1542 : f32 to vector<16xf32>
        %sub3A_1544 = arith.subf %select_n3A_1537, %sub3A_1543 : vector<16xf32>
        %mul3A_1545 = arith.mulf %sub3A_1544, %sub3A_1544 : vector<16xf32>
        %mul3A_1546 = arith.constant 0.0703768358 : f32
        %mul3A_1547 = vector.broadcast %mul3A_1546 : f32 to vector<16xf32>
        %mul3A_1548 = arith.mulf %mul3A_1547, %sub3A_1544 : vector<16xf32>
        %add3A_1549 = arith.constant -0.115146101 : f32
        %add3A_1550 = vector.broadcast %add3A_1549 : f32 to vector<16xf32>
        %add3A_1551 = arith.addf %mul3A_1548, %add3A_1550 : vector<16xf32>
        %mul3A_1552 = arith.mulf %add3A_1551, %sub3A_1544 : vector<16xf32>
        %add3A_1553 = arith.constant 0.116769984 : f32
        %add3A_1554 = vector.broadcast %add3A_1553 : f32 to vector<16xf32>
        %add3A_1555 = arith.addf %mul3A_1552, %add3A_1554 : vector<16xf32>
        %mul3A_1556 = arith.mulf %add3A_1555, %sub3A_1544 : vector<16xf32>
        %add3A_1557 = arith.constant -0.12420141 : f32
        %add3A_1558 = vector.broadcast %add3A_1557 : f32 to vector<16xf32>
        %add3A_1559 = arith.addf %mul3A_1556, %add3A_1558 : vector<16xf32>
        %mul3A_1560 = arith.mulf %add3A_1559, %sub3A_1544 : vector<16xf32>
        %add3A_1561 = arith.constant 0.142493233 : f32
        %add3A_1562 = vector.broadcast %add3A_1561 : f32 to vector<16xf32>
        %add3A_1563 = arith.addf %mul3A_1560, %add3A_1562 : vector<16xf32>
        %mul3A_1564 = arith.mulf %add3A_1563, %sub3A_1544 : vector<16xf32>
        %add3A_1565 = arith.constant -0.166680574 : f32
        %add3A_1566 = vector.broadcast %add3A_1565 : f32 to vector<16xf32>
        %add3A_1567 = arith.addf %mul3A_1564, %add3A_1566 : vector<16xf32>
        %mul3A_1568 = arith.mulf %add3A_1567, %sub3A_1544 : vector<16xf32>
        %add3A_1569 = arith.constant 0.200007141 : f32
        %add3A_1570 = vector.broadcast %add3A_1569 : f32 to vector<16xf32>
        %add3A_1571 = arith.addf %mul3A_1568, %add3A_1570 : vector<16xf32>
        %mul3A_1572 = arith.mulf %add3A_1571, %sub3A_1544 : vector<16xf32>
        %add3A_1573 = arith.constant -0.24999994 : f32
        %add3A_1574 = vector.broadcast %add3A_1573 : f32 to vector<16xf32>
        %add3A_1575 = arith.addf %mul3A_1572, %add3A_1574 : vector<16xf32>
        %mul3A_1576 = arith.mulf %add3A_1575, %sub3A_1544 : vector<16xf32>
        %add3A_1577 = arith.constant 0.333333313 : f32
        %add3A_1578 = vector.broadcast %add3A_1577 : f32 to vector<16xf32>
        %add3A_1579 = arith.addf %mul3A_1576, %add3A_1578 : vector<16xf32>
        %mul3A_1580 = arith.mulf %add3A_1579, %sub3A_1544 : vector<16xf32>
        %mul3A_1581 = arith.mulf %mul3A_1580, %mul3A_1545 : vector<16xf32>
        %mul3A_1582 = arith.constant 5.000000e-01 : f32
        %mul3A_1583 = vector.broadcast %mul3A_1582 : f32 to vector<16xf32>
        %mul3A_1584 = arith.mulf %mul3A_1583, %mul3A_1545 : vector<16xf32>
        %sub3A_1585 = arith.subf %mul3A_1581, %mul3A_1584 : vector<16xf32>
        %add3A_1586 = arith.addf %sub3A_1544, %sub3A_1585 : vector<16xf32>
        %convert_element_type3A_1587 = arith.sitofp %select_n3A_1541 : vector<16xi32> to vector<16xf32>
        %mul3A_1588 = arith.constant 0.693147182 : f32
        %mul3A_1589 = vector.broadcast %mul3A_1588 : f32 to vector<16xf32>
        %mul3A_1590 = arith.mulf %convert_element_type3A_1587, %mul3A_1589 : vector<16xf32>
        %add3A_1591 = arith.addf %add3A_1586, %mul3A_1590 : vector<16xf32>
        %sub3A_1592 = arith.subf %mul3A_1515, %add3A_1591 : vector<16xf32>
        %swap3A_1593 = arith.index_cast %add3A_1477 : i32 to index
        %swap3A_1594 = arith.constant 0 : index
        %swap3A_1595 = tpu.vector_load %arg20[%swap3A_1593, %swap3A_1594] {strides = array<i32>} : memref<256x16xf32, #tpu.memory_space<vmem>>, vector<16xf32>,
        tpu.vector_store %arg20[%swap3A_1593, %swap3A_1594], %sub3A_1592 {strides = array<i32>} : memref<256x16xf32, #tpu.memory_space<vmem>>, vector<16xf32>,
        %mul3A_1596 = arith.constant 16 : i32
        %mul3A_1597 = arith.muli %scan3A_258, %mul3A_1596 : i32
        %add3A_1598 = arith.constant 11 : i32
        %add3A_1599 = arith.addi %mul3A_1597, %add3A_1598 : i32
        %get3A_1600 = arith.index_cast %add3A_1599 : i32 to index
        %get3A_1601 = arith.constant 0 : index
        %get3A_1602 = tpu.vector_load %arg15[%get3A_1600, %get3A_1601] {strides = array<i32>} : memref<256x32xf32, #tpu.memory_space<vmem>>, vector<16xf32>,
        %get3A_1603 = arith.index_cast %add3A_1599 : i32 to index
        %get3A_1604 = arith.constant 16 : index
        %get3A_1605 = tpu.vector_load %arg15[%get3A_1603, %get3A_1604] {strides = array<i32>} : memref<256x32xf32, #tpu.memory_space<vmem>>, vector<16xf32>,
        %get3A_1606 = arith.index_cast %add3A_1599 : i32 to index
        %get3A_1607 = arith.constant 0 : index
        %get3A_1608 = tpu.vector_load %arg16[%get3A_1606, %get3A_1607] {strides = array<i32>} : memref<256x32xf32, #tpu.memory_space<vmem>>, vector<16xf32>,
        %get3A_1609 = arith.index_cast %add3A_1599 : i32 to index
        %get3A_1610 = arith.constant 16 : index
        %get3A_1611 = tpu.vector_load %arg16[%get3A_1609, %get3A_1610] {strides = array<i32>} : memref<256x32xf32, #tpu.memory_space<vmem>>, vector<16xf32>,
        %get3A_1612 = arith.index_cast %add3A_1599 : i32 to index
        %get3A_1613 = arith.constant 0 : index
        %get3A_1614 = tpu.vector_load %arg17[%get3A_1612, %get3A_1613] {strides = array<i32>} : memref<256x32xf32, #tpu.memory_space<vmem>>, vector<16xf32>,
        %get3A_1615 = arith.index_cast %add3A_1599 : i32 to index
        %get3A_1616 = arith.constant 16 : index
        %get3A_1617 = tpu.vector_load %arg17[%get3A_1615, %get3A_1616] {strides = array<i32>} : memref<256x32xf32, #tpu.memory_space<vmem>>, vector<16xf32>,
        %mul3A_1618 = arith.mulf %get3A_1608, %get3A_1614 : vector<16xf32>
        %add3A_1619 = arith.addf %get3A_1602, %mul3A_1618 : vector<16xf32>
        %mul3A_1620 = arith.mulf %get3A_1611, %get3A_1617 : vector<16xf32>
        %add3A_1621 = arith.addf %get3A_1605, %mul3A_1620 : vector<16xf32>
        %swap3A_1622 = arith.index_cast %add3A_1599 : i32 to index
        %swap3A_1623 = arith.constant 0 : index
        %swap3A_1624 = tpu.vector_load %arg18[%swap3A_1622, %swap3A_1623] {strides = array<i32>} : memref<256x32xf32, #tpu.memory_space<vmem>>, vector<16xf32>,
        tpu.vector_store %arg18[%swap3A_1622, %swap3A_1623], %add3A_1619 {strides = array<i32>} : memref<256x32xf32, #tpu.memory_space<vmem>>, vector<16xf32>,
        %swap3A_1625 = arith.index_cast %add3A_1599 : i32 to index
        %swap3A_1626 = arith.constant 16 : index
        %swap3A_1627 = tpu.vector_load %arg18[%swap3A_1625, %swap3A_1626] {strides = array<i32>} : memref<256x32xf32, #tpu.memory_space<vmem>>, vector<16xf32>,
        tpu.vector_store %arg18[%swap3A_1625, %swap3A_1626], %add3A_1621 {strides = array<i32>} : memref<256x32xf32, #tpu.memory_space<vmem>>, vector<16xf32>,
        %mul3A_1628 = arith.mulf %add3A_1619, %add3A_1619 : vector<16xf32>
        %mul3A_1629 = arith.mulf %get3A_1614, %get3A_1614 : vector<16xf32>
        %sub3A_1630 = arith.subf %mul3A_1628, %mul3A_1629 : vector<16xf32>
        %mul3A_1631 = arith.mulf %add3A_1621, %add3A_1621 : vector<16xf32>
        %mul3A_1632 = arith.mulf %get3A_1617, %get3A_1617 : vector<16xf32>
        %sub3A_1633 = arith.subf %mul3A_1631, %mul3A_1632 : vector<16xf32>
        %add3A_1634 = arith.addf %sub3A_1630, %sub3A_1633 : vector<16xf32>
        %mul3A_1635 = arith.constant 5.000000e-01 : f32
        %mul3A_1636 = vector.broadcast %mul3A_1635 : f32 to vector<16xf32>
        %mul3A_1637 = arith.mulf %mul3A_1636, %add3A_1634 : vector<16xf32>
        %mul3A_1638 = arith.mulf %get3A_1608, %get3A_1611 : vector<16xf32>
        %bitcast_convert_type3A_1639 = tpu.bitcast %mul3A_1638 : vector<16xf32> -> vector<16xi32>
        %shift_right_arithmetic3A_1640 = arith.constant 23 : i32
        %shift_right_arithmetic3A_1641 = vector.broadcast %shift_right_arithmetic3A_1640 : i32 to vector<16xi32>
        %shift_right_arithmetic3A_1642 = arith.shrsi %bitcast_convert_type3A_1639, %shift_right_arithmetic3A_1641 : vector<16xi32>
        %sub3A_1643 = arith.constant 127 : i32
        %sub3A_1644 = vector.broadcast %sub3A_1643 : i32 to vector<16xi32>
        %sub3A_1645 = arith.subi %shift_right_arithmetic3A_1642, %sub3A_1644 : vector<16xi32>
        %and3A_1646 = arith.constant 8388607 : i32
        %and3A_1647 = vector.broadcast %and3A_1646 : i32 to vector<16xi32>
        %and3A_1648 = arith.andi %bitcast_convert_type3A_1639, %and3A_1647 : vector<16xi32>
        %or3A_1649 = arith.constant 1065353216 : i32
        %or3A_1650 = vector.broadcast %or3A_1649 : i32 to vector<16xi32>
        %or3A_1651 = arith.ori %and3A_1648, %or3A_1650 : vector<16xi32>
        %bitcast_convert_type3A_1652 = tpu.bitcast %or3A_1651 : vector<16xi32> -> vector<16xf32>
        %ge3A_1653 = arith.constant 1.41421354 : f32
        %ge3A_1654 = vector.broadcast %ge3A_1653 : f32 to vector<16xf32>
        %ge3A_1655 = arith.cmpf oge, %bitcast_convert_type3A_1652, %ge3A_1654 : vector<16xf32>
        %mul3A_1656 = arith.constant 5.000000e-01 : f32
        %mul3A_1657 = vector.broadcast %mul3A_1656 : f32 to vector<16xf32>
        %mul3A_1658 = arith.mulf %bitcast_convert_type3A_1652, %mul3A_1657 : vector<16xf32>
        %select_n3A_1659 = arith.select %ge3A_1655, %mul3A_1658, %bitcast_convert_type3A_1652 : vector<16xi1>, vector<16xf32>
        %add3A_1660 = arith.constant 1 : i32
        %add3A_1661 = vector.broadcast %add3A_1660 : i32 to vector<16xi32>
        %add3A_1662 = arith.addi %sub3A_1645, %add3A_1661 : vector<16xi32>
        %select_n3A_1663 = arith.select %ge3A_1655, %add3A_1662, %sub3A_1645 : vector<16xi1>, vector<16xi32>
        %sub3A_1664 = arith.constant 1.000000e+00 : f32
        %sub3A_1665 = vector.broadcast %sub3A_1664 : f32 to vector<16xf32>
        %sub3A_1666 = arith.subf %select_n3A_1659, %sub3A_1665 : vector<16xf32>
        %mul3A_1667 = arith.mulf %sub3A_1666, %sub3A_1666 : vector<16xf32>
        %mul3A_1668 = arith.constant 0.0703768358 : f32
        %mul3A_1669 = vector.broadcast %mul3A_1668 : f32 to vector<16xf32>
        %mul3A_1670 = arith.mulf %mul3A_1669, %sub3A_1666 : vector<16xf32>
        %add3A_1671 = arith.constant -0.115146101 : f32
        %add3A_1672 = vector.broadcast %add3A_1671 : f32 to vector<16xf32>
        %add3A_1673 = arith.addf %mul3A_1670, %add3A_1672 : vector<16xf32>
        %mul3A_1674 = arith.mulf %add3A_1673, %sub3A_1666 : vector<16xf32>
        %add3A_1675 = arith.constant 0.116769984 : f32
        %add3A_1676 = vector.broadcast %add3A_1675 : f32 to vector<16xf32>
        %add3A_1677 = arith.addf %mul3A_1674, %add3A_1676 : vector<16xf32>
        %mul3A_1678 = arith.mulf %add3A_1677, %sub3A_1666 : vector<16xf32>
        %add3A_1679 = arith.constant -0.12420141 : f32
        %add3A_1680 = vector.broadcast %add3A_1679 : f32 to vector<16xf32>
        %add3A_1681 = arith.addf %mul3A_1678, %add3A_1680 : vector<16xf32>
        %mul3A_1682 = arith.mulf %add3A_1681, %sub3A_1666 : vector<16xf32>
        %add3A_1683 = arith.constant 0.142493233 : f32
        %add3A_1684 = vector.broadcast %add3A_1683 : f32 to vector<16xf32>
        %add3A_1685 = arith.addf %mul3A_1682, %add3A_1684 : vector<16xf32>
        %mul3A_1686 = arith.mulf %add3A_1685, %sub3A_1666 : vector<16xf32>
        %add3A_1687 = arith.constant -0.166680574 : f32
        %add3A_1688 = vector.broadcast %add3A_1687 : f32 to vector<16xf32>
        %add3A_1689 = arith.addf %mul3A_1686, %add3A_1688 : vector<16xf32>
        %mul3A_1690 = arith.mulf %add3A_1689, %sub3A_1666 : vector<16xf32>
        %add3A_1691 = arith.constant 0.200007141 : f32
        %add3A_1692 = vector.broadcast %add3A_1691 : f32 to vector<16xf32>
        %add3A_1693 = arith.addf %mul3A_1690, %add3A_1692 : vector<16xf32>
        %mul3A_1694 = arith.mulf %add3A_1693, %sub3A_1666 : vector<16xf32>
        %add3A_1695 = arith.constant -0.24999994 : f32
        %add3A_1696 = vector.broadcast %add3A_1695 : f32 to vector<16xf32>
        %add3A_1697 = arith.addf %mul3A_1694, %add3A_1696 : vector<16xf32>
        %mul3A_1698 = arith.mulf %add3A_1697, %sub3A_1666 : vector<16xf32>
        %add3A_1699 = arith.constant 0.333333313 : f32
        %add3A_1700 = vector.broadcast %add3A_1699 : f32 to vector<16xf32>
        %add3A_1701 = arith.addf %mul3A_1698, %add3A_1700 : vector<16xf32>
        %mul3A_1702 = arith.mulf %add3A_1701, %sub3A_1666 : vector<16xf32>
        %mul3A_1703 = arith.mulf %mul3A_1702, %mul3A_1667 : vector<16xf32>
        %mul3A_1704 = arith.constant 5.000000e-01 : f32
        %mul3A_1705 = vector.broadcast %mul3A_1704 : f32 to vector<16xf32>
        %mul3A_1706 = arith.mulf %mul3A_1705, %mul3A_1667 : vector<16xf32>
        %sub3A_1707 = arith.subf %mul3A_1703, %mul3A_1706 : vector<16xf32>
        %add3A_1708 = arith.addf %sub3A_1666, %sub3A_1707 : vector<16xf32>
        %convert_element_type3A_1709 = arith.sitofp %select_n3A_1663 : vector<16xi32> to vector<16xf32>
        %mul3A_1710 = arith.constant 0.693147182 : f32
        %mul3A_1711 = vector.broadcast %mul3A_1710 : f32 to vector<16xf32>
        %mul3A_1712 = arith.mulf %convert_element_type3A_1709, %mul3A_1711 : vector<16xf32>
        %add3A_1713 = arith.addf %add3A_1708, %mul3A_1712 : vector<16xf32>
        %sub3A_1714 = arith.subf %mul3A_1637, %add3A_1713 : vector<16xf32>
        %swap3A_1715 = arith.index_cast %add3A_1599 : i32 to index
        %swap3A_1716 = arith.constant 0 : index
        %swap3A_1717 = tpu.vector_load %arg20[%swap3A_1715, %swap3A_1716] {strides = array<i32>} : memref<256x16xf32, #tpu.memory_space<vmem>>, vector<16xf32>,
        tpu.vector_store %arg20[%swap3A_1715, %swap3A_1716], %sub3A_1714 {strides = array<i32>} : memref<256x16xf32, #tpu.memory_space<vmem>>, vector<16xf32>,
        %mul3A_1718 = arith.constant 16 : i32
        %mul3A_1719 = arith.muli %scan3A_258, %mul3A_1718 : i32
        %add3A_1720 = arith.constant 12 : i32
        %add3A_1721 = arith.addi %mul3A_1719, %add3A_1720 : i32
        %get3A_1722 = arith.index_cast %add3A_1721 : i32 to index
        %get3A_1723 = arith.constant 0 : index
        %get3A_1724 = tpu.vector_load %arg15[%get3A_1722, %get3A_1723] {strides = array<i32>} : memref<256x32xf32, #tpu.memory_space<vmem>>, vector<16xf32>,
        %get3A_1725 = arith.index_cast %add3A_1721 : i32 to index
        %get3A_1726 = arith.constant 16 : index
        %get3A_1727 = tpu.vector_load %arg15[%get3A_1725, %get3A_1726] {strides = array<i32>} : memref<256x32xf32, #tpu.memory_space<vmem>>, vector<16xf32>,
        %get3A_1728 = arith.index_cast %add3A_1721 : i32 to index
        %get3A_1729 = arith.constant 0 : index
        %get3A_1730 = tpu.vector_load %arg16[%get3A_1728, %get3A_1729] {strides = array<i32>} : memref<256x32xf32, #tpu.memory_space<vmem>>, vector<16xf32>,
        %get3A_1731 = arith.index_cast %add3A_1721 : i32 to index
        %get3A_1732 = arith.constant 16 : index
        %get3A_1733 = tpu.vector_load %arg16[%get3A_1731, %get3A_1732] {strides = array<i32>} : memref<256x32xf32, #tpu.memory_space<vmem>>, vector<16xf32>,
        %get3A_1734 = arith.index_cast %add3A_1721 : i32 to index
        %get3A_1735 = arith.constant 0 : index
        %get3A_1736 = tpu.vector_load %arg17[%get3A_1734, %get3A_1735] {strides = array<i32>} : memref<256x32xf32, #tpu.memory_space<vmem>>, vector<16xf32>,
        %get3A_1737 = arith.index_cast %add3A_1721 : i32 to index
        %get3A_1738 = arith.constant 16 : index
        %get3A_1739 = tpu.vector_load %arg17[%get3A_1737, %get3A_1738] {strides = array<i32>} : memref<256x32xf32, #tpu.memory_space<vmem>>, vector<16xf32>,
        %mul3A_1740 = arith.mulf %get3A_1730, %get3A_1736 : vector<16xf32>
        %add3A_1741 = arith.addf %get3A_1724, %mul3A_1740 : vector<16xf32>
        %mul3A_1742 = arith.mulf %get3A_1733, %get3A_1739 : vector<16xf32>
        %add3A_1743 = arith.addf %get3A_1727, %mul3A_1742 : vector<16xf32>
        %swap3A_1744 = arith.index_cast %add3A_1721 : i32 to index
        %swap3A_1745 = arith.constant 0 : index
        %swap3A_1746 = tpu.vector_load %arg18[%swap3A_1744, %swap3A_1745] {strides = array<i32>} : memref<256x32xf32, #tpu.memory_space<vmem>>, vector<16xf32>,
        tpu.vector_store %arg18[%swap3A_1744, %swap3A_1745], %add3A_1741 {strides = array<i32>} : memref<256x32xf32, #tpu.memory_space<vmem>>, vector<16xf32>,
        %swap3A_1747 = arith.index_cast %add3A_1721 : i32 to index
        %swap3A_1748 = arith.constant 16 : index
        %swap3A_1749 = tpu.vector_load %arg18[%swap3A_1747, %swap3A_1748] {strides = array<i32>} : memref<256x32xf32, #tpu.memory_space<vmem>>, vector<16xf32>,
        tpu.vector_store %arg18[%swap3A_1747, %swap3A_1748], %add3A_1743 {strides = array<i32>} : memref<256x32xf32, #tpu.memory_space<vmem>>, vector<16xf32>,
        %mul3A_1750 = arith.mulf %add3A_1741, %add3A_1741 : vector<16xf32>
        %mul3A_1751 = arith.mulf %get3A_1736, %get3A_1736 : vector<16xf32>
        %sub3A_1752 = arith.subf %mul3A_1750, %mul3A_1751 : vector<16xf32>
        %mul3A_1753 = arith.mulf %add3A_1743, %add3A_1743 : vector<16xf32>
        %mul3A_1754 = arith.mulf %get3A_1739, %get3A_1739 : vector<16xf32>
        %sub3A_1755 = arith.subf %mul3A_1753, %mul3A_1754 : vector<16xf32>
        %add3A_1756 = arith.addf %sub3A_1752, %sub3A_1755 : vector<16xf32>
        %mul3A_1757 = arith.constant 5.000000e-01 : f32
        %mul3A_1758 = vector.broadcast %mul3A_1757 : f32 to vector<16xf32>
        %mul3A_1759 = arith.mulf %mul3A_1758, %add3A_1756 : vector<16xf32>
        %mul3A_1760 = arith.mulf %get3A_1730, %get3A_1733 : vector<16xf32>
        %bitcast_convert_type3A_1761 = tpu.bitcast %mul3A_1760 : vector<16xf32> -> vector<16xi32>
        %shift_right_arithmetic3A_1762 = arith.constant 23 : i32
        %shift_right_arithmetic3A_1763 = vector.broadcast %shift_right_arithmetic3A_1762 : i32 to vector<16xi32>
        %shift_right_arithmetic3A_1764 = arith.shrsi %bitcast_convert_type3A_1761, %shift_right_arithmetic3A_1763 : vector<16xi32>
        %sub3A_1765 = arith.constant 127 : i32
        %sub3A_1766 = vector.broadcast %sub3A_1765 : i32 to vector<16xi32>
        %sub3A_1767 = arith.subi %shift_right_arithmetic3A_1764, %sub3A_1766 : vector<16xi32>
        %and3A_1768 = arith.constant 8388607 : i32
        %and3A_1769 = vector.broadcast %and3A_1768 : i32 to vector<16xi32>
        %and3A_1770 = arith.andi %bitcast_convert_type3A_1761, %and3A_1769 : vector<16xi32>
        %or3A_1771 = arith.constant 1065353216 : i32
        %or3A_1772 = vector.broadcast %or3A_1771 : i32 to vector<16xi32>
        %or3A_1773 = arith.ori %and3A_1770, %or3A_1772 : vector<16xi32>
        %bitcast_convert_type3A_1774 = tpu.bitcast %or3A_1773 : vector<16xi32> -> vector<16xf32>
        %ge3A_1775 = arith.constant 1.41421354 : f32
        %ge3A_1776 = vector.broadcast %ge3A_1775 : f32 to vector<16xf32>
        %ge3A_1777 = arith.cmpf oge, %bitcast_convert_type3A_1774, %ge3A_1776 : vector<16xf32>
        %mul3A_1778 = arith.constant 5.000000e-01 : f32
        %mul3A_1779 = vector.broadcast %mul3A_1778 : f32 to vector<16xf32>
        %mul3A_1780 = arith.mulf %bitcast_convert_type3A_1774, %mul3A_1779 : vector<16xf32>
        %select_n3A_1781 = arith.select %ge3A_1777, %mul3A_1780, %bitcast_convert_type3A_1774 : vector<16xi1>, vector<16xf32>
        %add3A_1782 = arith.constant 1 : i32
        %add3A_1783 = vector.broadcast %add3A_1782 : i32 to vector<16xi32>
        %add3A_1784 = arith.addi %sub3A_1767, %add3A_1783 : vector<16xi32>
        %select_n3A_1785 = arith.select %ge3A_1777, %add3A_1784, %sub3A_1767 : vector<16xi1>, vector<16xi32>
        %sub3A_1786 = arith.constant 1.000000e+00 : f32
        %sub3A_1787 = vector.broadcast %sub3A_1786 : f32 to vector<16xf32>
        %sub3A_1788 = arith.subf %select_n3A_1781, %sub3A_1787 : vector<16xf32>
        %mul3A_1789 = arith.mulf %sub3A_1788, %sub3A_1788 : vector<16xf32>
        %mul3A_1790 = arith.constant 0.0703768358 : f32
        %mul3A_1791 = vector.broadcast %mul3A_1790 : f32 to vector<16xf32>
        %mul3A_1792 = arith.mulf %mul3A_1791, %sub3A_1788 : vector<16xf32>
        %add3A_1793 = arith.constant -0.115146101 : f32
        %add3A_1794 = vector.broadcast %add3A_1793 : f32 to vector<16xf32>
        %add3A_1795 = arith.addf %mul3A_1792, %add3A_1794 : vector<16xf32>
        %mul3A_1796 = arith.mulf %add3A_1795, %sub3A_1788 : vector<16xf32>
        %add3A_1797 = arith.constant 0.116769984 : f32
        %add3A_1798 = vector.broadcast %add3A_1797 : f32 to vector<16xf32>
        %add3A_1799 = arith.addf %mul3A_1796, %add3A_1798 : vector<16xf32>
        %mul3A_1800 = arith.mulf %add3A_1799, %sub3A_1788 : vector<16xf32>
        %add3A_1801 = arith.constant -0.12420141 : f32
        %add3A_1802 = vector.broadcast %add3A_1801 : f32 to vector<16xf32>
        %add3A_1803 = arith.addf %mul3A_1800, %add3A_1802 : vector<16xf32>
        %mul3A_1804 = arith.mulf %add3A_1803, %sub3A_1788 : vector<16xf32>
        %add3A_1805 = arith.constant 0.142493233 : f32
        %add3A_1806 = vector.broadcast %add3A_1805 : f32 to vector<16xf32>
        %add3A_1807 = arith.addf %mul3A_1804, %add3A_1806 : vector<16xf32>
        %mul3A_1808 = arith.mulf %add3A_1807, %sub3A_1788 : vector<16xf32>
        %add3A_1809 = arith.constant -0.166680574 : f32
        %add3A_1810 = vector.broadcast %add3A_1809 : f32 to vector<16xf32>
        %add3A_1811 = arith.addf %mul3A_1808, %add3A_1810 : vector<16xf32>
        %mul3A_1812 = arith.mulf %add3A_1811, %sub3A_1788 : vector<16xf32>
        %add3A_1813 = arith.constant 0.200007141 : f32
        %add3A_1814 = vector.broadcast %add3A_1813 : f32 to vector<16xf32>
        %add3A_1815 = arith.addf %mul3A_1812, %add3A_1814 : vector<16xf32>
        %mul3A_1816 = arith.mulf %add3A_1815, %sub3A_1788 : vector<16xf32>
        %add3A_1817 = arith.constant -0.24999994 : f32
        %add3A_1818 = vector.broadcast %add3A_1817 : f32 to vector<16xf32>
        %add3A_1819 = arith.addf %mul3A_1816, %add3A_1818 : vector<16xf32>
        %mul3A_1820 = arith.mulf %add3A_1819, %sub3A_1788 : vector<16xf32>
        %add3A_1821 = arith.constant 0.333333313 : f32
        %add3A_1822 = vector.broadcast %add3A_1821 : f32 to vector<16xf32>
        %add3A_1823 = arith.addf %mul3A_1820, %add3A_1822 : vector<16xf32>
        %mul3A_1824 = arith.mulf %add3A_1823, %sub3A_1788 : vector<16xf32>
        %mul3A_1825 = arith.mulf %mul3A_1824, %mul3A_1789 : vector<16xf32>
        %mul3A_1826 = arith.constant 5.000000e-01 : f32
        %mul3A_1827 = vector.broadcast %mul3A_1826 : f32 to vector<16xf32>
        %mul3A_1828 = arith.mulf %mul3A_1827, %mul3A_1789 : vector<16xf32>
        %sub3A_1829 = arith.subf %mul3A_1825, %mul3A_1828 : vector<16xf32>
        %add3A_1830 = arith.addf %sub3A_1788, %sub3A_1829 : vector<16xf32>
        %convert_element_type3A_1831 = arith.sitofp %select_n3A_1785 : vector<16xi32> to vector<16xf32>
        %mul3A_1832 = arith.constant 0.693147182 : f32
        %mul3A_1833 = vector.broadcast %mul3A_1832 : f32 to vector<16xf32>
        %mul3A_1834 = arith.mulf %convert_element_type3A_1831, %mul3A_1833 : vector<16xf32>
        %add3A_1835 = arith.addf %add3A_1830, %mul3A_1834 : vector<16xf32>
        %sub3A_1836 = arith.subf %mul3A_1759, %add3A_1835 : vector<16xf32>
        %swap3A_1837 = arith.index_cast %add3A_1721 : i32 to index
        %swap3A_1838 = arith.constant 0 : index
        %swap3A_1839 = tpu.vector_load %arg20[%swap3A_1837, %swap3A_1838] {strides = array<i32>} : memref<256x16xf32, #tpu.memory_space<vmem>>, vector<16xf32>,
        tpu.vector_store %arg20[%swap3A_1837, %swap3A_1838], %sub3A_1836 {strides = array<i32>} : memref<256x16xf32, #tpu.memory_space<vmem>>, vector<16xf32>,
        %mul3A_1840 = arith.constant 16 : i32
        %mul3A_1841 = arith.muli %scan3A_258, %mul3A_1840 : i32
        %add3A_1842 = arith.constant 13 : i32
        %add3A_1843 = arith.addi %mul3A_1841, %add3A_1842 : i32
        %get3A_1844 = arith.index_cast %add3A_1843 : i32 to index
        %get3A_1845 = arith.constant 0 : index
        %get3A_1846 = tpu.vector_load %arg15[%get3A_1844, %get3A_1845] {strides = array<i32>} : memref<256x32xf32, #tpu.memory_space<vmem>>, vector<16xf32>,
        %get3A_1847 = arith.index_cast %add3A_1843 : i32 to index
        %get3A_1848 = arith.constant 16 : index
        %get3A_1849 = tpu.vector_load %arg15[%get3A_1847, %get3A_1848] {strides = array<i32>} : memref<256x32xf32, #tpu.memory_space<vmem>>, vector<16xf32>,
        %get3A_1850 = arith.index_cast %add3A_1843 : i32 to index
        %get3A_1851 = arith.constant 0 : index
        %get3A_1852 = tpu.vector_load %arg16[%get3A_1850, %get3A_1851] {strides = array<i32>} : memref<256x32xf32, #tpu.memory_space<vmem>>, vector<16xf32>,
        %get3A_1853 = arith.index_cast %add3A_1843 : i32 to index
        %get3A_1854 = arith.constant 16 : index
        %get3A_1855 = tpu.vector_load %arg16[%get3A_1853, %get3A_1854] {strides = array<i32>} : memref<256x32xf32, #tpu.memory_space<vmem>>, vector<16xf32>,
        %get3A_1856 = arith.index_cast %add3A_1843 : i32 to index
        %get3A_1857 = arith.constant 0 : index
        %get3A_1858 = tpu.vector_load %arg17[%get3A_1856, %get3A_1857] {strides = array<i32>} : memref<256x32xf32, #tpu.memory_space<vmem>>, vector<16xf32>,
        %get3A_1859 = arith.index_cast %add3A_1843 : i32 to index
        %get3A_1860 = arith.constant 16 : index
        %get3A_1861 = tpu.vector_load %arg17[%get3A_1859, %get3A_1860] {strides = array<i32>} : memref<256x32xf32, #tpu.memory_space<vmem>>, vector<16xf32>,
        %mul3A_1862 = arith.mulf %get3A_1852, %get3A_1858 : vector<16xf32>
        %add3A_1863 = arith.addf %get3A_1846, %mul3A_1862 : vector<16xf32>
        %mul3A_1864 = arith.mulf %get3A_1855, %get3A_1861 : vector<16xf32>
        %add3A_1865 = arith.addf %get3A_1849, %mul3A_1864 : vector<16xf32>
        %swap3A_1866 = arith.index_cast %add3A_1843 : i32 to index
        %swap3A_1867 = arith.constant 0 : index
        %swap3A_1868 = tpu.vector_load %arg18[%swap3A_1866, %swap3A_1867] {strides = array<i32>} : memref<256x32xf32, #tpu.memory_space<vmem>>, vector<16xf32>,
        tpu.vector_store %arg18[%swap3A_1866, %swap3A_1867], %add3A_1863 {strides = array<i32>} : memref<256x32xf32, #tpu.memory_space<vmem>>, vector<16xf32>,
        %swap3A_1869 = arith.index_cast %add3A_1843 : i32 to index
        %swap3A_1870 = arith.constant 16 : index
        %swap3A_1871 = tpu.vector_load %arg18[%swap3A_1869, %swap3A_1870] {strides = array<i32>} : memref<256x32xf32, #tpu.memory_space<vmem>>, vector<16xf32>,
        tpu.vector_store %arg18[%swap3A_1869, %swap3A_1870], %add3A_1865 {strides = array<i32>} : memref<256x32xf32, #tpu.memory_space<vmem>>, vector<16xf32>,
        %mul3A_1872 = arith.mulf %add3A_1863, %add3A_1863 : vector<16xf32>
        %mul3A_1873 = arith.mulf %get3A_1858, %get3A_1858 : vector<16xf32>
        %sub3A_1874 = arith.subf %mul3A_1872, %mul3A_1873 : vector<16xf32>
        %mul3A_1875 = arith.mulf %add3A_1865, %add3A_1865 : vector<16xf32>
        %mul3A_1876 = arith.mulf %get3A_1861, %get3A_1861 : vector<16xf32>
        %sub3A_1877 = arith.subf %mul3A_1875, %mul3A_1876 : vector<16xf32>
        %add3A_1878 = arith.addf %sub3A_1874, %sub3A_1877 : vector<16xf32>
        %mul3A_1879 = arith.constant 5.000000e-01 : f32
        %mul3A_1880 = vector.broadcast %mul3A_1879 : f32 to vector<16xf32>
        %mul3A_1881 = arith.mulf %mul3A_1880, %add3A_1878 : vector<16xf32>
        %mul3A_1882 = arith.mulf %get3A_1852, %get3A_1855 : vector<16xf32>
        %bitcast_convert_type3A_1883 = tpu.bitcast %mul3A_1882 : vector<16xf32> -> vector<16xi32>
        %shift_right_arithmetic3A_1884 = arith.constant 23 : i32
        %shift_right_arithmetic3A_1885 = vector.broadcast %shift_right_arithmetic3A_1884 : i32 to vector<16xi32>
        %shift_right_arithmetic3A_1886 = arith.shrsi %bitcast_convert_type3A_1883, %shift_right_arithmetic3A_1885 : vector<16xi32>
        %sub3A_1887 = arith.constant 127 : i32
        %sub3A_1888 = vector.broadcast %sub3A_1887 : i32 to vector<16xi32>
        %sub3A_1889 = arith.subi %shift_right_arithmetic3A_1886, %sub3A_1888 : vector<16xi32>
        %and3A_1890 = arith.constant 8388607 : i32
        %and3A_1891 = vector.broadcast %and3A_1890 : i32 to vector<16xi32>
        %and3A_1892 = arith.andi %bitcast_convert_type3A_1883, %and3A_1891 : vector<16xi32>
        %or3A_1893 = arith.constant 1065353216 : i32
        %or3A_1894 = vector.broadcast %or3A_1893 : i32 to vector<16xi32>
        %or3A_1895 = arith.ori %and3A_1892, %or3A_1894 : vector<16xi32>
        %bitcast_convert_type3A_1896 = tpu.bitcast %or3A_1895 : vector<16xi32> -> vector<16xf32>
        %ge3A_1897 = arith.constant 1.41421354 : f32
        %ge3A_1898 = vector.broadcast %ge3A_1897 : f32 to vector<16xf32>
        %ge3A_1899 = arith.cmpf oge, %bitcast_convert_type3A_1896, %ge3A_1898 : vector<16xf32>
        %mul3A_1900 = arith.constant 5.000000e-01 : f32
        %mul3A_1901 = vector.broadcast %mul3A_1900 : f32 to vector<16xf32>
        %mul3A_1902 = arith.mulf %bitcast_convert_type3A_1896, %mul3A_1901 : vector<16xf32>
        %select_n3A_1903 = arith.select %ge3A_1899, %mul3A_1902, %bitcast_convert_type3A_1896 : vector<16xi1>, vector<16xf32>
        %add3A_1904 = arith.constant 1 : i32
        %add3A_1905 = vector.broadcast %add3A_1904 : i32 to vector<16xi32>
        %add3A_1906 = arith.addi %sub3A_1889, %add3A_1905 : vector<16xi32>
        %select_n3A_1907 = arith.select %ge3A_1899, %add3A_1906, %sub3A_1889 : vector<16xi1>, vector<16xi32>
        %sub3A_1908 = arith.constant 1.000000e+00 : f32
        %sub3A_1909 = vector.broadcast %sub3A_1908 : f32 to vector<16xf32>
        %sub3A_1910 = arith.subf %select_n3A_1903, %sub3A_1909 : vector<16xf32>
        %mul3A_1911 = arith.mulf %sub3A_1910, %sub3A_1910 : vector<16xf32>
        %mul3A_1912 = arith.constant 0.0703768358 : f32
        %mul3A_1913 = vector.broadcast %mul3A_1912 : f32 to vector<16xf32>
        %mul3A_1914 = arith.mulf %mul3A_1913, %sub3A_1910 : vector<16xf32>
        %add3A_1915 = arith.constant -0.115146101 : f32
        %add3A_1916 = vector.broadcast %add3A_1915 : f32 to vector<16xf32>
        %add3A_1917 = arith.addf %mul3A_1914, %add3A_1916 : vector<16xf32>
        %mul3A_1918 = arith.mulf %add3A_1917, %sub3A_1910 : vector<16xf32>
        %add3A_1919 = arith.constant 0.116769984 : f32
        %add3A_1920 = vector.broadcast %add3A_1919 : f32 to vector<16xf32>
        %add3A_1921 = arith.addf %mul3A_1918, %add3A_1920 : vector<16xf32>
        %mul3A_1922 = arith.mulf %add3A_1921, %sub3A_1910 : vector<16xf32>
        %add3A_1923 = arith.constant -0.12420141 : f32
        %add3A_1924 = vector.broadcast %add3A_1923 : f32 to vector<16xf32>
        %add3A_1925 = arith.addf %mul3A_1922, %add3A_1924 : vector<16xf32>
        %mul3A_1926 = arith.mulf %add3A_1925, %sub3A_1910 : vector<16xf32>
        %add3A_1927 = arith.constant 0.142493233 : f32
        %add3A_1928 = vector.broadcast %add3A_1927 : f32 to vector<16xf32>
        %add3A_1929 = arith.addf %mul3A_1926, %add3A_1928 : vector<16xf32>
        %mul3A_1930 = arith.mulf %add3A_1929, %sub3A_1910 : vector<16xf32>
        %add3A_1931 = arith.constant -0.166680574 : f32
        %add3A_1932 = vector.broadcast %add3A_1931 : f32 to vector<16xf32>
        %add3A_1933 = arith.addf %mul3A_1930, %add3A_1932 : vector<16xf32>
        %mul3A_1934 = arith.mulf %add3A_1933, %sub3A_1910 : vector<16xf32>
        %add3A_1935 = arith.constant 0.200007141 : f32
        %add3A_1936 = vector.broadcast %add3A_1935 : f32 to vector<16xf32>
        %add3A_1937 = arith.addf %mul3A_1934, %add3A_1936 : vector<16xf32>
        %mul3A_1938 = arith.mulf %add3A_1937, %sub3A_1910 : vector<16xf32>
        %add3A_1939 = arith.constant -0.24999994 : f32
        %add3A_1940 = vector.broadcast %add3A_1939 : f32 to vector<16xf32>
        %add3A_1941 = arith.addf %mul3A_1938, %add3A_1940 : vector<16xf32>
        %mul3A_1942 = arith.mulf %add3A_1941, %sub3A_1910 : vector<16xf32>
        %add3A_1943 = arith.constant 0.333333313 : f32
        %add3A_1944 = vector.broadcast %add3A_1943 : f32 to vector<16xf32>
        %add3A_1945 = arith.addf %mul3A_1942, %add3A_1944 : vector<16xf32>
        %mul3A_1946 = arith.mulf %add3A_1945, %sub3A_1910 : vector<16xf32>
        %mul3A_1947 = arith.mulf %mul3A_1946, %mul3A_1911 : vector<16xf32>
        %mul3A_1948 = arith.constant 5.000000e-01 : f32
        %mul3A_1949 = vector.broadcast %mul3A_1948 : f32 to vector<16xf32>
        %mul3A_1950 = arith.mulf %mul3A_1949, %mul3A_1911 : vector<16xf32>
        %sub3A_1951 = arith.subf %mul3A_1947, %mul3A_1950 : vector<16xf32>
        %add3A_1952 = arith.addf %sub3A_1910, %sub3A_1951 : vector<16xf32>
        %convert_element_type3A_1953 = arith.sitofp %select_n3A_1907 : vector<16xi32> to vector<16xf32>
        %mul3A_1954 = arith.constant 0.693147182 : f32
        %mul3A_1955 = vector.broadcast %mul3A_1954 : f32 to vector<16xf32>
        %mul3A_1956 = arith.mulf %convert_element_type3A_1953, %mul3A_1955 : vector<16xf32>
        %add3A_1957 = arith.addf %add3A_1952, %mul3A_1956 : vector<16xf32>
        %sub3A_1958 = arith.subf %mul3A_1881, %add3A_1957 : vector<16xf32>
        %swap3A_1959 = arith.index_cast %add3A_1843 : i32 to index
        %swap3A_1960 = arith.constant 0 : index
        %swap3A_1961 = tpu.vector_load %arg20[%swap3A_1959, %swap3A_1960] {strides = array<i32>} : memref<256x16xf32, #tpu.memory_space<vmem>>, vector<16xf32>,
        tpu.vector_store %arg20[%swap3A_1959, %swap3A_1960], %sub3A_1958 {strides = array<i32>} : memref<256x16xf32, #tpu.memory_space<vmem>>, vector<16xf32>,
        %mul3A_1962 = arith.constant 16 : i32
        %mul3A_1963 = arith.muli %scan3A_258, %mul3A_1962 : i32
        %add3A_1964 = arith.constant 14 : i32
        %add3A_1965 = arith.addi %mul3A_1963, %add3A_1964 : i32
        %get3A_1966 = arith.index_cast %add3A_1965 : i32 to index
        %get3A_1967 = arith.constant 0 : index
        %get3A_1968 = tpu.vector_load %arg15[%get3A_1966, %get3A_1967] {strides = array<i32>} : memref<256x32xf32, #tpu.memory_space<vmem>>, vector<16xf32>,
        %get3A_1969 = arith.index_cast %add3A_1965 : i32 to index
        %get3A_1970 = arith.constant 16 : index
        %get3A_1971 = tpu.vector_load %arg15[%get3A_1969, %get3A_1970] {strides = array<i32>} : memref<256x32xf32, #tpu.memory_space<vmem>>, vector<16xf32>,
        %get3A_1972 = arith.index_cast %add3A_1965 : i32 to index
        %get3A_1973 = arith.constant 0 : index
        %get3A_1974 = tpu.vector_load %arg16[%get3A_1972, %get3A_1973] {strides = array<i32>} : memref<256x32xf32, #tpu.memory_space<vmem>>, vector<16xf32>,
        %get3A_1975 = arith.index_cast %add3A_1965 : i32 to index
        %get3A_1976 = arith.constant 16 : index
        %get3A_1977 = tpu.vector_load %arg16[%get3A_1975, %get3A_1976] {strides = array<i32>} : memref<256x32xf32, #tpu.memory_space<vmem>>, vector<16xf32>,
        %get3A_1978 = arith.index_cast %add3A_1965 : i32 to index
        %get3A_1979 = arith.constant 0 : index
        %get3A_1980 = tpu.vector_load %arg17[%get3A_1978, %get3A_1979] {strides = array<i32>} : memref<256x32xf32, #tpu.memory_space<vmem>>, vector<16xf32>,
        %get3A_1981 = arith.index_cast %add3A_1965 : i32 to index
        %get3A_1982 = arith.constant 16 : index
        %get3A_1983 = tpu.vector_load %arg17[%get3A_1981, %get3A_1982] {strides = array<i32>} : memref<256x32xf32, #tpu.memory_space<vmem>>, vector<16xf32>,
        %mul3A_1984 = arith.mulf %get3A_1974, %get3A_1980 : vector<16xf32>
        %add3A_1985 = arith.addf %get3A_1968, %mul3A_1984 : vector<16xf32>
        %mul3A_1986 = arith.mulf %get3A_1977, %get3A_1983 : vector<16xf32>
        %add3A_1987 = arith.addf %get3A_1971, %mul3A_1986 : vector<16xf32>
        %swap3A_1988 = arith.index_cast %add3A_1965 : i32 to index
        %swap3A_1989 = arith.constant 0 : index
        %swap3A_1990 = tpu.vector_load %arg18[%swap3A_1988, %swap3A_1989] {strides = array<i32>} : memref<256x32xf32, #tpu.memory_space<vmem>>, vector<16xf32>,
        tpu.vector_store %arg18[%swap3A_1988, %swap3A_1989], %add3A_1985 {strides = array<i32>} : memref<256x32xf32, #tpu.memory_space<vmem>>, vector<16xf32>,
        %swap3A_1991 = arith.index_cast %add3A_1965 : i32 to index
        %swap3A_1992 = arith.constant 16 : index
        %swap3A_1993 = tpu.vector_load %arg18[%swap3A_1991, %swap3A_1992] {strides = array<i32>} : memref<256x32xf32, #tpu.memory_space<vmem>>, vector<16xf32>,
        tpu.vector_store %arg18[%swap3A_1991, %swap3A_1992], %add3A_1987 {strides = array<i32>} : memref<256x32xf32, #tpu.memory_space<vmem>>, vector<16xf32>,
        %mul3A_1994 = arith.mulf %add3A_1985, %add3A_1985 : vector<16xf32>
        %mul3A_1995 = arith.mulf %get3A_1980, %get3A_1980 : vector<16xf32>
        %sub3A_1996 = arith.subf %mul3A_1994, %mul3A_1995 : vector<16xf32>
        %mul3A_1997 = arith.mulf %add3A_1987, %add3A_1987 : vector<16xf32>
        %mul3A_1998 = arith.mulf %get3A_1983, %get3A_1983 : vector<16xf32>
        %sub3A_1999 = arith.subf %mul3A_1997, %mul3A_1998 : vector<16xf32>
        %add3A_2000 = arith.addf %sub3A_1996, %sub3A_1999 : vector<16xf32>
        %mul3A_2001 = arith.constant 5.000000e-01 : f32
        %mul3A_2002 = vector.broadcast %mul3A_2001 : f32 to vector<16xf32>
        %mul3A_2003 = arith.mulf %mul3A_2002, %add3A_2000 : vector<16xf32>
        %mul3A_2004 = arith.mulf %get3A_1974, %get3A_1977 : vector<16xf32>
        %bitcast_convert_type3A_2005 = tpu.bitcast %mul3A_2004 : vector<16xf32> -> vector<16xi32>
        %shift_right_arithmetic3A_2006 = arith.constant 23 : i32
        %shift_right_arithmetic3A_2007 = vector.broadcast %shift_right_arithmetic3A_2006 : i32 to vector<16xi32>
        %shift_right_arithmetic3A_2008 = arith.shrsi %bitcast_convert_type3A_2005, %shift_right_arithmetic3A_2007 : vector<16xi32>
        %sub3A_2009 = arith.constant 127 : i32
        %sub3A_2010 = vector.broadcast %sub3A_2009 : i32 to vector<16xi32>
        %sub3A_2011 = arith.subi %shift_right_arithmetic3A_2008, %sub3A_2010 : vector<16xi32>
        %and3A_2012 = arith.constant 8388607 : i32
        %and3A_2013 = vector.broadcast %and3A_2012 : i32 to vector<16xi32>
        %and3A_2014 = arith.andi %bitcast_convert_type3A_2005, %and3A_2013 : vector<16xi32>
        %or3A_2015 = arith.constant 1065353216 : i32
        %or3A_2016 = vector.broadcast %or3A_2015 : i32 to vector<16xi32>
        %or3A_2017 = arith.ori %and3A_2014, %or3A_2016 : vector<16xi32>
        %bitcast_convert_type3A_2018 = tpu.bitcast %or3A_2017 : vector<16xi32> -> vector<16xf32>
        %ge3A_2019 = arith.constant 1.41421354 : f32
        %ge3A_2020 = vector.broadcast %ge3A_2019 : f32 to vector<16xf32>
        %ge3A_2021 = arith.cmpf oge, %bitcast_convert_type3A_2018, %ge3A_2020 : vector<16xf32>
        %mul3A_2022 = arith.constant 5.000000e-01 : f32
        %mul3A_2023 = vector.broadcast %mul3A_2022 : f32 to vector<16xf32>
        %mul3A_2024 = arith.mulf %bitcast_convert_type3A_2018, %mul3A_2023 : vector<16xf32>
        %select_n3A_2025 = arith.select %ge3A_2021, %mul3A_2024, %bitcast_convert_type3A_2018 : vector<16xi1>, vector<16xf32>
        %add3A_2026 = arith.constant 1 : i32
        %add3A_2027 = vector.broadcast %add3A_2026 : i32 to vector<16xi32>
        %add3A_2028 = arith.addi %sub3A_2011, %add3A_2027 : vector<16xi32>
        %select_n3A_2029 = arith.select %ge3A_2021, %add3A_2028, %sub3A_2011 : vector<16xi1>, vector<16xi32>
        %sub3A_2030 = arith.constant 1.000000e+00 : f32
        %sub3A_2031 = vector.broadcast %sub3A_2030 : f32 to vector<16xf32>
        %sub3A_2032 = arith.subf %select_n3A_2025, %sub3A_2031 : vector<16xf32>
        %mul3A_2033 = arith.mulf %sub3A_2032, %sub3A_2032 : vector<16xf32>
        %mul3A_2034 = arith.constant 0.0703768358 : f32
        %mul3A_2035 = vector.broadcast %mul3A_2034 : f32 to vector<16xf32>
        %mul3A_2036 = arith.mulf %mul3A_2035, %sub3A_2032 : vector<16xf32>
        %add3A_2037 = arith.constant -0.115146101 : f32
        %add3A_2038 = vector.broadcast %add3A_2037 : f32 to vector<16xf32>
        %add3A_2039 = arith.addf %mul3A_2036, %add3A_2038 : vector<16xf32>
        %mul3A_2040 = arith.mulf %add3A_2039, %sub3A_2032 : vector<16xf32>
        %add3A_2041 = arith.constant 0.116769984 : f32
        %add3A_2042 = vector.broadcast %add3A_2041 : f32 to vector<16xf32>
        %add3A_2043 = arith.addf %mul3A_2040, %add3A_2042 : vector<16xf32>
        %mul3A_2044 = arith.mulf %add3A_2043, %sub3A_2032 : vector<16xf32>
        %add3A_2045 = arith.constant -0.12420141 : f32
        %add3A_2046 = vector.broadcast %add3A_2045 : f32 to vector<16xf32>
        %add3A_2047 = arith.addf %mul3A_2044, %add3A_2046 : vector<16xf32>
        %mul3A_2048 = arith.mulf %add3A_2047, %sub3A_2032 : vector<16xf32>
        %add3A_2049 = arith.constant 0.142493233 : f32
        %add3A_2050 = vector.broadcast %add3A_2049 : f32 to vector<16xf32>
        %add3A_2051 = arith.addf %mul3A_2048, %add3A_2050 : vector<16xf32>
        %mul3A_2052 = arith.mulf %add3A_2051, %sub3A_2032 : vector<16xf32>
        %add3A_2053 = arith.constant -0.166680574 : f32
        %add3A_2054 = vector.broadcast %add3A_2053 : f32 to vector<16xf32>
        %add3A_2055 = arith.addf %mul3A_2052, %add3A_2054 : vector<16xf32>
        %mul3A_2056 = arith.mulf %add3A_2055, %sub3A_2032 : vector<16xf32>
        %add3A_2057 = arith.constant 0.200007141 : f32
        %add3A_2058 = vector.broadcast %add3A_2057 : f32 to vector<16xf32>
        %add3A_2059 = arith.addf %mul3A_2056, %add3A_2058 : vector<16xf32>
        %mul3A_2060 = arith.mulf %add3A_2059, %sub3A_2032 : vector<16xf32>
        %add3A_2061 = arith.constant -0.24999994 : f32
        %add3A_2062 = vector.broadcast %add3A_2061 : f32 to vector<16xf32>
        %add3A_2063 = arith.addf %mul3A_2060, %add3A_2062 : vector<16xf32>
        %mul3A_2064 = arith.mulf %add3A_2063, %sub3A_2032 : vector<16xf32>
        %add3A_2065 = arith.constant 0.333333313 : f32
        %add3A_2066 = vector.broadcast %add3A_2065 : f32 to vector<16xf32>
        %add3A_2067 = arith.addf %mul3A_2064, %add3A_2066 : vector<16xf32>
        %mul3A_2068 = arith.mulf %add3A_2067, %sub3A_2032 : vector<16xf32>
        %mul3A_2069 = arith.mulf %mul3A_2068, %mul3A_2033 : vector<16xf32>
        %mul3A_2070 = arith.constant 5.000000e-01 : f32
        %mul3A_2071 = vector.broadcast %mul3A_2070 : f32 to vector<16xf32>
        %mul3A_2072 = arith.mulf %mul3A_2071, %mul3A_2033 : vector<16xf32>
        %sub3A_2073 = arith.subf %mul3A_2069, %mul3A_2072 : vector<16xf32>
        %add3A_2074 = arith.addf %sub3A_2032, %sub3A_2073 : vector<16xf32>
        %convert_element_type3A_2075 = arith.sitofp %select_n3A_2029 : vector<16xi32> to vector<16xf32>
        %mul3A_2076 = arith.constant 0.693147182 : f32
        %mul3A_2077 = vector.broadcast %mul3A_2076 : f32 to vector<16xf32>
        %mul3A_2078 = arith.mulf %convert_element_type3A_2075, %mul3A_2077 : vector<16xf32>
        %add3A_2079 = arith.addf %add3A_2074, %mul3A_2078 : vector<16xf32>
        %sub3A_2080 = arith.subf %mul3A_2003, %add3A_2079 : vector<16xf32>
        %swap3A_2081 = arith.index_cast %add3A_1965 : i32 to index
        %swap3A_2082 = arith.constant 0 : index
        %swap3A_2083 = tpu.vector_load %arg20[%swap3A_2081, %swap3A_2082] {strides = array<i32>} : memref<256x16xf32, #tpu.memory_space<vmem>>, vector<16xf32>,
        tpu.vector_store %arg20[%swap3A_2081, %swap3A_2082], %sub3A_2080 {strides = array<i32>} : memref<256x16xf32, #tpu.memory_space<vmem>>, vector<16xf32>,
        %mul3A_2084 = arith.constant 16 : i32
        %mul3A_2085 = arith.muli %scan3A_258, %mul3A_2084 : i32
        %add3A_2086 = arith.constant 15 : i32
        %add3A_2087 = arith.addi %mul3A_2085, %add3A_2086 : i32
        %get3A_2088 = arith.index_cast %add3A_2087 : i32 to index
        %get3A_2089 = arith.constant 0 : index
        %get3A_2090 = tpu.vector_load %arg15[%get3A_2088, %get3A_2089] {strides = array<i32>} : memref<256x32xf32, #tpu.memory_space<vmem>>, vector<16xf32>,
        %get3A_2091 = arith.index_cast %add3A_2087 : i32 to index
        %get3A_2092 = arith.constant 16 : index
        %get3A_2093 = tpu.vector_load %arg15[%get3A_2091, %get3A_2092] {strides = array<i32>} : memref<256x32xf32, #tpu.memory_space<vmem>>, vector<16xf32>,
        %get3A_2094 = arith.index_cast %add3A_2087 : i32 to index
        %get3A_2095 = arith.constant 0 : index
        %get3A_2096 = tpu.vector_load %arg16[%get3A_2094, %get3A_2095] {strides = array<i32>} : memref<256x32xf32, #tpu.memory_space<vmem>>, vector<16xf32>,
        %get3A_2097 = arith.index_cast %add3A_2087 : i32 to index
        %get3A_2098 = arith.constant 16 : index
        %get3A_2099 = tpu.vector_load %arg16[%get3A_2097, %get3A_2098] {strides = array<i32>} : memref<256x32xf32, #tpu.memory_space<vmem>>, vector<16xf32>,
        %get3A_2100 = arith.index_cast %add3A_2087 : i32 to index
        %get3A_2101 = arith.constant 0 : index
        %get3A_2102 = tpu.vector_load %arg17[%get3A_2100, %get3A_2101] {strides = array<i32>} : memref<256x32xf32, #tpu.memory_space<vmem>>, vector<16xf32>,
        %get3A_2103 = arith.index_cast %add3A_2087 : i32 to index
        %get3A_2104 = arith.constant 16 : index
        %get3A_2105 = tpu.vector_load %arg17[%get3A_2103, %get3A_2104] {strides = array<i32>} : memref<256x32xf32, #tpu.memory_space<vmem>>, vector<16xf32>,
        %mul3A_2106 = arith.mulf %get3A_2096, %get3A_2102 : vector<16xf32>
        %add3A_2107 = arith.addf %get3A_2090, %mul3A_2106 : vector<16xf32>
        %mul3A_2108 = arith.mulf %get3A_2099, %get3A_2105 : vector<16xf32>
        %add3A_2109 = arith.addf %get3A_2093, %mul3A_2108 : vector<16xf32>
        %swap3A_2110 = arith.index_cast %add3A_2087 : i32 to index
        %swap3A_2111 = arith.constant 0 : index
        %swap3A_2112 = tpu.vector_load %arg18[%swap3A_2110, %swap3A_2111] {strides = array<i32>} : memref<256x32xf32, #tpu.memory_space<vmem>>, vector<16xf32>,
        tpu.vector_store %arg18[%swap3A_2110, %swap3A_2111], %add3A_2107 {strides = array<i32>} : memref<256x32xf32, #tpu.memory_space<vmem>>, vector<16xf32>,
        %swap3A_2113 = arith.index_cast %add3A_2087 : i32 to index
        %swap3A_2114 = arith.constant 16 : index
        %swap3A_2115 = tpu.vector_load %arg18[%swap3A_2113, %swap3A_2114] {strides = array<i32>} : memref<256x32xf32, #tpu.memory_space<vmem>>, vector<16xf32>,
        tpu.vector_store %arg18[%swap3A_2113, %swap3A_2114], %add3A_2109 {strides = array<i32>} : memref<256x32xf32, #tpu.memory_space<vmem>>, vector<16xf32>,
        %mul3A_2116 = arith.mulf %add3A_2107, %add3A_2107 : vector<16xf32>
        %mul3A_2117 = arith.mulf %get3A_2102, %get3A_2102 : vector<16xf32>
        %sub3A_2118 = arith.subf %mul3A_2116, %mul3A_2117 : vector<16xf32>
        %mul3A_2119 = arith.mulf %add3A_2109, %add3A_2109 : vector<16xf32>
        %mul3A_2120 = arith.mulf %get3A_2105, %get3A_2105 : vector<16xf32>
        %sub3A_2121 = arith.subf %mul3A_2119, %mul3A_2120 : vector<16xf32>
        %add3A_2122 = arith.addf %sub3A_2118, %sub3A_2121 : vector<16xf32>
        %mul3A_2123 = arith.constant 5.000000e-01 : f32
        %mul3A_2124 = vector.broadcast %mul3A_2123 : f32 to vector<16xf32>
        %mul3A_2125 = arith.mulf %mul3A_2124, %add3A_2122 : vector<16xf32>
        %mul3A_2126 = arith.mulf %get3A_2096, %get3A_2099 : vector<16xf32>
        %bitcast_convert_type3A_2127 = tpu.bitcast %mul3A_2126 : vector<16xf32> -> vector<16xi32>
        %shift_right_arithmetic3A_2128 = arith.constant 23 : i32
        %shift_right_arithmetic3A_2129 = vector.broadcast %shift_right_arithmetic3A_2128 : i32 to vector<16xi32>
        %shift_right_arithmetic3A_2130 = arith.shrsi %bitcast_convert_type3A_2127, %shift_right_arithmetic3A_2129 : vector<16xi32>
        %sub3A_2131 = arith.constant 127 : i32
        %sub3A_2132 = vector.broadcast %sub3A_2131 : i32 to vector<16xi32>
        %sub3A_2133 = arith.subi %shift_right_arithmetic3A_2130, %sub3A_2132 : vector<16xi32>
        %and3A_2134 = arith.constant 8388607 : i32
        %and3A_2135 = vector.broadcast %and3A_2134 : i32 to vector<16xi32>
        %and3A_2136 = arith.andi %bitcast_convert_type3A_2127, %and3A_2135 : vector<16xi32>
        %or3A_2137 = arith.constant 1065353216 : i32
        %or3A_2138 = vector.broadcast %or3A_2137 : i32 to vector<16xi32>
        %or3A_2139 = arith.ori %and3A_2136, %or3A_2138 : vector<16xi32>
        %bitcast_convert_type3A_2140 = tpu.bitcast %or3A_2139 : vector<16xi32> -> vector<16xf32>
        %ge3A_2141 = arith.constant 1.41421354 : f32
        %ge3A_2142 = vector.broadcast %ge3A_2141 : f32 to vector<16xf32>
        %ge3A_2143 = arith.cmpf oge, %bitcast_convert_type3A_2140, %ge3A_2142 : vector<16xf32>
        %mul3A_2144 = arith.constant 5.000000e-01 : f32
        %mul3A_2145 = vector.broadcast %mul3A_2144 : f32 to vector<16xf32>
        %mul3A_2146 = arith.mulf %bitcast_convert_type3A_2140, %mul3A_2145 : vector<16xf32>
        %select_n3A_2147 = arith.select %ge3A_2143, %mul3A_2146, %bitcast_convert_type3A_2140 : vector<16xi1>, vector<16xf32>
        %add3A_2148 = arith.constant 1 : i32
        %add3A_2149 = vector.broadcast %add3A_2148 : i32 to vector<16xi32>
        %add3A_2150 = arith.addi %sub3A_2133, %add3A_2149 : vector<16xi32>
        %select_n3A_2151 = arith.select %ge3A_2143, %add3A_2150, %sub3A_2133 : vector<16xi1>, vector<16xi32>
        %sub3A_2152 = arith.constant 1.000000e+00 : f32
        %sub3A_2153 = vector.broadcast %sub3A_2152 : f32 to vector<16xf32>
        %sub3A_2154 = arith.subf %select_n3A_2147, %sub3A_2153 : vector<16xf32>
        %mul3A_2155 = arith.mulf %sub3A_2154, %sub3A_2154 : vector<16xf32>
        %mul3A_2156 = arith.constant 0.0703768358 : f32
        %mul3A_2157 = vector.broadcast %mul3A_2156 : f32 to vector<16xf32>
        %mul3A_2158 = arith.mulf %mul3A_2157, %sub3A_2154 : vector<16xf32>
        %add3A_2159 = arith.constant -0.115146101 : f32
        %add3A_2160 = vector.broadcast %add3A_2159 : f32 to vector<16xf32>
        %add3A_2161 = arith.addf %mul3A_2158, %add3A_2160 : vector<16xf32>
        %mul3A_2162 = arith.mulf %add3A_2161, %sub3A_2154 : vector<16xf32>
        %add3A_2163 = arith.constant 0.116769984 : f32
        %add3A_2164 = vector.broadcast %add3A_2163 : f32 to vector<16xf32>
        %add3A_2165 = arith.addf %mul3A_2162, %add3A_2164 : vector<16xf32>
        %mul3A_2166 = arith.mulf %add3A_2165, %sub3A_2154 : vector<16xf32>
        %add3A_2167 = arith.constant -0.12420141 : f32
        %add3A_2168 = vector.broadcast %add3A_2167 : f32 to vector<16xf32>
        %add3A_2169 = arith.addf %mul3A_2166, %add3A_2168 : vector<16xf32>
        %mul3A_2170 = arith.mulf %add3A_2169, %sub3A_2154 : vector<16xf32>
        %add3A_2171 = arith.constant 0.142493233 : f32
        %add3A_2172 = vector.broadcast %add3A_2171 : f32 to vector<16xf32>
        %add3A_2173 = arith.addf %mul3A_2170, %add3A_2172 : vector<16xf32>
        %mul3A_2174 = arith.mulf %add3A_2173, %sub3A_2154 : vector<16xf32>
        %add3A_2175 = arith.constant -0.166680574 : f32
        %add3A_2176 = vector.broadcast %add3A_2175 : f32 to vector<16xf32>
        %add3A_2177 = arith.addf %mul3A_2174, %add3A_2176 : vector<16xf32>
        %mul3A_2178 = arith.mulf %add3A_2177, %sub3A_2154 : vector<16xf32>
        %add3A_2179 = arith.constant 0.200007141 : f32
        %add3A_2180 = vector.broadcast %add3A_2179 : f32 to vector<16xf32>
        %add3A_2181 = arith.addf %mul3A_2178, %add3A_2180 : vector<16xf32>
        %mul3A_2182 = arith.mulf %add3A_2181, %sub3A_2154 : vector<16xf32>
        %add3A_2183 = arith.constant -0.24999994 : f32
        %add3A_2184 = vector.broadcast %add3A_2183 : f32 to vector<16xf32>
        %add3A_2185 = arith.addf %mul3A_2182, %add3A_2184 : vector<16xf32>
        %mul3A_2186 = arith.mulf %add3A_2185, %sub3A_2154 : vector<16xf32>
        %add3A_2187 = arith.constant 0.333333313 : f32
        %add3A_2188 = vector.broadcast %add3A_2187 : f32 to vector<16xf32>
        %add3A_2189 = arith.addf %mul3A_2186, %add3A_2188 : vector<16xf32>
        %mul3A_2190 = arith.mulf %add3A_2189, %sub3A_2154 : vector<16xf32>
        %mul3A_2191 = arith.mulf %mul3A_2190, %mul3A_2155 : vector<16xf32>
        %mul3A_2192 = arith.constant 5.000000e-01 : f32
        %mul3A_2193 = vector.broadcast %mul3A_2192 : f32 to vector<16xf32>
        %mul3A_2194 = arith.mulf %mul3A_2193, %mul3A_2155 : vector<16xf32>
        %sub3A_2195 = arith.subf %mul3A_2191, %mul3A_2194 : vector<16xf32>
        %add3A_2196 = arith.addf %sub3A_2154, %sub3A_2195 : vector<16xf32>
        %convert_element_type3A_2197 = arith.sitofp %select_n3A_2151 : vector<16xi32> to vector<16xf32>
        %mul3A_2198 = arith.constant 0.693147182 : f32
        %mul3A_2199 = vector.broadcast %mul3A_2198 : f32 to vector<16xf32>
        %mul3A_2200 = arith.mulf %convert_element_type3A_2197, %mul3A_2199 : vector<16xf32>
        %add3A_2201 = arith.addf %add3A_2196, %mul3A_2200 : vector<16xf32>
        %sub3A_2202 = arith.subf %mul3A_2125, %add3A_2201 : vector<16xf32>
        %swap3A_2203 = arith.index_cast %add3A_2087 : i32 to index
        %swap3A_2204 = arith.constant 0 : index
        %swap3A_2205 = tpu.vector_load %arg20[%swap3A_2203, %swap3A_2204] {strides = array<i32>} : memref<256x16xf32, #tpu.memory_space<vmem>>, vector<16xf32>,
        tpu.vector_store %arg20[%swap3A_2203, %swap3A_2204], %sub3A_2202 {strides = array<i32>} : memref<256x16xf32, #tpu.memory_space<vmem>>, vector<16xf32>,
        %mul3A_2206 = arith.constant 16 : i32
        %mul3A_2207 = arith.muli %scan3A_258, %mul3A_2206 : i32
        %add3A_2208 = vector.broadcast %mul3A_2207 : i32 to vector<16xi32>
        %add3A_2209 = arith.addi %add3A_2208, %iota3A : vector<16xi32>
        %broadcast_in_dim3A = arith.constant 0.000000e+00 : f32
        %broadcast_in_dim3A_2210 = vector.broadcast %broadcast_in_dim3A : f32 to vector<16xf32>
        %broadcast_in_dim3A_2211 = arith.constant 0 : i32
        %broadcast_in_dim3A_2212 = vector.broadcast %broadcast_in_dim3A_2211 : i32 to vector<16xi32>
        %gather3A = tpu.vector_load_idx %arg20[%add3A_2209, %broadcast_in_dim3A_2212] : memref<256x16xf32, #tpu.memory_space<vmem>>[vector<16xi32>, vector<16xi32>], vector<16xf32>,
        %add3A_2213 = arith.addf %broadcast_in_dim3A_2210, %gather3A : vector<16xf32>
        %broadcast_in_dim3A_2214 = arith.constant 1 : i32
        %broadcast_in_dim3A_2215 = vector.broadcast %broadcast_in_dim3A_2214 : i32 to vector<16xi32>
        %gather3A_2216 = tpu.vector_load_idx %arg20[%add3A_2209, %broadcast_in_dim3A_2215] : memref<256x16xf32, #tpu.memory_space<vmem>>[vector<16xi32>, vector<16xi32>], vector<16xf32>,
        %add3A_2217 = arith.addf %add3A_2213, %gather3A_2216 : vector<16xf32>
        %broadcast_in_dim3A_2218 = arith.constant 2 : i32
        %broadcast_in_dim3A_2219 = vector.broadcast %broadcast_in_dim3A_2218 : i32 to vector<16xi32>
        %gather3A_2220 = tpu.vector_load_idx %arg20[%add3A_2209, %broadcast_in_dim3A_2219] : memref<256x16xf32, #tpu.memory_space<vmem>>[vector<16xi32>, vector<16xi32>], vector<16xf32>,
        %add3A_2221 = arith.addf %add3A_2217, %gather3A_2220 : vector<16xf32>
        %broadcast_in_dim3A_2222 = arith.constant 3 : i32
        %broadcast_in_dim3A_2223 = vector.broadcast %broadcast_in_dim3A_2222 : i32 to vector<16xi32>
        %gather3A_2224 = tpu.vector_load_idx %arg20[%add3A_2209, %broadcast_in_dim3A_2223] : memref<256x16xf32, #tpu.memory_space<vmem>>[vector<16xi32>, vector<16xi32>], vector<16xf32>,
        %add3A_2225 = arith.addf %add3A_2221, %gather3A_2224 : vector<16xf32>
        %broadcast_in_dim3A_2226 = arith.constant 4 : i32
        %broadcast_in_dim3A_2227 = vector.broadcast %broadcast_in_dim3A_2226 : i32 to vector<16xi32>
        %gather3A_2228 = tpu.vector_load_idx %arg20[%add3A_2209, %broadcast_in_dim3A_2227] : memref<256x16xf32, #tpu.memory_space<vmem>>[vector<16xi32>, vector<16xi32>], vector<16xf32>,
        %add3A_2229 = arith.addf %add3A_2225, %gather3A_2228 : vector<16xf32>
        %broadcast_in_dim3A_2230 = arith.constant 5 : i32
        %broadcast_in_dim3A_2231 = vector.broadcast %broadcast_in_dim3A_2230 : i32 to vector<16xi32>
        %gather3A_2232 = tpu.vector_load_idx %arg20[%add3A_2209, %broadcast_in_dim3A_2231] : memref<256x16xf32, #tpu.memory_space<vmem>>[vector<16xi32>, vector<16xi32>], vector<16xf32>,
        %add3A_2233 = arith.addf %add3A_2229, %gather3A_2232 : vector<16xf32>
        %broadcast_in_dim3A_2234 = arith.constant 6 : i32
        %broadcast_in_dim3A_2235 = vector.broadcast %broadcast_in_dim3A_2234 : i32 to vector<16xi32>
        %gather3A_2236 = tpu.vector_load_idx %arg20[%add3A_2209, %broadcast_in_dim3A_2235] : memref<256x16xf32, #tpu.memory_space<vmem>>[vector<16xi32>, vector<16xi32>], vector<16xf32>,
        %add3A_2237 = arith.addf %add3A_2233, %gather3A_2236 : vector<16xf32>
        %broadcast_in_dim3A_2238 = arith.constant 7 : i32
        %broadcast_in_dim3A_2239 = vector.broadcast %broadcast_in_dim3A_2238 : i32 to vector<16xi32>
        %gather3A_2240 = tpu.vector_load_idx %arg20[%add3A_2209, %broadcast_in_dim3A_2239] : memref<256x16xf32, #tpu.memory_space<vmem>>[vector<16xi32>, vector<16xi32>], vector<16xf32>,
        %add3A_2241 = arith.addf %add3A_2237, %gather3A_2240 : vector<16xf32>
        %broadcast_in_dim3A_2242 = arith.constant 8 : i32
        %broadcast_in_dim3A_2243 = vector.broadcast %broadcast_in_dim3A_2242 : i32 to vector<16xi32>
        %gather3A_2244 = tpu.vector_load_idx %arg20[%add3A_2209, %broadcast_in_dim3A_2243] : memref<256x16xf32, #tpu.memory_space<vmem>>[vector<16xi32>, vector<16xi32>], vector<16xf32>,
        %add3A_2245 = arith.addf %add3A_2241, %gather3A_2244 : vector<16xf32>
        %broadcast_in_dim3A_2246 = arith.constant 9 : i32
        %broadcast_in_dim3A_2247 = vector.broadcast %broadcast_in_dim3A_2246 : i32 to vector<16xi32>
        %gather3A_2248 = tpu.vector_load_idx %arg20[%add3A_2209, %broadcast_in_dim3A_2247] : memref<256x16xf32, #tpu.memory_space<vmem>>[vector<16xi32>, vector<16xi32>], vector<16xf32>,
        %add3A_2249 = arith.addf %add3A_2245, %gather3A_2248 : vector<16xf32>
        %broadcast_in_dim3A_2250 = arith.constant 10 : i32
        %broadcast_in_dim3A_2251 = vector.broadcast %broadcast_in_dim3A_2250 : i32 to vector<16xi32>
        %gather3A_2252 = tpu.vector_load_idx %arg20[%add3A_2209, %broadcast_in_dim3A_2251] : memref<256x16xf32, #tpu.memory_space<vmem>>[vector<16xi32>, vector<16xi32>], vector<16xf32>,
        %add3A_2253 = arith.addf %add3A_2249, %gather3A_2252 : vector<16xf32>
        %broadcast_in_dim3A_2254 = arith.constant 11 : i32
        %broadcast_in_dim3A_2255 = vector.broadcast %broadcast_in_dim3A_2254 : i32 to vector<16xi32>
        %gather3A_2256 = tpu.vector_load_idx %arg20[%add3A_2209, %broadcast_in_dim3A_2255] : memref<256x16xf32, #tpu.memory_space<vmem>>[vector<16xi32>, vector<16xi32>], vector<16xf32>,
        %add3A_2257 = arith.addf %add3A_2253, %gather3A_2256 : vector<16xf32>
        %broadcast_in_dim3A_2258 = arith.constant 12 : i32
        %broadcast_in_dim3A_2259 = vector.broadcast %broadcast_in_dim3A_2258 : i32 to vector<16xi32>
        %gather3A_2260 = tpu.vector_load_idx %arg20[%add3A_2209, %broadcast_in_dim3A_2259] : memref<256x16xf32, #tpu.memory_space<vmem>>[vector<16xi32>, vector<16xi32>], vector<16xf32>,
        %add3A_2261 = arith.addf %add3A_2257, %gather3A_2260 : vector<16xf32>
        %broadcast_in_dim3A_2262 = arith.constant 13 : i32
        %broadcast_in_dim3A_2263 = vector.broadcast %broadcast_in_dim3A_2262 : i32 to vector<16xi32>
        %gather3A_2264 = tpu.vector_load_idx %arg20[%add3A_2209, %broadcast_in_dim3A_2263] : memref<256x16xf32, #tpu.memory_space<vmem>>[vector<16xi32>, vector<16xi32>], vector<16xf32>,
        %add3A_2265 = arith.addf %add3A_2261, %gather3A_2264 : vector<16xf32>
        %broadcast_in_dim3A_2266 = arith.constant 14 : i32
        %broadcast_in_dim3A_2267 = vector.broadcast %broadcast_in_dim3A_2266 : i32 to vector<16xi32>
        %gather3A_2268 = tpu.vector_load_idx %arg20[%add3A_2209, %broadcast_in_dim3A_2267] : memref<256x16xf32, #tpu.memory_space<vmem>>[vector<16xi32>, vector<16xi32>], vector<16xf32>,
        %add3A_2269 = arith.addf %add3A_2265, %gather3A_2268 : vector<16xf32>
        %broadcast_in_dim3A_2270 = arith.constant 15 : i32
        %broadcast_in_dim3A_2271 = vector.broadcast %broadcast_in_dim3A_2270 : i32 to vector<16xi32>
        %gather3A_2272 = tpu.vector_load_idx %arg20[%add3A_2209, %broadcast_in_dim3A_2271] : memref<256x16xf32, #tpu.memory_space<vmem>>[vector<16xi32>, vector<16xi32>], vector<16xf32>,
        %add3A_2273 = arith.addf %add3A_2269, %gather3A_2272 : vector<16xf32>
        %mul3A_2274 = arith.constant 16 : i32
        %mul3A_2275 = arith.muli %scan3A_258, %mul3A_2274 : i32
        %swap3A_2276 = arith.index_cast %mul3A_2275 : i32 to index
        %swap3A_2277 = tpu.vector_load %arg19[%swap3A_2276] {strides = array<i32>} : memref<256xf32, #tpu.memory_space<vmem>>, vector<16xf32>,
        tpu.vector_store %arg19[%swap3A_2276], %add3A_2273 {strides = array<i32>} : memref<256xf32, #tpu.memory_space<vmem>>, vector<16xf32>,
      }
      %scan3A_251 = arith.constant 16 : i32
      %dma_start3A_252 = arith.constant 0 : i32
      %dma_start3A_253 = tpu.memref_slice %arg6[%add3A_245, %dma_start3A_252] : memref<819200x32xf32, #tpu.memory_space<hbm>> -> memref<256x32xf32, #tpu.memory_space<hbm>>
      %dma_start3A_254 = arith.constant 0 : i32
      %dma_start3A_255 = tpu.memref_slice %arg6[%add3A_245, %dma_start3A_254] : memref<819200x32xf32, #tpu.memory_space<hbm>> -> memref<256x32xf32, #tpu.memory_space<hbm>>
      tpu.enqueue_dma source(%arg18 : memref<256x32xf32, #tpu.memory_space<vmem>>) target(%dma_start3A_255 : memref<256x32xf32, #tpu.memory_space<hbm>>) target_semaphore(%arg24 : memref<!tpu.dma_semaphore, #tpu.memory_space<semaphore_mem>>)
      %dma_start3A_256 = tpu.memref_slice %arg7[%add3A_245] : memref<819200xf32, #tpu.memory_space<hbm>> -> memref<256xf32, #tpu.memory_space<hbm>>
      %dma_start3A_257 = tpu.memref_slice %arg7[%add3A_245] : memref<819200xf32, #tpu.memory_space<hbm>> -> memref<256xf32, #tpu.memory_space<hbm>>
      tpu.enqueue_dma source(%arg19 : memref<256xf32, #tpu.memory_space<vmem>>) target(%dma_start3A_257 : memref<256xf32, #tpu.memory_space<hbm>>) target_semaphore(%arg24 : memref<!tpu.dma_semaphore, #tpu.memory_space<semaphore_mem>>)
    }
    %scan3A_71 = arith.constant 50 : i32
    %dma_wait3A = arith.constant 0 : i32
    %dma_wait3A_72 = arith.constant 0 : i32
    %dma_wait3A_73 = tpu.memref_slice %arg6[%dma_wait3A, %dma_wait3A_72] : memref<819200x32xf32, #tpu.memory_space<hbm>> -> memref<256x32xf32, #tpu.memory_space<hbm>>
    %dma_wait3A_74 = arith.constant 0 : i32
    %dma_wait3A_75 = arith.constant 0 : i32
    %dma_wait3A_76 = tpu.memref_slice %arg6[%dma_wait3A_74, %dma_wait3A_75] : memref<819200x32xf32, #tpu.memory_space<hbm>> -> memref<256x32xf32, #tpu.memory_space<hbm>>
    tpu.wait_dma2 semaphore(%arg23 : memref<!tpu.dma_semaphore, #tpu.memory_space<semaphore_mem>>) src(%arg12 : memref<256x32xf32, #tpu.memory_space<vmem>>) dst(%dma_wait3A_76 : memref<256x32xf32, #tpu.memory_space<hbm>>)
    %dma_wait3A_77 = arith.constant 0 : i32
    %dma_wait3A_78 = tpu.memref_slice %arg7[%dma_wait3A_77] : memref<819200xf32, #tpu.memory_space<hbm>> -> memref<256xf32, #tpu.memory_space<hbm>>
    %dma_wait3A_79 = arith.constant 0 : i32
    %dma_wait3A_80 = tpu.memref_slice %arg7[%dma_wait3A_79] : memref<819200xf32, #tpu.memory_space<hbm>> -> memref<256xf32, #tpu.memory_space<hbm>>
    tpu.wait_dma2 semaphore(%arg23 : memref<!tpu.dma_semaphore, #tpu.memory_space<semaphore_mem>>) src(%arg13 : memref<256xf32, #tpu.memory_space<vmem>>) dst(%dma_wait3A_80 : memref<256xf32, #tpu.memory_space<hbm>>)
    %dma_wait3A_81 = arith.constant 0 : i32
    %dma_wait3A_82 = arith.constant 0 : i32
    %dma_wait3A_83 = tpu.memref_slice %arg6[%dma_wait3A_81, %dma_wait3A_82] : memref<819200x32xf32, #tpu.memory_space<hbm>> -> memref<256x32xf32, #tpu.memory_space<hbm>>
    %dma_wait3A_84 = arith.constant 0 : i32
    %dma_wait3A_85 = arith.constant 0 : i32
    %dma_wait3A_86 = tpu.memref_slice %arg6[%dma_wait3A_84, %dma_wait3A_85] : memref<819200x32xf32, #tpu.memory_space<hbm>> -> memref<256x32xf32, #tpu.memory_space<hbm>>
    tpu.wait_dma2 semaphore(%arg24 : memref<!tpu.dma_semaphore, #tpu.memory_space<semaphore_mem>>) src(%arg18 : memref<256x32xf32, #tpu.memory_space<vmem>>) dst(%dma_wait3A_86 : memref<256x32xf32, #tpu.memory_space<hbm>>)
    %dma_wait3A_87 = arith.constant 0 : i32
    %dma_wait3A_88 = tpu.memref_slice %arg7[%dma_wait3A_87] : memref<819200xf32, #tpu.memory_space<hbm>> -> memref<256xf32, #tpu.memory_space<hbm>>
    %dma_wait3A_89 = arith.constant 0 : i32
    %dma_wait3A_90 = tpu.memref_slice %arg7[%dma_wait3A_89] : memref<819200xf32, #tpu.memory_space<hbm>> -> memref<256xf32, #tpu.memory_space<hbm>>
    tpu.wait_dma2 semaphore(%arg24 : memref<!tpu.dma_semaphore, #tpu.memory_space<semaphore_mem>>) src(%arg19 : memref<256xf32, #tpu.memory_space<vmem>>) dst(%dma_wait3A_90 : memref<256xf32, #tpu.memory_space<hbm>>)
    return
  }
}

</mosaic_0001>

<sc_bundles>
// kernel: kernel.3.cloned.1.call-start
scs
__scs_entry_jumppad:
0x0: {  	(pc) =	sbr.rel $0x88, $3  }
0x1: {  	(tag) =	ssettag $0x0;
	lr =	simm.s32 $0x1  }
0x2: {  	[smem:$0x3F9E] =	sst lr;
	_ =	strace $0xD0000000  }
0x3: {  	_ = 	snop  }
0x4: {  	_ = 	snop  }
0x5: {  	_ = 	snop  }
0x6: {  	_ = 	snop  }
0x7: {  	_ = 	snop  }
__scs_overlays_trampoline_lowered:
0x8: {  	[smem:$0x3FAD] =	sst s0  }
0x9: {  	[smem:$0x3FAE] =	sst s1  }
0xa: {  	[smem:$0x3FAF] =	sst s2  }
0xb: {  	[smem:$0x3FB0] =	sst s3  }
0xc: {  	[smem:$0x3FB1] =	sst s4  }
0xd: {  	[smem:$0x3FB2] =	sst s5  }
0xe: {  	[smem:$0x3FB3] =	sst s6  }
0xf: {  	[smem:$0x3FB4] =	sst s7  }
0x10: {  	[smem:$0x3FB5] =	sst s8  }
0x11: {  	[smem:$0x3FB6] =	sst s9;
	s0 =	simm.s32 @!p0 $0x0  }
0x12: {  	s1 =	sld [smem:$0x3F9C];
	s0 =	simm.s32 @p0 $0x1  }
0x13: {  	[smem:$0x3FB7] =	sst s0;
	s0 =	simm.s32 @!p1 $0x0  }
0x14: {  	s2 =	sld [smem:$0x3F9B];
	s0 =	simm.s32 @p1 $0x1  }
0x15: {  	[smem:$0x3FB8] =	sst s0;
	s0 =	simm.s32 @!p2 $0x0  }
0x16: {  	s3 =	sld [smem:$0x3FDB];
	s0 =	simm.s32 @p2 $0x1  }
0x17: {  	s4 =	simm.s32 $0x1BF5;
	[smem:$0x3FBA] =	sst s0  }
0x18: {  	s0 =	sld [smem:$0x3F9D];
	_ =	swait.ge [sflag:s4], $0x0  }
0x19: {  	s7 =	sld [smem:$0x3F9E]  }
0x1a: {  	s8 =	sadd.s32 $0xFFFFE003, lr  }
0x1b: {  	s9 =	sadd.s32 $0xFFFFFEF7, lr;
	s5 =	simm.s32 $0xFFFFFFFF;
	p2 =	slt.u32 s8, $0xFFFFF086  }
0x1c: {  	p1 =	slt.u32 s9, $0xF7A;
	s5 =	simm.s32 @!p2 $0x0  }
0x1d: {  	s5 =	simm.s32 @p1 $0x1;
	p0 =	seq.s32 s7, s2  }
0x1e: {  	s7 =	smul.u32 @!p0 $0xF7A, s2;
	p2 =	seq.s32 @!p0 s5, $0x0  }
0x1f: {  	s9 =	smul.u32 $0xF7A, s1;
	s8 =	simm.s32 @!p0 $0x1BF5;
	p2 =	por !p2, p0  }
0x20: {  	[sflag:s8] =	ssyncset.s32 @!p0 $0xFFFFF086;
	s6 =	sadd.s32 @!p0 s3, s7;
	s7 =	simm.s32 @!p0 $0x108  }
0x21: {  	s3 =	sadd.s32 s3, s9;
	s6 =	sadd.s32 @!p0 $0x88, s6;
	s7 =	simm.s32 @p2 $0x1082  }
0x22: {  	[simem:s7], [sflag:s8] =	dma.local @!p0 [hbm:s6], $0xF7A  }
0x23: {  	s9 =	sor.u32 $0xD0000000, s2;
	s6 =	simm.s32 $0x108;
	_ =	swait.ge @!p0 [sflag:s8], $0x0  }
0x24: {  	s3 =	sadd.s32 $0x88, s3;
	s6 =	simm.s32 @!p1 $0x1082;
	[sflag:s4] =	ssyncset.s32 $0xFFFFF086  }
0x25: {  	[simem:s6], [sflag:s4] =	dma.local [hbm:s3], $0xF7A  }
0x26: {  	[smem:$0x3F9E] =	sst s1;
	(tag) =	ssettag s2;
	_ =	strace s9  }
0x27: {  	s1 =	sld [smem:$0x3FAE]  }
0x28: {  	s2 =	sld [smem:$0x3FAF]  }
0x29: {  	s4 =	sld [smem:$0x3FB1]  }
0x2a: {  	p0 =	seq.s32 s5, $0x0;
	s5 =	sld [smem:$0x3FB2]  }
0x2b: {  	s6 =	sld [smem:$0x3FB3]  }
0x2c: {  	s7 =	sld [smem:$0x3FB4]  }
0x2d: {  	s3 =	simm.s32 $0x108;
	s8 =	sld [smem:$0x3FB5]  }
0x2e: {  	s3 =	simm.s32 @!p0 $0x1082;
	s9 =	sld [smem:$0x3FB6]  }
0x2f: {  	lr =	sadd.s32 s0, s3;
	s0 =	sld [smem:$0x3FAD]  }
0x30: {  	s3 =	sld [smem:$0x3FB0]  }
0x31: {  	[smem:$0x3FB9] =	sst s10  }
0x32: {  	s10 =	sld [smem:$0x3FB7];
	_ =	sdelay $0x3  }
0x33: {  	p0 =	seq.s32 s10, $0x1;
	s10 =	sld [smem:$0x3FB9];
	_ =	sdelay $0x3  }
0x34: {  	[smem:$0x3FB9] =	sst s10  }
0x35: {  	s10 =	sld [smem:$0x3FB8];
	_ =	sdelay $0x3  }
0x36: {  	p1 =	seq.s32 s10, $0x1;
	s10 =	sld [smem:$0x3FB9];
	_ =	sdelay $0x3  }
0x37: {  	[smem:$0x3FB9] =	sst s10  }
0x38: {  	s10 =	sld [smem:$0x3FBA]  }
0x39: {  	_ = 	snop;
	(pc) =	sbr.ind lr, $3  }
0x3a: {  	_ = 	snop  }
0x3b: {  	_ = 	snop  }
0x3c: {  	p2 =	seq.s32 s10, $0x1;
	s10 =	sld [smem:$0x3FB9]  }
0x3d: {  	_ =	shalt  }
0x3e: {  	_ =	shalt  }
0x3f: {  	_ =	shalt  }
0x40: {  	_ =	shalt  }
0x41: {  	_ =	shalt  }
0x42: {  	_ =	shalt  }
0x43: {  	_ =	shalt  }
0x44: {  	_ =	shalt  }
0x45: {  	_ =	shalt  }
0x46: {  	_ =	shalt  }
0x47: {  	_ =	shalt  }
0x48: {  	_ =	shalt  }
0x49: {  	_ =	shalt  }
0x4a: {  	_ =	shalt  }
0x4b: {  	_ =	shalt  }
0x4c: {  	_ =	shalt  }
0x4d: {  	_ =	shalt  }
0x4e: {  	_ =	shalt  }
0x4f: {  	_ =	shalt  }
0x50: {  	_ =	shalt  }
0x51: {  	_ =	shalt  }
0x52: {  	_ =	shalt  }
0x53: {  	_ =	shalt  }
0x54: {  	_ =	shalt  }
0x55: {  	_ =	shalt  }
0x56: {  	_ =	shalt  }
0x57: {  	_ =	shalt  }
0x58: {  	_ =	shalt  }
0x59: {  	_ =	shalt  }
0x5a: {  	_ =	shalt  }
0x5b: {  	_ =	shalt  }
0x5c: {  	_ =	shalt  }
0x5d: {  	_ =	shalt  }
0x5e: {  	_ =	shalt  }
0x5f: {  	_ =	shalt  }
0x60: {  	_ =	shalt  }
0x61: {  	_ =	shalt  }
0x62: {  	_ =	shalt  }
0x63: {  	_ =	shalt  }
0x64: {  	_ =	shalt  }
0x65: {  	_ =	shalt  }
0x66: {  	_ =	shalt  }
0x67: {  	_ =	shalt  }
0x68: {  	_ =	shalt  }
0x69: {  	_ =	shalt  }
0x6a: {  	_ =	shalt  }
0x6b: {  	_ =	shalt  }
0x6c: {  	_ =	shalt  }
0x6d: {  	_ =	shalt  }
0x6e: {  	_ =	shalt  }
0x6f: {  	_ =	shalt  }
0x70: {  	_ =	shalt  }
0x71: {  	_ =	shalt  }
0x72: {  	_ =	shalt  }
0x73: {  	_ =	shalt  }
0x74: {  	_ =	shalt  }
0x75: {  	_ =	shalt  }
0x76: {  	_ =	shalt  }
0x77: {  	_ =	shalt  }
0x78: {  	_ =	shalt  }
0x79: {  	_ =	shalt  }
0x7a: {  	_ =	shalt  }
0x7b: {  	_ =	shalt  }
0x7c: {  	_ =	shalt  }
0x7d: {  	_ =	shalt  }
0x7e: {  	_ =	shalt  }
0x7f: {  	_ =	shalt  }
0x80: {  	_ =	shalt  }
0x81: {  	_ =	shalt  }
0x82: {  	_ =	shalt  }
0x83: {  	_ =	shalt  }
0x84: {  	_ =	shalt  }
0x85: {  	_ =	shalt  }
0x86: {  	_ =	shalt  }
0x87: {  	_ =	shalt  }
.Lfunc_end0:
.L_simem_size_0:
called_computation.1_lowered:
.L_overlay_start_0:
0x88: {  	s2 =	sld [smem:$0x3FD9]  }
0x89: {  	s3 =	sld [smem:$0x3FFE];
	_ =	sdelay $0x1  }
0x8a: {  	s1 =	srdreg.scid  }
0x8b: {  	s0 =	sand.u32 $0x1, s1  }
0x8c: {  	s14 =	sshll.u32 s0, $0xA;
	s2 =	sadd.s32 s3, s2  }
0x8d: {  	s2 =	sadd.s32 s2, s14  }
0x8e: {  	[smem:$0x3FC5] =	sst s2  }
0x8f: {  	_ = 	snop  }
0x90: {  	s2 =	sld [smem:$0x3FD0];
	_ =	sdelay $0x2  }
0x91: {  	s15 =	simm.s32 $0xA;
	s4 =	simm.s32 $0x10  }
0x92: {  	[smem:s4], [sflag:s15] =	dma.local [hbm:s2], $0x1  }
0x93: {  	_ =	swait.eq [sflag:s15], $0x1  }
0x94: {  	[sflag:s15] =	ssyncset.done $0x0  }
0x95: {  	s16 =	sld [smem:$0x10];
	[sflag:s15] =	ssyncadd.s32 $0xFFFFFFFF  }
0x96: {  	s17 =	sld [smem:$0x11];
	(tm) =	ssettm $0x1  }
0x97: {  	s18 =	sld [smem:$0x3FFB];
	_ =	sdelay $0x3  }
0x98: {  	_ =	strace s18  }
0x99: {  	s4 =	sld [smem:$0x3FFC];
	_ =	sdelay $0x3  }
0x9a: {  	_ =	strace s4  }
0x9b: {  	s4 =	sld [smem:$0x3FFD];
	_ =	sdelay $0x3  }
0x9c: {  	_ =	strace s4  }
0x9d: {  	_ =	strace $0x8FFFFFFF  }
0x9e: {  	s19 =	sld [smem:$0x3FDB];
	_ =	sdelay $0x1  }
0x9f: {  	s5 =	simm.s32 $_scs_section_size  }
0xa0: {  	s6 =	simm.s32 $_size__tile_overlayer_lowered;
	s7 =	simm.s32 $_tile_overlayer_lowered  }
0xa1: {  	s22 =	simm.s32 $0x1BFF;
	s21 =	sshll.u32 s7, $0x1;
	s4 =	sadd.s32 s5, s19  }
0xa2: {  	s8 =	simm.s32 $0x0;
	s20 =	sshll.u32 s6, $0x1;
	s6 =	sadd.s32 s21, s4  }
0xa3: {  	[timem:s8], [sflag:s22] =	dma.local [hbm:s6], s20  }
0xa4: {  	_ =	swait.ge [sflag:s22], s20  }
0xa5: {  	s5 =	ssub.s32 $0x0, s20;
	[sflag:s22] =	ssyncset.done $0x0  }
0xa6: {  	[sflag:s22] =	ssyncadd.s32 s5;
	_ =	sdelay $0x1  }
0xa7: {  	s23 =	simm.s32 $0x1B8B  }
0xa8: {  	_ =	swait.ge [sflag:s23], $0x1  }
0xa9: {  	[sflag:s23] =	ssyncset.done $0x0  }
0xaa: {  	s25 =	simm.s32 $0x1B8E;
	s24 =	sld [smem:$0x3FFE];
	[sflag:s23] =	ssyncadd.s32 $0xFFFFFFFF  }
0xab: {  	s26 =	simm.s32 $execute0_lowered;
	[smem:$0x3FD2] =	sst s25  }
0xac: {  	s6 =	sshll.u32 s26, $0x1;
	_ =	strace $0x80000046;
	[dreg:$0x1] =	wrdreg $0xFFFFFFFF  }
0xad: {  	s28 =	simm.s32 $_size_execute0_lowered;
	s4 =	sadd.s32 s4, s6;
	[dreg:$0x0] =	wrdreg $0x0  }
0xae: {  	s6 =	sshll.u32 s28, $0x1;
	[dreg:$0x2] =	wrdreg s4  }
0xaf: {  	[dreg:$0x3] =	wrdreg s6  }
0xb0: {  	[dreg:$0x4] =	wrdreg $0xC0  }
0xb1: {  	_ =	task [dreg:s8], $0x5FFFF  }
0xb2: {  	[dreg:$0x1] =	wrdreg $0xFFFFFFFF  }
0xb3: {  	[dreg:$0x0] =	wrdreg $0x60  }
0xb4: {  	[dreg:$0x2] =	wrdreg s17  }
0xb5: {  	[dreg:$0x3] =	wrdreg s24  }
0xb6: {  	[dreg:$0x4] =	wrdreg s16  }
0xb7: {  	[dreg:$0x5] =	wrdreg $0x9  }
0xb8: {  	_ =	task.clear_ibuf [dreg:s8], $0x6FFFF;
	_ =	strace $0x90000046  }
0xb9: {  	s29 =	simm.s32 $0x9;
	_ =	strace $0x80000048  }
0xba: {  	_ =	swait.ge [sflag:s29], $0x1  }
0xbb: {  	[sflag:s29] =	ssyncadd.s32 $0xFFFFFFFF  }
0xbc: {  	_ =	strace $0x90000048  }
0xbd: {  	_ =	sfence  }
0xbe: {  	s30 =	sld [smem:$0x0];
	_ =	sdelay $0x2  }
0xbf: {  	s31 =	sshll.u32 s1, $0xD;
	s1 =	sshrl.u32 s1, $0x2  }
0xc0: {  	s3 =	sand.u32 $0x4000, s31;
	s1 =	sadd.s32 s1, s30  }
0xc1: {  	s0 =	sor.u32 s3, s0;
	s1 =	sshll.u32 s1, $0x11  }
0xc2: {  	s0 =	sor.u32 s1, s0  }
0xc3: {  	s0 =	sadd.s32 $0x8F2B, s0  }
0xc4: {  	[sflag:s0] =	ssyncadd.remote.s32 $0x1  }
0xc5: {  	_ =	sfence.sel $0xFFFF  }
0xc6: {  	[dreg:$0x0] =	wrdreg $0xFFFFFFFF;
	(pc) =	sbr.abs _section_cstart, $3  }
0xc7: {  	[dreg:$0x1] =	wrdreg $0xFFFFFFFF  }
0xc8: {  	_ =	task.clear_ibuf [dreg:s8], $0x2FFFF;
	_ =	strace $0x9FFFFFFF  }
0xc9: {  	(tm) =	ssettm $0x7FFFFFFF  }
tec
execute0_lowered:
.L_overlay_start_1:
0x0: {  	(tag) =	ssettag $0x1  }
0x1: {  	s1 =	rddreg [dreg:$0x0]  }
0x2: {  	s0 =	rddreg [dreg:$0x1]  }
0x3: {  	s3 =	rddreg [dreg:$0x2];
	s4 =	simm.s32 $0x0  }
0x4: {  	s2 =	srdreg.scid;
	s5 =	stileid.u32;
	s15 =	simm.s32 $0x5  }
0x5: {  	s16 =	simm.s32 $0x80;
	s22 =	simm.s32 $0x1;
	s23 =	simm.s32 $0x8200  }
0x6: {  	s26 =	simm.s32 $0x8280;
	s31 =	simm.s32 $0x10400;
	s17 =	simm.s32 $0x2  }
0x7: {  	s18 =	simm.s32 $0xE300;
	s19 =	simm.s32 $0x10300;
	s21 =	simm.s32 $0x4  }
0x8: {  	[smem:$0x7FF] =	sst s4;
	s2 =	sand.u32 $0x1, s2;
	s5 =	sshll.u32 s5, $0x1  }
0x9: {  	s6 =	sadd.s32 $0x1346400, s0;
	s8 =	sadd.s32 $0x1600, s0;
	s9 =	sor.u32 s2, s5  }
0xa: {  	_ =	strace $0x80000047;
	s2 =	ssub.s32 $0x2, s2;
	s10 =	smul.u32 $0x19000, s9  }
0xb: {  	s5 =	sadd.s32 $0xF75A00, s0;
	s7 =	smul.u32 $0x6400, s9;
	s28 =	sshrl.u32 s2, $0x1  }
0xc: {  	s9 =	sadd.s32 $0x321600, s0;
	s0 =	ssub.s32 s2, s28;
	s30 =	sadd.s32 s3, s10  }
0xd: {  	s11 =	sshrl.u32 s7, $0x3;
	s0 =	smax.u32 s0, $0x1;
	[dreg:$0x5] =	wrdreg s30  }
0xe: {  	v1 =	vlaneseq.u32;
	s2 =	simm.s32 $0x0;
	s29 =	sadd.s32 s1, s11;
	[dreg:$0x6] =	wrdreg s0  }
0xf: {  	v0 =	vimm.s32 $0xFFFFFF81;
	v1 =	vmul.u32 $0x10, v1;
	s12 =	sor.u32 $0x100, s7;
	s13 =	sor.u32 $0x200, s7;
	[dreg:$0x4] =	wrdreg s29  }
.LBB2_1:
0x10: {  	[dreg:$0x7] =	wrdreg s2  }
0x11: {  	s0 =	rddreg [dreg:$0x4]  }
0x12: {  	[tilespmem:s4], [sflag:$0x5] =	stream.linear.gather [hbm4b:s0+s4], $0x100, $0x38;
	[tilespmem:$0x11400] =	vst v63  }
0x13: {  	_ =	swait.ge [sflag:s15], $0x100  }
0x14: {  	[sflag:s15] =	ssyncset.done $0x0  }
0x15: {  	s20 =	simm.s32 $0x100;
	[sflag:s15] =	ssyncadd.s32 $0xFFFFFF00  }
0x16: {  	[tilespmem:s20], [sflag:$0x1] =	stream.indirect.gather [hbm4b:s5+s16], $0x20, s4, s16, $0xb8;
	[tilespmem:$0x11400] =	vst v63  }
0x17: {  	s24 =	simm.s32 $0x2100  }
0x18: {  	[tilespmem:s24], [sflag:$0x1] =	stream.indirect.gather [hbm4b:s6+s16], $0x20, s4, s16, $0xb8;
	[tilespmem:$0x11400] =	vst v63  }
0x19: {  	s25 =	simm.s32 $0x1100  }
0x1a: {  	[tilespmem:s25], [sflag:$0x1] =	stream.indirect.gather [hbm4b:s5+s16], $0x20, s16, s16, $0xb8;
	[tilespmem:$0x11400] =	vst v63  }
0x1b: {  	s28 =	simm.s32 $0x3100  }
0x1c: {  	[tilespmem:s28], [sflag:$0x1] =	stream.indirect.gather [hbm4b:s6+s16], $0x20, s16, s16, $0xb8;
	[tilespmem:$0x11400] =	vst v63  }
0x1d: {  	s30 =	simm.s32 $0x4100;
	s11 =	simm.s32 $0x0;
	s29 =	rddreg [dreg:$0x5]  }
0x1e: {  	[tilespmem:s30], [sflag:$0x1] =	stream.linear.gather [hbm4b:s29+s4], $0x2000, $0x38;
	[tilespmem:$0x11400] =	vst v63  }
.LBB2_2:
0x1f: {  	_ =	swait.ge [sflag:s22], $0x1000  }
0x20: {  	[sflag:s22] =	ssyncset.done $0x0  }
0x21: {  	[sflag:s22] =	ssyncadd.s32 $0xFFFFF000  }
0x22: {  	_ =	swait.ge [sflag:s22], $0x1000  }
0x23: {  	[sflag:s22] =	ssyncset.done $0x0  }
0x24: {  	[sflag:s22] =	ssyncadd.s32 $0xFFFFF000  }
0x25: {  	_ =	swait.ge [sflag:s22], $0x1000  }
0x26: {  	[sflag:s22] =	ssyncset.done $0x0  }
0x27: {  	[sflag:s22] =	ssyncadd.s32 $0xFFFFF000  }
0x28: {  	_ =	swait.ge [sflag:s22], $0x1000  }
0x29: {  	[sflag:s22] =	ssyncset.done $0x0  }
0x2a: {  	s10 =	sshll.u32 s11, $0x9;
	[sflag:s22] =	ssyncadd.s32 $0xFFFFF000  }
0x2b: {  	s0 =	sadd.s32 s10, s12;
	_ =	swait.ge [sflag:s22], $0x2000  }
0x2c: {  	s14 =	sshrl.u32 s0, $0x3;
	[sflag:s22] =	ssyncset.done $0x0  }
0x2d: {  	s2 =	sadd.s32 s1, s14;
	[sflag:s22] =	ssyncadd.s32 $0xFFFFE000  }
0x2e: {  	[tilespmem:s23], [sflag:$0x5] =	stream.linear.gather [hbm4b:s2+s4], $0x100, $0x38;
	[tilespmem:$0x11400] =	vst v63  }
0x2f: {  	_ =	swait.ge [sflag:s15], $0x100  }
0x30: {  	[sflag:s15] =	ssyncset.done $0x0  }
0x31: {  	s24 =	simm.s32 $0x8300;
	[sflag:s15] =	ssyncadd.s32 $0xFFFFFF00  }
0x32: {  	[tilespmem:s24], [sflag:$0x2] =	stream.indirect.gather [hbm4b:s5+s16], $0x20, s23, s16, $0xb8;
	[tilespmem:$0x11400] =	vst v63  }
0x33: {  	s25 =	simm.s32 $0xA300  }
0x34: {  	[tilespmem:s25], [sflag:$0x2] =	stream.indirect.gather [hbm4b:s6+s16], $0x20, s23, s16, $0xb8;
	[tilespmem:$0x11400] =	vst v63  }
0x35: {  	s20 =	simm.s32 $0x9300;
	s0 =	sshll.u32 s0, $0x2  }
0x36: {  	[tilespmem:s20], [sflag:$0x2] =	stream.indirect.gather [hbm4b:s5+s16], $0x20, s26, s16, $0xb8;
	[tilespmem:$0x11400] =	vst v63  }
0x37: {  	s24 =	simm.s32 $0xB300;
	s20 =	sand.u32 $0x1FFFFC00, s0  }
0x38: {  	[tilespmem:s24], [sflag:$0x2] =	stream.indirect.gather [hbm4b:s6+s16], $0x20, s26, s16, $0xb8;
	[tilespmem:$0x11400] =	vst v63  }
0x39: {  	p0 =	seq.s32 s11, $0x0;
	s25 =	simm.s32 $0xC300;
	s0 =	sadd.s32 s3, s20  }
0x3a: {  	[tilespmem:s25], [sflag:$0x2] =	stream.linear.gather [hbm4b:s0+s4], $0x2000, $0x38;
	[tilespmem:$0x11400] =	vst v63  }
0x3b: {  	s0 =	simm.s32 @!p0 $0x3  }
0x3c: {  	_ =	swait.ge @!p0 [sflag:s0], $0x2000  }
0x3d: {  	[sflag:s0] =	ssyncset.done @!p0 $0x0  }
0x3e: {  	s28 =	simm.s32 $0x8100;
	[sflag:s0] =	ssyncadd.s32 @!p0 $0xFFFFE000  }
0x3f: {  	s29 =	simm.s32 $0x200;
	s30 =	simm.s32 $0x2200;
	_ =	swait.ge @!p0 [sflag:s0], $0x100  }
0x40: {  	s2 =	simm.s32 $0x4200;
	s24 =	simm.s32 $0x0;
	[sflag:s0] =	ssyncset.done @!p0 $0x0  }
0x41: {  	s25 =	simm.s32 $0x10480;
	[sflag:s0] =	ssyncadd.s32 @!p0 $0xFFFFFF00;
	s0 =	simm.s32 $0x6200  }
.LBB2_3:
0x42: {  	v2 =	vld [tilespmem:s30+$0xFFFFFF00]  }
0x43: {  	v3 =	vld [tilespmem:s30+$0xFFFFFF10];
	_ =	sdelay $0x4  }
0x44: {  	v4 =	vmul.f32 v3, v2;
	_ =	sdelay $0x1  }
0x45: {  	v5 =	vand.u32 $0x7FFFFF, v4  }
0x46: {  	v5 =	vor.u32 $0x3F800000, v5  }
0x47: {  	v6 =	vmul.f32 $5.000000000e-01, v5  }
0x48: {  	vm0 =	vge.f32 v5, $1.414213540e+00  }
0x49: {  	v5 =	vsel vm0, v6, v5  }
0x4a: {  	v5 =	vadd.f32 $-1.000000000e+00, v5;
	_ =	sdelay $0x1  }
0x4b: {  	v61 =	vmul.f32 $7.037683580e-02, v5;
	_ =	sdelay $0x1  }
0x4c: {  	v6 =	vadd.f32 $-1.151461010e-01, v61;
	_ =	sdelay $0x1  }
0x4d: {  	v6 =	vmul.f32 v6, v5;
	_ =	sdelay $0x1  }
0x4e: {  	v6 =	vadd.f32 $1.167699840e-01, v6;
	_ =	sdelay $0x1  }
0x4f: {  	v6 =	vmul.f32 v6, v5;
	_ =	sdelay $0x1  }
0x50: {  	v6 =	vadd.f32 $-1.242014100e-01, v6;
	_ =	sdelay $0x1  }
0x51: {  	v6 =	vmul.f32 v6, v5;
	_ =	sdelay $0x1  }
0x52: {  	v6 =	vadd.f32 $1.424932330e-01, v6;
	_ =	sdelay $0x1  }
0x53: {  	v6 =	vmul.f32 v6, v5;
	_ =	sdelay $0x1  }
0x54: {  	v6 =	vadd.f32 $-1.666805740e-01, v6;
	_ =	sdelay $0x1  }
0x55: {  	v6 =	vmul.f32 v6, v5;
	_ =	sdelay $0x1  }
0x56: {  	v6 =	vadd.f32 $2.000071410e-01, v6  }
0x57: {  	v7 =	vld [tilespmem:s2+$0xFFFFFF00]  }
0x58: {  	v9 =	vld [tilespmem:s2+$0xFFFFFF10];
	v6 =	vmul.f32 v6, v5  }
0x59: {  	v8 =	vld [tilespmem:s29+$0xFFFFFF00]  }
0x5a: {  	v10 =	vld [tilespmem:s29+$0xFFFFFF10];
	v6 =	vadd.f32 $-2.499999400e-01, v6;
	_ =	sdelay $0x1  }
0x5b: {  	v6 =	vmul.f32 v6, v5  }
0x5c: {  	v2 =	vmul.f32 v7, v2;
	v3 =	vmul.f32 v9, v3  }
0x5d: {  	v7 =	vmul.f32 v7, v7;
	v6 =	vadd.f32 $3.333333130e-01, v6  }
0x5e: {  	v9 =	vmul.f32 v9, v9;
	v2 =	vadd.f32 v2, v8;
	v3 =	vadd.f32 v3, v10  }
0x5f: {  	v62 =	vmul.f32 v5, v5;
	v6 =	vmul.f32 v6, v5  }
0x60: {  	v4 =	vshra.s32 v4, $0x17;
	v8 =	vmul.f32 v2, v2;
	v11 =	vmul.f32 v3, v3  }
0x61: {  	v12 =	vsel vm0, $0xFFFFFF82, v0;
	v10 =	vmul.f32 $5.000000000e-01, v62;
	v6 =	vmul.f32 v6, v62  }
0x62: {  	v7 =	vsub.f32 v8, v7;
	v4 =	vadd.s32 v4, v12  }
0x63: {  	v63 =	vsub.f32 v11, v9;
	v4 =	vcvt.s32.f32 v4;
	v6 =	vsub.f32 v6, v10;
	_ =	sdelay $0x1  }
0x64: {  	v7 =	vadd.f32 v63, v7;
	v4 =	vmul.f32 $6.931471820e-01, v4;
	v5 =	vadd.f32 v6, v5;
	_ =	sdelay $0x1  }
0x65: {  	v12 =	vmul.f32 $5.000000000e-01, v7;
	v4 =	vadd.f32 v5, v4;
	_ =	sdelay $0x1  }
0x66: {  	[tilespmem:s0+$0xFFFFFF00] =	vst v2;
	v2 =	vsub.f32 v12, v4  }
0x67: {  	[tilespmem:s0+$0xFFFFFF10] =	vst v3  }
0x68: {  	[tilespmem:s25+$0xFFFFFF80] =	vst v2  }
0x69: {  	v2 =	vld [tilespmem:s30+$0xFFFFFF20]  }
0x6a: {  	v3 =	vld [tilespmem:s30+$0xFFFFFF30];
	_ =	sdelay $0x4  }
0x6b: {  	v13 =	vmul.f32 v3, v2;
	_ =	sdelay $0x1  }
0x6c: {  	v14 =	vand.u32 $0x7FFFFF, v13  }
0x6d: {  	v5 =	vor.u32 $0x3F800000, v14  }
0x6e: {  	v15 =	vmul.f32 $5.000000000e-01, v5  }
0x6f: {  	vm13 =	vge.f32 v5, $1.414213540e+00  }
0x70: {  	v5 =	vsel vm13, v15, v5  }
0x71: {  	v5 =	vadd.f32 $-1.000000000e+00, v5;
	_ =	sdelay $0x1  }
0x72: {  	v16 =	vmul.f32 $7.037683580e-02, v5;
	_ =	sdelay $0x1  }
0x73: {  	v6 =	vadd.f32 $-1.151461010e-01, v16;
	_ =	sdelay $0x1  }
0x74: {  	v6 =	vmul.f32 v6, v5;
	_ =	sdelay $0x1  }
0x75: {  	v6 =	vadd.f32 $1.167699840e-01, v6;
	_ =	sdelay $0x1  }
0x76: {  	v6 =	vmul.f32 v6, v5;
	_ =	sdelay $0x1  }
0x77: {  	v6 =	vadd.f32 $-1.242014100e-01, v6;
	_ =	sdelay $0x1  }
0x78: {  	v6 =	vmul.f32 v6, v5;
	_ =	sdelay $0x1  }
0x79: {  	v6 =	vadd.f32 $1.424932330e-01, v6;
	_ =	sdelay $0x1  }
0x7a: {  	v6 =	vmul.f32 v6, v5;
	_ =	sdelay $0x1  }
0x7b: {  	v6 =	vadd.f32 $-1.666805740e-01, v6;
	_ =	sdelay $0x1  }
0x7c: {  	v6 =	vmul.f32 v6, v5;
	_ =	sdelay $0x1  }
0x7d: {  	v6 =	vadd.f32 $2.000071410e-01, v6  }
0x7e: {  	v17 =	vld [tilespmem:s2+$0xFFFFFF20]  }
0x7f: {  	v19 =	vld [tilespmem:s2+$0xFFFFFF30];
	v6 =	vmul.f32 v6, v5  }
0x80: {  	v18 =	vld [tilespmem:s29+$0xFFFFFF20]  }
0x81: {  	v20 =	vld [tilespmem:s29+$0xFFFFFF30];
	v6 =	vadd.f32 $-2.499999400e-01, v6;
	_ =	sdelay $0x1  }
0x82: {  	v6 =	vmul.f32 v6, v5  }
0x83: {  	v2 =	vmul.f32 v17, v2;
	v3 =	vmul.f32 v19, v3  }
0x84: {  	v7 =	vmul.f32 v17, v17;
	v6 =	vadd.f32 $3.333333130e-01, v6  }
0x85: {  	v9 =	vmul.f32 v19, v19;
	v2 =	vadd.f32 v2, v18;
	v3 =	vadd.f32 v3, v20  }
0x86: {  	v21 =	vmul.f32 v5, v5;
	v6 =	vmul.f32 v6, v5  }
0x87: {  	v4 =	vshra.s32 v13, $0x17;
	v8 =	vmul.f32 v2, v2;
	v22 =	vmul.f32 v3, v3  }
0x88: {  	v23 =	vsel vm13, $0xFFFFFF82, v0;
	v10 =	vmul.f32 $5.000000000e-01, v21;
	v6 =	vmul.f32 v6, v21  }
0x89: {  	v7 =	vsub.f32 v8, v7;
	v4 =	vadd.s32 v4, v23  }
0x8a: {  	v24 =	vsub.f32 v22, v9;
	v4 =	vcvt.s32.f32 v4;
	v6 =	vsub.f32 v6, v10;
	_ =	sdelay $0x1  }
0x8b: {  	v7 =	vadd.f32 v24, v7;
	v4 =	vmul.f32 $6.931471820e-01, v4;
	v5 =	vadd.f32 v6, v5;
	_ =	sdelay $0x1  }
0x8c: {  	v25 =	vmul.f32 $5.000000000e-01, v7;
	v4 =	vadd.f32 v5, v4;
	_ =	sdelay $0x1  }
0x8d: {  	[tilespmem:s0+$0xFFFFFF20] =	vst v2;
	v2 =	vsub.f32 v25, v4  }
0x8e: {  	[tilespmem:s0+$0xFFFFFF30] =	vst v3  }
0x8f: {  	[tilespmem:s25+$0xFFFFFF90] =	vst v2  }
0x90: {  	v2 =	vld [tilespmem:s30+$0xFFFFFF40]  }
0x91: {  	v3 =	vld [tilespmem:s30+$0xFFFFFF50];
	_ =	sdelay $0x4  }
0x92: {  	v26 =	vmul.f32 v3, v2;
	_ =	sdelay $0x1  }
0x93: {  	v27 =	vand.u32 $0x7FFFFF, v26  }
0x94: {  	v5 =	vor.u32 $0x3F800000, v27  }
0x95: {  	v28 =	vmul.f32 $5.000000000e-01, v5  }
0x96: {  	vm14 =	vge.f32 v5, $1.414213540e+00  }
0x97: {  	v5 =	vsel vm14, v28, v5  }
0x98: {  	v5 =	vadd.f32 $-1.000000000e+00, v5;
	_ =	sdelay $0x1  }
0x99: {  	v29 =	vmul.f32 $7.037683580e-02, v5;
	_ =	sdelay $0x1  }
0x9a: {  	v6 =	vadd.f32 $-1.151461010e-01, v29;
	_ =	sdelay $0x1  }
0x9b: {  	v6 =	vmul.f32 v6, v5;
	_ =	sdelay $0x1  }
0x9c: {  	v6 =	vadd.f32 $1.167699840e-01, v6;
	_ =	sdelay $0x1  }
0x9d: {  	v6 =	vmul.f32 v6, v5;
	_ =	sdelay $0x1  }
0x9e: {  	v6 =	vadd.f32 $-1.242014100e-01, v6;
	_ =	sdelay $0x1  }
0x9f: {  	v6 =	vmul.f32 v6, v5;
	_ =	sdelay $0x1  }
0xa0: {  	v6 =	vadd.f32 $1.424932330e-01, v6;
	_ =	sdelay $0x1  }
0xa1: {  	v6 =	vmul.f32 v6, v5;
	_ =	sdelay $0x1  }
0xa2: {  	v6 =	vadd.f32 $-1.666805740e-01, v6;
	_ =	sdelay $0x1  }
0xa3: {  	v6 =	vmul.f32 v6, v5;
	_ =	sdelay $0x1  }
0xa4: {  	v6 =	vadd.f32 $2.000071410e-01, v6  }
0xa5: {  	v30 =	vld [tilespmem:s2+$0xFFFFFF40]  }
0xa6: {  	v32 =	vld [tilespmem:s2+$0xFFFFFF50];
	v6 =	vmul.f32 v6, v5  }
0xa7: {  	v31 =	vld [tilespmem:s29+$0xFFFFFF40]  }
0xa8: {  	v33 =	vld [tilespmem:s29+$0xFFFFFF50];
	v6 =	vadd.f32 $-2.499999400e-01, v6;
	_ =	sdelay $0x1  }
0xa9: {  	v6 =	vmul.f32 v6, v5  }
0xaa: {  	v2 =	vmul.f32 v30, v2;
	v3 =	vmul.f32 v32, v3  }
0xab: {  	v7 =	vmul.f32 v30, v30;
	v6 =	vadd.f32 $3.333333130e-01, v6  }
0xac: {  	v9 =	vmul.f32 v32, v32;
	v2 =	vadd.f32 v2, v31;
	v3 =	vadd.f32 v3, v33  }
0xad: {  	v34 =	vmul.f32 v5, v5;
	v6 =	vmul.f32 v6, v5  }
0xae: {  	v4 =	vshra.s32 v26, $0x17;
	v8 =	vmul.f32 v2, v2;
	v35 =	vmul.f32 v3, v3  }
0xaf: {  	v36 =	vsel vm14, $0xFFFFFF82, v0;
	v10 =	vmul.f32 $5.000000000e-01, v34;
	v6 =	vmul.f32 v6, v34  }
0xb0: {  	v7 =	vsub.f32 v8, v7;
	v4 =	vadd.s32 v4, v36  }
0xb1: {  	v37 =	vsub.f32 v35, v9;
	v4 =	vcvt.s32.f32 v4;
	v6 =	vsub.f32 v6, v10;
	_ =	sdelay $0x1  }
0xb2: {  	v7 =	vadd.f32 v37, v7;
	v4 =	vmul.f32 $6.931471820e-01, v4;
	v5 =	vadd.f32 v6, v5;
	_ =	sdelay $0x1  }
0xb3: {  	v38 =	vmul.f32 $5.000000000e-01, v7;
	v4 =	vadd.f32 v5, v4;
	_ =	sdelay $0x1  }
0xb4: {  	[tilespmem:s0+$0xFFFFFF40] =	vst v2;
	v2 =	vsub.f32 v38, v4  }
0xb5: {  	[tilespmem:s0+$0xFFFFFF50] =	vst v3  }
0xb6: {  	[tilespmem:s25+$0xFFFFFFA0] =	vst v2  }
0xb7: {  	v2 =	vld [tilespmem:s30+$0xFFFFFF60]  }
0xb8: {  	v3 =	vld [tilespmem:s30+$0xFFFFFF70];
	_ =	sdelay $0x4  }
0xb9: {  	v39 =	vmul.f32 v3, v2;
	_ =	sdelay $0x1  }
0xba: {  	v40 =	vand.u32 $0x7FFFFF, v39  }
0xbb: {  	v5 =	vor.u32 $0x3F800000, v40  }
0xbc: {  	v41 =	vmul.f32 $5.000000000e-01, v5  }
0xbd: {  	vm15 =	vge.f32 v5, $1.414213540e+00  }
0xbe: {  	v5 =	vsel vm15, v41, v5  }
0xbf: {  	v5 =	vadd.f32 $-1.000000000e+00, v5;
	_ =	sdelay $0x1  }
0xc0: {  	v42 =	vmul.f32 $7.037683580e-02, v5;
	_ =	sdelay $0x1  }
0xc1: {  	v6 =	vadd.f32 $-1.151461010e-01, v42;
	_ =	sdelay $0x1  }
0xc2: {  	v6 =	vmul.f32 v6, v5;
	_ =	sdelay $0x1  }
0xc3: {  	v6 =	vadd.f32 $1.167699840e-01, v6;
	_ =	sdelay $0x1  }
0xc4: {  	v6 =	vmul.f32 v6, v5;
	_ =	sdelay $0x1  }
0xc5: {  	v6 =	vadd.f32 $-1.242014100e-01, v6;
	_ =	sdelay $0x1  }
0xc6: {  	v6 =	vmul.f32 v6, v5;
	_ =	sdelay $0x1  }
0xc7: {  	v6 =	vadd.f32 $1.424932330e-01, v6;
	_ =	sdelay $0x1  }
0xc8: {  	v6 =	vmul.f32 v6, v5;
	_ =	sdelay $0x1  }
0xc9: {  	v6 =	vadd.f32 $-1.666805740e-01, v6;
	_ =	sdelay $0x1  }
0xca: {  	v6 =	vmul.f32 v6, v5;
	_ =	sdelay $0x1  }
0xcb: {  	v6 =	vadd.f32 $2.000071410e-01, v6  }
0xcc: {  	v43 =	vld [tilespmem:s2+$0xFFFFFF60]  }
0xcd: {  	v45 =	vld [tilespmem:s2+$0xFFFFFF70];
	v6 =	vmul.f32 v6, v5  }
0xce: {  	v44 =	vld [tilespmem:s29+$0xFFFFFF60]  }
0xcf: {  	v46 =	vld [tilespmem:s29+$0xFFFFFF70];
	v6 =	vadd.f32 $-2.499999400e-01, v6;
	_ =	sdelay $0x1  }
0xd0: {  	v6 =	vmul.f32 v6, v5  }
0xd1: {  	v2 =	vmul.f32 v43, v2;
	v3 =	vmul.f32 v45, v3  }
0xd2: {  	v7 =	vmul.f32 v43, v43;
	v6 =	vadd.f32 $3.333333130e-01, v6  }
0xd3: {  	v9 =	vmul.f32 v45, v45;
	v2 =	vadd.f32 v2, v44;
	v3 =	vadd.f32 v3, v46  }
0xd4: {  	v47 =	vmul.f32 v5, v5;
	v6 =	vmul.f32 v6, v5  }
0xd5: {  	v4 =	vshra.s32 v39, $0x17;
	v8 =	vmul.f32 v2, v2;
	v48 =	vmul.f32 v3, v3  }
0xd6: {  	v49 =	vsel vm15, $0xFFFFFF82, v0;
	v10 =	vmul.f32 $5.000000000e-01, v47;
	v6 =	vmul.f32 v6, v47  }
0xd7: {  	v7 =	vsub.f32 v8, v7;
	v4 =	vadd.s32 v4, v49  }
0xd8: {  	v50 =	vsub.f32 v48, v9;
	v4 =	vcvt.s32.f32 v4;
	v6 =	vsub.f32 v6, v10;
	_ =	sdelay $0x1  }
0xd9: {  	v7 =	vadd.f32 v50, v7;
	v4 =	vmul.f32 $6.931471820e-01, v4;
	v5 =	vadd.f32 v6, v5;
	_ =	sdelay $0x1  }
0xda: {  	v51 =	vmul.f32 $5.000000000e-01, v7;
	v4 =	vadd.f32 v5, v4;
	_ =	sdelay $0x1  }
0xdb: {  	[tilespmem:s0+$0xFFFFFF60] =	vst v2;
	v2 =	vsub.f32 v51, v4  }
0xdc: {  	[tilespmem:s0+$0xFFFFFF70] =	vst v3  }
0xdd: {  	[tilespmem:s25+$0xFFFFFFB0] =	vst v2  }
0xde: {  	v2 =	vld [tilespmem:s30+$0xFFFFFF80]  }
0xdf: {  	v3 =	vld [tilespmem:s30+$0xFFFFFF90];
	_ =	sdelay $0x4  }
0xe0: {  	v52 =	vmul.f32 v3, v2;
	_ =	sdelay $0x1  }
0xe1: {  	v53 =	vand.u32 $0x7FFFFF, v52  }
0xe2: {  	v5 =	vor.u32 $0x3F800000, v53  }
0xe3: {  	v54 =	vmul.f32 $5.000000000e-01, v5  }
0xe4: {  	vm4 =	vge.f32 v5, $1.414213540e+00  }
0xe5: {  	v5 =	vsel vm4, v54, v5  }
0xe6: {  	v5 =	vadd.f32 $-1.000000000e+00, v5;
	_ =	sdelay $0x1  }
0xe7: {  	v55 =	vmul.f32 $7.037683580e-02, v5;
	_ =	sdelay $0x1  }
0xe8: {  	v6 =	vadd.f32 $-1.151461010e-01, v55;
	_ =	sdelay $0x1  }
0xe9: {  	v6 =	vmul.f32 v6, v5;
	_ =	sdelay $0x1  }
0xea: {  	v6 =	vadd.f32 $1.167699840e-01, v6;
	_ =	sdelay $0x1  }
0xeb: {  	v6 =	vmul.f32 v6, v5;
	_ =	sdelay $0x1  }
0xec: {  	v6 =	vadd.f32 $-1.242014100e-01, v6;
	_ =	sdelay $0x1  }
0xed: {  	v6 =	vmul.f32 v6, v5;
	_ =	sdelay $0x1  }
0xee: {  	v6 =	vadd.f32 $1.424932330e-01, v6;
	_ =	sdelay $0x1  }
0xef: {  	v6 =	vmul.f32 v6, v5;
	_ =	sdelay $0x1  }
0xf0: {  	v6 =	vadd.f32 $-1.666805740e-01, v6;
	_ =	sdelay $0x1  }
0xf1: {  	v6 =	vmul.f32 v6, v5;
	_ =	sdelay $0x1  }
0xf2: {  	v6 =	vadd.f32 $2.000071410e-01, v6  }
0xf3: {  	v56 =	vld [tilespmem:s2+$0xFFFFFF80]  }
0xf4: {  	v58 =	vld [tilespmem:s2+$0xFFFFFF90];
	v6 =	vmul.f32 v6, v5  }
0xf5: {  	v57 =	vld [tilespmem:s29+$0xFFFFFF80]  }
0xf6: {  	v59 =	vld [tilespmem:s29+$0xFFFFFF90];
	v6 =	vadd.f32 $-2.499999400e-01, v6;
	_ =	sdelay $0x1  }
0xf7: {  	v6 =	vmul.f32 v6, v5  }
0xf8: {  	v2 =	vmul.f32 v56, v2;
	v3 =	vmul.f32 v58, v3  }
0xf9: {  	v7 =	vmul.f32 v56, v56;
	v6 =	vadd.f32 $3.333333130e-01, v6  }
0xfa: {  	v9 =	vmul.f32 v58, v58;
	v2 =	vadd.f32 v2, v57;
	v3 =	vadd.f32 v3, v59  }
0xfb: {  	v60 =	vmul.f32 v5, v5;
	v6 =	vmul.f32 v6, v5  }
0xfc: {  	v4 =	vshra.s32 v52, $0x17;
	v8 =	vmul.f32 v2, v2;
	v61 =	vmul.f32 v3, v3  }
0xfd: {  	v62 =	vsel vm4, $0xFFFFFF82, v0;
	v10 =	vmul.f32 $5.000000000e-01, v60;
	v6 =	vmul.f32 v6, v60  }
0xfe: {  	v7 =	vsub.f32 v8, v7;
	v4 =	vadd.s32 v4, v62  }
0xff: {  	v63 =	vsub.f32 v61, v9;
	v4 =	vcvt.s32.f32 v4;
	v6 =	vsub.f32 v6, v10;
	_ =	sdelay $0x1  }
0x100: {  	v7 =	vadd.f32 v63, v7;
	v4 =	vmul.f32 $6.931471820e-01, v4;
	v5 =	vadd.f32 v6, v5;
	_ =	sdelay $0x1  }
0x101: {  	v12 =	vmul.f32 $5.000000000e-01, v7;
	v4 =	vadd.f32 v5, v4;
	_ =	sdelay $0x1  }
0x102: {  	[tilespmem:s0+$0xFFFFFF80] =	vst v2;
	v2 =	vsub.f32 v12, v4  }
0x103: {  	[tilespmem:s0+$0xFFFFFF90] =	vst v3  }
0x104: {  	[tilespmem:s25+$0xFFFFFFC0] =	vst v2  }
0x105: {  	v2 =	vld [tilespmem:s30+$0xFFFFFFA0]  }
0x106: {  	v3 =	vld [tilespmem:s30+$0xFFFFFFB0];
	_ =	sdelay $0x4  }
0x107: {  	v13 =	vmul.f32 v3, v2;
	_ =	sdelay $0x1  }
0x108: {  	v14 =	vand.u32 $0x7FFFFF, v13  }
0x109: {  	v5 =	vor.u32 $0x3F800000, v14  }
0x10a: {  	v15 =	vmul.f32 $5.000000000e-01, v5  }
0x10b: {  	vm5 =	vge.f32 v5, $1.414213540e+00  }
0x10c: {  	v5 =	vsel vm5, v15, v5  }
0x10d: {  	v5 =	vadd.f32 $-1.000000000e+00, v5;
	_ =	sdelay $0x1  }
0x10e: {  	v16 =	vmul.f32 $7.037683580e-02, v5;
	_ =	sdelay $0x1  }
0x10f: {  	v6 =	vadd.f32 $-1.151461010e-01, v16;
	_ =	sdelay $0x1  }
0x110: {  	v6 =	vmul.f32 v6, v5;
	_ =	sdelay $0x1  }
0x111: {  	v6 =	vadd.f32 $1.167699840e-01, v6;
	_ =	sdelay $0x1  }
0x112: {  	v6 =	vmul.f32 v6, v5;
	_ =	sdelay $0x1  }
0x113: {  	v6 =	vadd.f32 $-1.242014100e-01, v6;
	_ =	sdelay $0x1  }
0x114: {  	v6 =	vmul.f32 v6, v5;
	_ =	sdelay $0x1  }
0x115: {  	v6 =	vadd.f32 $1.424932330e-01, v6;
	_ =	sdelay $0x1  }
0x116: {  	v6 =	vmul.f32 v6, v5;
	_ =	sdelay $0x1  }
0x117: {  	v6 =	vadd.f32 $-1.666805740e-01, v6;
	_ =	sdelay $0x1  }
0x118: {  	v6 =	vmul.f32 v6, v5;
	_ =	sdelay $0x1  }
0x119: {  	v6 =	vadd.f32 $2.000071410e-01, v6  }
0x11a: {  	v17 =	vld [tilespmem:s2+$0xFFFFFFA0]  }
0x11b: {  	v19 =	vld [tilespmem:s2+$0xFFFFFFB0];
	v6 =	vmul.f32 v6, v5  }
0x11c: {  	v18 =	vld [tilespmem:s29+$0xFFFFFFA0]  }
0x11d: {  	v20 =	vld [tilespmem:s29+$0xFFFFFFB0];
	v6 =	vadd.f32 $-2.499999400e-01, v6;
	_ =	sdelay $0x1  }
0x11e: {  	v6 =	vmul.f32 v6, v5  }
0x11f: {  	v2 =	vmul.f32 v17, v2;
	v3 =	vmul.f32 v19, v3  }
0x120: {  	v7 =	vmul.f32 v17, v17;
	v6 =	vadd.f32 $3.333333130e-01, v6  }
0x121: {  	v9 =	vmul.f32 v19, v19;
	v2 =	vadd.f32 v2, v18;
	v3 =	vadd.f32 v3, v20  }
0x122: {  	v21 =	vmul.f32 v5, v5;
	v6 =	vmul.f32 v6, v5  }
0x123: {  	v4 =	vshra.s32 v13, $0x17;
	v8 =	vmul.f32 v2, v2;
	v22 =	vmul.f32 v3, v3  }
0x124: {  	v23 =	vsel vm5, $0xFFFFFF82, v0;
	v10 =	vmul.f32 $5.000000000e-01, v21;
	v6 =	vmul.f32 v6, v21  }
0x125: {  	v7 =	vsub.f32 v8, v7;
	v4 =	vadd.s32 v4, v23  }
0x126: {  	v24 =	vsub.f32 v22, v9;
	v4 =	vcvt.s32.f32 v4;
	v6 =	vsub.f32 v6, v10;
	_ =	sdelay $0x1  }
0x127: {  	v7 =	vadd.f32 v24, v7;
	v4 =	vmul.f32 $6.931471820e-01, v4;
	v5 =	vadd.f32 v6, v5;
	_ =	sdelay $0x1  }
0x128: {  	v25 =	vmul.f32 $5.000000000e-01, v7;
	v4 =	vadd.f32 v5, v4;
	_ =	sdelay $0x1  }
0x129: {  	[tilespmem:s0+$0xFFFFFFA0] =	vst v2;
	v2 =	vsub.f32 v25, v4  }
0x12a: {  	[tilespmem:s0+$0xFFFFFFB0] =	vst v3  }
0x12b: {  	[tilespmem:s25+$0xFFFFFFD0] =	vst v2  }
0x12c: {  	v2 =	vld [tilespmem:s30+$0xFFFFFFC0]  }
0x12d: {  	v3 =	vld [tilespmem:s30+$0xFFFFFFD0];
	_ =	sdelay $0x4  }
0x12e: {  	v26 =	vmul.f32 v3, v2;
	_ =	sdelay $0x1  }
0x12f: {  	v27 =	vand.u32 $0x7FFFFF, v26  }
0x130: {  	v5 =	vor.u32 $0x3F800000, v27  }
0x131: {  	v28 =	vmul.f32 $5.000000000e-01, v5  }
0x132: {  	vm6 =	vge.f32 v5, $1.414213540e+00  }
0x133: {  	v5 =	vsel vm6, v28, v5  }
0x134: {  	v5 =	vadd.f32 $-1.000000000e+00, v5;
	_ =	sdelay $0x1  }
0x135: {  	v29 =	vmul.f32 $7.037683580e-02, v5;
	_ =	sdelay $0x1  }
0x136: {  	v6 =	vadd.f32 $-1.151461010e-01, v29;
	_ =	sdelay $0x1  }
0x137: {  	v6 =	vmul.f32 v6, v5;
	_ =	sdelay $0x1  }
0x138: {  	v6 =	vadd.f32 $1.167699840e-01, v6;
	_ =	sdelay $0x1  }
0x139: {  	v6 =	vmul.f32 v6, v5;
	_ =	sdelay $0x1  }
0x13a: {  	v6 =	vadd.f32 $-1.242014100e-01, v6;
	_ =	sdelay $0x1  }
0x13b: {  	v6 =	vmul.f32 v6, v5;
	_ =	sdelay $0x1  }
0x13c: {  	v6 =	vadd.f32 $1.424932330e-01, v6;
	_ =	sdelay $0x1  }
0x13d: {  	v6 =	vmul.f32 v6, v5;
	_ =	sdelay $0x1  }
0x13e: {  	v6 =	vadd.f32 $-1.666805740e-01, v6;
	_ =	sdelay $0x1  }
0x13f: {  	v6 =	vmul.f32 v6, v5;
	_ =	sdelay $0x1  }
0x140: {  	v6 =	vadd.f32 $2.000071410e-01, v6  }
0x141: {  	v30 =	vld [tilespmem:s2+$0xFFFFFFC0]  }
0x142: {  	v32 =	vld [tilespmem:s2+$0xFFFFFFD0];
	v6 =	vmul.f32 v6, v5  }
0x143: {  	v31 =	vld [tilespmem:s29+$0xFFFFFFC0]  }
0x144: {  	v33 =	vld [tilespmem:s29+$0xFFFFFFD0];
	v6 =	vadd.f32 $-2.499999400e-01, v6;
	_ =	sdelay $0x1  }
0x145: {  	v6 =	vmul.f32 v6, v5  }
0x146: {  	v2 =	vmul.f32 v30, v2;
	v3 =	vmul.f32 v32, v3  }
0x147: {  	v7 =	vmul.f32 v30, v30;
	v6 =	vadd.f32 $3.333333130e-01, v6  }
0x148: {  	v9 =	vmul.f32 v32, v32;
	v2 =	vadd.f32 v2, v31;
	v3 =	vadd.f32 v3, v33  }
0x149: {  	v34 =	vmul.f32 v5, v5;
	v6 =	vmul.f32 v6, v5  }
0x14a: {  	v4 =	vshra.s32 v26, $0x17;
	v8 =	vmul.f32 v2, v2;
	v35 =	vmul.f32 v3, v3  }
0x14b: {  	v36 =	vsel vm6, $0xFFFFFF82, v0;
	v10 =	vmul.f32 $5.000000000e-01, v34;
	v6 =	vmul.f32 v6, v34  }
0x14c: {  	v7 =	vsub.f32 v8, v7;
	v4 =	vadd.s32 v4, v36  }
0x14d: {  	v37 =	vsub.f32 v35, v9;
	v4 =	vcvt.s32.f32 v4;
	v6 =	vsub.f32 v6, v10;
	_ =	sdelay $0x1  }
0x14e: {  	v7 =	vadd.f32 v37, v7;
	v4 =	vmul.f32 $6.931471820e-01, v4;
	v5 =	vadd.f32 v6, v5;
	_ =	sdelay $0x1  }
0x14f: {  	v38 =	vmul.f32 $5.000000000e-01, v7;
	v4 =	vadd.f32 v5, v4;
	_ =	sdelay $0x1  }
0x150: {  	[tilespmem:s0+$0xFFFFFFC0] =	vst v2;
	v2 =	vsub.f32 v38, v4  }
0x151: {  	[tilespmem:s0+$0xFFFFFFD0] =	vst v3  }
0x152: {  	[tilespmem:s25+$0xFFFFFFE0] =	vst v2  }
0x153: {  	v2 =	vld [tilespmem:s30+$0xFFFFFFE0]  }
0x154: {  	v3 =	vld [tilespmem:s30+$0xFFFFFFF0];
	_ =	sdelay $0x4  }
0x155: {  	v39 =	vmul.f32 v3, v2;
	_ =	sdelay $0x1  }
0x156: {  	v40 =	vand.u32 $0x7FFFFF, v39  }
0x157: {  	v5 =	vor.u32 $0x3F800000, v40  }
0x158: {  	v41 =	vmul.f32 $5.000000000e-01, v5  }
0x159: {  	vm7 =	vge.f32 v5, $1.414213540e+00  }
0x15a: {  	v5 =	vsel vm7, v41, v5  }
0x15b: {  	v5 =	vadd.f32 $-1.000000000e+00, v5;
	_ =	sdelay $0x1  }
0x15c: {  	v42 =	vmul.f32 $7.037683580e-02, v5;
	_ =	sdelay $0x1  }
0x15d: {  	v6 =	vadd.f32 $-1.151461010e-01, v42;
	_ =	sdelay $0x1  }
0x15e: {  	v6 =	vmul.f32 v6, v5;
	_ =	sdelay $0x1  }
0x15f: {  	v6 =	vadd.f32 $1.167699840e-01, v6;
	_ =	sdelay $0x1  }
0x160: {  	v6 =	vmul.f32 v6, v5;
	_ =	sdelay $0x1  }
0x161: {  	v6 =	vadd.f32 $-1.242014100e-01, v6;
	_ =	sdelay $0x1  }
0x162: {  	v6 =	vmul.f32 v6, v5;
	_ =	sdelay $0x1  }
0x163: {  	v6 =	vadd.f32 $1.424932330e-01, v6;
	_ =	sdelay $0x1  }
0x164: {  	v6 =	vmul.f32 v6, v5;
	_ =	sdelay $0x1  }
0x165: {  	v6 =	vadd.f32 $-1.666805740e-01, v6;
	_ =	sdelay $0x1  }
0x166: {  	v6 =	vmul.f32 v6, v5;
	_ =	sdelay $0x1  }
0x167: {  	v6 =	vadd.f32 $2.000071410e-01, v6  }
0x168: {  	v43 =	vld [tilespmem:s2+$0xFFFFFFE0]  }
0x169: {  	v45 =	vld [tilespmem:s2+$0xFFFFFFF0];
	v6 =	vmul.f32 v6, v5  }
0x16a: {  	v44 =	vld [tilespmem:s29+$0xFFFFFFE0]  }
0x16b: {  	v46 =	vld [tilespmem:s29+$0xFFFFFFF0];
	v6 =	vadd.f32 $-2.499999400e-01, v6;
	_ =	sdelay $0x1  }
0x16c: {  	v6 =	vmul.f32 v6, v5  }
0x16d: {  	v2 =	vmul.f32 v43, v2;
	v3 =	vmul.f32 v45, v3  }
0x16e: {  	v7 =	vmul.f32 v43, v43;
	v6 =	vadd.f32 $3.333333130e-01, v6  }
0x16f: {  	v9 =	vmul.f32 v45, v45;
	v2 =	vadd.f32 v2, v44;
	v3 =	vadd.f32 v3, v46  }
0x170: {  	v47 =	vmul.f32 v5, v5;
	v6 =	vmul.f32 v6, v5  }
0x171: {  	v4 =	vshra.s32 v39, $0x17;
	v8 =	vmul.f32 v2, v2;
	v48 =	vmul.f32 v3, v3  }
0x172: {  	v49 =	vsel vm7, $0xFFFFFF82, v0;
	v10 =	vmul.f32 $5.000000000e-01, v47;
	v6 =	vmul.f32 v6, v47  }
0x173: {  	v7 =	vsub.f32 v8, v7;
	v4 =	vadd.s32 v4, v49  }
0x174: {  	v50 =	vsub.f32 v48, v9;
	v4 =	vcvt.s32.f32 v4;
	v6 =	vsub.f32 v6, v10;
	_ =	sdelay $0x1  }
0x175: {  	v7 =	vadd.f32 v50, v7;
	v4 =	vmul.f32 $6.931471820e-01, v4;
	v5 =	vadd.f32 v6, v5;
	_ =	sdelay $0x1  }
0x176: {  	v51 =	vmul.f32 $5.000000000e-01, v7;
	v4 =	vadd.f32 v5, v4;
	_ =	sdelay $0x1  }
0x177: {  	[tilespmem:s0+$0xFFFFFFE0] =	vst v2;
	v2 =	vsub.f32 v51, v4  }
0x178: {  	[tilespmem:s0+$0xFFFFFFF0] =	vst v3  }
0x179: {  	[tilespmem:s25+$0xFFFFFFF0] =	vst v2  }
0x17a: {  	v2 =	vld [tilespmem:s30+$0x0]  }
0x17b: {  	v3 =	vld [tilespmem:s30+$0x10];
	_ =	sdelay $0x4  }
0x17c: {  	v52 =	vmul.f32 v3, v2;
	_ =	sdelay $0x1  }
0x17d: {  	v53 =	vand.u32 $0x7FFFFF, v52  }
0x17e: {  	v5 =	vor.u32 $0x3F800000, v53  }
0x17f: {  	v54 =	vmul.f32 $5.000000000e-01, v5  }
0x180: {  	vm8 =	vge.f32 v5, $1.414213540e+00  }
0x181: {  	v5 =	vsel vm8, v54, v5  }
0x182: {  	v5 =	vadd.f32 $-1.000000000e+00, v5;
	_ =	sdelay $0x1  }
0x183: {  	v55 =	vmul.f32 $7.037683580e-02, v5;
	_ =	sdelay $0x1  }
0x184: {  	v6 =	vadd.f32 $-1.151461010e-01, v55;
	_ =	sdelay $0x1  }
0x185: {  	v6 =	vmul.f32 v6, v5;
	_ =	sdelay $0x1  }
0x186: {  	v6 =	vadd.f32 $1.167699840e-01, v6;
	_ =	sdelay $0x1  }
0x187: {  	v6 =	vmul.f32 v6, v5;
	_ =	sdelay $0x1  }
0x188: {  	v6 =	vadd.f32 $-1.242014100e-01, v6;
	_ =	sdelay $0x1  }
0x189: {  	v6 =	vmul.f32 v6, v5;
	_ =	sdelay $0x1  }
0x18a: {  	v6 =	vadd.f32 $1.424932330e-01, v6;
	_ =	sdelay $0x1  }
0x18b: {  	v6 =	vmul.f32 v6, v5;
	_ =	sdelay $0x1  }
0x18c: {  	v6 =	vadd.f32 $-1.666805740e-01, v6;
	_ =	sdelay $0x1  }
0x18d: {  	v6 =	vmul.f32 v6, v5;
	_ =	sdelay $0x1  }
0x18e: {  	v6 =	vadd.f32 $2.000071410e-01, v6  }
0x18f: {  	v56 =	vld [tilespmem:s2+$0x0]  }
0x190: {  	v58 =	vld [tilespmem:s2+$0x10];
	v6 =	vmul.f32 v6, v5  }
0x191: {  	v57 =	vld [tilespmem:s29+$0x0]  }
0x192: {  	v59 =	vld [tilespmem:s29+$0x10];
	v6 =	vadd.f32 $-2.499999400e-01, v6;
	_ =	sdelay $0x1  }
0x193: {  	v6 =	vmul.f32 v6, v5  }
0x194: {  	v2 =	vmul.f32 v56, v2;
	v3 =	vmul.f32 v58, v3  }
0x195: {  	v7 =	vmul.f32 v56, v56;
	v6 =	vadd.f32 $3.333333130e-01, v6  }
0x196: {  	v9 =	vmul.f32 v58, v58;
	v2 =	vadd.f32 v2, v57;
	v3 =	vadd.f32 v3, v59  }
0x197: {  	v60 =	vmul.f32 v5, v5;
	v6 =	vmul.f32 v6, v5  }
0x198: {  	v4 =	vshra.s32 v52, $0x17;
	v8 =	vmul.f32 v2, v2;
	v61 =	vmul.f32 v3, v3  }
0x199: {  	v62 =	vsel vm8, $0xFFFFFF82, v0;
	v10 =	vmul.f32 $5.000000000e-01, v60;
	v6 =	vmul.f32 v6, v60  }
0x19a: {  	v7 =	vsub.f32 v8, v7;
	v4 =	vadd.s32 v4, v62  }
0x19b: {  	v63 =	vsub.f32 v61, v9;
	v4 =	vcvt.s32.f32 v4;
	v6 =	vsub.f32 v6, v10;
	_ =	sdelay $0x1  }
0x19c: {  	v7 =	vadd.f32 v63, v7;
	v4 =	vmul.f32 $6.931471820e-01, v4;
	v5 =	vadd.f32 v6, v5;
	_ =	sdelay $0x1  }
0x19d: {  	v12 =	vmul.f32 $5.000000000e-01, v7;
	v4 =	vadd.f32 v5, v4;
	_ =	sdelay $0x1  }
0x19e: {  	[tilespmem:s0+$0x0] =	vst v2;
	v2 =	vsub.f32 v12, v4  }
0x19f: {  	[tilespmem:s0+$0x10] =	vst v3  }
0x1a0: {  	[tilespmem:s25+$0x0] =	vst v2  }
0x1a1: {  	v2 =	vld [tilespmem:s30+$0x20]  }
0x1a2: {  	v3 =	vld [tilespmem:s30+$0x30];
	_ =	sdelay $0x4  }
0x1a3: {  	v13 =	vmul.f32 v3, v2;
	_ =	sdelay $0x1  }
0x1a4: {  	v14 =	vand.u32 $0x7FFFFF, v13  }
0x1a5: {  	v5 =	vor.u32 $0x3F800000, v14  }
0x1a6: {  	v15 =	vmul.f32 $5.000000000e-01, v5  }
0x1a7: {  	vm9 =	vge.f32 v5, $1.414213540e+00  }
0x1a8: {  	v5 =	vsel vm9, v15, v5  }
0x1a9: {  	v5 =	vadd.f32 $-1.000000000e+00, v5;
	_ =	sdelay $0x1  }
0x1aa: {  	v16 =	vmul.f32 $7.037683580e-02, v5;
	_ =	sdelay $0x1  }
0x1ab: {  	v6 =	vadd.f32 $-1.151461010e-01, v16;
	_ =	sdelay $0x1  }
0x1ac: {  	v6 =	vmul.f32 v6, v5;
	_ =	sdelay $0x1  }
0x1ad: {  	v6 =	vadd.f32 $1.167699840e-01, v6;
	_ =	sdelay $0x1  }
0x1ae: {  	v6 =	vmul.f32 v6, v5;
	_ =	sdelay $0x1  }
0x1af: {  	v6 =	vadd.f32 $-1.242014100e-01, v6;
	_ =	sdelay $0x1  }
0x1b0: {  	v6 =	vmul.f32 v6, v5;
	_ =	sdelay $0x1  }
0x1b1: {  	v6 =	vadd.f32 $1.424932330e-01, v6;
	_ =	sdelay $0x1  }
0x1b2: {  	v6 =	vmul.f32 v6, v5;
	_ =	sdelay $0x1  }
0x1b3: {  	v6 =	vadd.f32 $-1.666805740e-01, v6;
	_ =	sdelay $0x1  }
0x1b4: {  	v6 =	vmul.f32 v6, v5;
	_ =	sdelay $0x1  }
0x1b5: {  	v6 =	vadd.f32 $2.000071410e-01, v6  }
0x1b6: {  	v17 =	vld [tilespmem:s2+$0x20]  }
0x1b7: {  	v19 =	vld [tilespmem:s2+$0x30];
	v6 =	vmul.f32 v6, v5  }
0x1b8: {  	v18 =	vld [tilespmem:s29+$0x20]  }
0x1b9: {  	v20 =	vld [tilespmem:s29+$0x30];
	v6 =	vadd.f32 $-2.499999400e-01, v6;
	_ =	sdelay $0x1  }
0x1ba: {  	v6 =	vmul.f32 v6, v5  }
0x1bb: {  	v2 =	vmul.f32 v17, v2;
	v3 =	vmul.f32 v19, v3  }
0x1bc: {  	v7 =	vmul.f32 v17, v17;
	v6 =	vadd.f32 $3.333333130e-01, v6  }
0x1bd: {  	v9 =	vmul.f32 v19, v19;
	v2 =	vadd.f32 v2, v18;
	v3 =	vadd.f32 v3, v20  }
0x1be: {  	v21 =	vmul.f32 v5, v5;
	v6 =	vmul.f32 v6, v5  }
0x1bf: {  	v4 =	vshra.s32 v13, $0x17;
	v8 =	vmul.f32 v2, v2;
	v22 =	vmul.f32 v3, v3  }
0x1c0: {  	v23 =	vsel vm9, $0xFFFFFF82, v0;
	v10 =	vmul.f32 $5.000000000e-01, v21;
	v6 =	vmul.f32 v6, v21  }
0x1c1: {  	v7 =	vsub.f32 v8, v7;
	v4 =	vadd.s32 v4, v23  }
0x1c2: {  	v24 =	vsub.f32 v22, v9;
	v4 =	vcvt.s32.f32 v4;
	v6 =	vsub.f32 v6, v10;
	_ =	sdelay $0x1  }
0x1c3: {  	v7 =	vadd.f32 v24, v7;
	v4 =	vmul.f32 $6.931471820e-01, v4;
	v5 =	vadd.f32 v6, v5;
	_ =	sdelay $0x1  }
0x1c4: {  	v25 =	vmul.f32 $5.000000000e-01, v7;
	v4 =	vadd.f32 v5, v4;
	_ =	sdelay $0x1  }
0x1c5: {  	[tilespmem:s0+$0x20] =	vst v2;
	v2 =	vsub.f32 v25, v4  }
0x1c6: {  	[tilespmem:s0+$0x30] =	vst v3  }
0x1c7: {  	[tilespmem:s25+$0x10] =	vst v2  }
0x1c8: {  	v2 =	vld [tilespmem:s30+$0x40]  }
0x1c9: {  	v3 =	vld [tilespmem:s30+$0x50];
	_ =	sdelay $0x4  }
0x1ca: {  	v26 =	vmul.f32 v3, v2;
	_ =	sdelay $0x1  }
0x1cb: {  	v27 =	vand.u32 $0x7FFFFF, v26  }
0x1cc: {  	v5 =	vor.u32 $0x3F800000, v27  }
0x1cd: {  	v28 =	vmul.f32 $5.000000000e-01, v5  }
0x1ce: {  	vm10 =	vge.f32 v5, $1.414213540e+00  }
0x1cf: {  	v5 =	vsel vm10, v28, v5  }
0x1d0: {  	v5 =	vadd.f32 $-1.000000000e+00, v5;
	_ =	sdelay $0x1  }
0x1d1: {  	v29 =	vmul.f32 $7.037683580e-02, v5;
	_ =	sdelay $0x1  }
0x1d2: {  	v6 =	vadd.f32 $-1.151461010e-01, v29;
	_ =	sdelay $0x1  }
0x1d3: {  	v6 =	vmul.f32 v6, v5;
	_ =	sdelay $0x1  }
0x1d4: {  	v6 =	vadd.f32 $1.167699840e-01, v6;
	_ =	sdelay $0x1  }
0x1d5: {  	v6 =	vmul.f32 v6, v5;
	_ =	sdelay $0x1  }
0x1d6: {  	v6 =	vadd.f32 $-1.242014100e-01, v6;
	_ =	sdelay $0x1  }
0x1d7: {  	v6 =	vmul.f32 v6, v5;
	_ =	sdelay $0x1  }
0x1d8: {  	v6 =	vadd.f32 $1.424932330e-01, v6;
	_ =	sdelay $0x1  }
0x1d9: {  	v6 =	vmul.f32 v6, v5;
	_ =	sdelay $0x1  }
0x1da: {  	v6 =	vadd.f32 $-1.666805740e-01, v6;
	_ =	sdelay $0x1  }
0x1db: {  	v6 =	vmul.f32 v6, v5;
	_ =	sdelay $0x1  }
0x1dc: {  	v6 =	vadd.f32 $2.000071410e-01, v6  }
0x1dd: {  	v30 =	vld [tilespmem:s2+$0x40]  }
0x1de: {  	v32 =	vld [tilespmem:s2+$0x50];
	v6 =	vmul.f32 v6, v5  }
0x1df: {  	v31 =	vld [tilespmem:s29+$0x40]  }
0x1e0: {  	v33 =	vld [tilespmem:s29+$0x50];
	v6 =	vadd.f32 $-2.499999400e-01, v6;
	_ =	sdelay $0x1  }
0x1e1: {  	v6 =	vmul.f32 v6, v5  }
0x1e2: {  	v2 =	vmul.f32 v30, v2;
	v3 =	vmul.f32 v32, v3  }
0x1e3: {  	v7 =	vmul.f32 v30, v30;
	v6 =	vadd.f32 $3.333333130e-01, v6  }
0x1e4: {  	v9 =	vmul.f32 v32, v32;
	v2 =	vadd.f32 v2, v31;
	v3 =	vadd.f32 v3, v33  }
0x1e5: {  	v34 =	vmul.f32 v5, v5;
	v6 =	vmul.f32 v6, v5  }
0x1e6: {  	v4 =	vshra.s32 v26, $0x17;
	v8 =	vmul.f32 v2, v2;
	v35 =	vmul.f32 v3, v3  }
0x1e7: {  	v36 =	vsel vm10, $0xFFFFFF82, v0;
	v10 =	vmul.f32 $5.000000000e-01, v34;
	v6 =	vmul.f32 v6, v34  }
0x1e8: {  	v7 =	vsub.f32 v8, v7;
	v4 =	vadd.s32 v4, v36  }
0x1e9: {  	v37 =	vsub.f32 v35, v9;
	v4 =	vcvt.s32.f32 v4;
	v6 =	vsub.f32 v6, v10;
	_ =	sdelay $0x1  }
0x1ea: {  	v7 =	vadd.f32 v37, v7;
	v4 =	vmul.f32 $6.931471820e-01, v4;
	v5 =	vadd.f32 v6, v5;
	_ =	sdelay $0x1  }
0x1eb: {  	v38 =	vmul.f32 $5.000000000e-01, v7;
	v4 =	vadd.f32 v5, v4;
	_ =	sdelay $0x1  }
0x1ec: {  	[tilespmem:s0+$0x40] =	vst v2;
	v2 =	vsub.f32 v38, v4  }
0x1ed: {  	[tilespmem:s0+$0x50] =	vst v3  }
0x1ee: {  	[tilespmem:s25+$0x20] =	vst v2  }
0x1ef: {  	v2 =	vld [tilespmem:s30+$0x60]  }
0x1f0: {  	v3 =	vld [tilespmem:s30+$0x70];
	_ =	sdelay $0x4  }
0x1f1: {  	v39 =	vmul.f32 v3, v2;
	_ =	sdelay $0x1  }
0x1f2: {  	v40 =	vand.u32 $0x7FFFFF, v39  }
0x1f3: {  	v5 =	vor.u32 $0x3F800000, v40  }
0x1f4: {  	v41 =	vmul.f32 $5.000000000e-01, v5  }
0x1f5: {  	vm11 =	vge.f32 v5, $1.414213540e+00  }
0x1f6: {  	v5 =	vsel vm11, v41, v5  }
0x1f7: {  	v5 =	vadd.f32 $-1.000000000e+00, v5;
	_ =	sdelay $0x1  }
0x1f8: {  	v42 =	vmul.f32 $7.037683580e-02, v5;
	_ =	sdelay $0x1  }
0x1f9: {  	v6 =	vadd.f32 $-1.151461010e-01, v42;
	_ =	sdelay $0x1  }
0x1fa: {  	v6 =	vmul.f32 v6, v5;
	_ =	sdelay $0x1  }
0x1fb: {  	v6 =	vadd.f32 $1.167699840e-01, v6;
	_ =	sdelay $0x1  }
0x1fc: {  	v6 =	vmul.f32 v6, v5;
	_ =	sdelay $0x1  }
0x1fd: {  	v6 =	vadd.f32 $-1.242014100e-01, v6;
	_ =	sdelay $0x1  }
0x1fe: {  	v6 =	vmul.f32 v6, v5;
	_ =	sdelay $0x1  }
0x1ff: {  	v6 =	vadd.f32 $1.424932330e-01, v6;
	_ =	sdelay $0x1  }
0x200: {  	v6 =	vmul.f32 v6, v5;
	_ =	sdelay $0x1  }
0x201: {  	v6 =	vadd.f32 $-1.666805740e-01, v6;
	_ =	sdelay $0x1  }
0x202: {  	v6 =	vmul.f32 v6, v5;
	_ =	sdelay $0x1  }
0x203: {  	v6 =	vadd.f32 $2.000071410e-01, v6  }
0x204: {  	v43 =	vld [tilespmem:s2+$0x60]  }
0x205: {  	v45 =	vld [tilespmem:s2+$0x70];
	v6 =	vmul.f32 v6, v5  }
0x206: {  	v44 =	vld [tilespmem:s29+$0x60]  }
0x207: {  	v46 =	vld [tilespmem:s29+$0x70];
	v6 =	vadd.f32 $-2.499999400e-01, v6;
	_ =	sdelay $0x1  }
0x208: {  	v6 =	vmul.f32 v6, v5  }
0x209: {  	v2 =	vmul.f32 v43, v2;
	v3 =	vmul.f32 v45, v3  }
0x20a: {  	v7 =	vmul.f32 v43, v43;
	v6 =	vadd.f32 $3.333333130e-01, v6  }
0x20b: {  	v9 =	vmul.f32 v45, v45;
	v2 =	vadd.f32 v2, v44;
	v3 =	vadd.f32 v3, v46  }
0x20c: {  	v47 =	vmul.f32 v5, v5;
	v6 =	vmul.f32 v6, v5  }
0x20d: {  	v4 =	vshra.s32 v39, $0x17;
	v8 =	vmul.f32 v2, v2;
	v48 =	vmul.f32 v3, v3  }
0x20e: {  	v49 =	vsel vm11, $0xFFFFFF82, v0;
	v10 =	vmul.f32 $5.000000000e-01, v47;
	v6 =	vmul.f32 v6, v47  }
0x20f: {  	v7 =	vsub.f32 v8, v7;
	v4 =	vadd.s32 v4, v49  }
0x210: {  	v50 =	vsub.f32 v48, v9;
	v4 =	vcvt.s32.f32 v4;
	v6 =	vsub.f32 v6, v10;
	_ =	sdelay $0x1  }
0x211: {  	v7 =	vadd.f32 v50, v7;
	v4 =	vmul.f32 $6.931471820e-01, v4;
	v5 =	vadd.f32 v6, v5;
	_ =	sdelay $0x1  }
0x212: {  	v51 =	vmul.f32 $5.000000000e-01, v7;
	v4 =	vadd.f32 v5, v4;
	_ =	sdelay $0x1  }
0x213: {  	[tilespmem:s0+$0x60] =	vst v2;
	v2 =	vsub.f32 v51, v4  }
0x214: {  	[tilespmem:s0+$0x70] =	vst v3  }
0x215: {  	[tilespmem:s25+$0x30] =	vst v2  }
0x216: {  	v2 =	vld [tilespmem:s30+$0x80]  }
0x217: {  	v3 =	vld [tilespmem:s30+$0x90];
	_ =	sdelay $0x4  }
0x218: {  	v52 =	vmul.f32 v3, v2;
	_ =	sdelay $0x1  }
0x219: {  	v53 =	vand.u32 $0x7FFFFF, v52  }
0x21a: {  	v5 =	vor.u32 $0x3F800000, v53  }
0x21b: {  	v54 =	vmul.f32 $5.000000000e-01, v5  }
0x21c: {  	vm12 =	vge.f32 v5, $1.414213540e+00  }
0x21d: {  	v5 =	vsel vm12, v54, v5  }
0x21e: {  	v5 =	vadd.f32 $-1.000000000e+00, v5;
	_ =	sdelay $0x1  }
0x21f: {  	v55 =	vmul.f32 $7.037683580e-02, v5;
	_ =	sdelay $0x1  }
0x220: {  	v6 =	vadd.f32 $-1.151461010e-01, v55;
	_ =	sdelay $0x1  }
0x221: {  	v6 =	vmul.f32 v6, v5;
	_ =	sdelay $0x1  }
0x222: {  	v6 =	vadd.f32 $1.167699840e-01, v6;
	_ =	sdelay $0x1  }
0x223: {  	v6 =	vmul.f32 v6, v5;
	_ =	sdelay $0x1  }
0x224: {  	v6 =	vadd.f32 $-1.242014100e-01, v6;
	_ =	sdelay $0x1  }
0x225: {  	v6 =	vmul.f32 v6, v5;
	_ =	sdelay $0x1  }
0x226: {  	v6 =	vadd.f32 $1.424932330e-01, v6;
	_ =	sdelay $0x1  }
0x227: {  	v6 =	vmul.f32 v6, v5;
	_ =	sdelay $0x1  }
0x228: {  	v6 =	vadd.f32 $-1.666805740e-01, v6;
	_ =	sdelay $0x1  }
0x229: {  	v6 =	vmul.f32 v6, v5;
	_ =	sdelay $0x1  }
0x22a: {  	v6 =	vadd.f32 $2.000071410e-01, v6  }
0x22b: {  	v56 =	vld [tilespmem:s2+$0x80]  }
0x22c: {  	v58 =	vld [tilespmem:s2+$0x90];
	v6 =	vmul.f32 v6, v5  }
0x22d: {  	v57 =	vld [tilespmem:s29+$0x80]  }
0x22e: {  	v59 =	vld [tilespmem:s29+$0x90];
	v6 =	vadd.f32 $-2.499999400e-01, v6;
	_ =	sdelay $0x1  }
0x22f: {  	v6 =	vmul.f32 v6, v5  }
0x230: {  	v2 =	vmul.f32 v56, v2;
	v3 =	vmul.f32 v58, v3  }
0x231: {  	v7 =	vmul.f32 v56, v56;
	v6 =	vadd.f32 $3.333333130e-01, v6  }
0x232: {  	v9 =	vmul.f32 v58, v58;
	v2 =	vadd.f32 v2, v57;
	v3 =	vadd.f32 v3, v59  }
0x233: {  	v60 =	vmul.f32 v5, v5;
	v6 =	vmul.f32 v6, v5  }
0x234: {  	v4 =	vshra.s32 v52, $0x17;
	v8 =	vmul.f32 v2, v2;
	v61 =	vmul.f32 v3, v3  }
0x235: {  	v62 =	vsel vm12, $0xFFFFFF82, v0;
	v10 =	vmul.f32 $5.000000000e-01, v60;
	v6 =	vmul.f32 v6, v60  }
0x236: {  	v7 =	vsub.f32 v8, v7;
	v4 =	vadd.s32 v4, v62  }
0x237: {  	v63 =	vsub.f32 v61, v9;
	v4 =	vcvt.s32.f32 v4;
	v6 =	vsub.f32 v6, v10;
	_ =	sdelay $0x1  }
0x238: {  	v7 =	vadd.f32 v63, v7;
	v4 =	vmul.f32 $6.931471820e-01, v4;
	v5 =	vadd.f32 v6, v5;
	_ =	sdelay $0x1  }
0x239: {  	v12 =	vmul.f32 $5.000000000e-01, v7;
	v4 =	vadd.f32 v5, v4;
	_ =	sdelay $0x1  }
0x23a: {  	[tilespmem:s0+$0x80] =	vst v2;
	v2 =	vsub.f32 v12, v4  }
0x23b: {  	[tilespmem:s0+$0x90] =	vst v3  }
0x23c: {  	[tilespmem:s25+$0x40] =	vst v2  }
0x23d: {  	v2 =	vld [tilespmem:s30+$0xA0]  }
0x23e: {  	v3 =	vld [tilespmem:s30+$0xB0];
	_ =	sdelay $0x4  }
0x23f: {  	v13 =	vmul.f32 v3, v2;
	_ =	sdelay $0x1  }
0x240: {  	v14 =	vand.u32 $0x7FFFFF, v13  }
0x241: {  	v5 =	vor.u32 $0x3F800000, v14  }
0x242: {  	v15 =	vmul.f32 $5.000000000e-01, v5  }
0x243: {  	vm13 =	vge.f32 v5, $1.414213540e+00  }
0x244: {  	v5 =	vsel vm13, v15, v5  }
0x245: {  	v5 =	vadd.f32 $-1.000000000e+00, v5;
	_ =	sdelay $0x1  }
0x246: {  	v16 =	vmul.f32 $7.037683580e-02, v5;
	_ =	sdelay $0x1  }
0x247: {  	v6 =	vadd.f32 $-1.151461010e-01, v16;
	_ =	sdelay $0x1  }
0x248: {  	v6 =	vmul.f32 v6, v5;
	_ =	sdelay $0x1  }
0x249: {  	v6 =	vadd.f32 $1.167699840e-01, v6;
	_ =	sdelay $0x1  }
0x24a: {  	v6 =	vmul.f32 v6, v5;
	_ =	sdelay $0x1  }
0x24b: {  	v6 =	vadd.f32 $-1.242014100e-01, v6;
	_ =	sdelay $0x1  }
0x24c: {  	v6 =	vmul.f32 v6, v5;
	_ =	sdelay $0x1  }
0x24d: {  	v6 =	vadd.f32 $1.424932330e-01, v6;
	_ =	sdelay $0x1  }
0x24e: {  	v6 =	vmul.f32 v6, v5;
	_ =	sdelay $0x1  }
0x24f: {  	v6 =	vadd.f32 $-1.666805740e-01, v6;
	_ =	sdelay $0x1  }
0x250: {  	v6 =	vmul.f32 v6, v5;
	_ =	sdelay $0x1  }
0x251: {  	v6 =	vadd.f32 $2.000071410e-01, v6  }
0x252: {  	v17 =	vld [tilespmem:s2+$0xA0]  }
0x253: {  	v19 =	vld [tilespmem:s2+$0xB0];
	v6 =	vmul.f32 v6, v5  }
0x254: {  	v18 =	vld [tilespmem:s29+$0xA0]  }
0x255: {  	v20 =	vld [tilespmem:s29+$0xB0];
	v6 =	vadd.f32 $-2.499999400e-01, v6;
	_ =	sdelay $0x1  }
0x256: {  	v6 =	vmul.f32 v6, v5  }
0x257: {  	v2 =	vmul.f32 v17, v2;
	v3 =	vmul.f32 v19, v3  }
0x258: {  	v7 =	vmul.f32 v17, v17;
	v6 =	vadd.f32 $3.333333130e-01, v6  }
0x259: {  	v9 =	vmul.f32 v19, v19;
	v2 =	vadd.f32 v2, v18;
	v3 =	vadd.f32 v3, v20  }
0x25a: {  	v21 =	vmul.f32 v5, v5;
	v6 =	vmul.f32 v6, v5  }
0x25b: {  	v4 =	vshra.s32 v13, $0x17;
	v8 =	vmul.f32 v2, v2;
	v22 =	vmul.f32 v3, v3  }
0x25c: {  	v23 =	vsel vm13, $0xFFFFFF82, v0;
	v10 =	vmul.f32 $5.000000000e-01, v21;
	v6 =	vmul.f32 v6, v21  }
0x25d: {  	v7 =	vsub.f32 v8, v7;
	v4 =	vadd.s32 v4, v23  }
0x25e: {  	v24 =	vsub.f32 v22, v9;
	v4 =	vcvt.s32.f32 v4;
	v6 =	vsub.f32 v6, v10;
	_ =	sdelay $0x1  }
0x25f: {  	v7 =	vadd.f32 v24, v7;
	v4 =	vmul.f32 $6.931471820e-01, v4;
	v5 =	vadd.f32 v6, v5;
	_ =	sdelay $0x1  }
0x260: {  	v25 =	vmul.f32 $5.000000000e-01, v7;
	v4 =	vadd.f32 v5, v4;
	_ =	sdelay $0x1  }
0x261: {  	[tilespmem:s0+$0xA0] =	vst v2;
	v2 =	vsub.f32 v25, v4  }
0x262: {  	[tilespmem:s0+$0xB0] =	vst v3  }
0x263: {  	[tilespmem:s25+$0x50] =	vst v2  }
0x264: {  	v2 =	vld [tilespmem:s30+$0xC0]  }
0x265: {  	v3 =	vld [tilespmem:s30+$0xD0];
	_ =	sdelay $0x4  }
0x266: {  	v26 =	vmul.f32 v3, v2;
	_ =	sdelay $0x1  }
0x267: {  	v27 =	vand.u32 $0x7FFFFF, v26  }
0x268: {  	v5 =	vor.u32 $0x3F800000, v27  }
0x269: {  	v28 =	vmul.f32 $5.000000000e-01, v5  }
0x26a: {  	vm14 =	vge.f32 v5, $1.414213540e+00  }
0x26b: {  	v5 =	vsel vm14, v28, v5  }
0x26c: {  	v5 =	vadd.f32 $-1.000000000e+00, v5;
	_ =	sdelay $0x1  }
0x26d: {  	v29 =	vmul.f32 $7.037683580e-02, v5;
	_ =	sdelay $0x1  }
0x26e: {  	v6 =	vadd.f32 $-1.151461010e-01, v29;
	_ =	sdelay $0x1  }
0x26f: {  	v6 =	vmul.f32 v6, v5;
	_ =	sdelay $0x1  }
0x270: {  	v6 =	vadd.f32 $1.167699840e-01, v6;
	_ =	sdelay $0x1  }
0x271: {  	v6 =	vmul.f32 v6, v5;
	_ =	sdelay $0x1  }
0x272: {  	v6 =	vadd.f32 $-1.242014100e-01, v6;
	_ =	sdelay $0x1  }
0x273: {  	v6 =	vmul.f32 v6, v5;
	_ =	sdelay $0x1  }
0x274: {  	v6 =	vadd.f32 $1.424932330e-01, v6;
	_ =	sdelay $0x1  }
0x275: {  	v6 =	vmul.f32 v6, v5;
	_ =	sdelay $0x1  }
0x276: {  	v6 =	vadd.f32 $-1.666805740e-01, v6;
	_ =	sdelay $0x1  }
0x277: {  	v6 =	vmul.f32 v6, v5;
	_ =	sdelay $0x1  }
0x278: {  	v6 =	vadd.f32 $2.000071410e-01, v6  }
0x279: {  	v30 =	vld [tilespmem:s2+$0xC0]  }
0x27a: {  	v32 =	vld [tilespmem:s2+$0xD0];
	v6 =	vmul.f32 v6, v5  }
0x27b: {  	v31 =	vld [tilespmem:s29+$0xC0]  }
0x27c: {  	v33 =	vld [tilespmem:s29+$0xD0];
	v6 =	vadd.f32 $-2.499999400e-01, v6;
	_ =	sdelay $0x1  }
0x27d: {  	v6 =	vmul.f32 v6, v5  }
0x27e: {  	v2 =	vmul.f32 v30, v2;
	v3 =	vmul.f32 v32, v3  }
0x27f: {  	v7 =	vmul.f32 v30, v30;
	v6 =	vadd.f32 $3.333333130e-01, v6  }
0x280: {  	v9 =	vmul.f32 v32, v32;
	v2 =	vadd.f32 v2, v31;
	v3 =	vadd.f32 v3, v33  }
0x281: {  	v34 =	vmul.f32 v5, v5;
	v6 =	vmul.f32 v6, v5  }
0x282: {  	v4 =	vshra.s32 v26, $0x17;
	v8 =	vmul.f32 v2, v2;
	v35 =	vmul.f32 v3, v3  }
0x283: {  	v36 =	vsel vm14, $0xFFFFFF82, v0;
	v10 =	vmul.f32 $5.000000000e-01, v34;
	v6 =	vmul.f32 v6, v34  }
0x284: {  	v7 =	vsub.f32 v8, v7;
	v4 =	vadd.s32 v4, v36  }
0x285: {  	v37 =	vsub.f32 v35, v9;
	v4 =	vcvt.s32.f32 v4;
	v6 =	vsub.f32 v6, v10;
	_ =	sdelay $0x1  }
0x286: {  	v7 =	vadd.f32 v37, v7;
	v4 =	vmul.f32 $6.931471820e-01, v4;
	v5 =	vadd.f32 v6, v5;
	_ =	sdelay $0x1  }
0x287: {  	v38 =	vmul.f32 $5.000000000e-01, v7;
	v4 =	vadd.f32 v5, v4;
	_ =	sdelay $0x1  }
0x288: {  	[tilespmem:s0+$0xC0] =	vst v2;
	v2 =	vsub.f32 v38, v4  }
0x289: {  	[tilespmem:s0+$0xD0] =	vst v3  }
0x28a: {  	[tilespmem:s25+$0x60] =	vst v2  }
0x28b: {  	v2 =	vld [tilespmem:s30+$0xE0]  }
0x28c: {  	v3 =	vld [tilespmem:s30+$0xF0];
	_ =	sdelay $0x4  }
0x28d: {  	v39 =	vmul.f32 v3, v2;
	_ =	sdelay $0x1  }
0x28e: {  	v40 =	vand.u32 $0x7FFFFF, v39  }
0x28f: {  	v5 =	vor.u32 $0x3F800000, v40  }
0x290: {  	v41 =	vmul.f32 $5.000000000e-01, v5  }
0x291: {  	vm15 =	vge.f32 v5, $1.414213540e+00  }
0x292: {  	v5 =	vsel vm15, v41, v5  }
0x293: {  	v5 =	vadd.f32 $-1.000000000e+00, v5;
	_ =	sdelay $0x1  }
0x294: {  	v42 =	vmul.f32 $7.037683580e-02, v5;
	_ =	sdelay $0x1  }
0x295: {  	v6 =	vadd.f32 $-1.151461010e-01, v42;
	_ =	sdelay $0x1  }
0x296: {  	v6 =	vmul.f32 v6, v5;
	_ =	sdelay $0x1  }
0x297: {  	v6 =	vadd.f32 $1.167699840e-01, v6;
	_ =	sdelay $0x1  }
0x298: {  	v6 =	vmul.f32 v6, v5;
	_ =	sdelay $0x1  }
0x299: {  	v6 =	vadd.f32 $-1.242014100e-01, v6;
	_ =	sdelay $0x1  }
0x29a: {  	v6 =	vmul.f32 v6, v5;
	_ =	sdelay $0x1  }
0x29b: {  	v6 =	vadd.f32 $1.424932330e-01, v6;
	_ =	sdelay $0x1  }
0x29c: {  	v6 =	vmul.f32 v6, v5;
	_ =	sdelay $0x1  }
0x29d: {  	v6 =	vadd.f32 $-1.666805740e-01, v6;
	_ =	sdelay $0x1  }
0x29e: {  	v6 =	vmul.f32 v6, v5;
	_ =	sdelay $0x1  }
0x29f: {  	v6 =	vadd.f32 $2.000071410e-01, v6  }
0x2a0: {  	v43 =	vld [tilespmem:s2+$0xE0]  }
0x2a1: {  	v45 =	vld [tilespmem:s2+$0xF0];
	v6 =	vmul.f32 v6, v5  }
0x2a2: {  	v44 =	vld [tilespmem:s29+$0xE0]  }
0x2a3: {  	v46 =	vld [tilespmem:s29+$0xF0];
	v6 =	vadd.f32 $-2.499999400e-01, v6;
	_ =	sdelay $0x1  }
0x2a4: {  	v6 =	vmul.f32 v6, v5  }
0x2a5: {  	v2 =	vmul.f32 v43, v2;
	v3 =	vmul.f32 v45, v3  }
0x2a6: {  	v7 =	vmul.f32 v43, v43;
	v6 =	vadd.f32 $3.333333130e-01, v6  }
0x2a7: {  	v9 =	vmul.f32 v45, v45;
	v2 =	vadd.f32 v2, v44;
	v3 =	vadd.f32 v3, v46  }
0x2a8: {  	v47 =	vmul.f32 v5, v5;
	v6 =	vmul.f32 v6, v5  }
0x2a9: {  	v4 =	vshra.s32 v39, $0x17;
	v8 =	vmul.f32 v2, v2;
	v48 =	vmul.f32 v3, v3  }
0x2aa: {  	v49 =	vsel vm15, $0xFFFFFF82, v0;
	v10 =	vmul.f32 $5.000000000e-01, v47;
	v6 =	vmul.f32 v6, v47  }
0x2ab: {  	v7 =	vsub.f32 v8, v7;
	v4 =	vadd.s32 v4, v49  }
0x2ac: {  	v50 =	vsub.f32 v48, v9;
	v4 =	vcvt.s32.f32 v4;
	v6 =	vsub.f32 v6, v10  }
0x2ad: {  	v51 =	vmov s24  }
0x2ae: {  	v7 =	vadd.f32 v50, v7;
	v4 =	vmul.f32 $6.931471820e-01, v4;
	v5 =	vadd.f32 v6, v5  }
0x2af: {  	v6 =	vshll.u32 v51, $0x4  }
0x2b0: {  	v7 =	vmul.f32 $5.000000000e-01, v7;
	v52 =	vor.u32 v1, v6;
	v4 =	vadd.f32 v5, v4;
	_ =	sdelay $0x1  }
0x2b1: {  	[tilespmem:s0+$0xE0] =	vst v2;
	v53 =	vor.u32 $0x1, v52;
	v2 =	vsub.f32 v7, v4  }
0x2b2: {  	[tilespmem:s0+$0xF0] =	vst v3  }
0x2b3: {  	[tilespmem:s25+$0x70] =	vst v2;
	v2 =	vor.u32 $0x2, v52  }
0x2b4: {  	v3 =	vld.idx.msk [tilespmem:v52+s31+$0x0], $0xffff  }
0x2b5: {  	v6 =	vor.u32 $0x3, v52  }
0x2b6: {  	v4 =	vld.idx.msk [tilespmem:v53+s31+$0x0], $0xffff  }
0x2b7: {  	v54 =	vor.u32 $0x4, v52  }
0x2b8: {  	v2 =	vld.idx.msk [tilespmem:v2+s31+$0x0], $0xffff  }
0x2b9: {  	v55 =	vor.u32 $0x5, v52;
	v3 =	vadd.f32 $0.0e+00, v3  }
0x2ba: {  	v6 =	vld.idx.msk [tilespmem:v6+s31+$0x0], $0xffff  }
0x2bb: {  	v56 =	vor.u32 $0x6, v52;
	v3 =	vadd.f32 v4, v3  }
0x2bc: {  	v7 =	vld.idx.msk [tilespmem:v54+s31+$0x0], $0xffff  }
0x2bd: {  	v2 =	vadd.f32 v2, v3;
	v3 =	vor.u32 $0x7, v52  }
0x2be: {  	v8 =	vld.idx.msk [tilespmem:v55+s31+$0x0], $0xffff  }
0x2bf: {  	v57 =	vor.u32 $0x8, v52;
	v2 =	vadd.f32 v6, v2  }
0x2c0: {  	v4 =	vld.idx.msk [tilespmem:v56+s31+$0x0], $0xffff  }
0x2c1: {  	v58 =	vor.u32 $0x9, v52;
	v2 =	vadd.f32 v7, v2  }
0x2c2: {  	v3 =	vld.idx.msk [tilespmem:v3+s31+$0x0], $0xffff  }
0x2c3: {  	v59 =	vor.u32 $0xA, v52;
	v2 =	vadd.f32 v8, v2  }
0x2c4: {  	v6 =	vld.idx.msk [tilespmem:v57+s31+$0x0], $0xffff  }
0x2c5: {  	v60 =	vor.u32 $0xB, v52;
	v2 =	vadd.f32 v4, v2  }
0x2c6: {  	v7 =	vld.idx.msk [tilespmem:v58+s31+$0x0], $0xffff  }
0x2c7: {  	v2 =	vadd.f32 v3, v2;
	v3 =	vor.u32 $0xC, v52  }
0x2c8: {  	v8 =	vld.idx.msk [tilespmem:v59+s31+$0x0], $0xffff  }
0x2c9: {  	v61 =	vor.u32 $0xD, v52;
	v2 =	vadd.f32 v6, v2  }
0x2ca: {  	v4 =	vld.idx.msk [tilespmem:v60+s31+$0x0], $0xffff  }
0x2cb: {  	v62 =	vor.u32 $0xE, v52;
	v2 =	vadd.f32 v7, v2  }
0x2cc: {  	v3 =	vld.idx.msk [tilespmem:v3+s31+$0x0], $0xffff  }
0x2cd: {  	v5 =	vor.u32 $0xF, v52;
	v2 =	vadd.f32 v8, v2  }
0x2ce: {  	v6 =	vld.idx.msk [tilespmem:v61+s31+$0x0], $0xffff  }
0x2cf: {  	v2 =	vadd.f32 v4, v2  }
0x2d0: {  	v63 =	vld.idx.msk [tilespmem:v62+s31+$0x0], $0xffff  }
0x2d1: {  	v2 =	vadd.f32 v3, v2  }
0x2d2: {  	v3 =	vld.idx.msk [tilespmem:v5+s31+$0x0], $0xffff  }
0x2d3: {  	v2 =	vadd.f32 v6, v2  }
0x2d4: {  	p0 =	sne.s32 s24, $0xF0  }
.Ltmp0:
0x2d5: {  	v2 =	vadd.f32 v63, v2;
	(pc) =	sbr.rel @p0 .LBB2_3-.Ltmp0, $4  }
0x2d6: {  	_ = 	snop  }
0x2d7: {  	s24 =	sadd.s32 $0x10, s24;
	v2 =	vadd.f32 v3, v2  }
0x2d8: {  	s29 =	sadd.s32 $0x200, s29;
	s30 =	sadd.s32 $0x200, s30;
	s2 =	sadd.s32 $0x200, s2  }
0x2d9: {  	s0 =	sadd.s32 $0x200, s0;
	s25 =	sadd.s32 $0x100, s25;
	[tilespmem:s28+$0x0] =	vst v2;
	s28 =	sadd.s32 $0x10, s28  }
0x2da: {  	s0 =	sadd.s32 s7, s10  }
0x2db: {  	s2 =	sshll.u32 s0, $0x2  }
0x2dc: {  	s24 =	simm.s32 $0x6100;
	s0 =	sshrl.u32 s0, $0x3;
	s2 =	sadd.s32 s8, s2  }
0x2dd: {  	[hbm4b:s2+s4] =	stream.linear.scatter [tilespmem:s24], [sflag:$0x3], $0x2000, $0x38;
	[tilespmem:$0x11400] =	vst v63  }
0x2de: {  	s30 =	simm.s32 $0x8100;
	s0 =	sadd.s32 s9, s0  }
0x2df: {  	[hbm4b:s0+s4] =	stream.linear.scatter [tilespmem:s30], [sflag:$0x3], $0x100, $0x38;
	[tilespmem:$0x11400] =	vst v63  }
0x2e0: {  	_ =	swait.ge [sflag:s17], $0x1000  }
0x2e1: {  	[sflag:s17] =	ssyncset.done $0x0  }
0x2e2: {  	[sflag:s17] =	ssyncadd.s32 $0xFFFFF000  }
0x2e3: {  	_ =	swait.ge [sflag:s17], $0x1000  }
0x2e4: {  	[sflag:s17] =	ssyncset.done $0x0  }
0x2e5: {  	[sflag:s17] =	ssyncadd.s32 $0xFFFFF000  }
0x2e6: {  	_ =	swait.ge [sflag:s17], $0x1000  }
0x2e7: {  	[sflag:s17] =	ssyncset.done $0x0  }
0x2e8: {  	[sflag:s17] =	ssyncadd.s32 $0xFFFFF000  }
0x2e9: {  	_ =	swait.ge [sflag:s17], $0x1000  }
0x2ea: {  	[sflag:s17] =	ssyncset.done $0x0  }
0x2eb: {  	p0 =	seq.s32 s11, $0x31;
	[sflag:s17] =	ssyncadd.s32 $0xFFFFF000  }
0x2ec: {  	s0 =	sadd.s32 @!p0 s10, s13;
	_ =	swait.ge [sflag:s17], $0x2000  }
0x2ed: {  	s2 =	sshrl.u32 @!p0 s0, $0x3;
	[sflag:s17] =	ssyncset.done $0x0  }
0x2ee: {  	s10 =	simm.s32 @!p0 $0x0;
	s2 =	sadd.s32 @!p0 s1, s2;
	[sflag:s17] =	ssyncadd.s32 $0xFFFFE000  }
0x2ef: {  	[tilespmem:s10], [sflag:$0x5] =	stream.linear.gather @!p0 [hbm4b:s2+s10], $0x100, $0x38;
	[tilespmem:$0x11400] =	vst v63  }
0x2f0: {  	s2 =	simm.s32 @!p0 $0x5  }
0x2f1: {  	_ =	swait.ge @!p0 [sflag:s2], $0x100  }
0x2f2: {  	[sflag:s2] =	ssyncset.done @!p0 $0x0  }
0x2f3: {  	s24 =	simm.s32 @!p0 $0x100;
	[sflag:s2] =	ssyncadd.s32 @!p0 $0xFFFFFF00;
	s2 =	simm.s32 @!p0 $0x80  }
0x2f4: {  	[tilespmem:s24], [sflag:$0x1] =	stream.indirect.gather @!p0 [hbm4b:s5+s2], $0x20, s10, s2, $0xb8;
	[tilespmem:$0x11400] =	vst v63  }
0x2f5: {  	s24 =	simm.s32 @!p0 $0x2100  }
0x2f6: {  	[tilespmem:s24], [sflag:$0x1] =	stream.indirect.gather @!p0 [hbm4b:s6+s2], $0x20, s10, s2, $0xb8;
	[tilespmem:$0x11400] =	vst v63  }
0x2f7: {  	s0 =	sshll.u32 @!p0 s0, $0x2;
	s24 =	simm.s32 @!p0 $0x1100  }
0x2f8: {  	[tilespmem:s24], [sflag:$0x1] =	stream.indirect.gather @!p0 [hbm4b:s5+s2], $0x20, s2, s2, $0xb8;
	[tilespmem:$0x11400] =	vst v63  }
0x2f9: {  	s0 =	sand.u32 @!p0 $0x1FFFF800, s0;
	s24 =	simm.s32 @!p0 $0x3100  }
0x2fa: {  	[tilespmem:s24], [sflag:$0x1] =	stream.indirect.gather @!p0 [hbm4b:s6+s2], $0x20, s2, s2, $0xb8;
	[tilespmem:$0x11400] =	vst v63  }
0x2fb: {  	p1 =	seq.s32 @!p0 s11, $0x0;
	s0 =	sadd.s32 @!p0 s3, s0;
	s2 =	simm.s32 @!p0 $0x4100  }
0x2fc: {  	[tilespmem:s2], [sflag:$0x1] =	stream.linear.gather @!p0 [hbm4b:s0+s10], $0x2000, $0x38;
	[tilespmem:$0x11400] =	vst v63  }
0x2fd: {  	p0 =	por p0, !p1  }
0x2fe: {  	_ =	swait.ge @p0 [sflag:s21], $0x2000  }
0x2ff: {  	[sflag:s21] =	ssyncset.done @p0 $0x0  }
0x300: {  	s25 =	simm.s32 $0x10300;
	[sflag:s21] =	ssyncadd.s32 @p0 $0xFFFFE000  }
0x301: {  	s28 =	simm.s32 $0x8400;
	s29 =	simm.s32 $0xA400;
	_ =	swait.ge @p0 [sflag:s21], $0x100  }
0x302: {  	s24 =	simm.s32 $0x10480;
	s10 =	simm.s32 $0x0;
	[sflag:s21] =	ssyncset.done @p0 $0x0  }
0x303: {  	s0 =	simm.s32 $0xE400;
	s2 =	simm.s32 $0xC400;
	[sflag:s21] =	ssyncadd.s32 @p0 $0xFFFFFF00  }
.LBB2_5:
0x304: {  	v2 =	vld [tilespmem:s29+$0xFFFFFF00]  }
0x305: {  	v3 =	vld [tilespmem:s29+$0xFFFFFF10];
	_ =	sdelay $0x4  }
0x306: {  	v4 =	vmul.f32 v3, v2;
	_ =	sdelay $0x1  }
0x307: {  	v5 =	vand.u32 $0x7FFFFF, v4  }
0x308: {  	v5 =	vor.u32 $0x3F800000, v5  }
0x309: {  	v6 =	vmul.f32 $5.000000000e-01, v5  }
0x30a: {  	vm0 =	vge.f32 v5, $1.414213540e+00  }
0x30b: {  	v5 =	vsel vm0, v6, v5  }
0x30c: {  	v5 =	vadd.f32 $-1.000000000e+00, v5;
	_ =	sdelay $0x1  }
0x30d: {  	v61 =	vmul.f32 $7.037683580e-02, v5;
	_ =	sdelay $0x1  }
0x30e: {  	v6 =	vadd.f32 $-1.151461010e-01, v61;
	_ =	sdelay $0x1  }
0x30f: {  	v6 =	vmul.f32 v6, v5;
	_ =	sdelay $0x1  }
0x310: {  	v6 =	vadd.f32 $1.167699840e-01, v6;
	_ =	sdelay $0x1  }
0x311: {  	v6 =	vmul.f32 v6, v5;
	_ =	sdelay $0x1  }
0x312: {  	v6 =	vadd.f32 $-1.242014100e-01, v6;
	_ =	sdelay $0x1  }
0x313: {  	v6 =	vmul.f32 v6, v5;
	_ =	sdelay $0x1  }
0x314: {  	v6 =	vadd.f32 $1.424932330e-01, v6;
	_ =	sdelay $0x1  }
0x315: {  	v6 =	vmul.f32 v6, v5;
	_ =	sdelay $0x1  }
0x316: {  	v6 =	vadd.f32 $-1.666805740e-01, v6;
	_ =	sdelay $0x1  }
0x317: {  	v6 =	vmul.f32 v6, v5;
	_ =	sdelay $0x1  }
0x318: {  	v6 =	vadd.f32 $2.000071410e-01, v6  }
0x319: {  	v7 =	vld [tilespmem:s2+$0xFFFFFF00]  }
0x31a: {  	v9 =	vld [tilespmem:s2+$0xFFFFFF10];
	v6 =	vmul.f32 v6, v5  }
0x31b: {  	v8 =	vld [tilespmem:s28+$0xFFFFFF00]  }
0x31c: {  	v10 =	vld [tilespmem:s28+$0xFFFFFF10];
	v6 =	vadd.f32 $-2.499999400e-01, v6;
	_ =	sdelay $0x1  }
0x31d: {  	v6 =	vmul.f32 v6, v5  }
0x31e: {  	v2 =	vmul.f32 v7, v2;
	v3 =	vmul.f32 v9, v3  }
0x31f: {  	v7 =	vmul.f32 v7, v7;
	v6 =	vadd.f32 $3.333333130e-01, v6  }
0x320: {  	v9 =	vmul.f32 v9, v9;
	v2 =	vadd.f32 v2, v8;
	v3 =	vadd.f32 v3, v10  }
0x321: {  	v62 =	vmul.f32 v5, v5;
	v6 =	vmul.f32 v6, v5  }
0x322: {  	v4 =	vshra.s32 v4, $0x17;
	v8 =	vmul.f32 v2, v2;
	v11 =	vmul.f32 v3, v3  }
0x323: {  	v12 =	vsel vm0, $0xFFFFFF82, v0;
	v10 =	vmul.f32 $5.000000000e-01, v62;
	v6 =	vmul.f32 v6, v62  }
0x324: {  	v7 =	vsub.f32 v8, v7;
	v4 =	vadd.s32 v4, v12  }
0x325: {  	v63 =	vsub.f32 v11, v9;
	v4 =	vcvt.s32.f32 v4;
	v6 =	vsub.f32 v6, v10;
	_ =	sdelay $0x1  }
0x326: {  	v7 =	vadd.f32 v63, v7;
	v4 =	vmul.f32 $6.931471820e-01, v4;
	v5 =	vadd.f32 v6, v5;
	_ =	sdelay $0x1  }
0x327: {  	v12 =	vmul.f32 $5.000000000e-01, v7;
	v4 =	vadd.f32 v5, v4;
	_ =	sdelay $0x1  }
0x328: {  	[tilespmem:s0+$0xFFFFFF00] =	vst v2;
	v2 =	vsub.f32 v12, v4  }
0x329: {  	[tilespmem:s0+$0xFFFFFF10] =	vst v3  }
0x32a: {  	[tilespmem:s24+$0xFFFFFF80] =	vst v2  }
0x32b: {  	v2 =	vld [tilespmem:s29+$0xFFFFFF20]  }
0x32c: {  	v3 =	vld [tilespmem:s29+$0xFFFFFF30];
	_ =	sdelay $0x4  }
0x32d: {  	v13 =	vmul.f32 v3, v2;
	_ =	sdelay $0x1  }
0x32e: {  	v14 =	vand.u32 $0x7FFFFF, v13  }
0x32f: {  	v5 =	vor.u32 $0x3F800000, v14  }
0x330: {  	v15 =	vmul.f32 $5.000000000e-01, v5  }
0x331: {  	vm13 =	vge.f32 v5, $1.414213540e+00  }
0x332: {  	v5 =	vsel vm13, v15, v5  }
0x333: {  	v5 =	vadd.f32 $-1.000000000e+00, v5;
	_ =	sdelay $0x1  }
0x334: {  	v16 =	vmul.f32 $7.037683580e-02, v5;
	_ =	sdelay $0x1  }
0x335: {  	v6 =	vadd.f32 $-1.151461010e-01, v16;
	_ =	sdelay $0x1  }
0x336: {  	v6 =	vmul.f32 v6, v5;
	_ =	sdelay $0x1  }
0x337: {  	v6 =	vadd.f32 $1.167699840e-01, v6;
	_ =	sdelay $0x1  }
0x338: {  	v6 =	vmul.f32 v6, v5;
	_ =	sdelay $0x1  }
0x339: {  	v6 =	vadd.f32 $-1.242014100e-01, v6;
	_ =	sdelay $0x1  }
0x33a: {  	v6 =	vmul.f32 v6, v5;
	_ =	sdelay $0x1  }
0x33b: {  	v6 =	vadd.f32 $1.424932330e-01, v6;
	_ =	sdelay $0x1  }
0x33c: {  	v6 =	vmul.f32 v6, v5;
	_ =	sdelay $0x1  }
0x33d: {  	v6 =	vadd.f32 $-1.666805740e-01, v6;
	_ =	sdelay $0x1  }
0x33e: {  	v6 =	vmul.f32 v6, v5;
	_ =	sdelay $0x1  }
0x33f: {  	v6 =	vadd.f32 $2.000071410e-01, v6  }
0x340: {  	v17 =	vld [tilespmem:s2+$0xFFFFFF20]  }
0x341: {  	v19 =	vld [tilespmem:s2+$0xFFFFFF30];
	v6 =	vmul.f32 v6, v5  }
0x342: {  	v18 =	vld [tilespmem:s28+$0xFFFFFF20]  }
0x343: {  	v20 =	vld [tilespmem:s28+$0xFFFFFF30];
	v6 =	vadd.f32 $-2.499999400e-01, v6;
	_ =	sdelay $0x1  }
0x344: {  	v6 =	vmul.f32 v6, v5  }
0x345: {  	v2 =	vmul.f32 v17, v2;
	v3 =	vmul.f32 v19, v3  }
0x346: {  	v7 =	vmul.f32 v17, v17;
	v6 =	vadd.f32 $3.333333130e-01, v6  }
0x347: {  	v9 =	vmul.f32 v19, v19;
	v2 =	vadd.f32 v2, v18;
	v3 =	vadd.f32 v3, v20  }
0x348: {  	v21 =	vmul.f32 v5, v5;
	v6 =	vmul.f32 v6, v5  }
0x349: {  	v4 =	vshra.s32 v13, $0x17;
	v8 =	vmul.f32 v2, v2;
	v22 =	vmul.f32 v3, v3  }
0x34a: {  	v23 =	vsel vm13, $0xFFFFFF82, v0;
	v10 =	vmul.f32 $5.000000000e-01, v21;
	v6 =	vmul.f32 v6, v21  }
0x34b: {  	v7 =	vsub.f32 v8, v7;
	v4 =	vadd.s32 v4, v23  }
0x34c: {  	v24 =	vsub.f32 v22, v9;
	v4 =	vcvt.s32.f32 v4;
	v6 =	vsub.f32 v6, v10;
	_ =	sdelay $0x1  }
0x34d: {  	v7 =	vadd.f32 v24, v7;
	v4 =	vmul.f32 $6.931471820e-01, v4;
	v5 =	vadd.f32 v6, v5;
	_ =	sdelay $0x1  }
0x34e: {  	v25 =	vmul.f32 $5.000000000e-01, v7;
	v4 =	vadd.f32 v5, v4;
	_ =	sdelay $0x1  }
0x34f: {  	[tilespmem:s0+$0xFFFFFF20] =	vst v2;
	v2 =	vsub.f32 v25, v4  }
0x350: {  	[tilespmem:s0+$0xFFFFFF30] =	vst v3  }
0x351: {  	[tilespmem:s24+$0xFFFFFF90] =	vst v2  }
0x352: {  	v2 =	vld [tilespmem:s29+$0xFFFFFF40]  }
0x353: {  	v3 =	vld [tilespmem:s29+$0xFFFFFF50];
	_ =	sdelay $0x4  }
0x354: {  	v26 =	vmul.f32 v3, v2;
	_ =	sdelay $0x1  }
0x355: {  	v27 =	vand.u32 $0x7FFFFF, v26  }
0x356: {  	v5 =	vor.u32 $0x3F800000, v27  }
0x357: {  	v28 =	vmul.f32 $5.000000000e-01, v5  }
0x358: {  	vm14 =	vge.f32 v5, $1.414213540e+00  }
0x359: {  	v5 =	vsel vm14, v28, v5  }
0x35a: {  	v5 =	vadd.f32 $-1.000000000e+00, v5;
	_ =	sdelay $0x1  }
0x35b: {  	v29 =	vmul.f32 $7.037683580e-02, v5;
	_ =	sdelay $0x1  }
0x35c: {  	v6 =	vadd.f32 $-1.151461010e-01, v29;
	_ =	sdelay $0x1  }
0x35d: {  	v6 =	vmul.f32 v6, v5;
	_ =	sdelay $0x1  }
0x35e: {  	v6 =	vadd.f32 $1.167699840e-01, v6;
	_ =	sdelay $0x1  }
0x35f: {  	v6 =	vmul.f32 v6, v5;
	_ =	sdelay $0x1  }
0x360: {  	v6 =	vadd.f32 $-1.242014100e-01, v6;
	_ =	sdelay $0x1  }
0x361: {  	v6 =	vmul.f32 v6, v5;
	_ =	sdelay $0x1  }
0x362: {  	v6 =	vadd.f32 $1.424932330e-01, v6;
	_ =	sdelay $0x1  }
0x363: {  	v6 =	vmul.f32 v6, v5;
	_ =	sdelay $0x1  }
0x364: {  	v6 =	vadd.f32 $-1.666805740e-01, v6;
	_ =	sdelay $0x1  }
0x365: {  	v6 =	vmul.f32 v6, v5;
	_ =	sdelay $0x1  }
0x366: {  	v6 =	vadd.f32 $2.000071410e-01, v6  }
0x367: {  	v30 =	vld [tilespmem:s2+$0xFFFFFF40]  }
0x368: {  	v32 =	vld [tilespmem:s2+$0xFFFFFF50];
	v6 =	vmul.f32 v6, v5  }
0x369: {  	v31 =	vld [tilespmem:s28+$0xFFFFFF40]  }
0x36a: {  	v33 =	vld [tilespmem:s28+$0xFFFFFF50];
	v6 =	vadd.f32 $-2.499999400e-01, v6;
	_ =	sdelay $0x1  }
0x36b: {  	v6 =	vmul.f32 v6, v5  }
0x36c: {  	v2 =	vmul.f32 v30, v2;
	v3 =	vmul.f32 v32, v3  }
0x36d: {  	v7 =	vmul.f32 v30, v30;
	v6 =	vadd.f32 $3.333333130e-01, v6  }
0x36e: {  	v9 =	vmul.f32 v32, v32;
	v2 =	vadd.f32 v2, v31;
	v3 =	vadd.f32 v3, v33  }
0x36f: {  	v34 =	vmul.f32 v5, v5;
	v6 =	vmul.f32 v6, v5  }
0x370: {  	v4 =	vshra.s32 v26, $0x17;
	v8 =	vmul.f32 v2, v2;
	v35 =	vmul.f32 v3, v3  }
0x371: {  	v36 =	vsel vm14, $0xFFFFFF82, v0;
	v10 =	vmul.f32 $5.000000000e-01, v34;
	v6 =	vmul.f32 v6, v34  }
0x372: {  	v7 =	vsub.f32 v8, v7;
	v4 =	vadd.s32 v4, v36  }
0x373: {  	v37 =	vsub.f32 v35, v9;
	v4 =	vcvt.s32.f32 v4;
	v6 =	vsub.f32 v6, v10;
	_ =	sdelay $0x1  }
0x374: {  	v7 =	vadd.f32 v37, v7;
	v4 =	vmul.f32 $6.931471820e-01, v4;
	v5 =	vadd.f32 v6, v5;
	_ =	sdelay $0x1  }
0x375: {  	v38 =	vmul.f32 $5.000000000e-01, v7;
	v4 =	vadd.f32 v5, v4;
	_ =	sdelay $0x1  }
0x376: {  	[tilespmem:s0+$0xFFFFFF40] =	vst v2;
	v2 =	vsub.f32 v38, v4  }
0x377: {  	[tilespmem:s0+$0xFFFFFF50] =	vst v3  }
0x378: {  	[tilespmem:s24+$0xFFFFFFA0] =	vst v2  }
0x379: {  	v2 =	vld [tilespmem:s29+$0xFFFFFF60]  }
0x37a: {  	v3 =	vld [tilespmem:s29+$0xFFFFFF70];
	_ =	sdelay $0x4  }
0x37b: {  	v39 =	vmul.f32 v3, v2;
	_ =	sdelay $0x1  }
0x37c: {  	v40 =	vand.u32 $0x7FFFFF, v39  }
0x37d: {  	v5 =	vor.u32 $0x3F800000, v40  }
0x37e: {  	v41 =	vmul.f32 $5.000000000e-01, v5  }
0x37f: {  	vm15 =	vge.f32 v5, $1.414213540e+00  }
0x380: {  	v5 =	vsel vm15, v41, v5  }
0x381: {  	v5 =	vadd.f32 $-1.000000000e+00, v5;
	_ =	sdelay $0x1  }
0x382: {  	v42 =	vmul.f32 $7.037683580e-02, v5;
	_ =	sdelay $0x1  }
0x383: {  	v6 =	vadd.f32 $-1.151461010e-01, v42;
	_ =	sdelay $0x1  }
0x384: {  	v6 =	vmul.f32 v6, v5;
	_ =	sdelay $0x1  }
0x385: {  	v6 =	vadd.f32 $1.167699840e-01, v6;
	_ =	sdelay $0x1  }
0x386: {  	v6 =	vmul.f32 v6, v5;
	_ =	sdelay $0x1  }
0x387: {  	v6 =	vadd.f32 $-1.242014100e-01, v6;
	_ =	sdelay $0x1  }
0x388: {  	v6 =	vmul.f32 v6, v5;
	_ =	sdelay $0x1  }
0x389: {  	v6 =	vadd.f32 $1.424932330e-01, v6;
	_ =	sdelay $0x1  }
0x38a: {  	v6 =	vmul.f32 v6, v5;
	_ =	sdelay $0x1  }
0x38b: {  	v6 =	vadd.f32 $-1.666805740e-01, v6;
	_ =	sdelay $0x1  }
0x38c: {  	v6 =	vmul.f32 v6, v5;
	_ =	sdelay $0x1  }
0x38d: {  	v6 =	vadd.f32 $2.000071410e-01, v6  }
0x38e: {  	v43 =	vld [tilespmem:s2+$0xFFFFFF60]  }
0x38f: {  	v45 =	vld [tilespmem:s2+$0xFFFFFF70];
	v6 =	vmul.f32 v6, v5  }
0x390: {  	v44 =	vld [tilespmem:s28+$0xFFFFFF60]  }
0x391: {  	v46 =	vld [tilespmem:s28+$0xFFFFFF70];
	v6 =	vadd.f32 $-2.499999400e-01, v6;
	_ =	sdelay $0x1  }
0x392: {  	v6 =	vmul.f32 v6, v5  }
0x393: {  	v2 =	vmul.f32 v43, v2;
	v3 =	vmul.f32 v45, v3  }
0x394: {  	v7 =	vmul.f32 v43, v43;
	v6 =	vadd.f32 $3.333333130e-01, v6  }
0x395: {  	v9 =	vmul.f32 v45, v45;
	v2 =	vadd.f32 v2, v44;
	v3 =	vadd.f32 v3, v46  }
0x396: {  	v47 =	vmul.f32 v5, v5;
	v6 =	vmul.f32 v6, v5  }
0x397: {  	v4 =	vshra.s32 v39, $0x17;
	v8 =	vmul.f32 v2, v2;
	v48 =	vmul.f32 v3, v3  }
0x398: {  	v49 =	vsel vm15, $0xFFFFFF82, v0;
	v10 =	vmul.f32 $5.000000000e-01, v47;
	v6 =	vmul.f32 v6, v47  }
0x399: {  	v7 =	vsub.f32 v8, v7;
	v4 =	vadd.s32 v4, v49  }
0x39a: {  	v50 =	vsub.f32 v48, v9;
	v4 =	vcvt.s32.f32 v4;
	v6 =	vsub.f32 v6, v10;
	_ =	sdelay $0x1  }
0x39b: {  	v7 =	vadd.f32 v50, v7;
	v4 =	vmul.f32 $6.931471820e-01, v4;
	v5 =	vadd.f32 v6, v5;
	_ =	sdelay $0x1  }
0x39c: {  	v51 =	vmul.f32 $5.000000000e-01, v7;
	v4 =	vadd.f32 v5, v4;
	_ =	sdelay $0x1  }
0x39d: {  	[tilespmem:s0+$0xFFFFFF60] =	vst v2;
	v2 =	vsub.f32 v51, v4  }
0x39e: {  	[tilespmem:s0+$0xFFFFFF70] =	vst v3  }
0x39f: {  	[tilespmem:s24+$0xFFFFFFB0] =	vst v2  }
0x3a0: {  	v2 =	vld [tilespmem:s29+$0xFFFFFF80]  }
0x3a1: {  	v3 =	vld [tilespmem:s29+$0xFFFFFF90];
	_ =	sdelay $0x4  }
0x3a2: {  	v52 =	vmul.f32 v3, v2;
	_ =	sdelay $0x1  }
0x3a3: {  	v53 =	vand.u32 $0x7FFFFF, v52  }
0x3a4: {  	v5 =	vor.u32 $0x3F800000, v53  }
0x3a5: {  	v54 =	vmul.f32 $5.000000000e-01, v5  }
0x3a6: {  	vm4 =	vge.f32 v5, $1.414213540e+00  }
0x3a7: {  	v5 =	vsel vm4, v54, v5  }
0x3a8: {  	v5 =	vadd.f32 $-1.000000000e+00, v5;
	_ =	sdelay $0x1  }
0x3a9: {  	v55 =	vmul.f32 $7.037683580e-02, v5;
	_ =	sdelay $0x1  }
0x3aa: {  	v6 =	vadd.f32 $-1.151461010e-01, v55;
	_ =	sdelay $0x1  }
0x3ab: {  	v6 =	vmul.f32 v6, v5;
	_ =	sdelay $0x1  }
0x3ac: {  	v6 =	vadd.f32 $1.167699840e-01, v6;
	_ =	sdelay $0x1  }
0x3ad: {  	v6 =	vmul.f32 v6, v5;
	_ =	sdelay $0x1  }
0x3ae: {  	v6 =	vadd.f32 $-1.242014100e-01, v6;
	_ =	sdelay $0x1  }
0x3af: {  	v6 =	vmul.f32 v6, v5;
	_ =	sdelay $0x1  }
0x3b0: {  	v6 =	vadd.f32 $1.424932330e-01, v6;
	_ =	sdelay $0x1  }
0x3b1: {  	v6 =	vmul.f32 v6, v5;
	_ =	sdelay $0x1  }
0x3b2: {  	v6 =	vadd.f32 $-1.666805740e-01, v6;
	_ =	sdelay $0x1  }
0x3b3: {  	v6 =	vmul.f32 v6, v5;
	_ =	sdelay $0x1  }
0x3b4: {  	v6 =	vadd.f32 $2.000071410e-01, v6  }
0x3b5: {  	v56 =	vld [tilespmem:s2+$0xFFFFFF80]  }
0x3b6: {  	v58 =	vld [tilespmem:s2+$0xFFFFFF90];
	v6 =	vmul.f32 v6, v5  }
0x3b7: {  	v57 =	vld [tilespmem:s28+$0xFFFFFF80]  }
0x3b8: {  	v59 =	vld [tilespmem:s28+$0xFFFFFF90];
	v6 =	vadd.f32 $-2.499999400e-01, v6;
	_ =	sdelay $0x1  }
0x3b9: {  	v6 =	vmul.f32 v6, v5  }
0x3ba: {  	v2 =	vmul.f32 v56, v2;
	v3 =	vmul.f32 v58, v3  }
0x3bb: {  	v7 =	vmul.f32 v56, v56;
	v6 =	vadd.f32 $3.333333130e-01, v6  }
0x3bc: {  	v9 =	vmul.f32 v58, v58;
	v2 =	vadd.f32 v2, v57;
	v3 =	vadd.f32 v3, v59  }
0x3bd: {  	v60 =	vmul.f32 v5, v5;
	v6 =	vmul.f32 v6, v5  }
0x3be: {  	v4 =	vshra.s32 v52, $0x17;
	v8 =	vmul.f32 v2, v2;
	v61 =	vmul.f32 v3, v3  }
0x3bf: {  	v62 =	vsel vm4, $0xFFFFFF82, v0;
	v10 =	vmul.f32 $5.000000000e-01, v60;
	v6 =	vmul.f32 v6, v60  }
0x3c0: {  	v7 =	vsub.f32 v8, v7;
	v4 =	vadd.s32 v4, v62  }
0x3c1: {  	v63 =	vsub.f32 v61, v9;
	v4 =	vcvt.s32.f32 v4;
	v6 =	vsub.f32 v6, v10;
	_ =	sdelay $0x1  }
0x3c2: {  	v7 =	vadd.f32 v63, v7;
	v4 =	vmul.f32 $6.931471820e-01, v4;
	v5 =	vadd.f32 v6, v5;
	_ =	sdelay $0x1  }
0x3c3: {  	v12 =	vmul.f32 $5.000000000e-01, v7;
	v4 =	vadd.f32 v5, v4;
	_ =	sdelay $0x1  }
0x3c4: {  	[tilespmem:s0+$0xFFFFFF80] =	vst v2;
	v2 =	vsub.f32 v12, v4  }
0x3c5: {  	[tilespmem:s0+$0xFFFFFF90] =	vst v3  }
0x3c6: {  	[tilespmem:s24+$0xFFFFFFC0] =	vst v2  }
0x3c7: {  	v2 =	vld [tilespmem:s29+$0xFFFFFFA0]  }
0x3c8: {  	v3 =	vld [tilespmem:s29+$0xFFFFFFB0];
	_ =	sdelay $0x4  }
0x3c9: {  	v13 =	vmul.f32 v3, v2;
	_ =	sdelay $0x1  }
0x3ca: {  	v14 =	vand.u32 $0x7FFFFF, v13  }
0x3cb: {  	v5 =	vor.u32 $0x3F800000, v14  }
0x3cc: {  	v15 =	vmul.f32 $5.000000000e-01, v5  }
0x3cd: {  	vm5 =	vge.f32 v5, $1.414213540e+00  }
0x3ce: {  	v5 =	vsel vm5, v15, v5  }
0x3cf: {  	v5 =	vadd.f32 $-1.000000000e+00, v5;
	_ =	sdelay $0x1  }
0x3d0: {  	v16 =	vmul.f32 $7.037683580e-02, v5;
	_ =	sdelay $0x1  }
0x3d1: {  	v6 =	vadd.f32 $-1.151461010e-01, v16;
	_ =	sdelay $0x1  }
0x3d2: {  	v6 =	vmul.f32 v6, v5;
	_ =	sdelay $0x1  }
0x3d3: {  	v6 =	vadd.f32 $1.167699840e-01, v6;
	_ =	sdelay $0x1  }
0x3d4: {  	v6 =	vmul.f32 v6, v5;
	_ =	sdelay $0x1  }
0x3d5: {  	v6 =	vadd.f32 $-1.242014100e-01, v6;
	_ =	sdelay $0x1  }
0x3d6: {  	v6 =	vmul.f32 v6, v5;
	_ =	sdelay $0x1  }
0x3d7: {  	v6 =	vadd.f32 $1.424932330e-01, v6;
	_ =	sdelay $0x1  }
0x3d8: {  	v6 =	vmul.f32 v6, v5;
	_ =	sdelay $0x1  }
0x3d9: {  	v6 =	vadd.f32 $-1.666805740e-01, v6;
	_ =	sdelay $0x1  }
0x3da: {  	v6 =	vmul.f32 v6, v5;
	_ =	sdelay $0x1  }
0x3db: {  	v6 =	vadd.f32 $2.000071410e-01, v6  }
0x3dc: {  	v17 =	vld [tilespmem:s2+$0xFFFFFFA0]  }
0x3dd: {  	v19 =	vld [tilespmem:s2+$0xFFFFFFB0];
	v6 =	vmul.f32 v6, v5  }
0x3de: {  	v18 =	vld [tilespmem:s28+$0xFFFFFFA0]  }
0x3df: {  	v20 =	vld [tilespmem:s28+$0xFFFFFFB0];
	v6 =	vadd.f32 $-2.499999400e-01, v6;
	_ =	sdelay $0x1  }
0x3e0: {  	v6 =	vmul.f32 v6, v5  }
0x3e1: {  	v2 =	vmul.f32 v17, v2;
	v3 =	vmul.f32 v19, v3  }
0x3e2: {  	v7 =	vmul.f32 v17, v17;
	v6 =	vadd.f32 $3.333333130e-01, v6  }
0x3e3: {  	v9 =	vmul.f32 v19, v19;
	v2 =	vadd.f32 v2, v18;
	v3 =	vadd.f32 v3, v20  }
0x3e4: {  	v21 =	vmul.f32 v5, v5;
	v6 =	vmul.f32 v6, v5  }
0x3e5: {  	v4 =	vshra.s32 v13, $0x17;
	v8 =	vmul.f32 v2, v2;
	v22 =	vmul.f32 v3, v3  }
0x3e6: {  	v23 =	vsel vm5, $0xFFFFFF82, v0;
	v10 =	vmul.f32 $5.000000000e-01, v21;
	v6 =	vmul.f32 v6, v21  }
0x3e7: {  	v7 =	vsub.f32 v8, v7;
	v4 =	vadd.s32 v4, v23  }
0x3e8: {  	v24 =	vsub.f32 v22, v9;
	v4 =	vcvt.s32.f32 v4;
	v6 =	vsub.f32 v6, v10;
	_ =	sdelay $0x1  }
0x3e9: {  	v7 =	vadd.f32 v24, v7;
	v4 =	vmul.f32 $6.931471820e-01, v4;
	v5 =	vadd.f32 v6, v5;
	_ =	sdelay $0x1  }
0x3ea: {  	v25 =	vmul.f32 $5.000000000e-01, v7;
	v4 =	vadd.f32 v5, v4;
	_ =	sdelay $0x1  }
0x3eb: {  	[tilespmem:s0+$0xFFFFFFA0] =	vst v2;
	v2 =	vsub.f32 v25, v4  }
0x3ec: {  	[tilespmem:s0+$0xFFFFFFB0] =	vst v3  }
0x3ed: {  	[tilespmem:s24+$0xFFFFFFD0] =	vst v2  }
0x3ee: {  	v2 =	vld [tilespmem:s29+$0xFFFFFFC0]  }
0x3ef: {  	v3 =	vld [tilespmem:s29+$0xFFFFFFD0];
	_ =	sdelay $0x4  }
0x3f0: {  	v26 =	vmul.f32 v3, v2;
	_ =	sdelay $0x1  }
0x3f1: {  	v27 =	vand.u32 $0x7FFFFF, v26  }
0x3f2: {  	v5 =	vor.u32 $0x3F800000, v27  }
0x3f3: {  	v28 =	vmul.f32 $5.000000000e-01, v5  }
0x3f4: {  	vm6 =	vge.f32 v5, $1.414213540e+00  }
0x3f5: {  	v5 =	vsel vm6, v28, v5  }
0x3f6: {  	v5 =	vadd.f32 $-1.000000000e+00, v5;
	_ =	sdelay $0x1  }
0x3f7: {  	v29 =	vmul.f32 $7.037683580e-02, v5;
	_ =	sdelay $0x1  }
0x3f8: {  	v6 =	vadd.f32 $-1.151461010e-01, v29;
	_ =	sdelay $0x1  }
0x3f9: {  	v6 =	vmul.f32 v6, v5;
	_ =	sdelay $0x1  }
0x3fa: {  	v6 =	vadd.f32 $1.167699840e-01, v6;
	_ =	sdelay $0x1  }
0x3fb: {  	v6 =	vmul.f32 v6, v5;
	_ =	sdelay $0x1  }
0x3fc: {  	v6 =	vadd.f32 $-1.242014100e-01, v6;
	_ =	sdelay $0x1  }
0x3fd: {  	v6 =	vmul.f32 v6, v5;
	_ =	sdelay $0x1  }
0x3fe: {  	v6 =	vadd.f32 $1.424932330e-01, v6;
	_ =	sdelay $0x1  }
0x3ff: {  	v6 =	vmul.f32 v6, v5;
	_ =	sdelay $0x1  }
0x400: {  	v6 =	vadd.f32 $-1.666805740e-01, v6;
	_ =	sdelay $0x1  }
0x401: {  	v6 =	vmul.f32 v6, v5;
	_ =	sdelay $0x1  }
0x402: {  	v6 =	vadd.f32 $2.000071410e-01, v6  }
0x403: {  	v30 =	vld [tilespmem:s2+$0xFFFFFFC0]  }
0x404: {  	v32 =	vld [tilespmem:s2+$0xFFFFFFD0];
	v6 =	vmul.f32 v6, v5  }
0x405: {  	v31 =	vld [tilespmem:s28+$0xFFFFFFC0]  }
0x406: {  	v33 =	vld [tilespmem:s28+$0xFFFFFFD0];
	v6 =	vadd.f32 $-2.499999400e-01, v6;
	_ =	sdelay $0x1  }
0x407: {  	v6 =	vmul.f32 v6, v5  }
0x408: {  	v2 =	vmul.f32 v30, v2;
	v3 =	vmul.f32 v32, v3  }
0x409: {  	v7 =	vmul.f32 v30, v30;
	v6 =	vadd.f32 $3.333333130e-01, v6  }
0x40a: {  	v9 =	vmul.f32 v32, v32;
	v2 =	vadd.f32 v2, v31;
	v3 =	vadd.f32 v3, v33  }
0x40b: {  	v34 =	vmul.f32 v5, v5;
	v6 =	vmul.f32 v6, v5  }
0x40c: {  	v4 =	vshra.s32 v26, $0x17;
	v8 =	vmul.f32 v2, v2;
	v35 =	vmul.f32 v3, v3  }
0x40d: {  	v36 =	vsel vm6, $0xFFFFFF82, v0;
	v10 =	vmul.f32 $5.000000000e-01, v34;
	v6 =	vmul.f32 v6, v34  }
0x40e: {  	v7 =	vsub.f32 v8, v7;
	v4 =	vadd.s32 v4, v36  }
0x40f: {  	v37 =	vsub.f32 v35, v9;
	v4 =	vcvt.s32.f32 v4;
	v6 =	vsub.f32 v6, v10;
	_ =	sdelay $0x1  }
0x410: {  	v7 =	vadd.f32 v37, v7;
	v4 =	vmul.f32 $6.931471820e-01, v4;
	v5 =	vadd.f32 v6, v5;
	_ =	sdelay $0x1  }
0x411: {  	v38 =	vmul.f32 $5.000000000e-01, v7;
	v4 =	vadd.f32 v5, v4;
	_ =	sdelay $0x1  }
0x412: {  	[tilespmem:s0+$0xFFFFFFC0] =	vst v2;
	v2 =	vsub.f32 v38, v4  }
0x413: {  	[tilespmem:s0+$0xFFFFFFD0] =	vst v3  }
0x414: {  	[tilespmem:s24+$0xFFFFFFE0] =	vst v2  }
0x415: {  	v2 =	vld [tilespmem:s29+$0xFFFFFFE0]  }
0x416: {  	v3 =	vld [tilespmem:s29+$0xFFFFFFF0];
	_ =	sdelay $0x4  }
0x417: {  	v39 =	vmul.f32 v3, v2;
	_ =	sdelay $0x1  }
0x418: {  	v40 =	vand.u32 $0x7FFFFF, v39  }
0x419: {  	v5 =	vor.u32 $0x3F800000, v40  }
0x41a: {  	v41 =	vmul.f32 $5.000000000e-01, v5  }
0x41b: {  	vm7 =	vge.f32 v5, $1.414213540e+00  }
0x41c: {  	v5 =	vsel vm7, v41, v5  }
0x41d: {  	v5 =	vadd.f32 $-1.000000000e+00, v5;
	_ =	sdelay $0x1  }
0x41e: {  	v42 =	vmul.f32 $7.037683580e-02, v5;
	_ =	sdelay $0x1  }
0x41f: {  	v6 =	vadd.f32 $-1.151461010e-01, v42;
	_ =	sdelay $0x1  }
0x420: {  	v6 =	vmul.f32 v6, v5;
	_ =	sdelay $0x1  }
0x421: {  	v6 =	vadd.f32 $1.167699840e-01, v6;
	_ =	sdelay $0x1  }
0x422: {  	v6 =	vmul.f32 v6, v5;
	_ =	sdelay $0x1  }
0x423: {  	v6 =	vadd.f32 $-1.242014100e-01, v6;
	_ =	sdelay $0x1  }
0x424: {  	v6 =	vmul.f32 v6, v5;
	_ =	sdelay $0x1  }
0x425: {  	v6 =	vadd.f32 $1.424932330e-01, v6;
	_ =	sdelay $0x1  }
0x426: {  	v6 =	vmul.f32 v6, v5;
	_ =	sdelay $0x1  }
0x427: {  	v6 =	vadd.f32 $-1.666805740e-01, v6;
	_ =	sdelay $0x1  }
0x428: {  	v6 =	vmul.f32 v6, v5;
	_ =	sdelay $0x1  }
0x429: {  	v6 =	vadd.f32 $2.000071410e-01, v6  }
0x42a: {  	v43 =	vld [tilespmem:s2+$0xFFFFFFE0]  }
0x42b: {  	v45 =	vld [tilespmem:s2+$0xFFFFFFF0];
	v6 =	vmul.f32 v6, v5  }
0x42c: {  	v44 =	vld [tilespmem:s28+$0xFFFFFFE0]  }
0x42d: {  	v46 =	vld [tilespmem:s28+$0xFFFFFFF0];
	v6 =	vadd.f32 $-2.499999400e-01, v6;
	_ =	sdelay $0x1  }
0x42e: {  	v6 =	vmul.f32 v6, v5  }
0x42f: {  	v2 =	vmul.f32 v43, v2;
	v3 =	vmul.f32 v45, v3  }
0x430: {  	v7 =	vmul.f32 v43, v43;
	v6 =	vadd.f32 $3.333333130e-01, v6  }
0x431: {  	v9 =	vmul.f32 v45, v45;
	v2 =	vadd.f32 v2, v44;
	v3 =	vadd.f32 v3, v46  }
0x432: {  	v47 =	vmul.f32 v5, v5;
	v6 =	vmul.f32 v6, v5  }
0x433: {  	v4 =	vshra.s32 v39, $0x17;
	v8 =	vmul.f32 v2, v2;
	v48 =	vmul.f32 v3, v3  }
0x434: {  	v49 =	vsel vm7, $0xFFFFFF82, v0;
	v10 =	vmul.f32 $5.000000000e-01, v47;
	v6 =	vmul.f32 v6, v47  }
0x435: {  	v7 =	vsub.f32 v8, v7;
	v4 =	vadd.s32 v4, v49  }
0x436: {  	v50 =	vsub.f32 v48, v9;
	v4 =	vcvt.s32.f32 v4;
	v6 =	vsub.f32 v6, v10;
	_ =	sdelay $0x1  }
0x437: {  	v7 =	vadd.f32 v50, v7;
	v4 =	vmul.f32 $6.931471820e-01, v4;
	v5 =	vadd.f32 v6, v5;
	_ =	sdelay $0x1  }
0x438: {  	v51 =	vmul.f32 $5.000000000e-01, v7;
	v4 =	vadd.f32 v5, v4;
	_ =	sdelay $0x1  }
0x439: {  	[tilespmem:s0+$0xFFFFFFE0] =	vst v2;
	v2 =	vsub.f32 v51, v4  }
0x43a: {  	[tilespmem:s0+$0xFFFFFFF0] =	vst v3  }
0x43b: {  	[tilespmem:s24+$0xFFFFFFF0] =	vst v2  }
0x43c: {  	v2 =	vld [tilespmem:s29+$0x0]  }
0x43d: {  	v3 =	vld [tilespmem:s29+$0x10];
	_ =	sdelay $0x4  }
0x43e: {  	v52 =	vmul.f32 v3, v2;
	_ =	sdelay $0x1  }
0x43f: {  	v53 =	vand.u32 $0x7FFFFF, v52  }
0x440: {  	v5 =	vor.u32 $0x3F800000, v53  }
0x441: {  	v54 =	vmul.f32 $5.000000000e-01, v5  }
0x442: {  	vm8 =	vge.f32 v5, $1.414213540e+00  }
0x443: {  	v5 =	vsel vm8, v54, v5  }
0x444: {  	v5 =	vadd.f32 $-1.000000000e+00, v5;
	_ =	sdelay $0x1  }
0x445: {  	v55 =	vmul.f32 $7.037683580e-02, v5;
	_ =	sdelay $0x1  }
0x446: {  	v6 =	vadd.f32 $-1.151461010e-01, v55;
	_ =	sdelay $0x1  }
0x447: {  	v6 =	vmul.f32 v6, v5;
	_ =	sdelay $0x1  }
0x448: {  	v6 =	vadd.f32 $1.167699840e-01, v6;
	_ =	sdelay $0x1  }
0x449: {  	v6 =	vmul.f32 v6, v5;
	_ =	sdelay $0x1  }
0x44a: {  	v6 =	vadd.f32 $-1.242014100e-01, v6;
	_ =	sdelay $0x1  }
0x44b: {  	v6 =	vmul.f32 v6, v5;
	_ =	sdelay $0x1  }
0x44c: {  	v6 =	vadd.f32 $1.424932330e-01, v6;
	_ =	sdelay $0x1  }
0x44d: {  	v6 =	vmul.f32 v6, v5;
	_ =	sdelay $0x1  }
0x44e: {  	v6 =	vadd.f32 $-1.666805740e-01, v6;
	_ =	sdelay $0x1  }
0x44f: {  	v6 =	vmul.f32 v6, v5;
	_ =	sdelay $0x1  }
0x450: {  	v6 =	vadd.f32 $2.000071410e-01, v6  }
0x451: {  	v56 =	vld [tilespmem:s2+$0x0]  }
0x452: {  	v58 =	vld [tilespmem:s2+$0x10];
	v6 =	vmul.f32 v6, v5  }
0x453: {  	v57 =	vld [tilespmem:s28+$0x0]  }
0x454: {  	v59 =	vld [tilespmem:s28+$0x10];
	v6 =	vadd.f32 $-2.499999400e-01, v6;
	_ =	sdelay $0x1  }
0x455: {  	v6 =	vmul.f32 v6, v5  }
0x456: {  	v2 =	vmul.f32 v56, v2;
	v3 =	vmul.f32 v58, v3  }
0x457: {  	v7 =	vmul.f32 v56, v56;
	v6 =	vadd.f32 $3.333333130e-01, v6  }
0x458: {  	v9 =	vmul.f32 v58, v58;
	v2 =	vadd.f32 v2, v57;
	v3 =	vadd.f32 v3, v59  }
0x459: {  	v60 =	vmul.f32 v5, v5;
	v6 =	vmul.f32 v6, v5  }
0x45a: {  	v4 =	vshra.s32 v52, $0x17;
	v8 =	vmul.f32 v2, v2;
	v61 =	vmul.f32 v3, v3  }
0x45b: {  	v62 =	vsel vm8, $0xFFFFFF82, v0;
	v10 =	vmul.f32 $5.000000000e-01, v60;
	v6 =	vmul.f32 v6, v60  }
0x45c: {  	v7 =	vsub.f32 v8, v7;
	v4 =	vadd.s32 v4, v62  }
0x45d: {  	v63 =	vsub.f32 v61, v9;
	v4 =	vcvt.s32.f32 v4;
	v6 =	vsub.f32 v6, v10;
	_ =	sdelay $0x1  }
0x45e: {  	v7 =	vadd.f32 v63, v7;
	v4 =	vmul.f32 $6.931471820e-01, v4;
	v5 =	vadd.f32 v6, v5;
	_ =	sdelay $0x1  }
0x45f: {  	v12 =	vmul.f32 $5.000000000e-01, v7;
	v4 =	vadd.f32 v5, v4;
	_ =	sdelay $0x1  }
0x460: {  	[tilespmem:s0+$0x0] =	vst v2;
	v2 =	vsub.f32 v12, v4  }
0x461: {  	[tilespmem:s0+$0x10] =	vst v3  }
0x462: {  	[tilespmem:s24+$0x0] =	vst v2  }
0x463: {  	v2 =	vld [tilespmem:s29+$0x20]  }
0x464: {  	v3 =	vld [tilespmem:s29+$0x30];
	_ =	sdelay $0x4  }
0x465: {  	v13 =	vmul.f32 v3, v2;
	_ =	sdelay $0x1  }
0x466: {  	v14 =	vand.u32 $0x7FFFFF, v13  }
0x467: {  	v5 =	vor.u32 $0x3F800000, v14  }
0x468: {  	v15 =	vmul.f32 $5.000000000e-01, v5  }
0x469: {  	vm9 =	vge.f32 v5, $1.414213540e+00  }
0x46a: {  	v5 =	vsel vm9, v15, v5  }
0x46b: {  	v5 =	vadd.f32 $-1.000000000e+00, v5;
	_ =	sdelay $0x1  }
0x46c: {  	v16 =	vmul.f32 $7.037683580e-02, v5;
	_ =	sdelay $0x1  }
0x46d: {  	v6 =	vadd.f32 $-1.151461010e-01, v16;
	_ =	sdelay $0x1  }
0x46e: {  	v6 =	vmul.f32 v6, v5;
	_ =	sdelay $0x1  }
0x46f: {  	v6 =	vadd.f32 $1.167699840e-01, v6;
	_ =	sdelay $0x1  }
0x470: {  	v6 =	vmul.f32 v6, v5;
	_ =	sdelay $0x1  }
0x471: {  	v6 =	vadd.f32 $-1.242014100e-01, v6;
	_ =	sdelay $0x1  }
0x472: {  	v6 =	vmul.f32 v6, v5;
	_ =	sdelay $0x1  }
0x473: {  	v6 =	vadd.f32 $1.424932330e-01, v6;
	_ =	sdelay $0x1  }
0x474: {  	v6 =	vmul.f32 v6, v5;
	_ =	sdelay $0x1  }
0x475: {  	v6 =	vadd.f32 $-1.666805740e-01, v6;
	_ =	sdelay $0x1  }
0x476: {  	v6 =	vmul.f32 v6, v5;
	_ =	sdelay $0x1  }
0x477: {  	v6 =	vadd.f32 $2.000071410e-01, v6  }
0x478: {  	v17 =	vld [tilespmem:s2+$0x20]  }
0x479: {  	v19 =	vld [tilespmem:s2+$0x30];
	v6 =	vmul.f32 v6, v5  }
0x47a: {  	v18 =	vld [tilespmem:s28+$0x20]  }
0x47b: {  	v20 =	vld [tilespmem:s28+$0x30];
	v6 =	vadd.f32 $-2.499999400e-01, v6;
	_ =	sdelay $0x1  }
0x47c: {  	v6 =	vmul.f32 v6, v5  }
0x47d: {  	v2 =	vmul.f32 v17, v2;
	v3 =	vmul.f32 v19, v3  }
0x47e: {  	v7 =	vmul.f32 v17, v17;
	v6 =	vadd.f32 $3.333333130e-01, v6  }
0x47f: {  	v9 =	vmul.f32 v19, v19;
	v2 =	vadd.f32 v2, v18;
	v3 =	vadd.f32 v3, v20  }
0x480: {  	v21 =	vmul.f32 v5, v5;
	v6 =	vmul.f32 v6, v5  }
0x481: {  	v4 =	vshra.s32 v13, $0x17;
	v8 =	vmul.f32 v2, v2;
	v22 =	vmul.f32 v3, v3  }
0x482: {  	v23 =	vsel vm9, $0xFFFFFF82, v0;
	v10 =	vmul.f32 $5.000000000e-01, v21;
	v6 =	vmul.f32 v6, v21  }
0x483: {  	v7 =	vsub.f32 v8, v7;
	v4 =	vadd.s32 v4, v23  }
0x484: {  	v24 =	vsub.f32 v22, v9;
	v4 =	vcvt.s32.f32 v4;
	v6 =	vsub.f32 v6, v10;
	_ =	sdelay $0x1  }
0x485: {  	v7 =	vadd.f32 v24, v7;
	v4 =	vmul.f32 $6.931471820e-01, v4;
	v5 =	vadd.f32 v6, v5;
	_ =	sdelay $0x1  }
0x486: {  	v25 =	vmul.f32 $5.000000000e-01, v7;
	v4 =	vadd.f32 v5, v4;
	_ =	sdelay $0x1  }
0x487: {  	[tilespmem:s0+$0x20] =	vst v2;
	v2 =	vsub.f32 v25, v4  }
0x488: {  	[tilespmem:s0+$0x30] =	vst v3  }
0x489: {  	[tilespmem:s24+$0x10] =	vst v2  }
0x48a: {  	v2 =	vld [tilespmem:s29+$0x40]  }
0x48b: {  	v3 =	vld [tilespmem:s29+$0x50];
	_ =	sdelay $0x4  }
0x48c: {  	v26 =	vmul.f32 v3, v2;
	_ =	sdelay $0x1  }
0x48d: {  	v27 =	vand.u32 $0x7FFFFF, v26  }
0x48e: {  	v5 =	vor.u32 $0x3F800000, v27  }
0x48f: {  	v28 =	vmul.f32 $5.000000000e-01, v5  }
0x490: {  	vm10 =	vge.f32 v5, $1.414213540e+00  }
0x491: {  	v5 =	vsel vm10, v28, v5  }
0x492: {  	v5 =	vadd.f32 $-1.000000000e+00, v5;
	_ =	sdelay $0x1  }
0x493: {  	v29 =	vmul.f32 $7.037683580e-02, v5;
	_ =	sdelay $0x1  }
0x494: {  	v6 =	vadd.f32 $-1.151461010e-01, v29;
	_ =	sdelay $0x1  }
0x495: {  	v6 =	vmul.f32 v6, v5;
	_ =	sdelay $0x1  }
0x496: {  	v6 =	vadd.f32 $1.167699840e-01, v6;
	_ =	sdelay $0x1  }
0x497: {  	v6 =	vmul.f32 v6, v5;
	_ =	sdelay $0x1  }
0x498: {  	v6 =	vadd.f32 $-1.242014100e-01, v6;
	_ =	sdelay $0x1  }
0x499: {  	v6 =	vmul.f32 v6, v5;
	_ =	sdelay $0x1  }
0x49a: {  	v6 =	vadd.f32 $1.424932330e-01, v6;
	_ =	sdelay $0x1  }
0x49b: {  	v6 =	vmul.f32 v6, v5;
	_ =	sdelay $0x1  }
0x49c: {  	v6 =	vadd.f32 $-1.666805740e-01, v6;
	_ =	sdelay $0x1  }
0x49d: {  	v6 =	vmul.f32 v6, v5;
	_ =	sdelay $0x1  }
0x49e: {  	v6 =	vadd.f32 $2.000071410e-01, v6  }
0x49f: {  	v30 =	vld [tilespmem:s2+$0x40]  }
0x4a0: {  	v32 =	vld [tilespmem:s2+$0x50];
	v6 =	vmul.f32 v6, v5  }
0x4a1: {  	v31 =	vld [tilespmem:s28+$0x40]  }
0x4a2: {  	v33 =	vld [tilespmem:s28+$0x50];
	v6 =	vadd.f32 $-2.499999400e-01, v6;
	_ =	sdelay $0x1  }
0x4a3: {  	v6 =	vmul.f32 v6, v5  }
0x4a4: {  	v2 =	vmul.f32 v30, v2;
	v3 =	vmul.f32 v32, v3  }
0x4a5: {  	v7 =	vmul.f32 v30, v30;
	v6 =	vadd.f32 $3.333333130e-01, v6  }
0x4a6: {  	v9 =	vmul.f32 v32, v32;
	v2 =	vadd.f32 v2, v31;
	v3 =	vadd.f32 v3, v33  }
0x4a7: {  	v34 =	vmul.f32 v5, v5;
	v6 =	vmul.f32 v6, v5  }
0x4a8: {  	v4 =	vshra.s32 v26, $0x17;
	v8 =	vmul.f32 v2, v2;
	v35 =	vmul.f32 v3, v3  }
0x4a9: {  	v36 =	vsel vm10, $0xFFFFFF82, v0;
	v10 =	vmul.f32 $5.000000000e-01, v34;
	v6 =	vmul.f32 v6, v34  }
0x4aa: {  	v7 =	vsub.f32 v8, v7;
	v4 =	vadd.s32 v4, v36  }
0x4ab: {  	v37 =	vsub.f32 v35, v9;
	v4 =	vcvt.s32.f32 v4;
	v6 =	vsub.f32 v6, v10;
	_ =	sdelay $0x1  }
0x4ac: {  	v7 =	vadd.f32 v37, v7;
	v4 =	vmul.f32 $6.931471820e-01, v4;
	v5 =	vadd.f32 v6, v5;
	_ =	sdelay $0x1  }
0x4ad: {  	v38 =	vmul.f32 $5.000000000e-01, v7;
	v4 =	vadd.f32 v5, v4;
	_ =	sdelay $0x1  }
0x4ae: {  	[tilespmem:s0+$0x40] =	vst v2;
	v2 =	vsub.f32 v38, v4  }
0x4af: {  	[tilespmem:s0+$0x50] =	vst v3  }
0x4b0: {  	[tilespmem:s24+$0x20] =	vst v2  }
0x4b1: {  	v2 =	vld [tilespmem:s29+$0x60]  }
0x4b2: {  	v3 =	vld [tilespmem:s29+$0x70];
	_ =	sdelay $0x4  }
0x4b3: {  	v39 =	vmul.f32 v3, v2;
	_ =	sdelay $0x1  }
0x4b4: {  	v40 =	vand.u32 $0x7FFFFF, v39  }
0x4b5: {  	v5 =	vor.u32 $0x3F800000, v40  }
0x4b6: {  	v41 =	vmul.f32 $5.000000000e-01, v5  }
0x4b7: {  	vm11 =	vge.f32 v5, $1.414213540e+00  }
0x4b8: {  	v5 =	vsel vm11, v41, v5  }
0x4b9: {  	v5 =	vadd.f32 $-1.000000000e+00, v5;
	_ =	sdelay $0x1  }
0x4ba: {  	v42 =	vmul.f32 $7.037683580e-02, v5;
	_ =	sdelay $0x1  }
0x4bb: {  	v6 =	vadd.f32 $-1.151461010e-01, v42;
	_ =	sdelay $0x1  }
0x4bc: {  	v6 =	vmul.f32 v6, v5;
	_ =	sdelay $0x1  }
0x4bd: {  	v6 =	vadd.f32 $1.167699840e-01, v6;
	_ =	sdelay $0x1  }
0x4be: {  	v6 =	vmul.f32 v6, v5;
	_ =	sdelay $0x1  }
0x4bf: {  	v6 =	vadd.f32 $-1.242014100e-01, v6;
	_ =	sdelay $0x1  }
0x4c0: {  	v6 =	vmul.f32 v6, v5;
	_ =	sdelay $0x1  }
0x4c1: {  	v6 =	vadd.f32 $1.424932330e-01, v6;
	_ =	sdelay $0x1  }
0x4c2: {  	v6 =	vmul.f32 v6, v5;
	_ =	sdelay $0x1  }
0x4c3: {  	v6 =	vadd.f32 $-1.666805740e-01, v6;
	_ =	sdelay $0x1  }
0x4c4: {  	v6 =	vmul.f32 v6, v5;
	_ =	sdelay $0x1  }
0x4c5: {  	v6 =	vadd.f32 $2.000071410e-01, v6  }
0x4c6: {  	v43 =	vld [tilespmem:s2+$0x60]  }
0x4c7: {  	v45 =	vld [tilespmem:s2+$0x70];
	v6 =	vmul.f32 v6, v5  }
0x4c8: {  	v44 =	vld [tilespmem:s28+$0x60]  }
0x4c9: {  	v46 =	vld [tilespmem:s28+$0x70];
	v6 =	vadd.f32 $-2.499999400e-01, v6;
	_ =	sdelay $0x1  }
0x4ca: {  	v6 =	vmul.f32 v6, v5  }
0x4cb: {  	v2 =	vmul.f32 v43, v2;
	v3 =	vmul.f32 v45, v3  }
0x4cc: {  	v7 =	vmul.f32 v43, v43;
	v6 =	vadd.f32 $3.333333130e-01, v6  }
0x4cd: {  	v9 =	vmul.f32 v45, v45;
	v2 =	vadd.f32 v2, v44;
	v3 =	vadd.f32 v3, v46  }
0x4ce: {  	v47 =	vmul.f32 v5, v5;
	v6 =	vmul.f32 v6, v5  }
0x4cf: {  	v4 =	vshra.s32 v39, $0x17;
	v8 =	vmul.f32 v2, v2;
	v48 =	vmul.f32 v3, v3  }
0x4d0: {  	v49 =	vsel vm11, $0xFFFFFF82, v0;
	v10 =	vmul.f32 $5.000000000e-01, v47;
	v6 =	vmul.f32 v6, v47  }
0x4d1: {  	v7 =	vsub.f32 v8, v7;
	v4 =	vadd.s32 v4, v49  }
0x4d2: {  	v50 =	vsub.f32 v48, v9;
	v4 =	vcvt.s32.f32 v4;
	v6 =	vsub.f32 v6, v10;
	_ =	sdelay $0x1  }
0x4d3: {  	v7 =	vadd.f32 v50, v7;
	v4 =	vmul.f32 $6.931471820e-01, v4;
	v5 =	vadd.f32 v6, v5;
	_ =	sdelay $0x1  }
0x4d4: {  	v51 =	vmul.f32 $5.000000000e-01, v7;
	v4 =	vadd.f32 v5, v4;
	_ =	sdelay $0x1  }
0x4d5: {  	[tilespmem:s0+$0x60] =	vst v2;
	v2 =	vsub.f32 v51, v4  }
0x4d6: {  	[tilespmem:s0+$0x70] =	vst v3  }
0x4d7: {  	[tilespmem:s24+$0x30] =	vst v2  }
0x4d8: {  	v2 =	vld [tilespmem:s29+$0x80]  }
0x4d9: {  	v3 =	vld [tilespmem:s29+$0x90];
	_ =	sdelay $0x4  }
0x4da: {  	v52 =	vmul.f32 v3, v2;
	_ =	sdelay $0x1  }
0x4db: {  	v53 =	vand.u32 $0x7FFFFF, v52  }
0x4dc: {  	v5 =	vor.u32 $0x3F800000, v53  }
0x4dd: {  	v54 =	vmul.f32 $5.000000000e-01, v5  }
0x4de: {  	vm12 =	vge.f32 v5, $1.414213540e+00  }
0x4df: {  	v5 =	vsel vm12, v54, v5  }
0x4e0: {  	v5 =	vadd.f32 $-1.000000000e+00, v5;
	_ =	sdelay $0x1  }
0x4e1: {  	v55 =	vmul.f32 $7.037683580e-02, v5;
	_ =	sdelay $0x1  }
0x4e2: {  	v6 =	vadd.f32 $-1.151461010e-01, v55;
	_ =	sdelay $0x1  }
0x4e3: {  	v6 =	vmul.f32 v6, v5;
	_ =	sdelay $0x1  }
0x4e4: {  	v6 =	vadd.f32 $1.167699840e-01, v6;
	_ =	sdelay $0x1  }
0x4e5: {  	v6 =	vmul.f32 v6, v5;
	_ =	sdelay $0x1  }
0x4e6: {  	v6 =	vadd.f32 $-1.242014100e-01, v6;
	_ =	sdelay $0x1  }
0x4e7: {  	v6 =	vmul.f32 v6, v5;
	_ =	sdelay $0x1  }
0x4e8: {  	v6 =	vadd.f32 $1.424932330e-01, v6;
	_ =	sdelay $0x1  }
0x4e9: {  	v6 =	vmul.f32 v6, v5;
	_ =	sdelay $0x1  }
0x4ea: {  	v6 =	vadd.f32 $-1.666805740e-01, v6;
	_ =	sdelay $0x1  }
0x4eb: {  	v6 =	vmul.f32 v6, v5;
	_ =	sdelay $0x1  }
0x4ec: {  	v6 =	vadd.f32 $2.000071410e-01, v6  }
0x4ed: {  	v56 =	vld [tilespmem:s2+$0x80]  }
0x4ee: {  	v58 =	vld [tilespmem:s2+$0x90];
	v6 =	vmul.f32 v6, v5  }
0x4ef: {  	v57 =	vld [tilespmem:s28+$0x80]  }
0x4f0: {  	v59 =	vld [tilespmem:s28+$0x90];
	v6 =	vadd.f32 $-2.499999400e-01, v6;
	_ =	sdelay $0x1  }
0x4f1: {  	v6 =	vmul.f32 v6, v5  }
0x4f2: {  	v2 =	vmul.f32 v56, v2;
	v3 =	vmul.f32 v58, v3  }
0x4f3: {  	v7 =	vmul.f32 v56, v56;
	v6 =	vadd.f32 $3.333333130e-01, v6  }
0x4f4: {  	v9 =	vmul.f32 v58, v58;
	v2 =	vadd.f32 v2, v57;
	v3 =	vadd.f32 v3, v59  }
0x4f5: {  	v60 =	vmul.f32 v5, v5;
	v6 =	vmul.f32 v6, v5  }
0x4f6: {  	v4 =	vshra.s32 v52, $0x17;
	v8 =	vmul.f32 v2, v2;
	v61 =	vmul.f32 v3, v3  }
0x4f7: {  	v62 =	vsel vm12, $0xFFFFFF82, v0;
	v10 =	vmul.f32 $5.000000000e-01, v60;
	v6 =	vmul.f32 v6, v60  }
0x4f8: {  	v7 =	vsub.f32 v8, v7;
	v4 =	vadd.s32 v4, v62  }
0x4f9: {  	v63 =	vsub.f32 v61, v9;
	v4 =	vcvt.s32.f32 v4;
	v6 =	vsub.f32 v6, v10;
	_ =	sdelay $0x1  }
0x4fa: {  	v7 =	vadd.f32 v63, v7;
	v4 =	vmul.f32 $6.931471820e-01, v4;
	v5 =	vadd.f32 v6, v5;
	_ =	sdelay $0x1  }
0x4fb: {  	v12 =	vmul.f32 $5.000000000e-01, v7;
	v4 =	vadd.f32 v5, v4;
	_ =	sdelay $0x1  }
0x4fc: {  	[tilespmem:s0+$0x80] =	vst v2;
	v2 =	vsub.f32 v12, v4  }
0x4fd: {  	[tilespmem:s0+$0x90] =	vst v3  }
0x4fe: {  	[tilespmem:s24+$0x40] =	vst v2  }
0x4ff: {  	v2 =	vld [tilespmem:s29+$0xA0]  }
0x500: {  	v3 =	vld [tilespmem:s29+$0xB0];
	_ =	sdelay $0x4  }
0x501: {  	v13 =	vmul.f32 v3, v2;
	_ =	sdelay $0x1  }
0x502: {  	v14 =	vand.u32 $0x7FFFFF, v13  }
0x503: {  	v5 =	vor.u32 $0x3F800000, v14  }
0x504: {  	v15 =	vmul.f32 $5.000000000e-01, v5  }
0x505: {  	vm13 =	vge.f32 v5, $1.414213540e+00  }
0x506: {  	v5 =	vsel vm13, v15, v5  }
0x507: {  	v5 =	vadd.f32 $-1.000000000e+00, v5;
	_ =	sdelay $0x1  }
0x508: {  	v16 =	vmul.f32 $7.037683580e-02, v5;
	_ =	sdelay $0x1  }
0x509: {  	v6 =	vadd.f32 $-1.151461010e-01, v16;
	_ =	sdelay $0x1  }
0x50a: {  	v6 =	vmul.f32 v6, v5;
	_ =	sdelay $0x1  }
0x50b: {  	v6 =	vadd.f32 $1.167699840e-01, v6;
	_ =	sdelay $0x1  }
0x50c: {  	v6 =	vmul.f32 v6, v5;
	_ =	sdelay $0x1  }
0x50d: {  	v6 =	vadd.f32 $-1.242014100e-01, v6;
	_ =	sdelay $0x1  }
0x50e: {  	v6 =	vmul.f32 v6, v5;
	_ =	sdelay $0x1  }
0x50f: {  	v6 =	vadd.f32 $1.424932330e-01, v6;
	_ =	sdelay $0x1  }
0x510: {  	v6 =	vmul.f32 v6, v5;
	_ =	sdelay $0x1  }
0x511: {  	v6 =	vadd.f32 $-1.666805740e-01, v6;
	_ =	sdelay $0x1  }
0x512: {  	v6 =	vmul.f32 v6, v5;
	_ =	sdelay $0x1  }
0x513: {  	v6 =	vadd.f32 $2.000071410e-01, v6  }
0x514: {  	v17 =	vld [tilespmem:s2+$0xA0]  }
0x515: {  	v19 =	vld [tilespmem:s2+$0xB0];
	v6 =	vmul.f32 v6, v5  }
0x516: {  	v18 =	vld [tilespmem:s28+$0xA0]  }
0x517: {  	v20 =	vld [tilespmem:s28+$0xB0];
	v6 =	vadd.f32 $-2.499999400e-01, v6;
	_ =	sdelay $0x1  }
0x518: {  	v6 =	vmul.f32 v6, v5  }
0x519: {  	v2 =	vmul.f32 v17, v2;
	v3 =	vmul.f32 v19, v3  }
0x51a: {  	v7 =	vmul.f32 v17, v17;
	v6 =	vadd.f32 $3.333333130e-01, v6  }
0x51b: {  	v9 =	vmul.f32 v19, v19;
	v2 =	vadd.f32 v2, v18;
	v3 =	vadd.f32 v3, v20  }
0x51c: {  	v21 =	vmul.f32 v5, v5;
	v6 =	vmul.f32 v6, v5  }
0x51d: {  	v4 =	vshra.s32 v13, $0x17;
	v8 =	vmul.f32 v2, v2;
	v22 =	vmul.f32 v3, v3  }
0x51e: {  	v23 =	vsel vm13, $0xFFFFFF82, v0;
	v10 =	vmul.f32 $5.000000000e-01, v21;
	v6 =	vmul.f32 v6, v21  }
0x51f: {  	v7 =	vsub.f32 v8, v7;
	v4 =	vadd.s32 v4, v23  }
0x520: {  	v24 =	vsub.f32 v22, v9;
	v4 =	vcvt.s32.f32 v4;
	v6 =	vsub.f32 v6, v10;
	_ =	sdelay $0x1  }
0x521: {  	v7 =	vadd.f32 v24, v7;
	v4 =	vmul.f32 $6.931471820e-01, v4;
	v5 =	vadd.f32 v6, v5;
	_ =	sdelay $0x1  }
0x522: {  	v25 =	vmul.f32 $5.000000000e-01, v7;
	v4 =	vadd.f32 v5, v4;
	_ =	sdelay $0x1  }
0x523: {  	[tilespmem:s0+$0xA0] =	vst v2;
	v2 =	vsub.f32 v25, v4  }
0x524: {  	[tilespmem:s0+$0xB0] =	vst v3  }
0x525: {  	[tilespmem:s24+$0x50] =	vst v2  }
0x526: {  	v2 =	vld [tilespmem:s29+$0xC0]  }
0x527: {  	v3 =	vld [tilespmem:s29+$0xD0];
	_ =	sdelay $0x4  }
0x528: {  	v26 =	vmul.f32 v3, v2;
	_ =	sdelay $0x1  }
0x529: {  	v27 =	vand.u32 $0x7FFFFF, v26  }
0x52a: {  	v5 =	vor.u32 $0x3F800000, v27  }
0x52b: {  	v28 =	vmul.f32 $5.000000000e-01, v5  }
0x52c: {  	vm14 =	vge.f32 v5, $1.414213540e+00  }
0x52d: {  	v5 =	vsel vm14, v28, v5  }
0x52e: {  	v5 =	vadd.f32 $-1.000000000e+00, v5;
	_ =	sdelay $0x1  }
0x52f: {  	v29 =	vmul.f32 $7.037683580e-02, v5;
	_ =	sdelay $0x1  }
0x530: {  	v6 =	vadd.f32 $-1.151461010e-01, v29;
	_ =	sdelay $0x1  }
0x531: {  	v6 =	vmul.f32 v6, v5;
	_ =	sdelay $0x1  }
0x532: {  	v6 =	vadd.f32 $1.167699840e-01, v6;
	_ =	sdelay $0x1  }
0x533: {  	v6 =	vmul.f32 v6, v5;
	_ =	sdelay $0x1  }
0x534: {  	v6 =	vadd.f32 $-1.242014100e-01, v6;
	_ =	sdelay $0x1  }
0x535: {  	v6 =	vmul.f32 v6, v5;
	_ =	sdelay $0x1  }
0x536: {  	v6 =	vadd.f32 $1.424932330e-01, v6;
	_ =	sdelay $0x1  }
0x537: {  	v6 =	vmul.f32 v6, v5;
	_ =	sdelay $0x1  }
0x538: {  	v6 =	vadd.f32 $-1.666805740e-01, v6;
	_ =	sdelay $0x1  }
0x539: {  	v6 =	vmul.f32 v6, v5;
	_ =	sdelay $0x1  }
0x53a: {  	v6 =	vadd.f32 $2.000071410e-01, v6  }
0x53b: {  	v30 =	vld [tilespmem:s2+$0xC0]  }
0x53c: {  	v32 =	vld [tilespmem:s2+$0xD0];
	v6 =	vmul.f32 v6, v5  }
0x53d: {  	v31 =	vld [tilespmem:s28+$0xC0]  }
0x53e: {  	v33 =	vld [tilespmem:s28+$0xD0];
	v6 =	vadd.f32 $-2.499999400e-01, v6;
	_ =	sdelay $0x1  }
0x53f: {  	v6 =	vmul.f32 v6, v5  }
0x540: {  	v2 =	vmul.f32 v30, v2;
	v3 =	vmul.f32 v32, v3  }
0x541: {  	v7 =	vmul.f32 v30, v30;
	v6 =	vadd.f32 $3.333333130e-01, v6  }
0x542: {  	v9 =	vmul.f32 v32, v32;
	v2 =	vadd.f32 v2, v31;
	v3 =	vadd.f32 v3, v33  }
0x543: {  	v34 =	vmul.f32 v5, v5;
	v6 =	vmul.f32 v6, v5  }
0x544: {  	v4 =	vshra.s32 v26, $0x17;
	v8 =	vmul.f32 v2, v2;
	v35 =	vmul.f32 v3, v3  }
0x545: {  	v36 =	vsel vm14, $0xFFFFFF82, v0;
	v10 =	vmul.f32 $5.000000000e-01, v34;
	v6 =	vmul.f32 v6, v34  }
0x546: {  	v7 =	vsub.f32 v8, v7;
	v4 =	vadd.s32 v4, v36  }
0x547: {  	v37 =	vsub.f32 v35, v9;
	v4 =	vcvt.s32.f32 v4;
	v6 =	vsub.f32 v6, v10;
	_ =	sdelay $0x1  }
0x548: {  	v7 =	vadd.f32 v37, v7;
	v4 =	vmul.f32 $6.931471820e-01, v4;
	v5 =	vadd.f32 v6, v5;
	_ =	sdelay $0x1  }
0x549: {  	v38 =	vmul.f32 $5.000000000e-01, v7;
	v4 =	vadd.f32 v5, v4;
	_ =	sdelay $0x1  }
0x54a: {  	[tilespmem:s0+$0xC0] =	vst v2;
	v2 =	vsub.f32 v38, v4  }
0x54b: {  	[tilespmem:s0+$0xD0] =	vst v3  }
0x54c: {  	[tilespmem:s24+$0x60] =	vst v2  }
0x54d: {  	v2 =	vld [tilespmem:s29+$0xE0]  }
0x54e: {  	v3 =	vld [tilespmem:s29+$0xF0];
	_ =	sdelay $0x4  }
0x54f: {  	v39 =	vmul.f32 v3, v2;
	_ =	sdelay $0x1  }
0x550: {  	v40 =	vand.u32 $0x7FFFFF, v39  }
0x551: {  	v5 =	vor.u32 $0x3F800000, v40  }
0x552: {  	v41 =	vmul.f32 $5.000000000e-01, v5  }
0x553: {  	vm15 =	vge.f32 v5, $1.414213540e+00  }
0x554: {  	v5 =	vsel vm15, v41, v5  }
0x555: {  	v5 =	vadd.f32 $-1.000000000e+00, v5;
	_ =	sdelay $0x1  }
0x556: {  	v42 =	vmul.f32 $7.037683580e-02, v5;
	_ =	sdelay $0x1  }
0x557: {  	v6 =	vadd.f32 $-1.151461010e-01, v42;
	_ =	sdelay $0x1  }
0x558: {  	v6 =	vmul.f32 v6, v5;
	_ =	sdelay $0x1  }
0x559: {  	v6 =	vadd.f32 $1.167699840e-01, v6;
	_ =	sdelay $0x1  }
0x55a: {  	v6 =	vmul.f32 v6, v5;
	_ =	sdelay $0x1  }
0x55b: {  	v6 =	vadd.f32 $-1.242014100e-01, v6;
	_ =	sdelay $0x1  }
0x55c: {  	v6 =	vmul.f32 v6, v5;
	_ =	sdelay $0x1  }
0x55d: {  	v6 =	vadd.f32 $1.424932330e-01, v6;
	_ =	sdelay $0x1  }
0x55e: {  	v6 =	vmul.f32 v6, v5;
	_ =	sdelay $0x1  }
0x55f: {  	v6 =	vadd.f32 $-1.666805740e-01, v6;
	_ =	sdelay $0x1  }
0x560: {  	v6 =	vmul.f32 v6, v5;
	_ =	sdelay $0x1  }
0x561: {  	v6 =	vadd.f32 $2.000071410e-01, v6  }
0x562: {  	v43 =	vld [tilespmem:s2+$0xE0]  }
0x563: {  	v45 =	vld [tilespmem:s2+$0xF0];
	v6 =	vmul.f32 v6, v5  }
0x564: {  	v44 =	vld [tilespmem:s28+$0xE0]  }
0x565: {  	v46 =	vld [tilespmem:s28+$0xF0];
	v6 =	vadd.f32 $-2.499999400e-01, v6;
	_ =	sdelay $0x1  }
0x566: {  	v6 =	vmul.f32 v6, v5  }
0x567: {  	v2 =	vmul.f32 v43, v2;
	v3 =	vmul.f32 v45, v3  }
0x568: {  	v7 =	vmul.f32 v43, v43;
	v6 =	vadd.f32 $3.333333130e-01, v6  }
0x569: {  	v9 =	vmul.f32 v45, v45;
	v2 =	vadd.f32 v2, v44;
	v3 =	vadd.f32 v3, v46  }
0x56a: {  	v47 =	vmul.f32 v5, v5;
	v6 =	vmul.f32 v6, v5  }
0x56b: {  	v4 =	vshra.s32 v39, $0x17;
	v8 =	vmul.f32 v2, v2;
	v48 =	vmul.f32 v3, v3  }
0x56c: {  	v49 =	vsel vm15, $0xFFFFFF82, v0;
	v10 =	vmul.f32 $5.000000000e-01, v47;
	v6 =	vmul.f32 v6, v47  }
0x56d: {  	v7 =	vsub.f32 v8, v7;
	v4 =	vadd.s32 v4, v49  }
0x56e: {  	v50 =	vsub.f32 v48, v9;
	v4 =	vcvt.s32.f32 v4;
	v6 =	vsub.f32 v6, v10  }
0x56f: {  	v51 =	vmov s10  }
0x570: {  	v7 =	vadd.f32 v50, v7;
	v4 =	vmul.f32 $6.931471820e-01, v4;
	v5 =	vadd.f32 v6, v5  }
0x571: {  	v6 =	vshll.u32 v51, $0x4  }
0x572: {  	v7 =	vmul.f32 $5.000000000e-01, v7;
	v52 =	vor.u32 v1, v6;
	v4 =	vadd.f32 v5, v4;
	_ =	sdelay $0x1  }
0x573: {  	[tilespmem:s0+$0xE0] =	vst v2;
	v53 =	vor.u32 $0x1, v52;
	v2 =	vsub.f32 v7, v4  }
0x574: {  	[tilespmem:s0+$0xF0] =	vst v3  }
0x575: {  	[tilespmem:s24+$0x70] =	vst v2;
	v2 =	vor.u32 $0x2, v52  }
0x576: {  	v3 =	vld.idx.msk [tilespmem:v52+s31+$0x0], $0xffff  }
0x577: {  	v6 =	vor.u32 $0x3, v52  }
0x578: {  	v4 =	vld.idx.msk [tilespmem:v53+s31+$0x0], $0xffff  }
0x579: {  	v54 =	vor.u32 $0x4, v52  }
0x57a: {  	v2 =	vld.idx.msk [tilespmem:v2+s31+$0x0], $0xffff  }
0x57b: {  	v55 =	vor.u32 $0x5, v52;
	v3 =	vadd.f32 $0.0e+00, v3  }
0x57c: {  	v6 =	vld.idx.msk [tilespmem:v6+s31+$0x0], $0xffff  }
0x57d: {  	v56 =	vor.u32 $0x6, v52;
	v3 =	vadd.f32 v4, v3  }
0x57e: {  	v7 =	vld.idx.msk [tilespmem:v54+s31+$0x0], $0xffff  }
0x57f: {  	v2 =	vadd.f32 v2, v3;
	v3 =	vor.u32 $0x7, v52  }
0x580: {  	v8 =	vld.idx.msk [tilespmem:v55+s31+$0x0], $0xffff  }
0x581: {  	v57 =	vor.u32 $0x8, v52;
	v2 =	vadd.f32 v6, v2  }
0x582: {  	v4 =	vld.idx.msk [tilespmem:v56+s31+$0x0], $0xffff  }
0x583: {  	v58 =	vor.u32 $0x9, v52;
	v2 =	vadd.f32 v7, v2  }
0x584: {  	v3 =	vld.idx.msk [tilespmem:v3+s31+$0x0], $0xffff  }
0x585: {  	v59 =	vor.u32 $0xA, v52;
	v2 =	vadd.f32 v8, v2  }
0x586: {  	v6 =	vld.idx.msk [tilespmem:v57+s31+$0x0], $0xffff  }
0x587: {  	v60 =	vor.u32 $0xB, v52;
	v2 =	vadd.f32 v4, v2  }
0x588: {  	v7 =	vld.idx.msk [tilespmem:v58+s31+$0x0], $0xffff  }
0x589: {  	v2 =	vadd.f32 v3, v2;
	v3 =	vor.u32 $0xC, v52  }
0x58a: {  	v8 =	vld.idx.msk [tilespmem:v59+s31+$0x0], $0xffff  }
0x58b: {  	v61 =	vor.u32 $0xD, v52;
	v2 =	vadd.f32 v6, v2  }
0x58c: {  	v4 =	vld.idx.msk [tilespmem:v60+s31+$0x0], $0xffff  }
0x58d: {  	v62 =	vor.u32 $0xE, v52;
	v2 =	vadd.f32 v7, v2  }
0x58e: {  	v3 =	vld.idx.msk [tilespmem:v3+s31+$0x0], $0xffff  }
0x58f: {  	v5 =	vor.u32 $0xF, v52;
	v2 =	vadd.f32 v8, v2  }
0x590: {  	v6 =	vld.idx.msk [tilespmem:v61+s31+$0x0], $0xffff  }
0x591: {  	v2 =	vadd.f32 v4, v2  }
0x592: {  	v63 =	vld.idx.msk [tilespmem:v62+s31+$0x0], $0xffff  }
0x593: {  	v2 =	vadd.f32 v3, v2  }
0x594: {  	v3 =	vld.idx.msk [tilespmem:v5+s31+$0x0], $0xffff  }
0x595: {  	v2 =	vadd.f32 v6, v2  }
0x596: {  	p0 =	sne.s32 s10, $0xF0  }
.Ltmp1:
0x597: {  	v2 =	vadd.f32 v63, v2;
	(pc) =	sbr.rel @p0 .LBB2_5-.Ltmp1, $4  }
0x598: {  	_ = 	snop  }
0x599: {  	s10 =	sadd.s32 $0x10, s10;
	v2 =	vadd.f32 v3, v2  }
0x59a: {  	s28 =	sadd.s32 $0x200, s28;
	s29 =	sadd.s32 $0x200, s29;
	s2 =	sadd.s32 $0x200, s2  }
0x59b: {  	s0 =	sadd.s32 $0x200, s0;
	s24 =	sadd.s32 $0x100, s24;
	[tilespmem:s25+$0x0] =	vst v2;
	s25 =	sadd.s32 $0x10, s25  }
0x59c: {  	s11 =	sadd.s32 $0x1, s11  }
0x59d: {  	p0 =	sne.s32 s11, $0x32  }
.Ltmp2:
0x59e: {  	_ = 	snop;
	(pc) =	sbr.rel @p0 .LBB2_2-.Ltmp2, $4  }
0x59f: {  	s0 =	sadd.s32 s8, s20  }
0x5a0: {  	[hbm4b:s0+s4] =	stream.linear.scatter [tilespmem:s18], [sflag:$0x4], $0x2000, $0x38;
	[tilespmem:$0x11400] =	vst v63  }
0x5a1: {  	s30 =	sadd.s32 s9, s14  }
0x5a2: {  	[hbm4b:s30+s4] =	stream.linear.scatter [tilespmem:s19], [sflag:$0x4], $0x100, $0x38;
	[tilespmem:$0x11400] =	vst v63  }
0x5a3: {  	s0 =	simm.s32 $0x3  }
0x5a4: {  	_ =	swait.ge [sflag:s0], $0x2000  }
0x5a5: {  	[sflag:s0] =	ssyncset.done $0x0  }
0x5a6: {  	[sflag:s0] =	ssyncadd.s32 $0xFFFFE000  }
0x5a7: {  	_ =	swait.ge [sflag:s0], $0x100  }
0x5a8: {  	[sflag:s0] =	ssyncset.done $0x0  }
0x5a9: {  	[sflag:s0] =	ssyncadd.s32 $0xFFFFFF00  }
0x5aa: {  	_ =	swait.ge [sflag:s21], $0x2000  }
0x5ab: {  	[sflag:s21] =	ssyncset.done $0x0  }
0x5ac: {  	[sflag:s21] =	ssyncadd.s32 $0xFFFFE000  }
0x5ad: {  	_ =	swait.ge [sflag:s21], $0x100  }
0x5ae: {  	s2 =	rddreg [dreg:$0x7]  }
0x5af: {  	s30 =	rddreg [dreg:$0x6];
	s2 =	sadd.s32 $0x1, s2  }
0x5b0: {  	p0 =	sne.s32 s2, s30  }
.Ltmp3:
0x5b1: {  	_ = 	snop;
	(pc) =	sbr.rel @p0 .LBB2_1-.Ltmp3, $3  }
0x5b2: {  	_ =	sdelay $0x1  }
0x5b3: {  	[sflag:s21] =	ssyncset.done $0x0  }
0x5b4: {  	[sflag:s21] =	ssyncadd.s32 $0xFFFFFF00  }
0x5b5: {  	_ =	sfence.sel $0x180000  }
0x5b6: {  	[bflag:$0x0] =	sbarrier.arrive $0xFFFF  }
0x5b7: {  	_ =	strace $0x90000047  }
0x5b8: {  	s0 =	stileid.u32;
	[bflag:$0x2] =	sbarrier.arrive $0xFFFF  }
0x5b9: {  	p0 =	sne.s32 s0, $0x0;
	s0 =	rddreg [dreg:$0x3]  }
0x5ba: {  	s0 =	sadd.s32 @!p0 $0x100000, s0  }
0x5bb: {  	[sflag:s0] =	ssyncadd.tile.s32 @!p0 $0x1;
	_ =	shalt  }
.Lfunc_end2:
_tile_overlayer_lowered:
.L_overlay_start_2:
0x5bc: {  	(tag) =	ssettag $0x2  }
0x5bd: {  	s0 =	rddreg [dreg:$0x0];
	s2 =	stileid.u32  }
0x5be: {  	s1 =	rddreg [dreg:$0x1];
	p0 =	sne.s32 s2, $0x0  }
0x5bf: {  	s3 =	rddreg [dreg:$0x2];
	[bflag:$0x3] =	sbarrier.arrive $0xFFFF;
	s2 =	simm.s32 @!p0 $0x1C05  }
0x5c0: {  	[timem:s3], [sflag:s2] =	dma.local @!p0 [hbm:s0], s1  }
0x5c1: {  	s0 =	simm.s32 @!p0 $0x5  }
0x5c2: {  	_ =	swait.ge @!p0 [sflag:s0], s1  }
0x5c3: {  	s1 =	ssub.s32 @!p0 $0x0, s1;
	[sflag:s0] =	ssyncset.done @!p0 $0x0  }
0x5c4: {  	[sflag:s0] =	ssyncadd.s32 @!p0 s1  }
0x5c5: {  	[bflag:$0x3] =	sbarrier.arrive $0xFFFF  }
0x5c6: {  	_ =	shalt  }

// kernel: sparse-core-data-format-call.cloned.1.call-start
scs
called_computation_lowered:
.L_overlay_start_0:
0x0: {  	s2 =	sld [smem:$0x3FD9]  }
0x1: {  	s3 =	sld [smem:$0x3FFE];
	_ =	sdelay $0x1  }
0x2: {  	s1 =	srdreg.scid  }
0x3: {  	s0 =	sand.u32 $0x1, s1  }
0x4: {  	s15 =	sshll.u32 s0, $0xA;
	s2 =	sadd.s32 s3, s2  }
0x5: {  	s2 =	sadd.s32 s2, s15  }
0x6: {  	[smem:$0x3FC5] =	sst s2  }
0x7: {  	_ = 	snop  }
0x8: {  	s2 =	sld [smem:$0x3FD0];
	_ =	sdelay $0x2  }
0x9: {  	s16 =	simm.s32 $0xA;
	s4 =	simm.s32 $0x10  }
0xa: {  	[smem:s4], [sflag:s16] =	dma.local [hbm:s2], $0x1  }
0xb: {  	_ =	swait.eq [sflag:s16], $0x1  }
0xc: {  	[sflag:s16] =	ssyncset.done $0x0  }
0xd: {  	[sflag:s16] =	ssyncadd.s32 $0xFFFFFFFF  }
0xe: {  	s17 =	sld [smem:$0x10];
	(tm) =	ssettm $0x1  }
0xf: {  	s18 =	sld [smem:$0x3FFB];
	_ =	sdelay $0x3  }
0x10: {  	_ =	strace s18  }
0x11: {  	s3 =	sld [smem:$0x3FFC];
	_ =	sdelay $0x3  }
0x12: {  	_ =	strace s3  }
0x13: {  	s3 =	sld [smem:$0x3FFD];
	_ =	sdelay $0x3  }
0x14: {  	_ =	strace s3  }
0x15: {  	_ =	strace $0x8FFFFFFF  }
0x16: {  	s19 =	sld [smem:$0x3FDB];
	_ =	sdelay $0x1  }
0x17: {  	s20 =	simm.s32 $_scs_section_size  }
0x18: {  	s5 =	simm.s32 $_size__tile_overlayer_lowered;
	s6 =	simm.s32 $_tile_overlayer_lowered  }
0x19: {  	s23 =	simm.s32 $0x1BFF;
	s22 =	sshll.u32 s6, $0x1;
	s3 =	sadd.s32 s20, s19  }
0x1a: {  	s7 =	simm.s32 $0x0;
	s21 =	sshll.u32 s5, $0x1;
	s5 =	sadd.s32 s22, s3  }
0x1b: {  	[timem:s7], [sflag:s23] =	dma.local [hbm:s5], s21  }
0x1c: {  	_ =	swait.ge [sflag:s23], s21  }
0x1d: {  	s4 =	ssub.s32 $0x0, s21;
	[sflag:s23] =	ssyncset.done $0x0  }
0x1e: {  	[sflag:s23] =	ssyncadd.s32 s4;
	_ =	sdelay $0x1  }
0x1f: {  	s24 =	simm.s32 $0x1B8B  }
0x20: {  	_ =	swait.ge [sflag:s24], $0x1  }
0x21: {  	[sflag:s24] =	ssyncset.done $0x0  }
0x22: {  	s26 =	simm.s32 $0x1B8E;
	s25 =	sld [smem:$0x3FFE];
	[sflag:s24] =	ssyncadd.s32 $0xFFFFFFFF  }
0x23: {  	s27 =	simm.s32 $execute0_lowered;
	[smem:$0x3FD2] =	sst s26  }
0x24: {  	s5 =	sshll.u32 s27, $0x1;
	_ =	strace $0x80000049;
	[dreg:$0x1] =	wrdreg $0xFFFFFFFF  }
0x25: {  	s28 =	simm.s32 $_size_execute0_lowered;
	s3 =	sadd.s32 s3, s5;
	[dreg:$0x0] =	wrdreg $0x0  }
0x26: {  	s5 =	sshll.u32 s28, $0x1;
	[dreg:$0x2] =	wrdreg s3  }
0x27: {  	[dreg:$0x3] =	wrdreg s5  }
0x28: {  	[dreg:$0x4] =	wrdreg $0xC0  }
0x29: {  	_ =	task [dreg:s7], $0x5FFFF  }
0x2a: {  	[dreg:$0x1] =	wrdreg $0xFFFFFFFF  }
0x2b: {  	[dreg:$0x0] =	wrdreg $0x60  }
0x2c: {  	[dreg:$0x2] =	wrdreg s25  }
0x2d: {  	[dreg:$0x3] =	wrdreg s17  }
0x2e: {  	[dreg:$0x4] =	wrdreg $0x9  }
0x2f: {  	_ =	task.clear_ibuf [dreg:s7], $0x5FFFF;
	_ =	strace $0x90000049  }
0x30: {  	s29 =	simm.s32 $0x9;
	_ =	strace $0x8000004B  }
0x31: {  	_ =	swait.ge [sflag:s29], $0x1  }
0x32: {  	[sflag:s29] =	ssyncadd.s32 $0xFFFFFFFF  }
0x33: {  	_ =	strace $0x9000004B  }
0x34: {  	_ =	sfence  }
0x35: {  	s30 =	sld [smem:$0x0];
	_ =	sdelay $0x2  }
0x36: {  	s31 =	sshll.u32 s1, $0xD;
	s1 =	sshrl.u32 s1, $0x2  }
0x37: {  	s3 =	sand.u32 $0x4000, s31;
	s1 =	sadd.s32 s1, s30  }
0x38: {  	s0 =	sor.u32 s3, s0;
	s1 =	sshll.u32 s1, $0x11  }
0x39: {  	s0 =	sor.u32 s1, s0  }
0x3a: {  	s0 =	sadd.s32 $0x8F2B, s0  }
0x3b: {  	[sflag:s0] =	ssyncadd.remote.s32 $0x1  }
0x3c: {  	_ =	sfence.sel $0xFFFF  }
0x3d: {  	[dreg:$0x0] =	wrdreg $0xFFFFFFFF;
	(pc) =	sbr.abs _section_cstart, $3  }
0x3e: {  	[dreg:$0x1] =	wrdreg $0xFFFFFFFF  }
0x3f: {  	_ =	task.clear_ibuf [dreg:s7], $0x2FFFF;
	_ =	strace $0x9FFFFFFF  }
0x40: {  	(tm) =	ssettm $0x7FFFFFFF  }
0x41: {  	_ =	shalt  }
tec
execute0_lowered:
.L_overlay_start_1:
0x0: {  	(tag) =	ssettag $0x1  }
0x1: {  	s0 =	srdreg.scid  }
0x2: {  	s1 =	sshll.u32 s0, $0x4  }
0x3: {  	s0 =	stileid.u32;
	s1 =	sand.u32 $0x10, s1  }
0x4: {  	s1 =	sor.u32 s0, s1  }
0x5: {  	s6 =	rddreg [dreg:$0x0];
	s4 =	simm.s32 $0x1;
	s2 =	sshll.u32 s1, $0x7  }
0x6: {  	s7 =	simm.s32 $0x2;
	s12 =	simm.s32 $0x0;
	s1 =	ssub.s32 $0x1000, s2  }
0x7: {  	s8 =	simm.s32 $0x8000;
	s13 =	simm.s32 $0x0;
	s3 =	sand.u32 $0xF80, s1  }
0x8: {  	s9 =	simm.s32 $0x0;
	s5 =	sshrl.u32 s1, $0xC;
	p0 =	sne.s32 s3, $0x0  }
.Ltmp0:
0x9: {  	s1 =	rddreg [dreg:$0x2];
	s4 =	simm.s32 @!p0 $0x0;
	(pc) =	sbr.rel .LBB1_1-.Ltmp0, $4  }
0xa: {  	s11 =	simm.s32 $0x0;
	s3 =	rddreg [dreg:$0x1];
	s5 =	sadd.s32 s4, s5  }
0xb: {  	_ =	strace $0x8000004A;
	s4 =	simm.s32 $0x1;
	s5 =	smul.u32 $0xC8, s5  }
0xc: {  	s6 =	sadd.s32 $0x33A600, s6;
	s10 =	smov.u32 s2;
	[sflag:s4] =	ssyncpa.u1 $0x0  }
0xd: {  	p0 =	por $0x0, $0x0;
	[sflag:s7] =	ssyncpa.u1 $0x0;
	s7 =	sor.u32 $0x1, s5  }
.LBB1_4:
0xe: {  	s16 =	sshll.u32 s13, $0x3;
	s17 =	sand.u32 $0x78, s13  }
0xf: {  	s30 =	sand.u32 $0x3E00, s13;
	s12 =	sshll.u32 s12, $0xE;
	s16 =	sand.u32 $0xC00, s16  }
0x10: {  	s31 =	sand.u32 $0x7, s13;
	s16 =	sor.u32 s17, s16;
	s17 =	sadd.s32 s3, s30  }
0x11: {  	s13 =	sshll.u32 s31, $0x12;
	s16 =	sshrl.u32 s16, $0x3;
	s12 =	sadd.s32 s12, s17  }
0x12: {  	[tilespmem:s15+$0x0 ss:$0x81] =	vst.msk $0xffff, v0;
	s13 =	sor.u32 $0x400, s13;
	s12 =	sadd.s32 s16, s12  }
0x13: {  	[hbm4b:s12+s13] =	stream.strided.scatter [tilespmem:s14], [sflag:$0x2], $0x1000, s8, s13, $0x20;
	[tilespmem:$0x4040] =	vst v63  }
.LBB1_5:
0x14: {  	s14 =	sadd.s32 $0x1, s9  }
0x15: {  	s12 =	sadd.s32 $0x1000, s10;
	s16 =	smov.u32 s10;
	p2 =	sgt.s32 s14, $0xC7  }
0x16: {  	s16 =	smov.u32 @p2 s12  }
0x17: {  	s14 =	simm.s32 @p2 $0x0;
	p2 =	sgt.s32 s16, $0xFFF  }
0x18: {  	s16 =	smov.u32 @p2 s2;
	p2 =	sne.s32 s11, s7  }
.Ltmp1:
0x19: {  	p1 =	slt.u32 s11, $0x2;
	(pc) =	sbr.rel @!p2 .LBB1_6-.Ltmp1, $4  }
0x1a: {  	s15 =	simm.s32 @!p1 $0x2  }
0x1b: {  	s13 =	smov.u32 s10;
	p0 =	por !p0, !p0;
	_ =	swait.ge @!p1 [sflag:s15], $0x1000  }
0x1c: {  	s12 =	smov.u32 s9;
	[sflag:s15] =	ssyncset.done @!p1 $0x0;
	s9 =	smov.u32 s14  }
0x1d: {  	s11 =	sadd.s32 $0x1, s11;
	[sflag:s15] =	ssyncadd.s32 @!p1 $0xFFFFF000;
	s10 =	smov.u32 s16  }
.LBB1_1:
0x1e: {  	p1 =	sge.u32 s11, s5  }
0x1f: {  	s14 =	sand.u32 @!p1 $0x1FFFFFF, s9  }
0x20: {  	s15 =	smulhi.u32 @!p1 $0x147AE15, s14;
	_ =	sdelay $0x1  }
0x21: {  	s15 =	smul.u32 @!p1 $0xC8, s15  }
0x22: {  	s16 =	sxor.u32 @!p1 $0xFFFFFFFF, s11;
	s17 =	smul.u32 @!p1 $0xC80, s10  }
0x23: {  	s31 =	sadd.s32 $0xFFFFFFFF, s11;
	s16 =	sshll.u32 @!p1 s16, $0xC;
	s14 =	ssub.s32 @!p1 s14, s15  }
0x24: {  	s15 =	sand.u32 @!p1 $0x1000, s16;
	s16 =	sadd.s32 @!p1 s6, s17;
	s14 =	sshll.u32 @!p1 s14, $0x4  }
0x25: {  	s17 =	simm.s32 @!p1 $0x6400;
	s14 =	sadd.s32 @!p1 s14, s16;
	s16 =	simm.s32 @!p1 $0x20  }
0x26: {  	[tilespmem:s15], [sflag:$0x1] =	stream.strided.gather @!p1 [hbm4b:s14+s16], $0x1000, s17, s16, $0x38;
	[tilespmem:$0x4040] =	vst v63  }
0x27: {  	p1 =	sge.u32 s31, s5  }
.Ltmp2:
0x28: {  	_ = 	snop;
	(pc) =	sbr.rel @p1 .LBB1_5-.Ltmp2, $1  }
0x29: {  	_ =	sdelay $0x3  }
0x2a: {  	s14 =	simm.s32 $0x1  }
0x2b: {  	_ =	swait.ge [sflag:s4], $0x1000;
	s14 =	simm.s32 @!p0 $0x0  }
0x2c: {  	[sflag:s4] =	ssyncset.done $0x0;
	s15 =	sshll.u32 s14, $0xC  }
0x2d: {  	[sflag:s4] =	ssyncadd.s32 $0xFFFFF000;
	s18 =	sor.u32 $0x10, s15  }
0x2e: {  	s14 =	smul.u32 $0x4080, s14;
	v1 =	vld [tilespmem:s18+$0x0]  }
0x2f: {  	s30 =	sand.u32 $0x1, s11;
	v0 =	vld [tilespmem:s18+$0xFFFFFFF0]  }
0x30: {  	s15 =	smul.u32 $0x4080, s30;
	s14 =	sshrl.u32 s14, $0x2  }
0x31: {  	s16 =	sor.u32 $0x2000, s14  }
0x32: {  	s31 =	sshrl.u32 s15, $0x2;
	s15 =	sadd.s32 $0x0, s16  }
0x33: {  	s17 =	simm.s32 $0x4;
	s18 =	sadd.s32 $0x20, s18;
	s14 =	sor.u32 $0x2000, s31;
	[tilespmem:s15+$0x810 ss:$0x81] =	vst.msk $0xffff, v1  }
.LBB1_3:
0x34: {  	v1 =	vld [tilespmem:s18+$0x0];
	p1 =	sne.s32 s17, $0x1FC;
	[tilespmem:s15+$0x0 ss:$0x81] =	vst.msk $0xffff, v0;
	s15 =	smov.u32 s17;
	s17 =	sadd.s32 $0x4, s17  }
.Ltmp3:
0x35: {  	v0 =	vld [tilespmem:s18+$0xFFFFFFF0];
	(pc) =	sbr.rel @p1 .LBB1_3-.Ltmp3, $4  }
0x36: {  	_ = 	snop  }
0x37: {  	s15 =	sshra.s32 s15, $0x2  }
0x38: {  	s15 =	sadd.s32 s15, s16  }
0x39: {  	s18 =	sadd.s32 $0x20, s18;
	[tilespmem:s15+$0x810 ss:$0x81] =	vst.msk $0xffff, v1  }
.Ltmp4:
0x3a: {  	_ = 	snop;
	(pc) =	sbr.rel .LBB1_4-.Ltmp4, $1  }
0x3b: {  	_ =	sdelay $0x3  }
.LBB1_6:
0x3c: {  	_ =	sfence.sel $0x180000  }
0x3d: {  	s2 =	simm.s32 $0x1;
	[bflag:$0x0] =	sbarrier.arrive $0xFFFF  }
0x3e: {  	s31 =	simm.s32 $0x2;
	[sflag:s2] =	ssyncpa.u1 $0x1  }
0x3f: {  	[sflag:s31] =	ssyncpa.u1 $0x1  }
0x40: {  	p0 =	sne.s32 s0, $0x0;
	_ =	strace $0x9000004A  }
0x41: {  	s0 =	sadd.s32 @!p0 $0x100000, s1;
	[bflag:$0x2] =	sbarrier.arrive $0xFFFF  }
0x42: {  	[sflag:s0] =	ssyncadd.tile.s32 @!p0 $0x1;
	_ =	shalt  }
.Lfunc_end1:
_tile_overlayer_lowered:
.L_overlay_start_2:
0x43: {  	(tag) =	ssettag $0x2  }
0x44: {  	s0 =	rddreg [dreg:$0x0];
	s2 =	stileid.u32  }
0x45: {  	s1 =	rddreg [dreg:$0x1];
	p0 =	sne.s32 s2, $0x0  }
0x46: {  	s3 =	rddreg [dreg:$0x2];
	[bflag:$0x3] =	sbarrier.arrive $0xFFFF;
	s2 =	simm.s32 @!p0 $0x1C01  }
0x47: {  	[timem:s3], [sflag:s2] =	dma.local @!p0 [hbm:s0], s1  }
0x48: {  	s0 =	simm.s32 @!p0 $0x1  }
0x49: {  	_ =	swait.ge @!p0 [sflag:s0], s1  }
0x4a: {  	s1 =	ssub.s32 @!p0 $0x0, s1;
	[sflag:s0] =	ssyncset.done @!p0 $0x0  }
0x4b: {  	[sflag:s0] =	ssyncadd.s32 @!p0 s1  }
0x4c: {  	[bflag:$0x3] =	sbarrier.arrive $0xFFFF  }
0x4d: {  	_ =	shalt  }

</sc_bundles>
